<compile_context>
chip_gen: v7x
topology: tpu7x:2x2x1
jax: 0.10.2.dev20260603
libtpu: 0.0.44.dev20260713+nightly
codegen_flags: <defaults>
</compile_context>

<pallas_src>
import functools

import jax
import jax.numpy as jnp
from jax import lax
from jax.experimental import pallas as pl
from jax.experimental.pallas import tpu as pltpu
from jax.experimental.pallas import tpu_sc as plsc

F32 = jnp.float32
I32 = jnp.int32

B, L, A = 1024, 50, 20
GPS_D, USER_D, WD_D, AOI_D, ATY_D, DIPAN_D, CONTI_D = 32, 64, 8, 64, 16, 16, 16
N_ATY, N_DIPAN = 21, 1001

NC, NS = 2, 16
NW = NC * NS
CHUNK = 128
NBUF = 6

N_UNPICK = B * L
N_AOI = B * A
N_BIG = N_UNPICK + N_AOI + B
N_PAD = NW * CHUNK * ((N_BIG + NW * CHUNK - 1) // (NW * CHUNK))
CPW = N_PAD // (NW * CHUNK)


def _sc_body(aoi_table, user_table, aoi_idx, user_idx,
             aoi_rows, user_rows,
             idx_v, uidx_v, u_buf, bufs, gsems, wsems, usem):
    wid = lax.axis_index("s") * NC + lax.axis_index("c")
    base_c = wid * CPW
    pltpu.sync_copy(aoi_idx.at[wid], idx_v)

    wcopies = [None] * NBUF
    gcopies = [None] * NBUF
    for w in range(CPW // NBUF):
        for s in range(NBUF):
            j = w * NBUF + s
            if w > 0:
                wcopies[s].wait()
            gcopies[s] = pltpu.async_copy(
                aoi_table.at[idx_v.at[j]], bufs.at[s], gsems.at[s])
        for s in range(NBUF):
            j = w * NBUF + s
            gcopies[s].wait()
            row0 = (base_c + j) * CHUNK
            wcopies[s] = pltpu.async_copy(
                bufs.at[s], aoi_rows.at[pl.ds(row0, CHUNK)], wsems.at[s])
    for s in range(NBUF):
        wcopies[s].wait()

    n_sm = B // CHUNK

    @pl.when(wid < n_sm)
    def _():
        pltpu.sync_copy(user_idx.at[wid], uidx_v)
        pltpu.async_copy(user_table.at[uidx_v.at[0]], u_buf, usem).wait()
        pltpu.sync_copy(u_buf, user_rows.at[pl.ds(wid * CHUNK, CHUNK)])


@functools.cache
def _make_sc_gather():
    return pl.kernel(
        _sc_body,
        out_type=(
            jax.ShapeDtypeStruct((N_PAD, AOI_D), F32),
            jax.ShapeDtypeStruct((B, USER_D), F32),
        ),
        mesh=plsc.VectorSubcoreMesh(core_axis_name="c", subcore_axis_name="s",
                                    num_cores=NC, num_subcores=NS),
        compiler_params=pltpu.CompilerParams(use_tc_tiling_on_sc=False),
        scratch_types=[
            pltpu.VMEM((CPW, CHUNK), I32),
            pltpu.VMEM((1, CHUNK), I32),
            pltpu.VMEM((CHUNK, USER_D), F32),
            pltpu.VMEM((NBUF, CHUNK, AOI_D), F32),
            pltpu.SemaphoreType.DMA((NBUF,)),
            pltpu.SemaphoreType.DMA((NBUF,)),
            pltpu.SemaphoreType.DMA,
        ],
    )


def _dot(x, w):
    return lax.dot_general(x, w, (((1,), (0,)), ((), ())),
                           precision=lax.Precision.HIGHEST,
                           preferred_element_type=F32)


def _onehot_embed(idx_f32, table, n_rows):
    idx = idx_f32.astype(I32)
    rows = idx.shape[0]
    oh = (lax.broadcasted_iota(I32, (rows, n_rows), 1) == idx[:, None])
    return _dot(oh.astype(F32), table)


def _unpick_body(fea, aoi, wg, bg, wu, bu, aty_tab, out):
    gps = _dot(fea[:, 0:2], wg[...]) + bg[...]
    conti = _dot(fea[:, 4:10], wu[...]) + bu[...]
    aty = _onehot_embed(fea[:, 3], aty_tab[...], N_ATY)
    res = jnp.concatenate([gps, aoi[...], aty, conti], axis=1)
    bb = out.shape[0]
    for b in range(bb):
        out[b] = res[L * b:L * (b + 1), :]


def _aoi_body(fea, aoi, wg, bg, wa, ba, aty_tab, out):
    gps = _dot(fea[:, 2:4], wg[...]) + bg[...]
    conti = _dot(fea[:, 4:12], wa[...]) + ba[...]
    aty = _onehot_embed(fea[:, 1], aty_tab[...], N_ATY)
    res = jnp.concatenate([gps, aoi[...], aty, conti], axis=1)
    bb = out.shape[0]
    for b in range(bb):
        out[b] = res[A * b:A * (b + 1), :]


def _glob_body(g, aoi, user, wg, bg, wc, bc, wd_tab, aty_tab, dipan_tab,
               courier, glob):
    gps1 = _dot(g[:, 5:7], wg[...]) + bg[...]
    gps2 = _dot(g[:, 9:11], wg[...]) + bg[...]
    aty = _onehot_embed(g[:, 8], aty_tab[...], N_ATY)
    courier[...] = jnp.concatenate([gps1, gps2, aoi[...], aty], axis=1)
    conti = _dot(jnp.concatenate([g[:, 1:3], g[:, 4:5]], axis=1), wc[...]) + bc[...]
    wd_emb = _onehot_embed(g[:, 3], wd_tab[...], 8)
    dipan = _onehot_embed(g[:, 11], dipan_tab[...], N_DIPAN)
    glob[...] = jnp.concatenate([conti, user[...], wd_emb, dipan], axis=1)


def kernel(unpick_fea, edge_fea, unpick_len, last_fea, last_len, global_fea,
           idx, pos, aoi_index, aoi_fea, aoi_edge, aoi_len, aoi_idx, aoi_pos,
           W_gps, b_gps, user_table, weekday_table, aoi_table, aoi_type_table,
           dipan_table, W_gconti, b_gconti, W_uconti, b_uconti, W_aconti,
           b_aconti):
    pad = jnp.zeros((N_PAD - N_BIG,), I32)
    big_aoi_idx = jnp.concatenate([
        unpick_fea[:, :, 2].astype(I32).reshape(-1),
        aoi_fea[:, :, 0].astype(I32).reshape(-1),
        global_fea[:, 7].astype(I32),
        pad,
    ]).reshape(NW, CPW, CHUNK)
    user_idx = global_fea[:, 0].astype(I32).reshape(B // CHUNK, 1, CHUNK)

    aoi_rows, user_rows = _make_sc_gather()(
        aoi_table, user_table, big_aoi_idx, user_idx)

    b_gps2 = b_gps.reshape(1, GPS_D)
    out_d = GPS_D + AOI_D + ATY_D + CONTI_D

    bb = 64
    unpick_new = pl.pallas_call(
        _unpick_body,
        grid=(B // bb,),
        in_specs=[
            pl.BlockSpec((bb * L, 10), lambda i: (i, 0)),
            pl.BlockSpec((bb * L, AOI_D), lambda i: (i, 0)),
            pl.BlockSpec((2, GPS_D), lambda i: (0, 0)),
            pl.BlockSpec((1, GPS_D), lambda i: (0, 0)),
            pl.BlockSpec((6, CONTI_D), lambda i: (0, 0)),
            pl.BlockSpec((1, CONTI_D), lambda i: (0, 0)),
            pl.BlockSpec((N_ATY, ATY_D), lambda i: (0, 0)),
        ],
        out_specs=pl.BlockSpec((bb, L, out_d), lambda i: (i, 0, 0)),
        out_shape=jax.ShapeDtypeStruct((B, L, out_d), F32),
    )(unpick_fea.reshape(N_UNPICK, 10), aoi_rows,
      W_gps, b_gps2, W_uconti, b_uconti.reshape(1, CONTI_D), aoi_type_table)

    aoi_blk_off = N_UNPICK // (bb * A)
    aoi_new = pl.pallas_call(
        _aoi_body,
        grid=(B // bb,),
        in_specs=[
            pl.BlockSpec((bb * A, 12), lambda i: (i, 0)),
            pl.BlockSpec((bb * A, AOI_D), lambda i: (i + aoi_blk_off, 0)),
            pl.BlockSpec((2, GPS_D), lambda i: (0, 0)),
            pl.BlockSpec((1, GPS_D), lambda i: (0, 0)),
            pl.BlockSpec((8, CONTI_D), lambda i: (0, 0)),
            pl.BlockSpec((1, CONTI_D), lambda i: (0, 0)),
            pl.BlockSpec((N_ATY, ATY_D), lambda i: (0, 0)),
        ],
        out_specs=pl.BlockSpec((bb, A, out_d), lambda i: (i, 0, 0)),
        out_shape=jax.ShapeDtypeStruct((B, A, out_d), F32),
    )(aoi_fea.reshape(N_AOI, 12), aoi_rows,
      W_gps, b_gps2, W_aconti, b_aconti.reshape(1, CONTI_D), aoi_type_table)

    glb_off = (N_UNPICK + N_AOI) // B
    courier, glob = pl.pallas_call(
        _glob_body,
        grid=(1,),
        in_specs=[
            pl.BlockSpec((B, 12), lambda i: (0, 0)),
            pl.BlockSpec((B, AOI_D), lambda i: (glb_off, 0)),
            pl.BlockSpec((B, USER_D), lambda i: (0, 0)),
            pl.BlockSpec((2, GPS_D), lambda i: (0, 0)),
            pl.BlockSpec((1, GPS_D), lambda i: (0, 0)),
            pl.BlockSpec((3, CONTI_D), lambda i: (0, 0)),
            pl.BlockSpec((1, CONTI_D), lambda i: (0, 0)),
            pl.BlockSpec((8, WD_D), lambda i: (0, 0)),
            pl.BlockSpec((N_ATY, ATY_D), lambda i: (0, 0)),
            pl.BlockSpec((N_DIPAN, DIPAN_D), lambda i: (0, 0)),
        ],
        out_specs=[
            pl.BlockSpec((B, 2 * GPS_D + AOI_D + ATY_D), lambda i: (0, 0)),
            pl.BlockSpec((B, CONTI_D + USER_D + WD_D + DIPAN_D), lambda i: (0, 0)),
        ],
        out_shape=[
            jax.ShapeDtypeStruct((B, 2 * GPS_D + AOI_D + ATY_D), F32),
            jax.ShapeDtypeStruct((B, CONTI_D + USER_D + WD_D + DIPAN_D), F32),
        ],
    )(global_fea, aoi_rows, user_rows,
      W_gps, b_gps2, W_gconti, b_gconti.reshape(1, CONTI_D), weekday_table,
      aoi_type_table, dipan_table)

    return unpick_new, aoi_new, courier, glob

# --- scband reference (transcript-rebuilt; emitter-appended) ---
"""Pipeline reference for scband-model-60378650247270 (READ-ONLY COPY).

The authoritative reference and input builder live on the scoring server;
editing this copy changes nothing except your own understanding.
"""

import jax, jax.numpy as jnp
import numpy as np

B, L, A = 1024, 50, 20
MAX_COURIER, MAX_AOI, MAX_AOI_TYPE, MAX_DIPAN = 100000, 1000000, 20, 1000
GPS_D, USER_D, WD_D, AOI_D, ATY_D, DIPAN_D, CONTI_D, AOI_CONTI = 32, 64, 8, 64, 16, 16, 16, 8


def setup_inputs(seed: int = 0) -> dict:
    key = jax.random.key(seed)
    ks = jax.random.split(key, 40)
    f32 = jnp.float32
    # unpick_fea: cols 0:2 gps, 2 aoi id, 3 aoi type, 4:10 continuous
    unpick_fea = jnp.concatenate([
        jax.random.normal(ks[0], (B, L, 2), f32),
        jax.random.randint(ks[1], (B, L, 1), 0, MAX_AOI + 1).astype(f32),
        jax.random.randint(ks[2], (B, L, 1), 0, MAX_AOI_TYPE + 1).astype(f32),
        jax.random.normal(ks[3], (B, L, 6), f32),
    ], axis=2)
    edge_fea = jax.random.normal(ks[4], (B, L, L, 5), f32)
    unpick_len = jax.random.randint(ks[5], (B,), 1, L + 1)
    last_fea = jax.random.normal(ks[6], (B, 10, 8), f32)
    last_len = jax.random.randint(ks[7], (B,), 1, 11)
    # global_fea: 0 user, 1:3 conti, 3 weekday, 4 conti, 5:7 gps, 7 aoi, 8 aoi_type, 9:11 gps, 11 dipan
    global_fea = jnp.concatenate([
        jax.random.randint(ks[8], (B, 1), 0, MAX_COURIER + 1).astype(f32),
        jax.random.normal(ks[9], (B, 2), f32),
        jax.random.randint(ks[10], (B, 1), 0, 8).astype(f32),
        jax.random.normal(ks[11], (B, 1), f32),
        jax.random.normal(ks[12], (B, 2), f32),
        jax.random.randint(ks[13], (B, 1), 0, MAX_AOI + 1).astype(f32),
        jax.random.randint(ks[14], (B, 1), 0, MAX_AOI_TYPE + 1).astype(f32),
        jax.random.normal(ks[15], (B, 2), f32),
        jax.random.randint(ks[16], (B, 1), 0, MAX_DIPAN + 1).astype(f32),
    ], axis=1)
    idx = jax.random.randint(ks[17], (B, L), 0, L)
    pos = jax.random.randint(ks[18], (B, L), 0, L)
    aoi_index = jax.random.randint(ks[19], (B, L), 0, A)
    # aoi_fea: 0 aoi id, 1 aoi type, 2:4 gps, 4:12 continuous
    aoi_fea = jnp.concatenate([
        jax.random.randint(ks[20], (B, A, 1), 0, MAX_AOI + 1).astype(f32),
        jax.random.randint(ks[21], (B, A, 1), 0, MAX_AOI_TYPE + 1).astype(f32),
        jax.random.normal(ks[22], (B, A, 2), f32),
        jax.random.normal(ks[23], (B, A, AOI_CONTI), f32),
    ], axis=2)
    aoi_edge = jax.random.normal(ks[24], (B, A, A, 3), f32)
    aoi_len = jax.random.randint(ks[25], (B,), 1, A + 1)
    aoi_idx = jax.random.randint(ks[26], (B, A), 0, A)
    aoi_pos = jax.random.randint(ks[27], (B, A), 0, A)
    s = 0.02
    out = {
        'unpick_fea': unpick_fea, 'edge_fea': edge_fea, 'unpick_len': unpick_len,
        'last_fea': last_fea, 'last_len': last_len, 'global_fea': global_fea,
        'idx': idx, 'pos': pos, 'aoi_index': aoi_index, 'aoi_fea': aoi_fea,
        'aoi_edge': aoi_edge, 'aoi_len': aoi_len, 'aoi_idx': aoi_idx, 'aoi_pos': aoi_pos,
        'W_gps': jax.random.normal(ks[28], (2, GPS_D), f32) * s,
        'b_gps': jnp.zeros((GPS_D,), f32),
        'user_table': jax.random.normal(ks[29], (MAX_COURIER + 1, USER_D), f32) * s,
        'weekday_table': jax.random.normal(ks[30], (8, WD_D), f32) * s,
        'aoi_table': jax.random.normal(ks[31], (MAX_AOI + 1, AOI_D), f32) * s,
        'aoi_type_table': jax.random.normal(ks[32], (MAX_AOI_TYPE + 1, ATY_D), f32) * s,
        'dipan_table': jax.random.normal(ks[33], (MAX_DIPAN + 1, DIPAN_D), f32) * s,
        'W_gconti': jax.random.normal(ks[34], (3, CONTI_D), f32) * s,
        'b_gconti': jnp.zeros((CONTI_D,), f32),
        'W_uconti': jax.random.normal(ks[35], (6, CONTI_D), f32) * s,
        'b_uconti': jnp.zeros((CONTI_D,), f32),
        'W_aconti': jax.random.normal(ks[36], (AOI_CONTI, CONTI_D), f32) * s,
        'b_aconti': jnp.zeros((CONTI_D,), f32),
    }
    return out


def _embed_stage(unpick_fea, global_fea, aoi_fea, W_gps, b_gps, user_table,
                 weekday_table, aoi_table, aoi_type_table, dipan_table,
                 W_gconti, b_gconti, W_uconti, b_uconti, W_aconti, b_aconti):
    gps = lambda x: x @ W_gps + b_gps
    # global features
    user_embed = jnp.take(user_table, global_fea[:, 0].astype(jnp.int32), axis=0)
    weekday_embed = jnp.take(weekday_table, global_fea[:, 3].astype(jnp.int32), axis=0)
    global_conti = jnp.concatenate([global_fea[:, 1:3], global_fea[:, 4:5]], axis=1)
    global_conti = global_conti @ W_gconti + b_gconti
    global_fea_new = jnp.concatenate([global_conti, user_embed, weekday_embed], axis=1)
    dipan_embed = jnp.take(dipan_table, global_fea[:, 11].astype(jnp.int32), axis=0)
    global_fea_new = jnp.concatenate([global_fea_new, dipan_embed], axis=1)
    # courier features
    now_gps_embed = gps(global_fea[:, 5:7])
    now_aoi_gps_embed = gps(global_fea[:, 9:11])
    now_aoi_id_embed = jnp.take(aoi_table, global_fea[:, 7].astype(jnp.int32), axis=0)
    now_aoi_type_embed = jnp.take(aoi_type_table, global_fea[:, 8].astype(jnp.int32), axis=0)
    courier_fea = jnp.concatenate([now_gps_embed, now_aoi_gps_embed, now_aoi_id_embed, now_aoi_type_embed], axis=1)
    # unpick features
    unpick_aoi_embed = jnp.take(aoi_table, unpick_fea[:, :, 2].astype(jnp.int32), axis=0)
    unpick_aoi_type_embed = jnp.take(aoi_type_table, unpick_fea[:, :, 3].astype(jnp.int32), axis=0)
    unpick_gps_embed = gps(unpick_fea[:, :, 0:2])
    unpick_conti_embed = unpick_fea[:, :, 4:] @ W_uconti + b_uconti
    unpick_fea_new = jnp.concatenate([unpick_gps_embed, unpick_aoi_embed, unpick_aoi_type_embed, unpick_conti_embed], axis=2)
    # aoi features
    aoi_id_embed = jnp.take(aoi_table, aoi_fea[:, :, 0].astype(jnp.int32), axis=0)
    aoi_type_embed = jnp.take(aoi_type_table, aoi_fea[:, :, 1].astype(jnp.int32), axis=0)
    aoi_gps_embed = gps(aoi_fea[:, :, 2:4])
    aoi_conti_embed = aoi_fea[:, :, 4:] @ W_aconti + b_aconti
    aoi_fea_new = jnp.concatenate([aoi_gps_embed, aoi_id_embed, aoi_type_embed, aoi_conti_embed], axis=2)
    return unpick_fea_new, aoi_fea_new, courier_fea, global_fea_new


def reference(unpick_fea, edge_fea, unpick_len, last_fea, last_len, global_fea,
              idx, pos, aoi_index, aoi_fea, aoi_edge, aoi_len, aoi_idx, aoi_pos,
              W_gps, b_gps, user_table, weekday_table, aoi_table, aoi_type_table,
              dipan_table, W_gconti, b_gconti, W_uconti, b_uconti, W_aconti, b_aconti):
    return _embed_stage(unpick_fea, global_fea, aoi_fea, W_gps, b_gps, user_table,
                        weekday_table, aoi_table, aoi_type_table, dipan_table,
                        W_gconti, b_gconti, W_uconti, b_uconti, W_aconti, b_aconti)

if __name__ == "__main__":
    import jax
    _d = setup_inputs()
    print(jax.jit(kernel)(*tuple(_d.values())))

</pallas_src>

<mosaic_0001>
#map = affine_map<(d0, d1) -> (0, 0)>
#map1 = affine_map<(d0, d1) -> (0, 0, 0)>
module attributes {stable_mosaic.version = 14 : i64} {
  func.func @_sc_body(%arg0: i32, %arg1: i32, %arg2: memref<1000001x64xf32, #tpu.memory_space<hbm>>, %arg3: memref<100001x64xf32, #tpu.memory_space<hbm>>, %arg4: memref<32x18x128xi32, #tpu.memory_space<hbm>>, %arg5: memref<8x1x128xi32, #tpu.memory_space<hbm>>, %arg6: memref<73728x64xf32, #tpu.memory_space<hbm>>, %arg7: memref<1024x64xf32, #tpu.memory_space<hbm>>, %arg8: memref<18x128xi32, #tpu.memory_space<vmem>>, %arg9: memref<1x128xi32, #tpu.memory_space<vmem>>, %arg10: memref<128x64xf32, #tpu.memory_space<vmem>>, %arg11: memref<6x128x64xf32, #tpu.memory_space<vmem>>, %arg12: memref<6x!tpu.dma_semaphore, #tpu.memory_space<semaphore_mem>>, %arg13: memref<6x!tpu.dma_semaphore, #tpu.memory_space<semaphore_mem>>, %arg14: memref<!tpu.dma_semaphore, #tpu.memory_space<semaphore_mem>>) attributes {dimension_semantics = [#tpu.dimension_semantics<core_parallel>, #tpu.dimension_semantics<subcore_parallel>], iteration_bounds = array<i64: 2, 16>, scalar_prefetch = 0 : i64, scratch_operands = 7 : i64, tpu.core_type = #tpu.core_type<sc_vector_subcore>, window_params = [{transform_indices = #map}, {transform_indices = #map}, {transform_indices = #map1}, {transform_indices = #map1}, {transform_indices = #map}, {transform_indices = #map}]} {
    %mul3A = arith.constant 2 : i32
    %mul3A_0 = arith.muli %arg1, %mul3A : i32
    %add3A = arith.addi %mul3A_0, %arg0 : i32
    %mul3A_1 = arith.constant 18 : i32
    %mul3A_2 = arith.muli %add3A, %mul3A_1 : i32
    "tpu.region"() ({
      %run_scoped3A = tpu.sem_alloc : memref<!tpu.dma_semaphore, #tpu.memory_space<semaphore_mem>>
      %dma_start3A_1191 = arith.constant 0 : i32
      %dma_start3A_1192 = arith.constant 0 : i32
      %dma_start3A_1193 = tpu.memref_slice %arg4[%add3A, %dma_start3A_1191, %dma_start3A_1192] : memref<32x18x128xi32, #tpu.memory_space<hbm>> -> memref<1x18x128xi32, #tpu.memory_space<hbm>>
      %dma_start3A_1194 = tpu.memref_squeeze %dma_start3A_1193 : memref<1x18x128xi32, #tpu.memory_space<hbm>> -> memref<18x128xi32, #tpu.memory_space<hbm>>
      %dma_start3A_1195 = arith.constant 0 : i32
      %dma_start3A_1196 = arith.constant 0 : i32
      %dma_start3A_1197 = tpu.memref_slice %arg4[%add3A, %dma_start3A_1195, %dma_start3A_1196] : memref<32x18x128xi32, #tpu.memory_space<hbm>> -> memref<1x18x128xi32, #tpu.memory_space<hbm>>
      %dma_start3A_1198 = tpu.memref_squeeze %dma_start3A_1197 : memref<1x18x128xi32, #tpu.memory_space<hbm>> -> memref<18x128xi32, #tpu.memory_space<hbm>>
      tpu.enqueue_dma source(%dma_start3A_1198 : memref<18x128xi32, #tpu.memory_space<hbm>>) target(%arg8 : memref<18x128xi32, #tpu.memory_space<vmem>>) target_semaphore(%run_scoped3A : memref<!tpu.dma_semaphore, #tpu.memory_space<semaphore_mem>>)
      %dma_wait3A_1199 = arith.constant 0 : i32
      %dma_wait3A_1200 = arith.constant 0 : i32
      %dma_wait3A_1201 = tpu.memref_slice %arg4[%add3A, %dma_wait3A_1199, %dma_wait3A_1200] : memref<32x18x128xi32, #tpu.memory_space<hbm>> -> memref<1x18x128xi32, #tpu.memory_space<hbm>>
      %dma_wait3A_1202 = tpu.memref_squeeze %dma_wait3A_1201 : memref<1x18x128xi32, #tpu.memory_space<hbm>> -> memref<18x128xi32, #tpu.memory_space<hbm>>
      %dma_wait3A_1203 = arith.constant 0 : i32
      %dma_wait3A_1204 = arith.constant 0 : i32
      %dma_wait3A_1205 = tpu.memref_slice %arg4[%add3A, %dma_wait3A_1203, %dma_wait3A_1204] : memref<32x18x128xi32, #tpu.memory_space<hbm>> -> memref<1x18x128xi32, #tpu.memory_space<hbm>>
      %dma_wait3A_1206 = tpu.memref_squeeze %dma_wait3A_1205 : memref<1x18x128xi32, #tpu.memory_space<hbm>> -> memref<18x128xi32, #tpu.memory_space<hbm>>
      tpu.wait_dma2 semaphore(%run_scoped3A : memref<!tpu.dma_semaphore, #tpu.memory_space<semaphore_mem>>) src(%dma_wait3A_1206 : memref<18x128xi32, #tpu.memory_space<hbm>>) dst(%arg8 : memref<18x128xi32, #tpu.memory_space<vmem>>)
      tpu.yield
    }) : () -> ()
    %dma_start3A = arith.constant 0 : i32
    %dma_start3A_3 = arith.constant 0 : i32
    %dma_start3A_4 = arith.constant 0 : i32
    %dma_start3A_5 = arith.constant 0 : i32
    %dma_start3A_6 = arith.constant 0 : i32
    %dma_start3A_7 = tpu.memref_slice %arg11[%dma_start3A_3, %dma_start3A_5, %dma_start3A_6] : memref<6x128x64xf32, #tpu.memory_space<vmem>> -> memref<1x128x64xf32, #tpu.memory_space<vmem>>
    %dma_start3A_8 = tpu.memref_squeeze %dma_start3A_7 : memref<1x128x64xf32, #tpu.memory_space<vmem>> -> memref<128x64xf32, #tpu.memory_space<vmem>>
    %dma_start3A_9 = arith.constant 0 : i32
    %dma_start3A_10 = tpu.memref_slice %arg8[%dma_start3A, %dma_start3A_9] : memref<18x128xi32, #tpu.memory_space<vmem>> -> memref<1x128xi32, #tpu.memory_space<vmem>>
    %dma_start3A_11 = tpu.memref_squeeze %dma_start3A_10 : memref<1x128xi32, #tpu.memory_space<vmem>> -> memref<128xi32, #tpu.memory_space<vmem>>
    %dma_start3A_12 = arith.constant 0 : i32
    %dma_start3A_13 = arith.constant 0 : i32
    %dma_start3A_14 = tpu.memref_slice %arg2[%dma_start3A_12, %dma_start3A_13] : memref<1000001x64xf32, #tpu.memory_space<hbm>> -> memref<1000001x64xf32, #tpu.memory_space<hbm>>
    %dma_start3A_15 = tpu.memref_slice %arg12[%dma_start3A_4] : memref<6x!tpu.dma_semaphore, #tpu.memory_space<semaphore_mem>> -> memref<1x!tpu.dma_semaphore, #tpu.memory_space<semaphore_mem>>
    %dma_start3A_16 = tpu.memref_squeeze %dma_start3A_15 : memref<1x!tpu.dma_semaphore, #tpu.memory_space<semaphore_mem>> -> memref<!tpu.dma_semaphore, #tpu.memory_space<semaphore_mem>>
    tpu.enqueue_indirect_dma source(%dma_start3A_14 : memref<1000001x64xf32, #tpu.memory_space<hbm>>) target(%dma_start3A_8 : memref<128x64xf32, #tpu.memory_space<vmem>>) offsets(%dma_start3A_11 : memref<128xi32, #tpu.memory_space<vmem>>) semaphore(%dma_start3A_16 : memref<!tpu.dma_semaphore, #tpu.memory_space<semaphore_mem>>)
    %dma_start3A_17 = arith.constant 1 : i32
    %dma_start3A_18 = arith.constant 1 : i32
    %dma_start3A_19 = arith.constant 1 : i32
    %dma_start3A_20 = arith.constant 0 : i32
    %dma_start3A_21 = arith.constant 0 : i32
    %dma_start3A_22 = tpu.memref_slice %arg11[%dma_start3A_18, %dma_start3A_20, %dma_start3A_21] : memref<6x128x64xf32, #tpu.memory_space<vmem>> -> memref<1x128x64xf32, #tpu.memory_space<vmem>>
    %dma_start3A_23 = tpu.memref_squeeze %dma_start3A_22 : memref<1x128x64xf32, #tpu.memory_space<vmem>> -> memref<128x64xf32, #tpu.memory_space<vmem>>
    %dma_start3A_24 = arith.constant 0 : i32
    %dma_start3A_25 = tpu.memref_slice %arg8[%dma_start3A_17, %dma_start3A_24] : memref<18x128xi32, #tpu.memory_space<vmem>> -> memref<1x128xi32, #tpu.memory_space<vmem>>
    %dma_start3A_26 = tpu.memref_squeeze %dma_start3A_25 : memref<1x128xi32, #tpu.memory_space<vmem>> -> memref<128xi32, #tpu.memory_space<vmem>>
    %dma_start3A_27 = arith.constant 0 : i32
    %dma_start3A_28 = arith.constant 0 : i32
    %dma_start3A_29 = tpu.memref_slice %arg2[%dma_start3A_27, %dma_start3A_28] : memref<1000001x64xf32, #tpu.memory_space<hbm>> -> memref<1000001x64xf32, #tpu.memory_space<hbm>>
    %dma_start3A_30 = tpu.memref_slice %arg12[%dma_start3A_19] : memref<6x!tpu.dma_semaphore, #tpu.memory_space<semaphore_mem>> -> memref<1x!tpu.dma_semaphore, #tpu.memory_space<semaphore_mem>>
    %dma_start3A_31 = tpu.memref_squeeze %dma_start3A_30 : memref<1x!tpu.dma_semaphore, #tpu.memory_space<semaphore_mem>> -> memref<!tpu.dma_semaphore, #tpu.memory_space<semaphore_mem>>
    tpu.enqueue_indirect_dma source(%dma_start3A_29 : memref<1000001x64xf32, #tpu.memory_space<hbm>>) target(%dma_start3A_23 : memref<128x64xf32, #tpu.memory_space<vmem>>) offsets(%dma_start3A_26 : memref<128xi32, #tpu.memory_space<vmem>>) semaphore(%dma_start3A_31 : memref<!tpu.dma_semaphore, #tpu.memory_space<semaphore_mem>>)
    %dma_start3A_32 = arith.constant 2 : i32
    %dma_start3A_33 = arith.constant 2 : i32
    %dma_start3A_34 = arith.constant 2 : i32
    %dma_start3A_35 = arith.constant 0 : i32
    %dma_start3A_36 = arith.constant 0 : i32
    %dma_start3A_37 = tpu.memref_slice %arg11[%dma_start3A_33, %dma_start3A_35, %dma_start3A_36] : memref<6x128x64xf32, #tpu.memory_space<vmem>> -> memref<1x128x64xf32, #tpu.memory_space<vmem>>
    %dma_start3A_38 = tpu.memref_squeeze %dma_start3A_37 : memref<1x128x64xf32, #tpu.memory_space<vmem>> -> memref<128x64xf32, #tpu.memory_space<vmem>>
    %dma_start3A_39 = arith.constant 0 : i32
    %dma_start3A_40 = tpu.memref_slice %arg8[%dma_start3A_32, %dma_start3A_39] : memref<18x128xi32, #tpu.memory_space<vmem>> -> memref<1x128xi32, #tpu.memory_space<vmem>>
    %dma_start3A_41 = tpu.memref_squeeze %dma_start3A_40 : memref<1x128xi32, #tpu.memory_space<vmem>> -> memref<128xi32, #tpu.memory_space<vmem>>
    %dma_start3A_42 = arith.constant 0 : i32
    %dma_start3A_43 = arith.constant 0 : i32
    %dma_start3A_44 = tpu.memref_slice %arg2[%dma_start3A_42, %dma_start3A_43] : memref<1000001x64xf32, #tpu.memory_space<hbm>> -> memref<1000001x64xf32, #tpu.memory_space<hbm>>
    %dma_start3A_45 = tpu.memref_slice %arg12[%dma_start3A_34] : memref<6x!tpu.dma_semaphore, #tpu.memory_space<semaphore_mem>> -> memref<1x!tpu.dma_semaphore, #tpu.memory_space<semaphore_mem>>
    %dma_start3A_46 = tpu.memref_squeeze %dma_start3A_45 : memref<1x!tpu.dma_semaphore, #tpu.memory_space<semaphore_mem>> -> memref<!tpu.dma_semaphore, #tpu.memory_space<semaphore_mem>>
    tpu.enqueue_indirect_dma source(%dma_start3A_44 : memref<1000001x64xf32, #tpu.memory_space<hbm>>) target(%dma_start3A_38 : memref<128x64xf32, #tpu.memory_space<vmem>>) offsets(%dma_start3A_41 : memref<128xi32, #tpu.memory_space<vmem>>) semaphore(%dma_start3A_46 : memref<!tpu.dma_semaphore, #tpu.memory_space<semaphore_mem>>)
    %dma_start3A_47 = arith.constant 3 : i32
    %dma_start3A_48 = arith.constant 3 : i32
    %dma_start3A_49 = arith.constant 3 : i32
    %dma_start3A_50 = arith.constant 0 : i32
    %dma_start3A_51 = arith.constant 0 : i32
    %dma_start3A_52 = tpu.memref_slice %arg11[%dma_start3A_48, %dma_start3A_50, %dma_start3A_51] : memref<6x128x64xf32, #tpu.memory_space<vmem>> -> memref<1x128x64xf32, #tpu.memory_space<vmem>>
    %dma_start3A_53 = tpu.memref_squeeze %dma_start3A_52 : memref<1x128x64xf32, #tpu.memory_space<vmem>> -> memref<128x64xf32, #tpu.memory_space<vmem>>
    %dma_start3A_54 = arith.constant 0 : i32
    %dma_start3A_55 = tpu.memref_slice %arg8[%dma_start3A_47, %dma_start3A_54] : memref<18x128xi32, #tpu.memory_space<vmem>> -> memref<1x128xi32, #tpu.memory_space<vmem>>
    %dma_start3A_56 = tpu.memref_squeeze %dma_start3A_55 : memref<1x128xi32, #tpu.memory_space<vmem>> -> memref<128xi32, #tpu.memory_space<vmem>>
    %dma_start3A_57 = arith.constant 0 : i32
    %dma_start3A_58 = arith.constant 0 : i32
    %dma_start3A_59 = tpu.memref_slice %arg2[%dma_start3A_57, %dma_start3A_58] : memref<1000001x64xf32, #tpu.memory_space<hbm>> -> memref<1000001x64xf32, #tpu.memory_space<hbm>>
    %dma_start3A_60 = tpu.memref_slice %arg12[%dma_start3A_49] : memref<6x!tpu.dma_semaphore, #tpu.memory_space<semaphore_mem>> -> memref<1x!tpu.dma_semaphore, #tpu.memory_space<semaphore_mem>>
    %dma_start3A_61 = tpu.memref_squeeze %dma_start3A_60 : memref<1x!tpu.dma_semaphore, #tpu.memory_space<semaphore_mem>> -> memref<!tpu.dma_semaphore, #tpu.memory_space<semaphore_mem>>
    tpu.enqueue_indirect_dma source(%dma_start3A_59 : memref<1000001x64xf32, #tpu.memory_space<hbm>>) target(%dma_start3A_53 : memref<128x64xf32, #tpu.memory_space<vmem>>) offsets(%dma_start3A_56 : memref<128xi32, #tpu.memory_space<vmem>>) semaphore(%dma_start3A_61 : memref<!tpu.dma_semaphore, #tpu.memory_space<semaphore_mem>>)
    %dma_start3A_62 = arith.constant 4 : i32
    %dma_start3A_63 = arith.constant 4 : i32
    %dma_start3A_64 = arith.constant 4 : i32
    %dma_start3A_65 = arith.constant 0 : i32
    %dma_start3A_66 = arith.constant 0 : i32
    %dma_start3A_67 = tpu.memref_slice %arg11[%dma_start3A_63, %dma_start3A_65, %dma_start3A_66] : memref<6x128x64xf32, #tpu.memory_space<vmem>> -> memref<1x128x64xf32, #tpu.memory_space<vmem>>
    %dma_start3A_68 = tpu.memref_squeeze %dma_start3A_67 : memref<1x128x64xf32, #tpu.memory_space<vmem>> -> memref<128x64xf32, #tpu.memory_space<vmem>>
    %dma_start3A_69 = arith.constant 0 : i32
    %dma_start3A_70 = tpu.memref_slice %arg8[%dma_start3A_62, %dma_start3A_69] : memref<18x128xi32, #tpu.memory_space<vmem>> -> memref<1x128xi32, #tpu.memory_space<vmem>>
    %dma_start3A_71 = tpu.memref_squeeze %dma_start3A_70 : memref<1x128xi32, #tpu.memory_space<vmem>> -> memref<128xi32, #tpu.memory_space<vmem>>
    %dma_start3A_72 = arith.constant 0 : i32
    %dma_start3A_73 = arith.constant 0 : i32
    %dma_start3A_74 = tpu.memref_slice %arg2[%dma_start3A_72, %dma_start3A_73] : memref<1000001x64xf32, #tpu.memory_space<hbm>> -> memref<1000001x64xf32, #tpu.memory_space<hbm>>
    %dma_start3A_75 = tpu.memref_slice %arg12[%dma_start3A_64] : memref<6x!tpu.dma_semaphore, #tpu.memory_space<semaphore_mem>> -> memref<1x!tpu.dma_semaphore, #tpu.memory_space<semaphore_mem>>
    %dma_start3A_76 = tpu.memref_squeeze %dma_start3A_75 : memref<1x!tpu.dma_semaphore, #tpu.memory_space<semaphore_mem>> -> memref<!tpu.dma_semaphore, #tpu.memory_space<semaphore_mem>>
    tpu.enqueue_indirect_dma source(%dma_start3A_74 : memref<1000001x64xf32, #tpu.memory_space<hbm>>) target(%dma_start3A_68 : memref<128x64xf32, #tpu.memory_space<vmem>>) offsets(%dma_start3A_71 : memref<128xi32, #tpu.memory_space<vmem>>) semaphore(%dma_start3A_76 : memref<!tpu.dma_semaphore, #tpu.memory_space<semaphore_mem>>)
    %dma_start3A_77 = arith.constant 5 : i32
    %dma_start3A_78 = arith.constant 5 : i32
    %dma_start3A_79 = arith.constant 5 : i32
    %dma_start3A_80 = arith.constant 0 : i32
    %dma_start3A_81 = arith.constant 0 : i32
    %dma_start3A_82 = tpu.memref_slice %arg11[%dma_start3A_78, %dma_start3A_80, %dma_start3A_81] : memref<6x128x64xf32, #tpu.memory_space<vmem>> -> memref<1x128x64xf32, #tpu.memory_space<vmem>>
    %dma_start3A_83 = tpu.memref_squeeze %dma_start3A_82 : memref<1x128x64xf32, #tpu.memory_space<vmem>> -> memref<128x64xf32, #tpu.memory_space<vmem>>
    %dma_start3A_84 = arith.constant 0 : i32
    %dma_start3A_85 = tpu.memref_slice %arg8[%dma_start3A_77, %dma_start3A_84] : memref<18x128xi32, #tpu.memory_space<vmem>> -> memref<1x128xi32, #tpu.memory_space<vmem>>
    %dma_start3A_86 = tpu.memref_squeeze %dma_start3A_85 : memref<1x128xi32, #tpu.memory_space<vmem>> -> memref<128xi32, #tpu.memory_space<vmem>>
    %dma_start3A_87 = arith.constant 0 : i32
    %dma_start3A_88 = arith.constant 0 : i32
    %dma_start3A_89 = tpu.memref_slice %arg2[%dma_start3A_87, %dma_start3A_88] : memref<1000001x64xf32, #tpu.memory_space<hbm>> -> memref<1000001x64xf32, #tpu.memory_space<hbm>>
    %dma_start3A_90 = tpu.memref_slice %arg12[%dma_start3A_79] : memref<6x!tpu.dma_semaphore, #tpu.memory_space<semaphore_mem>> -> memref<1x!tpu.dma_semaphore, #tpu.memory_space<semaphore_mem>>
    %dma_start3A_91 = tpu.memref_squeeze %dma_start3A_90 : memref<1x!tpu.dma_semaphore, #tpu.memory_space<semaphore_mem>> -> memref<!tpu.dma_semaphore, #tpu.memory_space<semaphore_mem>>
    tpu.enqueue_indirect_dma source(%dma_start3A_89 : memref<1000001x64xf32, #tpu.memory_space<hbm>>) target(%dma_start3A_83 : memref<128x64xf32, #tpu.memory_space<vmem>>) offsets(%dma_start3A_86 : memref<128xi32, #tpu.memory_space<vmem>>) semaphore(%dma_start3A_91 : memref<!tpu.dma_semaphore, #tpu.memory_space<semaphore_mem>>)
    %dma_wait3A = arith.constant 0 : i32
    %dma_wait3A_92 = arith.constant 0 : i32
    %dma_wait3A_93 = arith.constant 0 : i32
    %dma_wait3A_94 = arith.constant 0 : i32
    %dma_wait3A_95 = arith.constant 0 : i32
    %dma_wait3A_96 = tpu.memref_slice %arg11[%dma_wait3A_92, %dma_wait3A_94, %dma_wait3A_95] : memref<6x128x64xf32, #tpu.memory_space<vmem>> -> memref<1x128x64xf32, #tpu.memory_space<vmem>>
    %dma_wait3A_97 = tpu.memref_squeeze %dma_wait3A_96 : memref<1x128x64xf32, #tpu.memory_space<vmem>> -> memref<128x64xf32, #tpu.memory_space<vmem>>
    %dma_wait3A_98 = arith.constant 0 : i32
    %dma_wait3A_99 = tpu.memref_slice %arg8[%dma_wait3A, %dma_wait3A_98] : memref<18x128xi32, #tpu.memory_space<vmem>> -> memref<1x128xi32, #tpu.memory_space<vmem>>
    %dma_wait3A_100 = tpu.memref_squeeze %dma_wait3A_99 : memref<1x128xi32, #tpu.memory_space<vmem>> -> memref<128xi32, #tpu.memory_space<vmem>>
    %dma_wait3A_101 = arith.constant 0 : i32
    %dma_wait3A_102 = arith.constant 0 : i32
    %dma_wait3A_103 = tpu.memref_slice %arg2[%dma_wait3A_101, %dma_wait3A_102] : memref<1000001x64xf32, #tpu.memory_space<hbm>> -> memref<1000001x64xf32, #tpu.memory_space<hbm>>
    %dma_wait3A_104 = tpu.memref_slice %arg12[%dma_wait3A_93] : memref<6x!tpu.dma_semaphore, #tpu.memory_space<semaphore_mem>> -> memref<1x!tpu.dma_semaphore, #tpu.memory_space<semaphore_mem>>
    %dma_wait3A_105 = tpu.memref_squeeze %dma_wait3A_104 : memref<1x!tpu.dma_semaphore, #tpu.memory_space<semaphore_mem>> -> memref<!tpu.dma_semaphore, #tpu.memory_space<semaphore_mem>>
    tpu.wait_indirect_dma semaphore(%dma_wait3A_105 : memref<!tpu.dma_semaphore, #tpu.memory_space<semaphore_mem>>) src(%dma_wait3A_103 : memref<1000001x64xf32, #tpu.memory_space<hbm>>) dst(%dma_wait3A_97 : memref<128x64xf32, #tpu.memory_space<vmem>>)
    %add3A_106 = arith.constant 0 : i32
    %add3A_107 = arith.addi %mul3A_2, %add3A_106 : i32
    %mul3A_108 = arith.constant 128 : i32
    %mul3A_109 = arith.muli %add3A_107, %mul3A_108 : i32
    %dma_start3A_110 = arith.constant 0 : i32
    %dma_start3A_111 = arith.constant 0 : i32
    %dma_start3A_112 = arith.constant 0 : i32
    %dma_start3A_113 = arith.constant 0 : i32
    %dma_start3A_114 = tpu.memref_slice %arg11[%dma_start3A_110, %dma_start3A_112, %dma_start3A_113] : memref<6x128x64xf32, #tpu.memory_space<vmem>> -> memref<1x128x64xf32, #tpu.memory_space<vmem>>
    %dma_start3A_115 = tpu.memref_squeeze %dma_start3A_114 : memref<1x128x64xf32, #tpu.memory_space<vmem>> -> memref<128x64xf32, #tpu.memory_space<vmem>>
    %dma_start3A_116 = arith.constant 0 : i32
    %dma_start3A_117 = tpu.memref_slice %arg6[%mul3A_109, %dma_start3A_116] : memref<73728x64xf32, #tpu.memory_space<hbm>> -> memref<128x64xf32, #tpu.memory_space<hbm>>
    %dma_start3A_118 = tpu.memref_slice %arg13[%dma_start3A_111] : memref<6x!tpu.dma_semaphore, #tpu.memory_space<semaphore_mem>> -> memref<1x!tpu.dma_semaphore, #tpu.memory_space<semaphore_mem>>
    %dma_start3A_119 = tpu.memref_squeeze %dma_start3A_118 : memref<1x!tpu.dma_semaphore, #tpu.memory_space<semaphore_mem>> -> memref<!tpu.dma_semaphore, #tpu.memory_space<semaphore_mem>>
    %dma_start3A_120 = arith.constant 0 : i32
    %dma_start3A_121 = tpu.memref_slice %arg6[%mul3A_109, %dma_start3A_120] : memref<73728x64xf32, #tpu.memory_space<hbm>> -> memref<128x64xf32, #tpu.memory_space<hbm>>
    %dma_start3A_122 = arith.constant 0 : i32
    %dma_start3A_123 = arith.constant 0 : i32
    %dma_start3A_124 = tpu.memref_slice %arg11[%dma_start3A_110, %dma_start3A_122, %dma_start3A_123] : memref<6x128x64xf32, #tpu.memory_space<vmem>> -> memref<1x128x64xf32, #tpu.memory_space<vmem>>
    %dma_start3A_125 = tpu.memref_squeeze %dma_start3A_124 : memref<1x128x64xf32, #tpu.memory_space<vmem>> -> memref<128x64xf32, #tpu.memory_space<vmem>>
    tpu.enqueue_dma source(%dma_start3A_125 : memref<128x64xf32, #tpu.memory_space<vmem>>) target(%dma_start3A_121 : memref<128x64xf32, #tpu.memory_space<hbm>>) target_semaphore(%dma_start3A_119 : memref<!tpu.dma_semaphore, #tpu.memory_space<semaphore_mem>>)
    %dma_wait3A_126 = arith.constant 1 : i32
    %dma_wait3A_127 = arith.constant 1 : i32
    %dma_wait3A_128 = arith.constant 1 : i32
    %dma_wait3A_129 = arith.constant 0 : i32
    %dma_wait3A_130 = arith.constant 0 : i32
    %dma_wait3A_131 = tpu.memref_slice %arg11[%dma_wait3A_127, %dma_wait3A_129, %dma_wait3A_130] : memref<6x128x64xf32, #tpu.memory_space<vmem>> -> memref<1x128x64xf32, #tpu.memory_space<vmem>>
    %dma_wait3A_132 = tpu.memref_squeeze %dma_wait3A_131 : memref<1x128x64xf32, #tpu.memory_space<vmem>> -> memref<128x64xf32, #tpu.memory_space<vmem>>
    %dma_wait3A_133 = arith.constant 0 : i32
    %dma_wait3A_134 = tpu.memref_slice %arg8[%dma_wait3A_126, %dma_wait3A_133] : memref<18x128xi32, #tpu.memory_space<vmem>> -> memref<1x128xi32, #tpu.memory_space<vmem>>
    %dma_wait3A_135 = tpu.memref_squeeze %dma_wait3A_134 : memref<1x128xi32, #tpu.memory_space<vmem>> -> memref<128xi32, #tpu.memory_space<vmem>>
    %dma_wait3A_136 = arith.constant 0 : i32
    %dma_wait3A_137 = arith.constant 0 : i32
    %dma_wait3A_138 = tpu.memref_slice %arg2[%dma_wait3A_136, %dma_wait3A_137] : memref<1000001x64xf32, #tpu.memory_space<hbm>> -> memref<1000001x64xf32, #tpu.memory_space<hbm>>
    %dma_wait3A_139 = tpu.memref_slice %arg12[%dma_wait3A_128] : memref<6x!tpu.dma_semaphore, #tpu.memory_space<semaphore_mem>> -> memref<1x!tpu.dma_semaphore, #tpu.memory_space<semaphore_mem>>
    %dma_wait3A_140 = tpu.memref_squeeze %dma_wait3A_139 : memref<1x!tpu.dma_semaphore, #tpu.memory_space<semaphore_mem>> -> memref<!tpu.dma_semaphore, #tpu.memory_space<semaphore_mem>>
    tpu.wait_indirect_dma semaphore(%dma_wait3A_140 : memref<!tpu.dma_semaphore, #tpu.memory_space<semaphore_mem>>) src(%dma_wait3A_138 : memref<1000001x64xf32, #tpu.memory_space<hbm>>) dst(%dma_wait3A_132 : memref<128x64xf32, #tpu.memory_space<vmem>>)
    %add3A_141 = arith.constant 1 : i32
    %add3A_142 = arith.addi %mul3A_2, %add3A_141 : i32
    %mul3A_143 = arith.constant 128 : i32
    %mul3A_144 = arith.muli %add3A_142, %mul3A_143 : i32
    %dma_start3A_145 = arith.constant 1 : i32
    %dma_start3A_146 = arith.constant 1 : i32
    %dma_start3A_147 = arith.constant 0 : i32
    %dma_start3A_148 = arith.constant 0 : i32
    %dma_start3A_149 = tpu.memref_slice %arg11[%dma_start3A_145, %dma_start3A_147, %dma_start3A_148] : memref<6x128x64xf32, #tpu.memory_space<vmem>> -> memref<1x128x64xf32, #tpu.memory_space<vmem>>
    %dma_start3A_150 = tpu.memref_squeeze %dma_start3A_149 : memref<1x128x64xf32, #tpu.memory_space<vmem>> -> memref<128x64xf32, #tpu.memory_space<vmem>>
    %dma_start3A_151 = arith.constant 0 : i32
    %dma_start3A_152 = tpu.memref_slice %arg6[%mul3A_144, %dma_start3A_151] : memref<73728x64xf32, #tpu.memory_space<hbm>> -> memref<128x64xf32, #tpu.memory_space<hbm>>
    %dma_start3A_153 = tpu.memref_slice %arg13[%dma_start3A_146] : memref<6x!tpu.dma_semaphore, #tpu.memory_space<semaphore_mem>> -> memref<1x!tpu.dma_semaphore, #tpu.memory_space<semaphore_mem>>
    %dma_start3A_154 = tpu.memref_squeeze %dma_start3A_153 : memref<1x!tpu.dma_semaphore, #tpu.memory_space<semaphore_mem>> -> memref<!tpu.dma_semaphore, #tpu.memory_space<semaphore_mem>>
    %dma_start3A_155 = arith.constant 0 : i32
    %dma_start3A_156 = tpu.memref_slice %arg6[%mul3A_144, %dma_start3A_155] : memref<73728x64xf32, #tpu.memory_space<hbm>> -> memref<128x64xf32, #tpu.memory_space<hbm>>
    %dma_start3A_157 = arith.constant 0 : i32
    %dma_start3A_158 = arith.constant 0 : i32
    %dma_start3A_159 = tpu.memref_slice %arg11[%dma_start3A_145, %dma_start3A_157, %dma_start3A_158] : memref<6x128x64xf32, #tpu.memory_space<vmem>> -> memref<1x128x64xf32, #tpu.memory_space<vmem>>
    %dma_start3A_160 = tpu.memref_squeeze %dma_start3A_159 : memref<1x128x64xf32, #tpu.memory_space<vmem>> -> memref<128x64xf32, #tpu.memory_space<vmem>>
    tpu.enqueue_dma source(%dma_start3A_160 : memref<128x64xf32, #tpu.memory_space<vmem>>) target(%dma_start3A_156 : memref<128x64xf32, #tpu.memory_space<hbm>>) target_semaphore(%dma_start3A_154 : memref<!tpu.dma_semaphore, #tpu.memory_space<semaphore_mem>>)
    %dma_wait3A_161 = arith.constant 2 : i32
    %dma_wait3A_162 = arith.constant 2 : i32
    %dma_wait3A_163 = arith.constant 2 : i32
    %dma_wait3A_164 = arith.constant 0 : i32
    %dma_wait3A_165 = arith.constant 0 : i32
    %dma_wait3A_166 = tpu.memref_slice %arg11[%dma_wait3A_162, %dma_wait3A_164, %dma_wait3A_165] : memref<6x128x64xf32, #tpu.memory_space<vmem>> -> memref<1x128x64xf32, #tpu.memory_space<vmem>>
    %dma_wait3A_167 = tpu.memref_squeeze %dma_wait3A_166 : memref<1x128x64xf32, #tpu.memory_space<vmem>> -> memref<128x64xf32, #tpu.memory_space<vmem>>
    %dma_wait3A_168 = arith.constant 0 : i32
    %dma_wait3A_169 = tpu.memref_slice %arg8[%dma_wait3A_161, %dma_wait3A_168] : memref<18x128xi32, #tpu.memory_space<vmem>> -> memref<1x128xi32, #tpu.memory_space<vmem>>
    %dma_wait3A_170 = tpu.memref_squeeze %dma_wait3A_169 : memref<1x128xi32, #tpu.memory_space<vmem>> -> memref<128xi32, #tpu.memory_space<vmem>>
    %dma_wait3A_171 = arith.constant 0 : i32
    %dma_wait3A_172 = arith.constant 0 : i32
    %dma_wait3A_173 = tpu.memref_slice %arg2[%dma_wait3A_171, %dma_wait3A_172] : memref<1000001x64xf32, #tpu.memory_space<hbm>> -> memref<1000001x64xf32, #tpu.memory_space<hbm>>
    %dma_wait3A_174 = tpu.memref_slice %arg12[%dma_wait3A_163] : memref<6x!tpu.dma_semaphore, #tpu.memory_space<semaphore_mem>> -> memref<1x!tpu.dma_semaphore, #tpu.memory_space<semaphore_mem>>
    %dma_wait3A_175 = tpu.memref_squeeze %dma_wait3A_174 : memref<1x!tpu.dma_semaphore, #tpu.memory_space<semaphore_mem>> -> memref<!tpu.dma_semaphore, #tpu.memory_space<semaphore_mem>>
    tpu.wait_indirect_dma semaphore(%dma_wait3A_175 : memref<!tpu.dma_semaphore, #tpu.memory_space<semaphore_mem>>) src(%dma_wait3A_173 : memref<1000001x64xf32, #tpu.memory_space<hbm>>) dst(%dma_wait3A_167 : memref<128x64xf32, #tpu.memory_space<vmem>>)
    %add3A_176 = arith.constant 2 : i32
    %add3A_177 = arith.addi %mul3A_2, %add3A_176 : i32
    %mul3A_178 = arith.constant 128 : i32
    %mul3A_179 = arith.muli %add3A_177, %mul3A_178 : i32
    %dma_start3A_180 = arith.constant 2 : i32
    %dma_start3A_181 = arith.constant 2 : i32
    %dma_start3A_182 = arith.constant 0 : i32
    %dma_start3A_183 = arith.constant 0 : i32
    %dma_start3A_184 = tpu.memref_slice %arg11[%dma_start3A_180, %dma_start3A_182, %dma_start3A_183] : memref<6x128x64xf32, #tpu.memory_space<vmem>> -> memref<1x128x64xf32, #tpu.memory_space<vmem>>
    %dma_start3A_185 = tpu.memref_squeeze %dma_start3A_184 : memref<1x128x64xf32, #tpu.memory_space<vmem>> -> memref<128x64xf32, #tpu.memory_space<vmem>>
    %dma_start3A_186 = arith.constant 0 : i32
    %dma_start3A_187 = tpu.memref_slice %arg6[%mul3A_179, %dma_start3A_186] : memref<73728x64xf32, #tpu.memory_space<hbm>> -> memref<128x64xf32, #tpu.memory_space<hbm>>
    %dma_start3A_188 = tpu.memref_slice %arg13[%dma_start3A_181] : memref<6x!tpu.dma_semaphore, #tpu.memory_space<semaphore_mem>> -> memref<1x!tpu.dma_semaphore, #tpu.memory_space<semaphore_mem>>
    %dma_start3A_189 = tpu.memref_squeeze %dma_start3A_188 : memref<1x!tpu.dma_semaphore, #tpu.memory_space<semaphore_mem>> -> memref<!tpu.dma_semaphore, #tpu.memory_space<semaphore_mem>>
    %dma_start3A_190 = arith.constant 0 : i32
    %dma_start3A_191 = tpu.memref_slice %arg6[%mul3A_179, %dma_start3A_190] : memref<73728x64xf32, #tpu.memory_space<hbm>> -> memref<128x64xf32, #tpu.memory_space<hbm>>
    %dma_start3A_192 = arith.constant 0 : i32
    %dma_start3A_193 = arith.constant 0 : i32
    %dma_start3A_194 = tpu.memref_slice %arg11[%dma_start3A_180, %dma_start3A_192, %dma_start3A_193] : memref<6x128x64xf32, #tpu.memory_space<vmem>> -> memref<1x128x64xf32, #tpu.memory_space<vmem>>
    %dma_start3A_195 = tpu.memref_squeeze %dma_start3A_194 : memref<1x128x64xf32, #tpu.memory_space<vmem>> -> memref<128x64xf32, #tpu.memory_space<vmem>>
    tpu.enqueue_dma source(%dma_start3A_195 : memref<128x64xf32, #tpu.memory_space<vmem>>) target(%dma_start3A_191 : memref<128x64xf32, #tpu.memory_space<hbm>>) target_semaphore(%dma_start3A_189 : memref<!tpu.dma_semaphore, #tpu.memory_space<semaphore_mem>>)
    %dma_wait3A_196 = arith.constant 3 : i32
    %dma_wait3A_197 = arith.constant 3 : i32
    %dma_wait3A_198 = arith.constant 3 : i32
    %dma_wait3A_199 = arith.constant 0 : i32
    %dma_wait3A_200 = arith.constant 0 : i32
    %dma_wait3A_201 = tpu.memref_slice %arg11[%dma_wait3A_197, %dma_wait3A_199, %dma_wait3A_200] : memref<6x128x64xf32, #tpu.memory_space<vmem>> -> memref<1x128x64xf32, #tpu.memory_space<vmem>>
    %dma_wait3A_202 = tpu.memref_squeeze %dma_wait3A_201 : memref<1x128x64xf32, #tpu.memory_space<vmem>> -> memref<128x64xf32, #tpu.memory_space<vmem>>
    %dma_wait3A_203 = arith.constant 0 : i32
    %dma_wait3A_204 = tpu.memref_slice %arg8[%dma_wait3A_196, %dma_wait3A_203] : memref<18x128xi32, #tpu.memory_space<vmem>> -> memref<1x128xi32, #tpu.memory_space<vmem>>
    %dma_wait3A_205 = tpu.memref_squeeze %dma_wait3A_204 : memref<1x128xi32, #tpu.memory_space<vmem>> -> memref<128xi32, #tpu.memory_space<vmem>>
    %dma_wait3A_206 = arith.constant 0 : i32
    %dma_wait3A_207 = arith.constant 0 : i32
    %dma_wait3A_208 = tpu.memref_slice %arg2[%dma_wait3A_206, %dma_wait3A_207] : memref<1000001x64xf32, #tpu.memory_space<hbm>> -> memref<1000001x64xf32, #tpu.memory_space<hbm>>
    %dma_wait3A_209 = tpu.memref_slice %arg12[%dma_wait3A_198] : memref<6x!tpu.dma_semaphore, #tpu.memory_space<semaphore_mem>> -> memref<1x!tpu.dma_semaphore, #tpu.memory_space<semaphore_mem>>
    %dma_wait3A_210 = tpu.memref_squeeze %dma_wait3A_209 : memref<1x!tpu.dma_semaphore, #tpu.memory_space<semaphore_mem>> -> memref<!tpu.dma_semaphore, #tpu.memory_space<semaphore_mem>>
    tpu.wait_indirect_dma semaphore(%dma_wait3A_210 : memref<!tpu.dma_semaphore, #tpu.memory_space<semaphore_mem>>) src(%dma_wait3A_208 : memref<1000001x64xf32, #tpu.memory_space<hbm>>) dst(%dma_wait3A_202 : memref<128x64xf32, #tpu.memory_space<vmem>>)
    %add3A_211 = arith.constant 3 : i32
    %add3A_212 = arith.addi %mul3A_2, %add3A_211 : i32
    %mul3A_213 = arith.constant 128 : i32
    %mul3A_214 = arith.muli %add3A_212, %mul3A_213 : i32
    %dma_start3A_215 = arith.constant 3 : i32
    %dma_start3A_216 = arith.constant 3 : i32
    %dma_start3A_217 = arith.constant 0 : i32
    %dma_start3A_218 = arith.constant 0 : i32
    %dma_start3A_219 = tpu.memref_slice %arg11[%dma_start3A_215, %dma_start3A_217, %dma_start3A_218] : memref<6x128x64xf32, #tpu.memory_space<vmem>> -> memref<1x128x64xf32, #tpu.memory_space<vmem>>
    %dma_start3A_220 = tpu.memref_squeeze %dma_start3A_219 : memref<1x128x64xf32, #tpu.memory_space<vmem>> -> memref<128x64xf32, #tpu.memory_space<vmem>>
    %dma_start3A_221 = arith.constant 0 : i32
    %dma_start3A_222 = tpu.memref_slice %arg6[%mul3A_214, %dma_start3A_221] : memref<73728x64xf32, #tpu.memory_space<hbm>> -> memref<128x64xf32, #tpu.memory_space<hbm>>
    %dma_start3A_223 = tpu.memref_slice %arg13[%dma_start3A_216] : memref<6x!tpu.dma_semaphore, #tpu.memory_space<semaphore_mem>> -> memref<1x!tpu.dma_semaphore, #tpu.memory_space<semaphore_mem>>
    %dma_start3A_224 = tpu.memref_squeeze %dma_start3A_223 : memref<1x!tpu.dma_semaphore, #tpu.memory_space<semaphore_mem>> -> memref<!tpu.dma_semaphore, #tpu.memory_space<semaphore_mem>>
    %dma_start3A_225 = arith.constant 0 : i32
    %dma_start3A_226 = tpu.memref_slice %arg6[%mul3A_214, %dma_start3A_225] : memref<73728x64xf32, #tpu.memory_space<hbm>> -> memref<128x64xf32, #tpu.memory_space<hbm>>
    %dma_start3A_227 = arith.constant 0 : i32
    %dma_start3A_228 = arith.constant 0 : i32
    %dma_start3A_229 = tpu.memref_slice %arg11[%dma_start3A_215, %dma_start3A_227, %dma_start3A_228] : memref<6x128x64xf32, #tpu.memory_space<vmem>> -> memref<1x128x64xf32, #tpu.memory_space<vmem>>
    %dma_start3A_230 = tpu.memref_squeeze %dma_start3A_229 : memref<1x128x64xf32, #tpu.memory_space<vmem>> -> memref<128x64xf32, #tpu.memory_space<vmem>>
    tpu.enqueue_dma source(%dma_start3A_230 : memref<128x64xf32, #tpu.memory_space<vmem>>) target(%dma_start3A_226 : memref<128x64xf32, #tpu.memory_space<hbm>>) target_semaphore(%dma_start3A_224 : memref<!tpu.dma_semaphore, #tpu.memory_space<semaphore_mem>>)
    %dma_wait3A_231 = arith.constant 4 : i32
    %dma_wait3A_232 = arith.constant 4 : i32
    %dma_wait3A_233 = arith.constant 4 : i32
    %dma_wait3A_234 = arith.constant 0 : i32
    %dma_wait3A_235 = arith.constant 0 : i32
    %dma_wait3A_236 = tpu.memref_slice %arg11[%dma_wait3A_232, %dma_wait3A_234, %dma_wait3A_235] : memref<6x128x64xf32, #tpu.memory_space<vmem>> -> memref<1x128x64xf32, #tpu.memory_space<vmem>>
    %dma_wait3A_237 = tpu.memref_squeeze %dma_wait3A_236 : memref<1x128x64xf32, #tpu.memory_space<vmem>> -> memref<128x64xf32, #tpu.memory_space<vmem>>
    %dma_wait3A_238 = arith.constant 0 : i32
    %dma_wait3A_239 = tpu.memref_slice %arg8[%dma_wait3A_231, %dma_wait3A_238] : memref<18x128xi32, #tpu.memory_space<vmem>> -> memref<1x128xi32, #tpu.memory_space<vmem>>
    %dma_wait3A_240 = tpu.memref_squeeze %dma_wait3A_239 : memref<1x128xi32, #tpu.memory_space<vmem>> -> memref<128xi32, #tpu.memory_space<vmem>>
    %dma_wait3A_241 = arith.constant 0 : i32
    %dma_wait3A_242 = arith.constant 0 : i32
    %dma_wait3A_243 = tpu.memref_slice %arg2[%dma_wait3A_241, %dma_wait3A_242] : memref<1000001x64xf32, #tpu.memory_space<hbm>> -> memref<1000001x64xf32, #tpu.memory_space<hbm>>
    %dma_wait3A_244 = tpu.memref_slice %arg12[%dma_wait3A_233] : memref<6x!tpu.dma_semaphore, #tpu.memory_space<semaphore_mem>> -> memref<1x!tpu.dma_semaphore, #tpu.memory_space<semaphore_mem>>
    %dma_wait3A_245 = tpu.memref_squeeze %dma_wait3A_244 : memref<1x!tpu.dma_semaphore, #tpu.memory_space<semaphore_mem>> -> memref<!tpu.dma_semaphore, #tpu.memory_space<semaphore_mem>>
    tpu.wait_indirect_dma semaphore(%dma_wait3A_245 : memref<!tpu.dma_semaphore, #tpu.memory_space<semaphore_mem>>) src(%dma_wait3A_243 : memref<1000001x64xf32, #tpu.memory_space<hbm>>) dst(%dma_wait3A_237 : memref<128x64xf32, #tpu.memory_space<vmem>>)
    %add3A_246 = arith.constant 4 : i32
    %add3A_247 = arith.addi %mul3A_2, %add3A_246 : i32
    %mul3A_248 = arith.constant 128 : i32
    %mul3A_249 = arith.muli %add3A_247, %mul3A_248 : i32
    %dma_start3A_250 = arith.constant 4 : i32
    %dma_start3A_251 = arith.constant 4 : i32
    %dma_start3A_252 = arith.constant 0 : i32
    %dma_start3A_253 = arith.constant 0 : i32
    %dma_start3A_254 = tpu.memref_slice %arg11[%dma_start3A_250, %dma_start3A_252, %dma_start3A_253] : memref<6x128x64xf32, #tpu.memory_space<vmem>> -> memref<1x128x64xf32, #tpu.memory_space<vmem>>
    %dma_start3A_255 = tpu.memref_squeeze %dma_start3A_254 : memref<1x128x64xf32, #tpu.memory_space<vmem>> -> memref<128x64xf32, #tpu.memory_space<vmem>>
    %dma_start3A_256 = arith.constant 0 : i32
    %dma_start3A_257 = tpu.memref_slice %arg6[%mul3A_249, %dma_start3A_256] : memref<73728x64xf32, #tpu.memory_space<hbm>> -> memref<128x64xf32, #tpu.memory_space<hbm>>
    %dma_start3A_258 = tpu.memref_slice %arg13[%dma_start3A_251] : memref<6x!tpu.dma_semaphore, #tpu.memory_space<semaphore_mem>> -> memref<1x!tpu.dma_semaphore, #tpu.memory_space<semaphore_mem>>
    %dma_start3A_259 = tpu.memref_squeeze %dma_start3A_258 : memref<1x!tpu.dma_semaphore, #tpu.memory_space<semaphore_mem>> -> memref<!tpu.dma_semaphore, #tpu.memory_space<semaphore_mem>>
    %dma_start3A_260 = arith.constant 0 : i32
    %dma_start3A_261 = tpu.memref_slice %arg6[%mul3A_249, %dma_start3A_260] : memref<73728x64xf32, #tpu.memory_space<hbm>> -> memref<128x64xf32, #tpu.memory_space<hbm>>
    %dma_start3A_262 = arith.constant 0 : i32
    %dma_start3A_263 = arith.constant 0 : i32
    %dma_start3A_264 = tpu.memref_slice %arg11[%dma_start3A_250, %dma_start3A_262, %dma_start3A_263] : memref<6x128x64xf32, #tpu.memory_space<vmem>> -> memref<1x128x64xf32, #tpu.memory_space<vmem>>
    %dma_start3A_265 = tpu.memref_squeeze %dma_start3A_264 : memref<1x128x64xf32, #tpu.memory_space<vmem>> -> memref<128x64xf32, #tpu.memory_space<vmem>>
    tpu.enqueue_dma source(%dma_start3A_265 : memref<128x64xf32, #tpu.memory_space<vmem>>) target(%dma_start3A_261 : memref<128x64xf32, #tpu.memory_space<hbm>>) target_semaphore(%dma_start3A_259 : memref<!tpu.dma_semaphore, #tpu.memory_space<semaphore_mem>>)
    %dma_wait3A_266 = arith.constant 5 : i32
    %dma_wait3A_267 = arith.constant 5 : i32
    %dma_wait3A_268 = arith.constant 5 : i32
    %dma_wait3A_269 = arith.constant 0 : i32
    %dma_wait3A_270 = arith.constant 0 : i32
    %dma_wait3A_271 = tpu.memref_slice %arg11[%dma_wait3A_267, %dma_wait3A_269, %dma_wait3A_270] : memref<6x128x64xf32, #tpu.memory_space<vmem>> -> memref<1x128x64xf32, #tpu.memory_space<vmem>>
    %dma_wait3A_272 = tpu.memref_squeeze %dma_wait3A_271 : memref<1x128x64xf32, #tpu.memory_space<vmem>> -> memref<128x64xf32, #tpu.memory_space<vmem>>
    %dma_wait3A_273 = arith.constant 0 : i32
    %dma_wait3A_274 = tpu.memref_slice %arg8[%dma_wait3A_266, %dma_wait3A_273] : memref<18x128xi32, #tpu.memory_space<vmem>> -> memref<1x128xi32, #tpu.memory_space<vmem>>
    %dma_wait3A_275 = tpu.memref_squeeze %dma_wait3A_274 : memref<1x128xi32, #tpu.memory_space<vmem>> -> memref<128xi32, #tpu.memory_space<vmem>>
    %dma_wait3A_276 = arith.constant 0 : i32
    %dma_wait3A_277 = arith.constant 0 : i32
    %dma_wait3A_278 = tpu.memref_slice %arg2[%dma_wait3A_276, %dma_wait3A_277] : memref<1000001x64xf32, #tpu.memory_space<hbm>> -> memref<1000001x64xf32, #tpu.memory_space<hbm>>
    %dma_wait3A_279 = tpu.memref_slice %arg12[%dma_wait3A_268] : memref<6x!tpu.dma_semaphore, #tpu.memory_space<semaphore_mem>> -> memref<1x!tpu.dma_semaphore, #tpu.memory_space<semaphore_mem>>
    %dma_wait3A_280 = tpu.memref_squeeze %dma_wait3A_279 : memref<1x!tpu.dma_semaphore, #tpu.memory_space<semaphore_mem>> -> memref<!tpu.dma_semaphore, #tpu.memory_space<semaphore_mem>>
    tpu.wait_indirect_dma semaphore(%dma_wait3A_280 : memref<!tpu.dma_semaphore, #tpu.memory_space<semaphore_mem>>) src(%dma_wait3A_278 : memref<1000001x64xf32, #tpu.memory_space<hbm>>) dst(%dma_wait3A_272 : memref<128x64xf32, #tpu.memory_space<vmem>>)
    %add3A_281 = arith.constant 5 : i32
    %add3A_282 = arith.addi %mul3A_2, %add3A_281 : i32
    %mul3A_283 = arith.constant 128 : i32
    %mul3A_284 = arith.muli %add3A_282, %mul3A_283 : i32
    %dma_start3A_285 = arith.constant 5 : i32
    %dma_start3A_286 = arith.constant 5 : i32
    %dma_start3A_287 = arith.constant 0 : i32
    %dma_start3A_288 = arith.constant 0 : i32
    %dma_start3A_289 = tpu.memref_slice %arg11[%dma_start3A_285, %dma_start3A_287, %dma_start3A_288] : memref<6x128x64xf32, #tpu.memory_space<vmem>> -> memref<1x128x64xf32, #tpu.memory_space<vmem>>
    %dma_start3A_290 = tpu.memref_squeeze %dma_start3A_289 : memref<1x128x64xf32, #tpu.memory_space<vmem>> -> memref<128x64xf32, #tpu.memory_space<vmem>>
    %dma_start3A_291 = arith.constant 0 : i32
    %dma_start3A_292 = tpu.memref_slice %arg6[%mul3A_284, %dma_start3A_291] : memref<73728x64xf32, #tpu.memory_space<hbm>> -> memref<128x64xf32, #tpu.memory_space<hbm>>
    %dma_start3A_293 = tpu.memref_slice %arg13[%dma_start3A_286] : memref<6x!tpu.dma_semaphore, #tpu.memory_space<semaphore_mem>> -> memref<1x!tpu.dma_semaphore, #tpu.memory_space<semaphore_mem>>
    %dma_start3A_294 = tpu.memref_squeeze %dma_start3A_293 : memref<1x!tpu.dma_semaphore, #tpu.memory_space<semaphore_mem>> -> memref<!tpu.dma_semaphore, #tpu.memory_space<semaphore_mem>>
    %dma_start3A_295 = arith.constant 0 : i32
    %dma_start3A_296 = tpu.memref_slice %arg6[%mul3A_284, %dma_start3A_295] : memref<73728x64xf32, #tpu.memory_space<hbm>> -> memref<128x64xf32, #tpu.memory_space<hbm>>
    %dma_start3A_297 = arith.constant 0 : i32
    %dma_start3A_298 = arith.constant 0 : i32
    %dma_start3A_299 = tpu.memref_slice %arg11[%dma_start3A_285, %dma_start3A_297, %dma_start3A_298] : memref<6x128x64xf32, #tpu.memory_space<vmem>> -> memref<1x128x64xf32, #tpu.memory_space<vmem>>
    %dma_start3A_300 = tpu.memref_squeeze %dma_start3A_299 : memref<1x128x64xf32, #tpu.memory_space<vmem>> -> memref<128x64xf32, #tpu.memory_space<vmem>>
    tpu.enqueue_dma source(%dma_start3A_300 : memref<128x64xf32, #tpu.memory_space<vmem>>) target(%dma_start3A_296 : memref<128x64xf32, #tpu.memory_space<hbm>>) target_semaphore(%dma_start3A_294 : memref<!tpu.dma_semaphore, #tpu.memory_space<semaphore_mem>>)
    %dma_wait3A_301 = arith.constant 0 : i32
    %dma_wait3A_302 = arith.constant 0 : i32
    %dma_wait3A_303 = arith.constant 0 : i32
    %dma_wait3A_304 = arith.constant 0 : i32
    %dma_wait3A_305 = tpu.memref_slice %arg11[%dma_wait3A_301, %dma_wait3A_303, %dma_wait3A_304] : memref<6x128x64xf32, #tpu.memory_space<vmem>> -> memref<1x128x64xf32, #tpu.memory_space<vmem>>
    %dma_wait3A_306 = tpu.memref_squeeze %dma_wait3A_305 : memref<1x128x64xf32, #tpu.memory_space<vmem>> -> memref<128x64xf32, #tpu.memory_space<vmem>>
    %dma_wait3A_307 = arith.constant 0 : i32
    %dma_wait3A_308 = tpu.memref_slice %arg6[%mul3A_109, %dma_wait3A_307] : memref<73728x64xf32, #tpu.memory_space<hbm>> -> memref<128x64xf32, #tpu.memory_space<hbm>>
    %dma_wait3A_309 = tpu.memref_slice %arg13[%dma_wait3A_302] : memref<6x!tpu.dma_semaphore, #tpu.memory_space<semaphore_mem>> -> memref<1x!tpu.dma_semaphore, #tpu.memory_space<semaphore_mem>>
    %dma_wait3A_310 = tpu.memref_squeeze %dma_wait3A_309 : memref<1x!tpu.dma_semaphore, #tpu.memory_space<semaphore_mem>> -> memref<!tpu.dma_semaphore, #tpu.memory_space<semaphore_mem>>
    %dma_wait3A_311 = arith.constant 0 : i32
    %dma_wait3A_312 = tpu.memref_slice %arg6[%mul3A_109, %dma_wait3A_311] : memref<73728x64xf32, #tpu.memory_space<hbm>> -> memref<128x64xf32, #tpu.memory_space<hbm>>
    %dma_wait3A_313 = arith.constant 0 : i32
    %dma_wait3A_314 = arith.constant 0 : i32
    %dma_wait3A_315 = tpu.memref_slice %arg11[%dma_wait3A_301, %dma_wait3A_313, %dma_wait3A_314] : memref<6x128x64xf32, #tpu.memory_space<vmem>> -> memref<1x128x64xf32, #tpu.memory_space<vmem>>
    %dma_wait3A_316 = tpu.memref_squeeze %dma_wait3A_315 : memref<1x128x64xf32, #tpu.memory_space<vmem>> -> memref<128x64xf32, #tpu.memory_space<vmem>>
    tpu.wait_dma2 semaphore(%dma_wait3A_310 : memref<!tpu.dma_semaphore, #tpu.memory_space<semaphore_mem>>) src(%dma_wait3A_316 : memref<128x64xf32, #tpu.memory_space<vmem>>) dst(%dma_wait3A_312 : memref<128x64xf32, #tpu.memory_space<hbm>>)
    %dma_start3A_317 = arith.constant 6 : i32
    %dma_start3A_318 = arith.constant 0 : i32
    %dma_start3A_319 = arith.constant 0 : i32
    %dma_start3A_320 = arith.constant 0 : i32
    %dma_start3A_321 = arith.constant 0 : i32
    %dma_start3A_322 = tpu.memref_slice %arg11[%dma_start3A_318, %dma_start3A_320, %dma_start3A_321] : memref<6x128x64xf32, #tpu.memory_space<vmem>> -> memref<1x128x64xf32, #tpu.memory_space<vmem>>
    %dma_start3A_323 = tpu.memref_squeeze %dma_start3A_322 : memref<1x128x64xf32, #tpu.memory_space<vmem>> -> memref<128x64xf32, #tpu.memory_space<vmem>>
    %dma_start3A_324 = arith.constant 0 : i32
    %dma_start3A_325 = tpu.memref_slice %arg8[%dma_start3A_317, %dma_start3A_324] : memref<18x128xi32, #tpu.memory_space<vmem>> -> memref<1x128xi32, #tpu.memory_space<vmem>>
    %dma_start3A_326 = tpu.memref_squeeze %dma_start3A_325 : memref<1x128xi32, #tpu.memory_space<vmem>> -> memref<128xi32, #tpu.memory_space<vmem>>
    %dma_start3A_327 = arith.constant 0 : i32
    %dma_start3A_328 = arith.constant 0 : i32
    %dma_start3A_329 = tpu.memref_slice %arg2[%dma_start3A_327, %dma_start3A_328] : memref<1000001x64xf32, #tpu.memory_space<hbm>> -> memref<1000001x64xf32, #tpu.memory_space<hbm>>
    %dma_start3A_330 = tpu.memref_slice %arg12[%dma_start3A_319] : memref<6x!tpu.dma_semaphore, #tpu.memory_space<semaphore_mem>> -> memref<1x!tpu.dma_semaphore, #tpu.memory_space<semaphore_mem>>
    %dma_start3A_331 = tpu.memref_squeeze %dma_start3A_330 : memref<1x!tpu.dma_semaphore, #tpu.memory_space<semaphore_mem>> -> memref<!tpu.dma_semaphore, #tpu.memory_space<semaphore_mem>>
    tpu.enqueue_indirect_dma source(%dma_start3A_329 : memref<1000001x64xf32, #tpu.memory_space<hbm>>) target(%dma_start3A_323 : memref<128x64xf32, #tpu.memory_space<vmem>>) offsets(%dma_start3A_326 : memref<128xi32, #tpu.memory_space<vmem>>) semaphore(%dma_start3A_331 : memref<!tpu.dma_semaphore, #tpu.memory_space<semaphore_mem>>)
    %dma_wait3A_332 = arith.constant 1 : i32
    %dma_wait3A_333 = arith.constant 1 : i32
    %dma_wait3A_334 = arith.constant 0 : i32
    %dma_wait3A_335 = arith.constant 0 : i32
    %dma_wait3A_336 = tpu.memref_slice %arg11[%dma_wait3A_332, %dma_wait3A_334, %dma_wait3A_335] : memref<6x128x64xf32, #tpu.memory_space<vmem>> -> memref<1x128x64xf32, #tpu.memory_space<vmem>>
    %dma_wait3A_337 = tpu.memref_squeeze %dma_wait3A_336 : memref<1x128x64xf32, #tpu.memory_space<vmem>> -> memref<128x64xf32, #tpu.memory_space<vmem>>
    %dma_wait3A_338 = arith.constant 0 : i32
    %dma_wait3A_339 = tpu.memref_slice %arg6[%mul3A_144, %dma_wait3A_338] : memref<73728x64xf32, #tpu.memory_space<hbm>> -> memref<128x64xf32, #tpu.memory_space<hbm>>
    %dma_wait3A_340 = tpu.memref_slice %arg13[%dma_wait3A_333] : memref<6x!tpu.dma_semaphore, #tpu.memory_space<semaphore_mem>> -> memref<1x!tpu.dma_semaphore, #tpu.memory_space<semaphore_mem>>
    %dma_wait3A_341 = tpu.memref_squeeze %dma_wait3A_340 : memref<1x!tpu.dma_semaphore, #tpu.memory_space<semaphore_mem>> -> memref<!tpu.dma_semaphore, #tpu.memory_space<semaphore_mem>>
    %dma_wait3A_342 = arith.constant 0 : i32
    %dma_wait3A_343 = tpu.memref_slice %arg6[%mul3A_144, %dma_wait3A_342] : memref<73728x64xf32, #tpu.memory_space<hbm>> -> memref<128x64xf32, #tpu.memory_space<hbm>>
    %dma_wait3A_344 = arith.constant 0 : i32
    %dma_wait3A_345 = arith.constant 0 : i32
    %dma_wait3A_346 = tpu.memref_slice %arg11[%dma_wait3A_332, %dma_wait3A_344, %dma_wait3A_345] : memref<6x128x64xf32, #tpu.memory_space<vmem>> -> memref<1x128x64xf32, #tpu.memory_space<vmem>>
    %dma_wait3A_347 = tpu.memref_squeeze %dma_wait3A_346 : memref<1x128x64xf32, #tpu.memory_space<vmem>> -> memref<128x64xf32, #tpu.memory_space<vmem>>
    tpu.wait_dma2 semaphore(%dma_wait3A_341 : memref<!tpu.dma_semaphore, #tpu.memory_space<semaphore_mem>>) src(%dma_wait3A_347 : memref<128x64xf32, #tpu.memory_space<vmem>>) dst(%dma_wait3A_343 : memref<128x64xf32, #tpu.memory_space<hbm>>)
    %dma_start3A_348 = arith.constant 7 : i32
    %dma_start3A_349 = arith.constant 1 : i32
    %dma_start3A_350 = arith.constant 1 : i32
    %dma_start3A_351 = arith.constant 0 : i32
    %dma_start3A_352 = arith.constant 0 : i32
    %dma_start3A_353 = tpu.memref_slice %arg11[%dma_start3A_349, %dma_start3A_351, %dma_start3A_352] : memref<6x128x64xf32, #tpu.memory_space<vmem>> -> memref<1x128x64xf32, #tpu.memory_space<vmem>>
    %dma_start3A_354 = tpu.memref_squeeze %dma_start3A_353 : memref<1x128x64xf32, #tpu.memory_space<vmem>> -> memref<128x64xf32, #tpu.memory_space<vmem>>
    %dma_start3A_355 = arith.constant 0 : i32
    %dma_start3A_356 = tpu.memref_slice %arg8[%dma_start3A_348, %dma_start3A_355] : memref<18x128xi32, #tpu.memory_space<vmem>> -> memref<1x128xi32, #tpu.memory_space<vmem>>
    %dma_start3A_357 = tpu.memref_squeeze %dma_start3A_356 : memref<1x128xi32, #tpu.memory_space<vmem>> -> memref<128xi32, #tpu.memory_space<vmem>>
    %dma_start3A_358 = arith.constant 0 : i32
    %dma_start3A_359 = arith.constant 0 : i32
    %dma_start3A_360 = tpu.memref_slice %arg2[%dma_start3A_358, %dma_start3A_359] : memref<1000001x64xf32, #tpu.memory_space<hbm>> -> memref<1000001x64xf32, #tpu.memory_space<hbm>>
    %dma_start3A_361 = tpu.memref_slice %arg12[%dma_start3A_350] : memref<6x!tpu.dma_semaphore, #tpu.memory_space<semaphore_mem>> -> memref<1x!tpu.dma_semaphore, #tpu.memory_space<semaphore_mem>>
    %dma_start3A_362 = tpu.memref_squeeze %dma_start3A_361 : memref<1x!tpu.dma_semaphore, #tpu.memory_space<semaphore_mem>> -> memref<!tpu.dma_semaphore, #tpu.memory_space<semaphore_mem>>
    tpu.enqueue_indirect_dma source(%dma_start3A_360 : memref<1000001x64xf32, #tpu.memory_space<hbm>>) target(%dma_start3A_354 : memref<128x64xf32, #tpu.memory_space<vmem>>) offsets(%dma_start3A_357 : memref<128xi32, #tpu.memory_space<vmem>>) semaphore(%dma_start3A_362 : memref<!tpu.dma_semaphore, #tpu.memory_space<semaphore_mem>>)
    %dma_wait3A_363 = arith.constant 2 : i32
    %dma_wait3A_364 = arith.constant 2 : i32
    %dma_wait3A_365 = arith.constant 0 : i32
    %dma_wait3A_366 = arith.constant 0 : i32
    %dma_wait3A_367 = tpu.memref_slice %arg11[%dma_wait3A_363, %dma_wait3A_365, %dma_wait3A_366] : memref<6x128x64xf32, #tpu.memory_space<vmem>> -> memref<1x128x64xf32, #tpu.memory_space<vmem>>
    %dma_wait3A_368 = tpu.memref_squeeze %dma_wait3A_367 : memref<1x128x64xf32, #tpu.memory_space<vmem>> -> memref<128x64xf32, #tpu.memory_space<vmem>>
    %dma_wait3A_369 = arith.constant 0 : i32
    %dma_wait3A_370 = tpu.memref_slice %arg6[%mul3A_179, %dma_wait3A_369] : memref<73728x64xf32, #tpu.memory_space<hbm>> -> memref<128x64xf32, #tpu.memory_space<hbm>>
    %dma_wait3A_371 = tpu.memref_slice %arg13[%dma_wait3A_364] : memref<6x!tpu.dma_semaphore, #tpu.memory_space<semaphore_mem>> -> memref<1x!tpu.dma_semaphore, #tpu.memory_space<semaphore_mem>>
    %dma_wait3A_372 = tpu.memref_squeeze %dma_wait3A_371 : memref<1x!tpu.dma_semaphore, #tpu.memory_space<semaphore_mem>> -> memref<!tpu.dma_semaphore, #tpu.memory_space<semaphore_mem>>
    %dma_wait3A_373 = arith.constant 0 : i32
    %dma_wait3A_374 = tpu.memref_slice %arg6[%mul3A_179, %dma_wait3A_373] : memref<73728x64xf32, #tpu.memory_space<hbm>> -> memref<128x64xf32, #tpu.memory_space<hbm>>
    %dma_wait3A_375 = arith.constant 0 : i32
    %dma_wait3A_376 = arith.constant 0 : i32
    %dma_wait3A_377 = tpu.memref_slice %arg11[%dma_wait3A_363, %dma_wait3A_375, %dma_wait3A_376] : memref<6x128x64xf32, #tpu.memory_space<vmem>> -> memref<1x128x64xf32, #tpu.memory_space<vmem>>
    %dma_wait3A_378 = tpu.memref_squeeze %dma_wait3A_377 : memref<1x128x64xf32, #tpu.memory_space<vmem>> -> memref<128x64xf32, #tpu.memory_space<vmem>>
    tpu.wait_dma2 semaphore(%dma_wait3A_372 : memref<!tpu.dma_semaphore, #tpu.memory_space<semaphore_mem>>) src(%dma_wait3A_378 : memref<128x64xf32, #tpu.memory_space<vmem>>) dst(%dma_wait3A_374 : memref<128x64xf32, #tpu.memory_space<hbm>>)
    %dma_start3A_379 = arith.constant 8 : i32
    %dma_start3A_380 = arith.constant 2 : i32
    %dma_start3A_381 = arith.constant 2 : i32
    %dma_start3A_382 = arith.constant 0 : i32
    %dma_start3A_383 = arith.constant 0 : i32
    %dma_start3A_384 = tpu.memref_slice %arg11[%dma_start3A_380, %dma_start3A_382, %dma_start3A_383] : memref<6x128x64xf32, #tpu.memory_space<vmem>> -> memref<1x128x64xf32, #tpu.memory_space<vmem>>
    %dma_start3A_385 = tpu.memref_squeeze %dma_start3A_384 : memref<1x128x64xf32, #tpu.memory_space<vmem>> -> memref<128x64xf32, #tpu.memory_space<vmem>>
    %dma_start3A_386 = arith.constant 0 : i32
    %dma_start3A_387 = tpu.memref_slice %arg8[%dma_start3A_379, %dma_start3A_386] : memref<18x128xi32, #tpu.memory_space<vmem>> -> memref<1x128xi32, #tpu.memory_space<vmem>>
    %dma_start3A_388 = tpu.memref_squeeze %dma_start3A_387 : memref<1x128xi32, #tpu.memory_space<vmem>> -> memref<128xi32, #tpu.memory_space<vmem>>
    %dma_start3A_389 = arith.constant 0 : i32
    %dma_start3A_390 = arith.constant 0 : i32
    %dma_start3A_391 = tpu.memref_slice %arg2[%dma_start3A_389, %dma_start3A_390] : memref<1000001x64xf32, #tpu.memory_space<hbm>> -> memref<1000001x64xf32, #tpu.memory_space<hbm>>
    %dma_start3A_392 = tpu.memref_slice %arg12[%dma_start3A_381] : memref<6x!tpu.dma_semaphore, #tpu.memory_space<semaphore_mem>> -> memref<1x!tpu.dma_semaphore, #tpu.memory_space<semaphore_mem>>
    %dma_start3A_393 = tpu.memref_squeeze %dma_start3A_392 : memref<1x!tpu.dma_semaphore, #tpu.memory_space<semaphore_mem>> -> memref<!tpu.dma_semaphore, #tpu.memory_space<semaphore_mem>>
    tpu.enqueue_indirect_dma source(%dma_start3A_391 : memref<1000001x64xf32, #tpu.memory_space<hbm>>) target(%dma_start3A_385 : memref<128x64xf32, #tpu.memory_space<vmem>>) offsets(%dma_start3A_388 : memref<128xi32, #tpu.memory_space<vmem>>) semaphore(%dma_start3A_393 : memref<!tpu.dma_semaphore, #tpu.memory_space<semaphore_mem>>)
    %dma_wait3A_394 = arith.constant 3 : i32
    %dma_wait3A_395 = arith.constant 3 : i32
    %dma_wait3A_396 = arith.constant 0 : i32
    %dma_wait3A_397 = arith.constant 0 : i32
    %dma_wait3A_398 = tpu.memref_slice %arg11[%dma_wait3A_394, %dma_wait3A_396, %dma_wait3A_397] : memref<6x128x64xf32, #tpu.memory_space<vmem>> -> memref<1x128x64xf32, #tpu.memory_space<vmem>>
    %dma_wait3A_399 = tpu.memref_squeeze %dma_wait3A_398 : memref<1x128x64xf32, #tpu.memory_space<vmem>> -> memref<128x64xf32, #tpu.memory_space<vmem>>
    %dma_wait3A_400 = arith.constant 0 : i32
    %dma_wait3A_401 = tpu.memref_slice %arg6[%mul3A_214, %dma_wait3A_400] : memref<73728x64xf32, #tpu.memory_space<hbm>> -> memref<128x64xf32, #tpu.memory_space<hbm>>
    %dma_wait3A_402 = tpu.memref_slice %arg13[%dma_wait3A_395] : memref<6x!tpu.dma_semaphore, #tpu.memory_space<semaphore_mem>> -> memref<1x!tpu.dma_semaphore, #tpu.memory_space<semaphore_mem>>
    %dma_wait3A_403 = tpu.memref_squeeze %dma_wait3A_402 : memref<1x!tpu.dma_semaphore, #tpu.memory_space<semaphore_mem>> -> memref<!tpu.dma_semaphore, #tpu.memory_space<semaphore_mem>>
    %dma_wait3A_404 = arith.constant 0 : i32
    %dma_wait3A_405 = tpu.memref_slice %arg6[%mul3A_214, %dma_wait3A_404] : memref<73728x64xf32, #tpu.memory_space<hbm>> -> memref<128x64xf32, #tpu.memory_space<hbm>>
    %dma_wait3A_406 = arith.constant 0 : i32
    %dma_wait3A_407 = arith.constant 0 : i32
    %dma_wait3A_408 = tpu.memref_slice %arg11[%dma_wait3A_394, %dma_wait3A_406, %dma_wait3A_407] : memref<6x128x64xf32, #tpu.memory_space<vmem>> -> memref<1x128x64xf32, #tpu.memory_space<vmem>>
    %dma_wait3A_409 = tpu.memref_squeeze %dma_wait3A_408 : memref<1x128x64xf32, #tpu.memory_space<vmem>> -> memref<128x64xf32, #tpu.memory_space<vmem>>
    tpu.wait_dma2 semaphore(%dma_wait3A_403 : memref<!tpu.dma_semaphore, #tpu.memory_space<semaphore_mem>>) src(%dma_wait3A_409 : memref<128x64xf32, #tpu.memory_space<vmem>>) dst(%dma_wait3A_405 : memref<128x64xf32, #tpu.memory_space<hbm>>)
    %dma_start3A_410 = arith.constant 9 : i32
    %dma_start3A_411 = arith.constant 3 : i32
    %dma_start3A_412 = arith.constant 3 : i32
    %dma_start3A_413 = arith.constant 0 : i32
    %dma_start3A_414 = arith.constant 0 : i32
    %dma_start3A_415 = tpu.memref_slice %arg11[%dma_start3A_411, %dma_start3A_413, %dma_start3A_414] : memref<6x128x64xf32, #tpu.memory_space<vmem>> -> memref<1x128x64xf32, #tpu.memory_space<vmem>>
    %dma_start3A_416 = tpu.memref_squeeze %dma_start3A_415 : memref<1x128x64xf32, #tpu.memory_space<vmem>> -> memref<128x64xf32, #tpu.memory_space<vmem>>
    %dma_start3A_417 = arith.constant 0 : i32
    %dma_start3A_418 = tpu.memref_slice %arg8[%dma_start3A_410, %dma_start3A_417] : memref<18x128xi32, #tpu.memory_space<vmem>> -> memref<1x128xi32, #tpu.memory_space<vmem>>
    %dma_start3A_419 = tpu.memref_squeeze %dma_start3A_418 : memref<1x128xi32, #tpu.memory_space<vmem>> -> memref<128xi32, #tpu.memory_space<vmem>>
    %dma_start3A_420 = arith.constant 0 : i32
    %dma_start3A_421 = arith.constant 0 : i32
    %dma_start3A_422 = tpu.memref_slice %arg2[%dma_start3A_420, %dma_start3A_421] : memref<1000001x64xf32, #tpu.memory_space<hbm>> -> memref<1000001x64xf32, #tpu.memory_space<hbm>>
    %dma_start3A_423 = tpu.memref_slice %arg12[%dma_start3A_412] : memref<6x!tpu.dma_semaphore, #tpu.memory_space<semaphore_mem>> -> memref<1x!tpu.dma_semaphore, #tpu.memory_space<semaphore_mem>>
    %dma_start3A_424 = tpu.memref_squeeze %dma_start3A_423 : memref<1x!tpu.dma_semaphore, #tpu.memory_space<semaphore_mem>> -> memref<!tpu.dma_semaphore, #tpu.memory_space<semaphore_mem>>
    tpu.enqueue_indirect_dma source(%dma_start3A_422 : memref<1000001x64xf32, #tpu.memory_space<hbm>>) target(%dma_start3A_416 : memref<128x64xf32, #tpu.memory_space<vmem>>) offsets(%dma_start3A_419 : memref<128xi32, #tpu.memory_space<vmem>>) semaphore(%dma_start3A_424 : memref<!tpu.dma_semaphore, #tpu.memory_space<semaphore_mem>>)
    %dma_wait3A_425 = arith.constant 4 : i32
    %dma_wait3A_426 = arith.constant 4 : i32
    %dma_wait3A_427 = arith.constant 0 : i32
    %dma_wait3A_428 = arith.constant 0 : i32
    %dma_wait3A_429 = tpu.memref_slice %arg11[%dma_wait3A_425, %dma_wait3A_427, %dma_wait3A_428] : memref<6x128x64xf32, #tpu.memory_space<vmem>> -> memref<1x128x64xf32, #tpu.memory_space<vmem>>
    %dma_wait3A_430 = tpu.memref_squeeze %dma_wait3A_429 : memref<1x128x64xf32, #tpu.memory_space<vmem>> -> memref<128x64xf32, #tpu.memory_space<vmem>>
    %dma_wait3A_431 = arith.constant 0 : i32
    %dma_wait3A_432 = tpu.memref_slice %arg6[%mul3A_249, %dma_wait3A_431] : memref<73728x64xf32, #tpu.memory_space<hbm>> -> memref<128x64xf32, #tpu.memory_space<hbm>>
    %dma_wait3A_433 = tpu.memref_slice %arg13[%dma_wait3A_426] : memref<6x!tpu.dma_semaphore, #tpu.memory_space<semaphore_mem>> -> memref<1x!tpu.dma_semaphore, #tpu.memory_space<semaphore_mem>>
    %dma_wait3A_434 = tpu.memref_squeeze %dma_wait3A_433 : memref<1x!tpu.dma_semaphore, #tpu.memory_space<semaphore_mem>> -> memref<!tpu.dma_semaphore, #tpu.memory_space<semaphore_mem>>
    %dma_wait3A_435 = arith.constant 0 : i32
    %dma_wait3A_436 = tpu.memref_slice %arg6[%mul3A_249, %dma_wait3A_435] : memref<73728x64xf32, #tpu.memory_space<hbm>> -> memref<128x64xf32, #tpu.memory_space<hbm>>
    %dma_wait3A_437 = arith.constant 0 : i32
    %dma_wait3A_438 = arith.constant 0 : i32
    %dma_wait3A_439 = tpu.memref_slice %arg11[%dma_wait3A_425, %dma_wait3A_437, %dma_wait3A_438] : memref<6x128x64xf32, #tpu.memory_space<vmem>> -> memref<1x128x64xf32, #tpu.memory_space<vmem>>
    %dma_wait3A_440 = tpu.memref_squeeze %dma_wait3A_439 : memref<1x128x64xf32, #tpu.memory_space<vmem>> -> memref<128x64xf32, #tpu.memory_space<vmem>>
    tpu.wait_dma2 semaphore(%dma_wait3A_434 : memref<!tpu.dma_semaphore, #tpu.memory_space<semaphore_mem>>) src(%dma_wait3A_440 : memref<128x64xf32, #tpu.memory_space<vmem>>) dst(%dma_wait3A_436 : memref<128x64xf32, #tpu.memory_space<hbm>>)
    %dma_start3A_441 = arith.constant 10 : i32
    %dma_start3A_442 = arith.constant 4 : i32
    %dma_start3A_443 = arith.constant 4 : i32
    %dma_start3A_444 = arith.constant 0 : i32
    %dma_start3A_445 = arith.constant 0 : i32
    %dma_start3A_446 = tpu.memref_slice %arg11[%dma_start3A_442, %dma_start3A_444, %dma_start3A_445] : memref<6x128x64xf32, #tpu.memory_space<vmem>> -> memref<1x128x64xf32, #tpu.memory_space<vmem>>
    %dma_start3A_447 = tpu.memref_squeeze %dma_start3A_446 : memref<1x128x64xf32, #tpu.memory_space<vmem>> -> memref<128x64xf32, #tpu.memory_space<vmem>>
    %dma_start3A_448 = arith.constant 0 : i32
    %dma_start3A_449 = tpu.memref_slice %arg8[%dma_start3A_441, %dma_start3A_448] : memref<18x128xi32, #tpu.memory_space<vmem>> -> memref<1x128xi32, #tpu.memory_space<vmem>>
    %dma_start3A_450 = tpu.memref_squeeze %dma_start3A_449 : memref<1x128xi32, #tpu.memory_space<vmem>> -> memref<128xi32, #tpu.memory_space<vmem>>
    %dma_start3A_451 = arith.constant 0 : i32
    %dma_start3A_452 = arith.constant 0 : i32
    %dma_start3A_453 = tpu.memref_slice %arg2[%dma_start3A_451, %dma_start3A_452] : memref<1000001x64xf32, #tpu.memory_space<hbm>> -> memref<1000001x64xf32, #tpu.memory_space<hbm>>
    %dma_start3A_454 = tpu.memref_slice %arg12[%dma_start3A_443] : memref<6x!tpu.dma_semaphore, #tpu.memory_space<semaphore_mem>> -> memref<1x!tpu.dma_semaphore, #tpu.memory_space<semaphore_mem>>
    %dma_start3A_455 = tpu.memref_squeeze %dma_start3A_454 : memref<1x!tpu.dma_semaphore, #tpu.memory_space<semaphore_mem>> -> memref<!tpu.dma_semaphore, #tpu.memory_space<semaphore_mem>>
    tpu.enqueue_indirect_dma source(%dma_start3A_453 : memref<1000001x64xf32, #tpu.memory_space<hbm>>) target(%dma_start3A_447 : memref<128x64xf32, #tpu.memory_space<vmem>>) offsets(%dma_start3A_450 : memref<128xi32, #tpu.memory_space<vmem>>) semaphore(%dma_start3A_455 : memref<!tpu.dma_semaphore, #tpu.memory_space<semaphore_mem>>)
    %dma_wait3A_456 = arith.constant 5 : i32
    %dma_wait3A_457 = arith.constant 5 : i32
    %dma_wait3A_458 = arith.constant 0 : i32
    %dma_wait3A_459 = arith.constant 0 : i32
    %dma_wait3A_460 = tpu.memref_slice %arg11[%dma_wait3A_456, %dma_wait3A_458, %dma_wait3A_459] : memref<6x128x64xf32, #tpu.memory_space<vmem>> -> memref<1x128x64xf32, #tpu.memory_space<vmem>>
    %dma_wait3A_461 = tpu.memref_squeeze %dma_wait3A_460 : memref<1x128x64xf32, #tpu.memory_space<vmem>> -> memref<128x64xf32, #tpu.memory_space<vmem>>
    %dma_wait3A_462 = arith.constant 0 : i32
    %dma_wait3A_463 = tpu.memref_slice %arg6[%mul3A_284, %dma_wait3A_462] : memref<73728x64xf32, #tpu.memory_space<hbm>> -> memref<128x64xf32, #tpu.memory_space<hbm>>
    %dma_wait3A_464 = tpu.memref_slice %arg13[%dma_wait3A_457] : memref<6x!tpu.dma_semaphore, #tpu.memory_space<semaphore_mem>> -> memref<1x!tpu.dma_semaphore, #tpu.memory_space<semaphore_mem>>
    %dma_wait3A_465 = tpu.memref_squeeze %dma_wait3A_464 : memref<1x!tpu.dma_semaphore, #tpu.memory_space<semaphore_mem>> -> memref<!tpu.dma_semaphore, #tpu.memory_space<semaphore_mem>>
    %dma_wait3A_466 = arith.constant 0 : i32
    %dma_wait3A_467 = tpu.memref_slice %arg6[%mul3A_284, %dma_wait3A_466] : memref<73728x64xf32, #tpu.memory_space<hbm>> -> memref<128x64xf32, #tpu.memory_space<hbm>>
    %dma_wait3A_468 = arith.constant 0 : i32
    %dma_wait3A_469 = arith.constant 0 : i32
    %dma_wait3A_470 = tpu.memref_slice %arg11[%dma_wait3A_456, %dma_wait3A_468, %dma_wait3A_469] : memref<6x128x64xf32, #tpu.memory_space<vmem>> -> memref<1x128x64xf32, #tpu.memory_space<vmem>>
    %dma_wait3A_471 = tpu.memref_squeeze %dma_wait3A_470 : memref<1x128x64xf32, #tpu.memory_space<vmem>> -> memref<128x64xf32, #tpu.memory_space<vmem>>
    tpu.wait_dma2 semaphore(%dma_wait3A_465 : memref<!tpu.dma_semaphore, #tpu.memory_space<semaphore_mem>>) src(%dma_wait3A_471 : memref<128x64xf32, #tpu.memory_space<vmem>>) dst(%dma_wait3A_467 : memref<128x64xf32, #tpu.memory_space<hbm>>)
    %dma_start3A_472 = arith.constant 11 : i32
    %dma_start3A_473 = arith.constant 5 : i32
    %dma_start3A_474 = arith.constant 5 : i32
    %dma_start3A_475 = arith.constant 0 : i32
    %dma_start3A_476 = arith.constant 0 : i32
    %dma_start3A_477 = tpu.memref_slice %arg11[%dma_start3A_473, %dma_start3A_475, %dma_start3A_476] : memref<6x128x64xf32, #tpu.memory_space<vmem>> -> memref<1x128x64xf32, #tpu.memory_space<vmem>>
    %dma_start3A_478 = tpu.memref_squeeze %dma_start3A_477 : memref<1x128x64xf32, #tpu.memory_space<vmem>> -> memref<128x64xf32, #tpu.memory_space<vmem>>
    %dma_start3A_479 = arith.constant 0 : i32
    %dma_start3A_480 = tpu.memref_slice %arg8[%dma_start3A_472, %dma_start3A_479] : memref<18x128xi32, #tpu.memory_space<vmem>> -> memref<1x128xi32, #tpu.memory_space<vmem>>
    %dma_start3A_481 = tpu.memref_squeeze %dma_start3A_480 : memref<1x128xi32, #tpu.memory_space<vmem>> -> memref<128xi32, #tpu.memory_space<vmem>>
    %dma_start3A_482 = arith.constant 0 : i32
    %dma_start3A_483 = arith.constant 0 : i32
    %dma_start3A_484 = tpu.memref_slice %arg2[%dma_start3A_482, %dma_start3A_483] : memref<1000001x64xf32, #tpu.memory_space<hbm>> -> memref<1000001x64xf32, #tpu.memory_space<hbm>>
    %dma_start3A_485 = tpu.memref_slice %arg12[%dma_start3A_474] : memref<6x!tpu.dma_semaphore, #tpu.memory_space<semaphore_mem>> -> memref<1x!tpu.dma_semaphore, #tpu.memory_space<semaphore_mem>>
    %dma_start3A_486 = tpu.memref_squeeze %dma_start3A_485 : memref<1x!tpu.dma_semaphore, #tpu.memory_space<semaphore_mem>> -> memref<!tpu.dma_semaphore, #tpu.memory_space<semaphore_mem>>
    tpu.enqueue_indirect_dma source(%dma_start3A_484 : memref<1000001x64xf32, #tpu.memory_space<hbm>>) target(%dma_start3A_478 : memref<128x64xf32, #tpu.memory_space<vmem>>) offsets(%dma_start3A_481 : memref<128xi32, #tpu.memory_space<vmem>>) semaphore(%dma_start3A_486 : memref<!tpu.dma_semaphore, #tpu.memory_space<semaphore_mem>>)
    %dma_wait3A_487 = arith.constant 6 : i32
    %dma_wait3A_488 = arith.constant 0 : i32
    %dma_wait3A_489 = arith.constant 0 : i32
    %dma_wait3A_490 = arith.constant 0 : i32
    %dma_wait3A_491 = arith.constant 0 : i32
    %dma_wait3A_492 = tpu.memref_slice %arg11[%dma_wait3A_488, %dma_wait3A_490, %dma_wait3A_491] : memref<6x128x64xf32, #tpu.memory_space<vmem>> -> memref<1x128x64xf32, #tpu.memory_space<vmem>>
    %dma_wait3A_493 = tpu.memref_squeeze %dma_wait3A_492 : memref<1x128x64xf32, #tpu.memory_space<vmem>> -> memref<128x64xf32, #tpu.memory_space<vmem>>
    %dma_wait3A_494 = arith.constant 0 : i32
    %dma_wait3A_495 = tpu.memref_slice %arg8[%dma_wait3A_487, %dma_wait3A_494] : memref<18x128xi32, #tpu.memory_space<vmem>> -> memref<1x128xi32, #tpu.memory_space<vmem>>
    %dma_wait3A_496 = tpu.memref_squeeze %dma_wait3A_495 : memref<1x128xi32, #tpu.memory_space<vmem>> -> memref<128xi32, #tpu.memory_space<vmem>>
    %dma_wait3A_497 = arith.constant 0 : i32
    %dma_wait3A_498 = arith.constant 0 : i32
    %dma_wait3A_499 = tpu.memref_slice %arg2[%dma_wait3A_497, %dma_wait3A_498] : memref<1000001x64xf32, #tpu.memory_space<hbm>> -> memref<1000001x64xf32, #tpu.memory_space<hbm>>
    %dma_wait3A_500 = tpu.memref_slice %arg12[%dma_wait3A_489] : memref<6x!tpu.dma_semaphore, #tpu.memory_space<semaphore_mem>> -> memref<1x!tpu.dma_semaphore, #tpu.memory_space<semaphore_mem>>
    %dma_wait3A_501 = tpu.memref_squeeze %dma_wait3A_500 : memref<1x!tpu.dma_semaphore, #tpu.memory_space<semaphore_mem>> -> memref<!tpu.dma_semaphore, #tpu.memory_space<semaphore_mem>>
    tpu.wait_indirect_dma semaphore(%dma_wait3A_501 : memref<!tpu.dma_semaphore, #tpu.memory_space<semaphore_mem>>) src(%dma_wait3A_499 : memref<1000001x64xf32, #tpu.memory_space<hbm>>) dst(%dma_wait3A_493 : memref<128x64xf32, #tpu.memory_space<vmem>>)
    %add3A_502 = arith.constant 6 : i32
    %add3A_503 = arith.addi %mul3A_2, %add3A_502 : i32
    %mul3A_504 = arith.constant 128 : i32
    %mul3A_505 = arith.muli %add3A_503, %mul3A_504 : i32
    %dma_start3A_506 = arith.constant 0 : i32
    %dma_start3A_507 = arith.constant 0 : i32
    %dma_start3A_508 = arith.constant 0 : i32
    %dma_start3A_509 = arith.constant 0 : i32
    %dma_start3A_510 = tpu.memref_slice %arg11[%dma_start3A_506, %dma_start3A_508, %dma_start3A_509] : memref<6x128x64xf32, #tpu.memory_space<vmem>> -> memref<1x128x64xf32, #tpu.memory_space<vmem>>
    %dma_start3A_511 = tpu.memref_squeeze %dma_start3A_510 : memref<1x128x64xf32, #tpu.memory_space<vmem>> -> memref<128x64xf32, #tpu.memory_space<vmem>>
    %dma_start3A_512 = arith.constant 0 : i32
    %dma_start3A_513 = tpu.memref_slice %arg6[%mul3A_505, %dma_start3A_512] : memref<73728x64xf32, #tpu.memory_space<hbm>> -> memref<128x64xf32, #tpu.memory_space<hbm>>
    %dma_start3A_514 = tpu.memref_slice %arg13[%dma_start3A_507] : memref<6x!tpu.dma_semaphore, #tpu.memory_space<semaphore_mem>> -> memref<1x!tpu.dma_semaphore, #tpu.memory_space<semaphore_mem>>
    %dma_start3A_515 = tpu.memref_squeeze %dma_start3A_514 : memref<1x!tpu.dma_semaphore, #tpu.memory_space<semaphore_mem>> -> memref<!tpu.dma_semaphore, #tpu.memory_space<semaphore_mem>>
    %dma_start3A_516 = arith.constant 0 : i32
    %dma_start3A_517 = tpu.memref_slice %arg6[%mul3A_505, %dma_start3A_516] : memref<73728x64xf32, #tpu.memory_space<hbm>> -> memref<128x64xf32, #tpu.memory_space<hbm>>
    %dma_start3A_518 = arith.constant 0 : i32
    %dma_start3A_519 = arith.constant 0 : i32
    %dma_start3A_520 = tpu.memref_slice %arg11[%dma_start3A_506, %dma_start3A_518, %dma_start3A_519] : memref<6x128x64xf32, #tpu.memory_space<vmem>> -> memref<1x128x64xf32, #tpu.memory_space<vmem>>
    %dma_start3A_521 = tpu.memref_squeeze %dma_start3A_520 : memref<1x128x64xf32, #tpu.memory_space<vmem>> -> memref<128x64xf32, #tpu.memory_space<vmem>>
    tpu.enqueue_dma source(%dma_start3A_521 : memref<128x64xf32, #tpu.memory_space<vmem>>) target(%dma_start3A_517 : memref<128x64xf32, #tpu.memory_space<hbm>>) target_semaphore(%dma_start3A_515 : memref<!tpu.dma_semaphore, #tpu.memory_space<semaphore_mem>>)
    %dma_wait3A_522 = arith.constant 7 : i32
    %dma_wait3A_523 = arith.constant 1 : i32
    %dma_wait3A_524 = arith.constant 1 : i32
    %dma_wait3A_525 = arith.constant 0 : i32
    %dma_wait3A_526 = arith.constant 0 : i32
    %dma_wait3A_527 = tpu.memref_slice %arg11[%dma_wait3A_523, %dma_wait3A_525, %dma_wait3A_526] : memref<6x128x64xf32, #tpu.memory_space<vmem>> -> memref<1x128x64xf32, #tpu.memory_space<vmem>>
    %dma_wait3A_528 = tpu.memref_squeeze %dma_wait3A_527 : memref<1x128x64xf32, #tpu.memory_space<vmem>> -> memref<128x64xf32, #tpu.memory_space<vmem>>
    %dma_wait3A_529 = arith.constant 0 : i32
    %dma_wait3A_530 = tpu.memref_slice %arg8[%dma_wait3A_522, %dma_wait3A_529] : memref<18x128xi32, #tpu.memory_space<vmem>> -> memref<1x128xi32, #tpu.memory_space<vmem>>
    %dma_wait3A_531 = tpu.memref_squeeze %dma_wait3A_530 : memref<1x128xi32, #tpu.memory_space<vmem>> -> memref<128xi32, #tpu.memory_space<vmem>>
    %dma_wait3A_532 = arith.constant 0 : i32
    %dma_wait3A_533 = arith.constant 0 : i32
    %dma_wait3A_534 = tpu.memref_slice %arg2[%dma_wait3A_532, %dma_wait3A_533] : memref<1000001x64xf32, #tpu.memory_space<hbm>> -> memref<1000001x64xf32, #tpu.memory_space<hbm>>
    %dma_wait3A_535 = tpu.memref_slice %arg12[%dma_wait3A_524] : memref<6x!tpu.dma_semaphore, #tpu.memory_space<semaphore_mem>> -> memref<1x!tpu.dma_semaphore, #tpu.memory_space<semaphore_mem>>
    %dma_wait3A_536 = tpu.memref_squeeze %dma_wait3A_535 : memref<1x!tpu.dma_semaphore, #tpu.memory_space<semaphore_mem>> -> memref<!tpu.dma_semaphore, #tpu.memory_space<semaphore_mem>>
    tpu.wait_indirect_dma semaphore(%dma_wait3A_536 : memref<!tpu.dma_semaphore, #tpu.memory_space<semaphore_mem>>) src(%dma_wait3A_534 : memref<1000001x64xf32, #tpu.memory_space<hbm>>) dst(%dma_wait3A_528 : memref<128x64xf32, #tpu.memory_space<vmem>>)
    %add3A_537 = arith.constant 7 : i32
    %add3A_538 = arith.addi %mul3A_2, %add3A_537 : i32
    %mul3A_539 = arith.constant 128 : i32
    %mul3A_540 = arith.muli %add3A_538, %mul3A_539 : i32
    %dma_start3A_541 = arith.constant 1 : i32
    %dma_start3A_542 = arith.constant 1 : i32
    %dma_start3A_543 = arith.constant 0 : i32
    %dma_start3A_544 = arith.constant 0 : i32
    %dma_start3A_545 = tpu.memref_slice %arg11[%dma_start3A_541, %dma_start3A_543, %dma_start3A_544] : memref<6x128x64xf32, #tpu.memory_space<vmem>> -> memref<1x128x64xf32, #tpu.memory_space<vmem>>
    %dma_start3A_546 = tpu.memref_squeeze %dma_start3A_545 : memref<1x128x64xf32, #tpu.memory_space<vmem>> -> memref<128x64xf32, #tpu.memory_space<vmem>>
    %dma_start3A_547 = arith.constant 0 : i32
    %dma_start3A_548 = tpu.memref_slice %arg6[%mul3A_540, %dma_start3A_547] : memref<73728x64xf32, #tpu.memory_space<hbm>> -> memref<128x64xf32, #tpu.memory_space<hbm>>
    %dma_start3A_549 = tpu.memref_slice %arg13[%dma_start3A_542] : memref<6x!tpu.dma_semaphore, #tpu.memory_space<semaphore_mem>> -> memref<1x!tpu.dma_semaphore, #tpu.memory_space<semaphore_mem>>
    %dma_start3A_550 = tpu.memref_squeeze %dma_start3A_549 : memref<1x!tpu.dma_semaphore, #tpu.memory_space<semaphore_mem>> -> memref<!tpu.dma_semaphore, #tpu.memory_space<semaphore_mem>>
    %dma_start3A_551 = arith.constant 0 : i32
    %dma_start3A_552 = tpu.memref_slice %arg6[%mul3A_540, %dma_start3A_551] : memref<73728x64xf32, #tpu.memory_space<hbm>> -> memref<128x64xf32, #tpu.memory_space<hbm>>
    %dma_start3A_553 = arith.constant 0 : i32
    %dma_start3A_554 = arith.constant 0 : i32
    %dma_start3A_555 = tpu.memref_slice %arg11[%dma_start3A_541, %dma_start3A_553, %dma_start3A_554] : memref<6x128x64xf32, #tpu.memory_space<vmem>> -> memref<1x128x64xf32, #tpu.memory_space<vmem>>
    %dma_start3A_556 = tpu.memref_squeeze %dma_start3A_555 : memref<1x128x64xf32, #tpu.memory_space<vmem>> -> memref<128x64xf32, #tpu.memory_space<vmem>>
    tpu.enqueue_dma source(%dma_start3A_556 : memref<128x64xf32, #tpu.memory_space<vmem>>) target(%dma_start3A_552 : memref<128x64xf32, #tpu.memory_space<hbm>>) target_semaphore(%dma_start3A_550 : memref<!tpu.dma_semaphore, #tpu.memory_space<semaphore_mem>>)
    %dma_wait3A_557 = arith.constant 8 : i32
    %dma_wait3A_558 = arith.constant 2 : i32
    %dma_wait3A_559 = arith.constant 2 : i32
    %dma_wait3A_560 = arith.constant 0 : i32
    %dma_wait3A_561 = arith.constant 0 : i32
    %dma_wait3A_562 = tpu.memref_slice %arg11[%dma_wait3A_558, %dma_wait3A_560, %dma_wait3A_561] : memref<6x128x64xf32, #tpu.memory_space<vmem>> -> memref<1x128x64xf32, #tpu.memory_space<vmem>>
    %dma_wait3A_563 = tpu.memref_squeeze %dma_wait3A_562 : memref<1x128x64xf32, #tpu.memory_space<vmem>> -> memref<128x64xf32, #tpu.memory_space<vmem>>
    %dma_wait3A_564 = arith.constant 0 : i32
    %dma_wait3A_565 = tpu.memref_slice %arg8[%dma_wait3A_557, %dma_wait3A_564] : memref<18x128xi32, #tpu.memory_space<vmem>> -> memref<1x128xi32, #tpu.memory_space<vmem>>
    %dma_wait3A_566 = tpu.memref_squeeze %dma_wait3A_565 : memref<1x128xi32, #tpu.memory_space<vmem>> -> memref<128xi32, #tpu.memory_space<vmem>>
    %dma_wait3A_567 = arith.constant 0 : i32
    %dma_wait3A_568 = arith.constant 0 : i32
    %dma_wait3A_569 = tpu.memref_slice %arg2[%dma_wait3A_567, %dma_wait3A_568] : memref<1000001x64xf32, #tpu.memory_space<hbm>> -> memref<1000001x64xf32, #tpu.memory_space<hbm>>
    %dma_wait3A_570 = tpu.memref_slice %arg12[%dma_wait3A_559] : memref<6x!tpu.dma_semaphore, #tpu.memory_space<semaphore_mem>> -> memref<1x!tpu.dma_semaphore, #tpu.memory_space<semaphore_mem>>
    %dma_wait3A_571 = tpu.memref_squeeze %dma_wait3A_570 : memref<1x!tpu.dma_semaphore, #tpu.memory_space<semaphore_mem>> -> memref<!tpu.dma_semaphore, #tpu.memory_space<semaphore_mem>>
    tpu.wait_indirect_dma semaphore(%dma_wait3A_571 : memref<!tpu.dma_semaphore, #tpu.memory_space<semaphore_mem>>) src(%dma_wait3A_569 : memref<1000001x64xf32, #tpu.memory_space<hbm>>) dst(%dma_wait3A_563 : memref<128x64xf32, #tpu.memory_space<vmem>>)
    %add3A_572 = arith.constant 8 : i32
    %add3A_573 = arith.addi %mul3A_2, %add3A_572 : i32
    %mul3A_574 = arith.constant 128 : i32
    %mul3A_575 = arith.muli %add3A_573, %mul3A_574 : i32
    %dma_start3A_576 = arith.constant 2 : i32
    %dma_start3A_577 = arith.constant 2 : i32
    %dma_start3A_578 = arith.constant 0 : i32
    %dma_start3A_579 = arith.constant 0 : i32
    %dma_start3A_580 = tpu.memref_slice %arg11[%dma_start3A_576, %dma_start3A_578, %dma_start3A_579] : memref<6x128x64xf32, #tpu.memory_space<vmem>> -> memref<1x128x64xf32, #tpu.memory_space<vmem>>
    %dma_start3A_581 = tpu.memref_squeeze %dma_start3A_580 : memref<1x128x64xf32, #tpu.memory_space<vmem>> -> memref<128x64xf32, #tpu.memory_space<vmem>>
    %dma_start3A_582 = arith.constant 0 : i32
    %dma_start3A_583 = tpu.memref_slice %arg6[%mul3A_575, %dma_start3A_582] : memref<73728x64xf32, #tpu.memory_space<hbm>> -> memref<128x64xf32, #tpu.memory_space<hbm>>
    %dma_start3A_584 = tpu.memref_slice %arg13[%dma_start3A_577] : memref<6x!tpu.dma_semaphore, #tpu.memory_space<semaphore_mem>> -> memref<1x!tpu.dma_semaphore, #tpu.memory_space<semaphore_mem>>
    %dma_start3A_585 = tpu.memref_squeeze %dma_start3A_584 : memref<1x!tpu.dma_semaphore, #tpu.memory_space<semaphore_mem>> -> memref<!tpu.dma_semaphore, #tpu.memory_space<semaphore_mem>>
    %dma_start3A_586 = arith.constant 0 : i32
    %dma_start3A_587 = tpu.memref_slice %arg6[%mul3A_575, %dma_start3A_586] : memref<73728x64xf32, #tpu.memory_space<hbm>> -> memref<128x64xf32, #tpu.memory_space<hbm>>
    %dma_start3A_588 = arith.constant 0 : i32
    %dma_start3A_589 = arith.constant 0 : i32
    %dma_start3A_590 = tpu.memref_slice %arg11[%dma_start3A_576, %dma_start3A_588, %dma_start3A_589] : memref<6x128x64xf32, #tpu.memory_space<vmem>> -> memref<1x128x64xf32, #tpu.memory_space<vmem>>
    %dma_start3A_591 = tpu.memref_squeeze %dma_start3A_590 : memref<1x128x64xf32, #tpu.memory_space<vmem>> -> memref<128x64xf32, #tpu.memory_space<vmem>>
    tpu.enqueue_dma source(%dma_start3A_591 : memref<128x64xf32, #tpu.memory_space<vmem>>) target(%dma_start3A_587 : memref<128x64xf32, #tpu.memory_space<hbm>>) target_semaphore(%dma_start3A_585 : memref<!tpu.dma_semaphore, #tpu.memory_space<semaphore_mem>>)
    %dma_wait3A_592 = arith.constant 9 : i32
    %dma_wait3A_593 = arith.constant 3 : i32
    %dma_wait3A_594 = arith.constant 3 : i32
    %dma_wait3A_595 = arith.constant 0 : i32
    %dma_wait3A_596 = arith.constant 0 : i32
    %dma_wait3A_597 = tpu.memref_slice %arg11[%dma_wait3A_593, %dma_wait3A_595, %dma_wait3A_596] : memref<6x128x64xf32, #tpu.memory_space<vmem>> -> memref<1x128x64xf32, #tpu.memory_space<vmem>>
    %dma_wait3A_598 = tpu.memref_squeeze %dma_wait3A_597 : memref<1x128x64xf32, #tpu.memory_space<vmem>> -> memref<128x64xf32, #tpu.memory_space<vmem>>
    %dma_wait3A_599 = arith.constant 0 : i32
    %dma_wait3A_600 = tpu.memref_slice %arg8[%dma_wait3A_592, %dma_wait3A_599] : memref<18x128xi32, #tpu.memory_space<vmem>> -> memref<1x128xi32, #tpu.memory_space<vmem>>
    %dma_wait3A_601 = tpu.memref_squeeze %dma_wait3A_600 : memref<1x128xi32, #tpu.memory_space<vmem>> -> memref<128xi32, #tpu.memory_space<vmem>>
    %dma_wait3A_602 = arith.constant 0 : i32
    %dma_wait3A_603 = arith.constant 0 : i32
    %dma_wait3A_604 = tpu.memref_slice %arg2[%dma_wait3A_602, %dma_wait3A_603] : memref<1000001x64xf32, #tpu.memory_space<hbm>> -> memref<1000001x64xf32, #tpu.memory_space<hbm>>
    %dma_wait3A_605 = tpu.memref_slice %arg12[%dma_wait3A_594] : memref<6x!tpu.dma_semaphore, #tpu.memory_space<semaphore_mem>> -> memref<1x!tpu.dma_semaphore, #tpu.memory_space<semaphore_mem>>
    %dma_wait3A_606 = tpu.memref_squeeze %dma_wait3A_605 : memref<1x!tpu.dma_semaphore, #tpu.memory_space<semaphore_mem>> -> memref<!tpu.dma_semaphore, #tpu.memory_space<semaphore_mem>>
    tpu.wait_indirect_dma semaphore(%dma_wait3A_606 : memref<!tpu.dma_semaphore, #tpu.memory_space<semaphore_mem>>) src(%dma_wait3A_604 : memref<1000001x64xf32, #tpu.memory_space<hbm>>) dst(%dma_wait3A_598 : memref<128x64xf32, #tpu.memory_space<vmem>>)
    %add3A_607 = arith.constant 9 : i32
    %add3A_608 = arith.addi %mul3A_2, %add3A_607 : i32
    %mul3A_609 = arith.constant 128 : i32
    %mul3A_610 = arith.muli %add3A_608, %mul3A_609 : i32
    %dma_start3A_611 = arith.constant 3 : i32
    %dma_start3A_612 = arith.constant 3 : i32
    %dma_start3A_613 = arith.constant 0 : i32
    %dma_start3A_614 = arith.constant 0 : i32
    %dma_start3A_615 = tpu.memref_slice %arg11[%dma_start3A_611, %dma_start3A_613, %dma_start3A_614] : memref<6x128x64xf32, #tpu.memory_space<vmem>> -> memref<1x128x64xf32, #tpu.memory_space<vmem>>
    %dma_start3A_616 = tpu.memref_squeeze %dma_start3A_615 : memref<1x128x64xf32, #tpu.memory_space<vmem>> -> memref<128x64xf32, #tpu.memory_space<vmem>>
    %dma_start3A_617 = arith.constant 0 : i32
    %dma_start3A_618 = tpu.memref_slice %arg6[%mul3A_610, %dma_start3A_617] : memref<73728x64xf32, #tpu.memory_space<hbm>> -> memref<128x64xf32, #tpu.memory_space<hbm>>
    %dma_start3A_619 = tpu.memref_slice %arg13[%dma_start3A_612] : memref<6x!tpu.dma_semaphore, #tpu.memory_space<semaphore_mem>> -> memref<1x!tpu.dma_semaphore, #tpu.memory_space<semaphore_mem>>
    %dma_start3A_620 = tpu.memref_squeeze %dma_start3A_619 : memref<1x!tpu.dma_semaphore, #tpu.memory_space<semaphore_mem>> -> memref<!tpu.dma_semaphore, #tpu.memory_space<semaphore_mem>>
    %dma_start3A_621 = arith.constant 0 : i32
    %dma_start3A_622 = tpu.memref_slice %arg6[%mul3A_610, %dma_start3A_621] : memref<73728x64xf32, #tpu.memory_space<hbm>> -> memref<128x64xf32, #tpu.memory_space<hbm>>
    %dma_start3A_623 = arith.constant 0 : i32
    %dma_start3A_624 = arith.constant 0 : i32
    %dma_start3A_625 = tpu.memref_slice %arg11[%dma_start3A_611, %dma_start3A_623, %dma_start3A_624] : memref<6x128x64xf32, #tpu.memory_space<vmem>> -> memref<1x128x64xf32, #tpu.memory_space<vmem>>
    %dma_start3A_626 = tpu.memref_squeeze %dma_start3A_625 : memref<1x128x64xf32, #tpu.memory_space<vmem>> -> memref<128x64xf32, #tpu.memory_space<vmem>>
    tpu.enqueue_dma source(%dma_start3A_626 : memref<128x64xf32, #tpu.memory_space<vmem>>) target(%dma_start3A_622 : memref<128x64xf32, #tpu.memory_space<hbm>>) target_semaphore(%dma_start3A_620 : memref<!tpu.dma_semaphore, #tpu.memory_space<semaphore_mem>>)
    %dma_wait3A_627 = arith.constant 10 : i32
    %dma_wait3A_628 = arith.constant 4 : i32
    %dma_wait3A_629 = arith.constant 4 : i32
    %dma_wait3A_630 = arith.constant 0 : i32
    %dma_wait3A_631 = arith.constant 0 : i32
    %dma_wait3A_632 = tpu.memref_slice %arg11[%dma_wait3A_628, %dma_wait3A_630, %dma_wait3A_631] : memref<6x128x64xf32, #tpu.memory_space<vmem>> -> memref<1x128x64xf32, #tpu.memory_space<vmem>>
    %dma_wait3A_633 = tpu.memref_squeeze %dma_wait3A_632 : memref<1x128x64xf32, #tpu.memory_space<vmem>> -> memref<128x64xf32, #tpu.memory_space<vmem>>
    %dma_wait3A_634 = arith.constant 0 : i32
    %dma_wait3A_635 = tpu.memref_slice %arg8[%dma_wait3A_627, %dma_wait3A_634] : memref<18x128xi32, #tpu.memory_space<vmem>> -> memref<1x128xi32, #tpu.memory_space<vmem>>
    %dma_wait3A_636 = tpu.memref_squeeze %dma_wait3A_635 : memref<1x128xi32, #tpu.memory_space<vmem>> -> memref<128xi32, #tpu.memory_space<vmem>>
    %dma_wait3A_637 = arith.constant 0 : i32
    %dma_wait3A_638 = arith.constant 0 : i32
    %dma_wait3A_639 = tpu.memref_slice %arg2[%dma_wait3A_637, %dma_wait3A_638] : memref<1000001x64xf32, #tpu.memory_space<hbm>> -> memref<1000001x64xf32, #tpu.memory_space<hbm>>
    %dma_wait3A_640 = tpu.memref_slice %arg12[%dma_wait3A_629] : memref<6x!tpu.dma_semaphore, #tpu.memory_space<semaphore_mem>> -> memref<1x!tpu.dma_semaphore, #tpu.memory_space<semaphore_mem>>
    %dma_wait3A_641 = tpu.memref_squeeze %dma_wait3A_640 : memref<1x!tpu.dma_semaphore, #tpu.memory_space<semaphore_mem>> -> memref<!tpu.dma_semaphore, #tpu.memory_space<semaphore_mem>>
    tpu.wait_indirect_dma semaphore(%dma_wait3A_641 : memref<!tpu.dma_semaphore, #tpu.memory_space<semaphore_mem>>) src(%dma_wait3A_639 : memref<1000001x64xf32, #tpu.memory_space<hbm>>) dst(%dma_wait3A_633 : memref<128x64xf32, #tpu.memory_space<vmem>>)
    %add3A_642 = arith.constant 10 : i32
    %add3A_643 = arith.addi %mul3A_2, %add3A_642 : i32
    %mul3A_644 = arith.constant 128 : i32
    %mul3A_645 = arith.muli %add3A_643, %mul3A_644 : i32
    %dma_start3A_646 = arith.constant 4 : i32
    %dma_start3A_647 = arith.constant 4 : i32
    %dma_start3A_648 = arith.constant 0 : i32
    %dma_start3A_649 = arith.constant 0 : i32
    %dma_start3A_650 = tpu.memref_slice %arg11[%dma_start3A_646, %dma_start3A_648, %dma_start3A_649] : memref<6x128x64xf32, #tpu.memory_space<vmem>> -> memref<1x128x64xf32, #tpu.memory_space<vmem>>
    %dma_start3A_651 = tpu.memref_squeeze %dma_start3A_650 : memref<1x128x64xf32, #tpu.memory_space<vmem>> -> memref<128x64xf32, #tpu.memory_space<vmem>>
    %dma_start3A_652 = arith.constant 0 : i32
    %dma_start3A_653 = tpu.memref_slice %arg6[%mul3A_645, %dma_start3A_652] : memref<73728x64xf32, #tpu.memory_space<hbm>> -> memref<128x64xf32, #tpu.memory_space<hbm>>
    %dma_start3A_654 = tpu.memref_slice %arg13[%dma_start3A_647] : memref<6x!tpu.dma_semaphore, #tpu.memory_space<semaphore_mem>> -> memref<1x!tpu.dma_semaphore, #tpu.memory_space<semaphore_mem>>
    %dma_start3A_655 = tpu.memref_squeeze %dma_start3A_654 : memref<1x!tpu.dma_semaphore, #tpu.memory_space<semaphore_mem>> -> memref<!tpu.dma_semaphore, #tpu.memory_space<semaphore_mem>>
    %dma_start3A_656 = arith.constant 0 : i32
    %dma_start3A_657 = tpu.memref_slice %arg6[%mul3A_645, %dma_start3A_656] : memref<73728x64xf32, #tpu.memory_space<hbm>> -> memref<128x64xf32, #tpu.memory_space<hbm>>
    %dma_start3A_658 = arith.constant 0 : i32
    %dma_start3A_659 = arith.constant 0 : i32
    %dma_start3A_660 = tpu.memref_slice %arg11[%dma_start3A_646, %dma_start3A_658, %dma_start3A_659] : memref<6x128x64xf32, #tpu.memory_space<vmem>> -> memref<1x128x64xf32, #tpu.memory_space<vmem>>
    %dma_start3A_661 = tpu.memref_squeeze %dma_start3A_660 : memref<1x128x64xf32, #tpu.memory_space<vmem>> -> memref<128x64xf32, #tpu.memory_space<vmem>>
    tpu.enqueue_dma source(%dma_start3A_661 : memref<128x64xf32, #tpu.memory_space<vmem>>) target(%dma_start3A_657 : memref<128x64xf32, #tpu.memory_space<hbm>>) target_semaphore(%dma_start3A_655 : memref<!tpu.dma_semaphore, #tpu.memory_space<semaphore_mem>>)
    %dma_wait3A_662 = arith.constant 11 : i32
    %dma_wait3A_663 = arith.constant 5 : i32
    %dma_wait3A_664 = arith.constant 5 : i32
    %dma_wait3A_665 = arith.constant 0 : i32
    %dma_wait3A_666 = arith.constant 0 : i32
    %dma_wait3A_667 = tpu.memref_slice %arg11[%dma_wait3A_663, %dma_wait3A_665, %dma_wait3A_666] : memref<6x128x64xf32, #tpu.memory_space<vmem>> -> memref<1x128x64xf32, #tpu.memory_space<vmem>>
    %dma_wait3A_668 = tpu.memref_squeeze %dma_wait3A_667 : memref<1x128x64xf32, #tpu.memory_space<vmem>> -> memref<128x64xf32, #tpu.memory_space<vmem>>
    %dma_wait3A_669 = arith.constant 0 : i32
    %dma_wait3A_670 = tpu.memref_slice %arg8[%dma_wait3A_662, %dma_wait3A_669] : memref<18x128xi32, #tpu.memory_space<vmem>> -> memref<1x128xi32, #tpu.memory_space<vmem>>
    %dma_wait3A_671 = tpu.memref_squeeze %dma_wait3A_670 : memref<1x128xi32, #tpu.memory_space<vmem>> -> memref<128xi32, #tpu.memory_space<vmem>>
    %dma_wait3A_672 = arith.constant 0 : i32
    %dma_wait3A_673 = arith.constant 0 : i32
    %dma_wait3A_674 = tpu.memref_slice %arg2[%dma_wait3A_672, %dma_wait3A_673] : memref<1000001x64xf32, #tpu.memory_space<hbm>> -> memref<1000001x64xf32, #tpu.memory_space<hbm>>
    %dma_wait3A_675 = tpu.memref_slice %arg12[%dma_wait3A_664] : memref<6x!tpu.dma_semaphore, #tpu.memory_space<semaphore_mem>> -> memref<1x!tpu.dma_semaphore, #tpu.memory_space<semaphore_mem>>
    %dma_wait3A_676 = tpu.memref_squeeze %dma_wait3A_675 : memref<1x!tpu.dma_semaphore, #tpu.memory_space<semaphore_mem>> -> memref<!tpu.dma_semaphore, #tpu.memory_space<semaphore_mem>>
    tpu.wait_indirect_dma semaphore(%dma_wait3A_676 : memref<!tpu.dma_semaphore, #tpu.memory_space<semaphore_mem>>) src(%dma_wait3A_674 : memref<1000001x64xf32, #tpu.memory_space<hbm>>) dst(%dma_wait3A_668 : memref<128x64xf32, #tpu.memory_space<vmem>>)
    %add3A_677 = arith.constant 11 : i32
    %add3A_678 = arith.addi %mul3A_2, %add3A_677 : i32
    %mul3A_679 = arith.constant 128 : i32
    %mul3A_680 = arith.muli %add3A_678, %mul3A_679 : i32
    %dma_start3A_681 = arith.constant 5 : i32
    %dma_start3A_682 = arith.constant 5 : i32
    %dma_start3A_683 = arith.constant 0 : i32
    %dma_start3A_684 = arith.constant 0 : i32
    %dma_start3A_685 = tpu.memref_slice %arg11[%dma_start3A_681, %dma_start3A_683, %dma_start3A_684] : memref<6x128x64xf32, #tpu.memory_space<vmem>> -> memref<1x128x64xf32, #tpu.memory_space<vmem>>
    %dma_start3A_686 = tpu.memref_squeeze %dma_start3A_685 : memref<1x128x64xf32, #tpu.memory_space<vmem>> -> memref<128x64xf32, #tpu.memory_space<vmem>>
    %dma_start3A_687 = arith.constant 0 : i32
    %dma_start3A_688 = tpu.memref_slice %arg6[%mul3A_680, %dma_start3A_687] : memref<73728x64xf32, #tpu.memory_space<hbm>> -> memref<128x64xf32, #tpu.memory_space<hbm>>
    %dma_start3A_689 = tpu.memref_slice %arg13[%dma_start3A_682] : memref<6x!tpu.dma_semaphore, #tpu.memory_space<semaphore_mem>> -> memref<1x!tpu.dma_semaphore, #tpu.memory_space<semaphore_mem>>
    %dma_start3A_690 = tpu.memref_squeeze %dma_start3A_689 : memref<1x!tpu.dma_semaphore, #tpu.memory_space<semaphore_mem>> -> memref<!tpu.dma_semaphore, #tpu.memory_space<semaphore_mem>>
    %dma_start3A_691 = arith.constant 0 : i32
    %dma_start3A_692 = tpu.memref_slice %arg6[%mul3A_680, %dma_start3A_691] : memref<73728x64xf32, #tpu.memory_space<hbm>> -> memref<128x64xf32, #tpu.memory_space<hbm>>
    %dma_start3A_693 = arith.constant 0 : i32
    %dma_start3A_694 = arith.constant 0 : i32
    %dma_start3A_695 = tpu.memref_slice %arg11[%dma_start3A_681, %dma_start3A_693, %dma_start3A_694] : memref<6x128x64xf32, #tpu.memory_space<vmem>> -> memref<1x128x64xf32, #tpu.memory_space<vmem>>
    %dma_start3A_696 = tpu.memref_squeeze %dma_start3A_695 : memref<1x128x64xf32, #tpu.memory_space<vmem>> -> memref<128x64xf32, #tpu.memory_space<vmem>>
    tpu.enqueue_dma source(%dma_start3A_696 : memref<128x64xf32, #tpu.memory_space<vmem>>) target(%dma_start3A_692 : memref<128x64xf32, #tpu.memory_space<hbm>>) target_semaphore(%dma_start3A_690 : memref<!tpu.dma_semaphore, #tpu.memory_space<semaphore_mem>>)
    %dma_wait3A_697 = arith.constant 0 : i32
    %dma_wait3A_698 = arith.constant 0 : i32
    %dma_wait3A_699 = arith.constant 0 : i32
    %dma_wait3A_700 = arith.constant 0 : i32
    %dma_wait3A_701 = tpu.memref_slice %arg11[%dma_wait3A_697, %dma_wait3A_699, %dma_wait3A_700] : memref<6x128x64xf32, #tpu.memory_space<vmem>> -> memref<1x128x64xf32, #tpu.memory_space<vmem>>
    %dma_wait3A_702 = tpu.memref_squeeze %dma_wait3A_701 : memref<1x128x64xf32, #tpu.memory_space<vmem>> -> memref<128x64xf32, #tpu.memory_space<vmem>>
    %dma_wait3A_703 = arith.constant 0 : i32
    %dma_wait3A_704 = tpu.memref_slice %arg6[%mul3A_505, %dma_wait3A_703] : memref<73728x64xf32, #tpu.memory_space<hbm>> -> memref<128x64xf32, #tpu.memory_space<hbm>>
    %dma_wait3A_705 = tpu.memref_slice %arg13[%dma_wait3A_698] : memref<6x!tpu.dma_semaphore, #tpu.memory_space<semaphore_mem>> -> memref<1x!tpu.dma_semaphore, #tpu.memory_space<semaphore_mem>>
    %dma_wait3A_706 = tpu.memref_squeeze %dma_wait3A_705 : memref<1x!tpu.dma_semaphore, #tpu.memory_space<semaphore_mem>> -> memref<!tpu.dma_semaphore, #tpu.memory_space<semaphore_mem>>
    %dma_wait3A_707 = arith.constant 0 : i32
    %dma_wait3A_708 = tpu.memref_slice %arg6[%mul3A_505, %dma_wait3A_707] : memref<73728x64xf32, #tpu.memory_space<hbm>> -> memref<128x64xf32, #tpu.memory_space<hbm>>
    %dma_wait3A_709 = arith.constant 0 : i32
    %dma_wait3A_710 = arith.constant 0 : i32
    %dma_wait3A_711 = tpu.memref_slice %arg11[%dma_wait3A_697, %dma_wait3A_709, %dma_wait3A_710] : memref<6x128x64xf32, #tpu.memory_space<vmem>> -> memref<1x128x64xf32, #tpu.memory_space<vmem>>
    %dma_wait3A_712 = tpu.memref_squeeze %dma_wait3A_711 : memref<1x128x64xf32, #tpu.memory_space<vmem>> -> memref<128x64xf32, #tpu.memory_space<vmem>>
    tpu.wait_dma2 semaphore(%dma_wait3A_706 : memref<!tpu.dma_semaphore, #tpu.memory_space<semaphore_mem>>) src(%dma_wait3A_712 : memref<128x64xf32, #tpu.memory_space<vmem>>) dst(%dma_wait3A_708 : memref<128x64xf32, #tpu.memory_space<hbm>>)
    %dma_start3A_713 = arith.constant 12 : i32
    %dma_start3A_714 = arith.constant 0 : i32
    %dma_start3A_715 = arith.constant 0 : i32
    %dma_start3A_716 = arith.constant 0 : i32
    %dma_start3A_717 = arith.constant 0 : i32
    %dma_start3A_718 = tpu.memref_slice %arg11[%dma_start3A_714, %dma_start3A_716, %dma_start3A_717] : memref<6x128x64xf32, #tpu.memory_space<vmem>> -> memref<1x128x64xf32, #tpu.memory_space<vmem>>
    %dma_start3A_719 = tpu.memref_squeeze %dma_start3A_718 : memref<1x128x64xf32, #tpu.memory_space<vmem>> -> memref<128x64xf32, #tpu.memory_space<vmem>>
    %dma_start3A_720 = arith.constant 0 : i32
    %dma_start3A_721 = tpu.memref_slice %arg8[%dma_start3A_713, %dma_start3A_720] : memref<18x128xi32, #tpu.memory_space<vmem>> -> memref<1x128xi32, #tpu.memory_space<vmem>>
    %dma_start3A_722 = tpu.memref_squeeze %dma_start3A_721 : memref<1x128xi32, #tpu.memory_space<vmem>> -> memref<128xi32, #tpu.memory_space<vmem>>
    %dma_start3A_723 = arith.constant 0 : i32
    %dma_start3A_724 = arith.constant 0 : i32
    %dma_start3A_725 = tpu.memref_slice %arg2[%dma_start3A_723, %dma_start3A_724] : memref<1000001x64xf32, #tpu.memory_space<hbm>> -> memref<1000001x64xf32, #tpu.memory_space<hbm>>
    %dma_start3A_726 = tpu.memref_slice %arg12[%dma_start3A_715] : memref<6x!tpu.dma_semaphore, #tpu.memory_space<semaphore_mem>> -> memref<1x!tpu.dma_semaphore, #tpu.memory_space<semaphore_mem>>
    %dma_start3A_727 = tpu.memref_squeeze %dma_start3A_726 : memref<1x!tpu.dma_semaphore, #tpu.memory_space<semaphore_mem>> -> memref<!tpu.dma_semaphore, #tpu.memory_space<semaphore_mem>>
    tpu.enqueue_indirect_dma source(%dma_start3A_725 : memref<1000001x64xf32, #tpu.memory_space<hbm>>) target(%dma_start3A_719 : memref<128x64xf32, #tpu.memory_space<vmem>>) offsets(%dma_start3A_722 : memref<128xi32, #tpu.memory_space<vmem>>) semaphore(%dma_start3A_727 : memref<!tpu.dma_semaphore, #tpu.memory_space<semaphore_mem>>)
    %dma_wait3A_728 = arith.constant 1 : i32
    %dma_wait3A_729 = arith.constant 1 : i32
    %dma_wait3A_730 = arith.constant 0 : i32
    %dma_wait3A_731 = arith.constant 0 : i32
    %dma_wait3A_732 = tpu.memref_slice %arg11[%dma_wait3A_728, %dma_wait3A_730, %dma_wait3A_731] : memref<6x128x64xf32, #tpu.memory_space<vmem>> -> memref<1x128x64xf32, #tpu.memory_space<vmem>>
    %dma_wait3A_733 = tpu.memref_squeeze %dma_wait3A_732 : memref<1x128x64xf32, #tpu.memory_space<vmem>> -> memref<128x64xf32, #tpu.memory_space<vmem>>
    %dma_wait3A_734 = arith.constant 0 : i32
    %dma_wait3A_735 = tpu.memref_slice %arg6[%mul3A_540, %dma_wait3A_734] : memref<73728x64xf32, #tpu.memory_space<hbm>> -> memref<128x64xf32, #tpu.memory_space<hbm>>
    %dma_wait3A_736 = tpu.memref_slice %arg13[%dma_wait3A_729] : memref<6x!tpu.dma_semaphore, #tpu.memory_space<semaphore_mem>> -> memref<1x!tpu.dma_semaphore, #tpu.memory_space<semaphore_mem>>
    %dma_wait3A_737 = tpu.memref_squeeze %dma_wait3A_736 : memref<1x!tpu.dma_semaphore, #tpu.memory_space<semaphore_mem>> -> memref<!tpu.dma_semaphore, #tpu.memory_space<semaphore_mem>>
    %dma_wait3A_738 = arith.constant 0 : i32
    %dma_wait3A_739 = tpu.memref_slice %arg6[%mul3A_540, %dma_wait3A_738] : memref<73728x64xf32, #tpu.memory_space<hbm>> -> memref<128x64xf32, #tpu.memory_space<hbm>>
    %dma_wait3A_740 = arith.constant 0 : i32
    %dma_wait3A_741 = arith.constant 0 : i32
    %dma_wait3A_742 = tpu.memref_slice %arg11[%dma_wait3A_728, %dma_wait3A_740, %dma_wait3A_741] : memref<6x128x64xf32, #tpu.memory_space<vmem>> -> memref<1x128x64xf32, #tpu.memory_space<vmem>>
    %dma_wait3A_743 = tpu.memref_squeeze %dma_wait3A_742 : memref<1x128x64xf32, #tpu.memory_space<vmem>> -> memref<128x64xf32, #tpu.memory_space<vmem>>
    tpu.wait_dma2 semaphore(%dma_wait3A_737 : memref<!tpu.dma_semaphore, #tpu.memory_space<semaphore_mem>>) src(%dma_wait3A_743 : memref<128x64xf32, #tpu.memory_space<vmem>>) dst(%dma_wait3A_739 : memref<128x64xf32, #tpu.memory_space<hbm>>)
    %dma_start3A_744 = arith.constant 13 : i32
    %dma_start3A_745 = arith.constant 1 : i32
    %dma_start3A_746 = arith.constant 1 : i32
    %dma_start3A_747 = arith.constant 0 : i32
    %dma_start3A_748 = arith.constant 0 : i32
    %dma_start3A_749 = tpu.memref_slice %arg11[%dma_start3A_745, %dma_start3A_747, %dma_start3A_748] : memref<6x128x64xf32, #tpu.memory_space<vmem>> -> memref<1x128x64xf32, #tpu.memory_space<vmem>>
    %dma_start3A_750 = tpu.memref_squeeze %dma_start3A_749 : memref<1x128x64xf32, #tpu.memory_space<vmem>> -> memref<128x64xf32, #tpu.memory_space<vmem>>
    %dma_start3A_751 = arith.constant 0 : i32
    %dma_start3A_752 = tpu.memref_slice %arg8[%dma_start3A_744, %dma_start3A_751] : memref<18x128xi32, #tpu.memory_space<vmem>> -> memref<1x128xi32, #tpu.memory_space<vmem>>
    %dma_start3A_753 = tpu.memref_squeeze %dma_start3A_752 : memref<1x128xi32, #tpu.memory_space<vmem>> -> memref<128xi32, #tpu.memory_space<vmem>>
    %dma_start3A_754 = arith.constant 0 : i32
    %dma_start3A_755 = arith.constant 0 : i32
    %dma_start3A_756 = tpu.memref_slice %arg2[%dma_start3A_754, %dma_start3A_755] : memref<1000001x64xf32, #tpu.memory_space<hbm>> -> memref<1000001x64xf32, #tpu.memory_space<hbm>>
    %dma_start3A_757 = tpu.memref_slice %arg12[%dma_start3A_746] : memref<6x!tpu.dma_semaphore, #tpu.memory_space<semaphore_mem>> -> memref<1x!tpu.dma_semaphore, #tpu.memory_space<semaphore_mem>>
    %dma_start3A_758 = tpu.memref_squeeze %dma_start3A_757 : memref<1x!tpu.dma_semaphore, #tpu.memory_space<semaphore_mem>> -> memref<!tpu.dma_semaphore, #tpu.memory_space<semaphore_mem>>
    tpu.enqueue_indirect_dma source(%dma_start3A_756 : memref<1000001x64xf32, #tpu.memory_space<hbm>>) target(%dma_start3A_750 : memref<128x64xf32, #tpu.memory_space<vmem>>) offsets(%dma_start3A_753 : memref<128xi32, #tpu.memory_space<vmem>>) semaphore(%dma_start3A_758 : memref<!tpu.dma_semaphore, #tpu.memory_space<semaphore_mem>>)
    %dma_wait3A_759 = arith.constant 2 : i32
    %dma_wait3A_760 = arith.constant 2 : i32
    %dma_wait3A_761 = arith.constant 0 : i32
    %dma_wait3A_762 = arith.constant 0 : i32
    %dma_wait3A_763 = tpu.memref_slice %arg11[%dma_wait3A_759, %dma_wait3A_761, %dma_wait3A_762] : memref<6x128x64xf32, #tpu.memory_space<vmem>> -> memref<1x128x64xf32, #tpu.memory_space<vmem>>
    %dma_wait3A_764 = tpu.memref_squeeze %dma_wait3A_763 : memref<1x128x64xf32, #tpu.memory_space<vmem>> -> memref<128x64xf32, #tpu.memory_space<vmem>>
    %dma_wait3A_765 = arith.constant 0 : i32
    %dma_wait3A_766 = tpu.memref_slice %arg6[%mul3A_575, %dma_wait3A_765] : memref<73728x64xf32, #tpu.memory_space<hbm>> -> memref<128x64xf32, #tpu.memory_space<hbm>>
    %dma_wait3A_767 = tpu.memref_slice %arg13[%dma_wait3A_760] : memref<6x!tpu.dma_semaphore, #tpu.memory_space<semaphore_mem>> -> memref<1x!tpu.dma_semaphore, #tpu.memory_space<semaphore_mem>>
    %dma_wait3A_768 = tpu.memref_squeeze %dma_wait3A_767 : memref<1x!tpu.dma_semaphore, #tpu.memory_space<semaphore_mem>> -> memref<!tpu.dma_semaphore, #tpu.memory_space<semaphore_mem>>
    %dma_wait3A_769 = arith.constant 0 : i32
    %dma_wait3A_770 = tpu.memref_slice %arg6[%mul3A_575, %dma_wait3A_769] : memref<73728x64xf32, #tpu.memory_space<hbm>> -> memref<128x64xf32, #tpu.memory_space<hbm>>
    %dma_wait3A_771 = arith.constant 0 : i32
    %dma_wait3A_772 = arith.constant 0 : i32
    %dma_wait3A_773 = tpu.memref_slice %arg11[%dma_wait3A_759, %dma_wait3A_771, %dma_wait3A_772] : memref<6x128x64xf32, #tpu.memory_space<vmem>> -> memref<1x128x64xf32, #tpu.memory_space<vmem>>
    %dma_wait3A_774 = tpu.memref_squeeze %dma_wait3A_773 : memref<1x128x64xf32, #tpu.memory_space<vmem>> -> memref<128x64xf32, #tpu.memory_space<vmem>>
    tpu.wait_dma2 semaphore(%dma_wait3A_768 : memref<!tpu.dma_semaphore, #tpu.memory_space<semaphore_mem>>) src(%dma_wait3A_774 : memref<128x64xf32, #tpu.memory_space<vmem>>) dst(%dma_wait3A_770 : memref<128x64xf32, #tpu.memory_space<hbm>>)
    %dma_start3A_775 = arith.constant 14 : i32
    %dma_start3A_776 = arith.constant 2 : i32
    %dma_start3A_777 = arith.constant 2 : i32
    %dma_start3A_778 = arith.constant 0 : i32
    %dma_start3A_779 = arith.constant 0 : i32
    %dma_start3A_780 = tpu.memref_slice %arg11[%dma_start3A_776, %dma_start3A_778, %dma_start3A_779] : memref<6x128x64xf32, #tpu.memory_space<vmem>> -> memref<1x128x64xf32, #tpu.memory_space<vmem>>
    %dma_start3A_781 = tpu.memref_squeeze %dma_start3A_780 : memref<1x128x64xf32, #tpu.memory_space<vmem>> -> memref<128x64xf32, #tpu.memory_space<vmem>>
    %dma_start3A_782 = arith.constant 0 : i32
    %dma_start3A_783 = tpu.memref_slice %arg8[%dma_start3A_775, %dma_start3A_782] : memref<18x128xi32, #tpu.memory_space<vmem>> -> memref<1x128xi32, #tpu.memory_space<vmem>>
    %dma_start3A_784 = tpu.memref_squeeze %dma_start3A_783 : memref<1x128xi32, #tpu.memory_space<vmem>> -> memref<128xi32, #tpu.memory_space<vmem>>
    %dma_start3A_785 = arith.constant 0 : i32
    %dma_start3A_786 = arith.constant 0 : i32
    %dma_start3A_787 = tpu.memref_slice %arg2[%dma_start3A_785, %dma_start3A_786] : memref<1000001x64xf32, #tpu.memory_space<hbm>> -> memref<1000001x64xf32, #tpu.memory_space<hbm>>
    %dma_start3A_788 = tpu.memref_slice %arg12[%dma_start3A_777] : memref<6x!tpu.dma_semaphore, #tpu.memory_space<semaphore_mem>> -> memref<1x!tpu.dma_semaphore, #tpu.memory_space<semaphore_mem>>
    %dma_start3A_789 = tpu.memref_squeeze %dma_start3A_788 : memref<1x!tpu.dma_semaphore, #tpu.memory_space<semaphore_mem>> -> memref<!tpu.dma_semaphore, #tpu.memory_space<semaphore_mem>>
    tpu.enqueue_indirect_dma source(%dma_start3A_787 : memref<1000001x64xf32, #tpu.memory_space<hbm>>) target(%dma_start3A_781 : memref<128x64xf32, #tpu.memory_space<vmem>>) offsets(%dma_start3A_784 : memref<128xi32, #tpu.memory_space<vmem>>) semaphore(%dma_start3A_789 : memref<!tpu.dma_semaphore, #tpu.memory_space<semaphore_mem>>)
    %dma_wait3A_790 = arith.constant 3 : i32
    %dma_wait3A_791 = arith.constant 3 : i32
    %dma_wait3A_792 = arith.constant 0 : i32
    %dma_wait3A_793 = arith.constant 0 : i32
    %dma_wait3A_794 = tpu.memref_slice %arg11[%dma_wait3A_790, %dma_wait3A_792, %dma_wait3A_793] : memref<6x128x64xf32, #tpu.memory_space<vmem>> -> memref<1x128x64xf32, #tpu.memory_space<vmem>>
    %dma_wait3A_795 = tpu.memref_squeeze %dma_wait3A_794 : memref<1x128x64xf32, #tpu.memory_space<vmem>> -> memref<128x64xf32, #tpu.memory_space<vmem>>
    %dma_wait3A_796 = arith.constant 0 : i32
    %dma_wait3A_797 = tpu.memref_slice %arg6[%mul3A_610, %dma_wait3A_796] : memref<73728x64xf32, #tpu.memory_space<hbm>> -> memref<128x64xf32, #tpu.memory_space<hbm>>
    %dma_wait3A_798 = tpu.memref_slice %arg13[%dma_wait3A_791] : memref<6x!tpu.dma_semaphore, #tpu.memory_space<semaphore_mem>> -> memref<1x!tpu.dma_semaphore, #tpu.memory_space<semaphore_mem>>
    %dma_wait3A_799 = tpu.memref_squeeze %dma_wait3A_798 : memref<1x!tpu.dma_semaphore, #tpu.memory_space<semaphore_mem>> -> memref<!tpu.dma_semaphore, #tpu.memory_space<semaphore_mem>>
    %dma_wait3A_800 = arith.constant 0 : i32
    %dma_wait3A_801 = tpu.memref_slice %arg6[%mul3A_610, %dma_wait3A_800] : memref<73728x64xf32, #tpu.memory_space<hbm>> -> memref<128x64xf32, #tpu.memory_space<hbm>>
    %dma_wait3A_802 = arith.constant 0 : i32
    %dma_wait3A_803 = arith.constant 0 : i32
    %dma_wait3A_804 = tpu.memref_slice %arg11[%dma_wait3A_790, %dma_wait3A_802, %dma_wait3A_803] : memref<6x128x64xf32, #tpu.memory_space<vmem>> -> memref<1x128x64xf32, #tpu.memory_space<vmem>>
    %dma_wait3A_805 = tpu.memref_squeeze %dma_wait3A_804 : memref<1x128x64xf32, #tpu.memory_space<vmem>> -> memref<128x64xf32, #tpu.memory_space<vmem>>
    tpu.wait_dma2 semaphore(%dma_wait3A_799 : memref<!tpu.dma_semaphore, #tpu.memory_space<semaphore_mem>>) src(%dma_wait3A_805 : memref<128x64xf32, #tpu.memory_space<vmem>>) dst(%dma_wait3A_801 : memref<128x64xf32, #tpu.memory_space<hbm>>)
    %dma_start3A_806 = arith.constant 15 : i32
    %dma_start3A_807 = arith.constant 3 : i32
    %dma_start3A_808 = arith.constant 3 : i32
    %dma_start3A_809 = arith.constant 0 : i32
    %dma_start3A_810 = arith.constant 0 : i32
    %dma_start3A_811 = tpu.memref_slice %arg11[%dma_start3A_807, %dma_start3A_809, %dma_start3A_810] : memref<6x128x64xf32, #tpu.memory_space<vmem>> -> memref<1x128x64xf32, #tpu.memory_space<vmem>>
    %dma_start3A_812 = tpu.memref_squeeze %dma_start3A_811 : memref<1x128x64xf32, #tpu.memory_space<vmem>> -> memref<128x64xf32, #tpu.memory_space<vmem>>
    %dma_start3A_813 = arith.constant 0 : i32
    %dma_start3A_814 = tpu.memref_slice %arg8[%dma_start3A_806, %dma_start3A_813] : memref<18x128xi32, #tpu.memory_space<vmem>> -> memref<1x128xi32, #tpu.memory_space<vmem>>
    %dma_start3A_815 = tpu.memref_squeeze %dma_start3A_814 : memref<1x128xi32, #tpu.memory_space<vmem>> -> memref<128xi32, #tpu.memory_space<vmem>>
    %dma_start3A_816 = arith.constant 0 : i32
    %dma_start3A_817 = arith.constant 0 : i32
    %dma_start3A_818 = tpu.memref_slice %arg2[%dma_start3A_816, %dma_start3A_817] : memref<1000001x64xf32, #tpu.memory_space<hbm>> -> memref<1000001x64xf32, #tpu.memory_space<hbm>>
    %dma_start3A_819 = tpu.memref_slice %arg12[%dma_start3A_808] : memref<6x!tpu.dma_semaphore, #tpu.memory_space<semaphore_mem>> -> memref<1x!tpu.dma_semaphore, #tpu.memory_space<semaphore_mem>>
    %dma_start3A_820 = tpu.memref_squeeze %dma_start3A_819 : memref<1x!tpu.dma_semaphore, #tpu.memory_space<semaphore_mem>> -> memref<!tpu.dma_semaphore, #tpu.memory_space<semaphore_mem>>
    tpu.enqueue_indirect_dma source(%dma_start3A_818 : memref<1000001x64xf32, #tpu.memory_space<hbm>>) target(%dma_start3A_812 : memref<128x64xf32, #tpu.memory_space<vmem>>) offsets(%dma_start3A_815 : memref<128xi32, #tpu.memory_space<vmem>>) semaphore(%dma_start3A_820 : memref<!tpu.dma_semaphore, #tpu.memory_space<semaphore_mem>>)
    %dma_wait3A_821 = arith.constant 4 : i32
    %dma_wait3A_822 = arith.constant 4 : i32
    %dma_wait3A_823 = arith.constant 0 : i32
    %dma_wait3A_824 = arith.constant 0 : i32
    %dma_wait3A_825 = tpu.memref_slice %arg11[%dma_wait3A_821, %dma_wait3A_823, %dma_wait3A_824] : memref<6x128x64xf32, #tpu.memory_space<vmem>> -> memref<1x128x64xf32, #tpu.memory_space<vmem>>
    %dma_wait3A_826 = tpu.memref_squeeze %dma_wait3A_825 : memref<1x128x64xf32, #tpu.memory_space<vmem>> -> memref<128x64xf32, #tpu.memory_space<vmem>>
    %dma_wait3A_827 = arith.constant 0 : i32
    %dma_wait3A_828 = tpu.memref_slice %arg6[%mul3A_645, %dma_wait3A_827] : memref<73728x64xf32, #tpu.memory_space<hbm>> -> memref<128x64xf32, #tpu.memory_space<hbm>>
    %dma_wait3A_829 = tpu.memref_slice %arg13[%dma_wait3A_822] : memref<6x!tpu.dma_semaphore, #tpu.memory_space<semaphore_mem>> -> memref<1x!tpu.dma_semaphore, #tpu.memory_space<semaphore_mem>>
    %dma_wait3A_830 = tpu.memref_squeeze %dma_wait3A_829 : memref<1x!tpu.dma_semaphore, #tpu.memory_space<semaphore_mem>> -> memref<!tpu.dma_semaphore, #tpu.memory_space<semaphore_mem>>
    %dma_wait3A_831 = arith.constant 0 : i32
    %dma_wait3A_832 = tpu.memref_slice %arg6[%mul3A_645, %dma_wait3A_831] : memref<73728x64xf32, #tpu.memory_space<hbm>> -> memref<128x64xf32, #tpu.memory_space<hbm>>
    %dma_wait3A_833 = arith.constant 0 : i32
    %dma_wait3A_834 = arith.constant 0 : i32
    %dma_wait3A_835 = tpu.memref_slice %arg11[%dma_wait3A_821, %dma_wait3A_833, %dma_wait3A_834] : memref<6x128x64xf32, #tpu.memory_space<vmem>> -> memref<1x128x64xf32, #tpu.memory_space<vmem>>
    %dma_wait3A_836 = tpu.memref_squeeze %dma_wait3A_835 : memref<1x128x64xf32, #tpu.memory_space<vmem>> -> memref<128x64xf32, #tpu.memory_space<vmem>>
    tpu.wait_dma2 semaphore(%dma_wait3A_830 : memref<!tpu.dma_semaphore, #tpu.memory_space<semaphore_mem>>) src(%dma_wait3A_836 : memref<128x64xf32, #tpu.memory_space<vmem>>) dst(%dma_wait3A_832 : memref<128x64xf32, #tpu.memory_space<hbm>>)
    %dma_start3A_837 = arith.constant 16 : i32
    %dma_start3A_838 = arith.constant 4 : i32
    %dma_start3A_839 = arith.constant 4 : i32
    %dma_start3A_840 = arith.constant 0 : i32
    %dma_start3A_841 = arith.constant 0 : i32
    %dma_start3A_842 = tpu.memref_slice %arg11[%dma_start3A_838, %dma_start3A_840, %dma_start3A_841] : memref<6x128x64xf32, #tpu.memory_space<vmem>> -> memref<1x128x64xf32, #tpu.memory_space<vmem>>
    %dma_start3A_843 = tpu.memref_squeeze %dma_start3A_842 : memref<1x128x64xf32, #tpu.memory_space<vmem>> -> memref<128x64xf32, #tpu.memory_space<vmem>>
    %dma_start3A_844 = arith.constant 0 : i32
    %dma_start3A_845 = tpu.memref_slice %arg8[%dma_start3A_837, %dma_start3A_844] : memref<18x128xi32, #tpu.memory_space<vmem>> -> memref<1x128xi32, #tpu.memory_space<vmem>>
    %dma_start3A_846 = tpu.memref_squeeze %dma_start3A_845 : memref<1x128xi32, #tpu.memory_space<vmem>> -> memref<128xi32, #tpu.memory_space<vmem>>
    %dma_start3A_847 = arith.constant 0 : i32
    %dma_start3A_848 = arith.constant 0 : i32
    %dma_start3A_849 = tpu.memref_slice %arg2[%dma_start3A_847, %dma_start3A_848] : memref<1000001x64xf32, #tpu.memory_space<hbm>> -> memref<1000001x64xf32, #tpu.memory_space<hbm>>
    %dma_start3A_850 = tpu.memref_slice %arg12[%dma_start3A_839] : memref<6x!tpu.dma_semaphore, #tpu.memory_space<semaphore_mem>> -> memref<1x!tpu.dma_semaphore, #tpu.memory_space<semaphore_mem>>
    %dma_start3A_851 = tpu.memref_squeeze %dma_start3A_850 : memref<1x!tpu.dma_semaphore, #tpu.memory_space<semaphore_mem>> -> memref<!tpu.dma_semaphore, #tpu.memory_space<semaphore_mem>>
    tpu.enqueue_indirect_dma source(%dma_start3A_849 : memref<1000001x64xf32, #tpu.memory_space<hbm>>) target(%dma_start3A_843 : memref<128x64xf32, #tpu.memory_space<vmem>>) offsets(%dma_start3A_846 : memref<128xi32, #tpu.memory_space<vmem>>) semaphore(%dma_start3A_851 : memref<!tpu.dma_semaphore, #tpu.memory_space<semaphore_mem>>)
    %dma_wait3A_852 = arith.constant 5 : i32
    %dma_wait3A_853 = arith.constant 5 : i32
    %dma_wait3A_854 = arith.constant 0 : i32
    %dma_wait3A_855 = arith.constant 0 : i32
    %dma_wait3A_856 = tpu.memref_slice %arg11[%dma_wait3A_852, %dma_wait3A_854, %dma_wait3A_855] : memref<6x128x64xf32, #tpu.memory_space<vmem>> -> memref<1x128x64xf32, #tpu.memory_space<vmem>>
    %dma_wait3A_857 = tpu.memref_squeeze %dma_wait3A_856 : memref<1x128x64xf32, #tpu.memory_space<vmem>> -> memref<128x64xf32, #tpu.memory_space<vmem>>
    %dma_wait3A_858 = arith.constant 0 : i32
    %dma_wait3A_859 = tpu.memref_slice %arg6[%mul3A_680, %dma_wait3A_858] : memref<73728x64xf32, #tpu.memory_space<hbm>> -> memref<128x64xf32, #tpu.memory_space<hbm>>
    %dma_wait3A_860 = tpu.memref_slice %arg13[%dma_wait3A_853] : memref<6x!tpu.dma_semaphore, #tpu.memory_space<semaphore_mem>> -> memref<1x!tpu.dma_semaphore, #tpu.memory_space<semaphore_mem>>
    %dma_wait3A_861 = tpu.memref_squeeze %dma_wait3A_860 : memref<1x!tpu.dma_semaphore, #tpu.memory_space<semaphore_mem>> -> memref<!tpu.dma_semaphore, #tpu.memory_space<semaphore_mem>>
    %dma_wait3A_862 = arith.constant 0 : i32
    %dma_wait3A_863 = tpu.memref_slice %arg6[%mul3A_680, %dma_wait3A_862] : memref<73728x64xf32, #tpu.memory_space<hbm>> -> memref<128x64xf32, #tpu.memory_space<hbm>>
    %dma_wait3A_864 = arith.constant 0 : i32
    %dma_wait3A_865 = arith.constant 0 : i32
    %dma_wait3A_866 = tpu.memref_slice %arg11[%dma_wait3A_852, %dma_wait3A_864, %dma_wait3A_865] : memref<6x128x64xf32, #tpu.memory_space<vmem>> -> memref<1x128x64xf32, #tpu.memory_space<vmem>>
    %dma_wait3A_867 = tpu.memref_squeeze %dma_wait3A_866 : memref<1x128x64xf32, #tpu.memory_space<vmem>> -> memref<128x64xf32, #tpu.memory_space<vmem>>
    tpu.wait_dma2 semaphore(%dma_wait3A_861 : memref<!tpu.dma_semaphore, #tpu.memory_space<semaphore_mem>>) src(%dma_wait3A_867 : memref<128x64xf32, #tpu.memory_space<vmem>>) dst(%dma_wait3A_863 : memref<128x64xf32, #tpu.memory_space<hbm>>)
    %dma_start3A_868 = arith.constant 17 : i32
    %dma_start3A_869 = arith.constant 5 : i32
    %dma_start3A_870 = arith.constant 5 : i32
    %dma_start3A_871 = arith.constant 0 : i32
    %dma_start3A_872 = arith.constant 0 : i32
    %dma_start3A_873 = tpu.memref_slice %arg11[%dma_start3A_869, %dma_start3A_871, %dma_start3A_872] : memref<6x128x64xf32, #tpu.memory_space<vmem>> -> memref<1x128x64xf32, #tpu.memory_space<vmem>>
    %dma_start3A_874 = tpu.memref_squeeze %dma_start3A_873 : memref<1x128x64xf32, #tpu.memory_space<vmem>> -> memref<128x64xf32, #tpu.memory_space<vmem>>
    %dma_start3A_875 = arith.constant 0 : i32
    %dma_start3A_876 = tpu.memref_slice %arg8[%dma_start3A_868, %dma_start3A_875] : memref<18x128xi32, #tpu.memory_space<vmem>> -> memref<1x128xi32, #tpu.memory_space<vmem>>
    %dma_start3A_877 = tpu.memref_squeeze %dma_start3A_876 : memref<1x128xi32, #tpu.memory_space<vmem>> -> memref<128xi32, #tpu.memory_space<vmem>>
    %dma_start3A_878 = arith.constant 0 : i32
    %dma_start3A_879 = arith.constant 0 : i32
    %dma_start3A_880 = tpu.memref_slice %arg2[%dma_start3A_878, %dma_start3A_879] : memref<1000001x64xf32, #tpu.memory_space<hbm>> -> memref<1000001x64xf32, #tpu.memory_space<hbm>>
    %dma_start3A_881 = tpu.memref_slice %arg12[%dma_start3A_870] : memref<6x!tpu.dma_semaphore, #tpu.memory_space<semaphore_mem>> -> memref<1x!tpu.dma_semaphore, #tpu.memory_space<semaphore_mem>>
    %dma_start3A_882 = tpu.memref_squeeze %dma_start3A_881 : memref<1x!tpu.dma_semaphore, #tpu.memory_space<semaphore_mem>> -> memref<!tpu.dma_semaphore, #tpu.memory_space<semaphore_mem>>
    tpu.enqueue_indirect_dma source(%dma_start3A_880 : memref<1000001x64xf32, #tpu.memory_space<hbm>>) target(%dma_start3A_874 : memref<128x64xf32, #tpu.memory_space<vmem>>) offsets(%dma_start3A_877 : memref<128xi32, #tpu.memory_space<vmem>>) semaphore(%dma_start3A_882 : memref<!tpu.dma_semaphore, #tpu.memory_space<semaphore_mem>>)
    %dma_wait3A_883 = arith.constant 12 : i32
    %dma_wait3A_884 = arith.constant 0 : i32
    %dma_wait3A_885 = arith.constant 0 : i32
    %dma_wait3A_886 = arith.constant 0 : i32
    %dma_wait3A_887 = arith.constant 0 : i32
    %dma_wait3A_888 = tpu.memref_slice %arg11[%dma_wait3A_884, %dma_wait3A_886, %dma_wait3A_887] : memref<6x128x64xf32, #tpu.memory_space<vmem>> -> memref<1x128x64xf32, #tpu.memory_space<vmem>>
    %dma_wait3A_889 = tpu.memref_squeeze %dma_wait3A_888 : memref<1x128x64xf32, #tpu.memory_space<vmem>> -> memref<128x64xf32, #tpu.memory_space<vmem>>
    %dma_wait3A_890 = arith.constant 0 : i32
    %dma_wait3A_891 = tpu.memref_slice %arg8[%dma_wait3A_883, %dma_wait3A_890] : memref<18x128xi32, #tpu.memory_space<vmem>> -> memref<1x128xi32, #tpu.memory_space<vmem>>
    %dma_wait3A_892 = tpu.memref_squeeze %dma_wait3A_891 : memref<1x128xi32, #tpu.memory_space<vmem>> -> memref<128xi32, #tpu.memory_space<vmem>>
    %dma_wait3A_893 = arith.constant 0 : i32
    %dma_wait3A_894 = arith.constant 0 : i32
    %dma_wait3A_895 = tpu.memref_slice %arg2[%dma_wait3A_893, %dma_wait3A_894] : memref<1000001x64xf32, #tpu.memory_space<hbm>> -> memref<1000001x64xf32, #tpu.memory_space<hbm>>
    %dma_wait3A_896 = tpu.memref_slice %arg12[%dma_wait3A_885] : memref<6x!tpu.dma_semaphore, #tpu.memory_space<semaphore_mem>> -> memref<1x!tpu.dma_semaphore, #tpu.memory_space<semaphore_mem>>
    %dma_wait3A_897 = tpu.memref_squeeze %dma_wait3A_896 : memref<1x!tpu.dma_semaphore, #tpu.memory_space<semaphore_mem>> -> memref<!tpu.dma_semaphore, #tpu.memory_space<semaphore_mem>>
    tpu.wait_indirect_dma semaphore(%dma_wait3A_897 : memref<!tpu.dma_semaphore, #tpu.memory_space<semaphore_mem>>) src(%dma_wait3A_895 : memref<1000001x64xf32, #tpu.memory_space<hbm>>) dst(%dma_wait3A_889 : memref<128x64xf32, #tpu.memory_space<vmem>>)
    %add3A_898 = arith.constant 12 : i32
    %add3A_899 = arith.addi %mul3A_2, %add3A_898 : i32
    %mul3A_900 = arith.constant 128 : i32
    %mul3A_901 = arith.muli %add3A_899, %mul3A_900 : i32
    %dma_start3A_902 = arith.constant 0 : i32
    %dma_start3A_903 = arith.constant 0 : i32
    %dma_start3A_904 = arith.constant 0 : i32
    %dma_start3A_905 = arith.constant 0 : i32
    %dma_start3A_906 = tpu.memref_slice %arg11[%dma_start3A_902, %dma_start3A_904, %dma_start3A_905] : memref<6x128x64xf32, #tpu.memory_space<vmem>> -> memref<1x128x64xf32, #tpu.memory_space<vmem>>
    %dma_start3A_907 = tpu.memref_squeeze %dma_start3A_906 : memref<1x128x64xf32, #tpu.memory_space<vmem>> -> memref<128x64xf32, #tpu.memory_space<vmem>>
    %dma_start3A_908 = arith.constant 0 : i32
    %dma_start3A_909 = tpu.memref_slice %arg6[%mul3A_901, %dma_start3A_908] : memref<73728x64xf32, #tpu.memory_space<hbm>> -> memref<128x64xf32, #tpu.memory_space<hbm>>
    %dma_start3A_910 = tpu.memref_slice %arg13[%dma_start3A_903] : memref<6x!tpu.dma_semaphore, #tpu.memory_space<semaphore_mem>> -> memref<1x!tpu.dma_semaphore, #tpu.memory_space<semaphore_mem>>
    %dma_start3A_911 = tpu.memref_squeeze %dma_start3A_910 : memref<1x!tpu.dma_semaphore, #tpu.memory_space<semaphore_mem>> -> memref<!tpu.dma_semaphore, #tpu.memory_space<semaphore_mem>>
    %dma_start3A_912 = arith.constant 0 : i32
    %dma_start3A_913 = tpu.memref_slice %arg6[%mul3A_901, %dma_start3A_912] : memref<73728x64xf32, #tpu.memory_space<hbm>> -> memref<128x64xf32, #tpu.memory_space<hbm>>
    %dma_start3A_914 = arith.constant 0 : i32
    %dma_start3A_915 = arith.constant 0 : i32
    %dma_start3A_916 = tpu.memref_slice %arg11[%dma_start3A_902, %dma_start3A_914, %dma_start3A_915] : memref<6x128x64xf32, #tpu.memory_space<vmem>> -> memref<1x128x64xf32, #tpu.memory_space<vmem>>
    %dma_start3A_917 = tpu.memref_squeeze %dma_start3A_916 : memref<1x128x64xf32, #tpu.memory_space<vmem>> -> memref<128x64xf32, #tpu.memory_space<vmem>>
    tpu.enqueue_dma source(%dma_start3A_917 : memref<128x64xf32, #tpu.memory_space<vmem>>) target(%dma_start3A_913 : memref<128x64xf32, #tpu.memory_space<hbm>>) target_semaphore(%dma_start3A_911 : memref<!tpu.dma_semaphore, #tpu.memory_space<semaphore_mem>>)
    %dma_wait3A_918 = arith.constant 13 : i32
    %dma_wait3A_919 = arith.constant 1 : i32
    %dma_wait3A_920 = arith.constant 1 : i32
    %dma_wait3A_921 = arith.constant 0 : i32
    %dma_wait3A_922 = arith.constant 0 : i32
    %dma_wait3A_923 = tpu.memref_slice %arg11[%dma_wait3A_919, %dma_wait3A_921, %dma_wait3A_922] : memref<6x128x64xf32, #tpu.memory_space<vmem>> -> memref<1x128x64xf32, #tpu.memory_space<vmem>>
    %dma_wait3A_924 = tpu.memref_squeeze %dma_wait3A_923 : memref<1x128x64xf32, #tpu.memory_space<vmem>> -> memref<128x64xf32, #tpu.memory_space<vmem>>
    %dma_wait3A_925 = arith.constant 0 : i32
    %dma_wait3A_926 = tpu.memref_slice %arg8[%dma_wait3A_918, %dma_wait3A_925] : memref<18x128xi32, #tpu.memory_space<vmem>> -> memref<1x128xi32, #tpu.memory_space<vmem>>
    %dma_wait3A_927 = tpu.memref_squeeze %dma_wait3A_926 : memref<1x128xi32, #tpu.memory_space<vmem>> -> memref<128xi32, #tpu.memory_space<vmem>>
    %dma_wait3A_928 = arith.constant 0 : i32
    %dma_wait3A_929 = arith.constant 0 : i32
    %dma_wait3A_930 = tpu.memref_slice %arg2[%dma_wait3A_928, %dma_wait3A_929] : memref<1000001x64xf32, #tpu.memory_space<hbm>> -> memref<1000001x64xf32, #tpu.memory_space<hbm>>
    %dma_wait3A_931 = tpu.memref_slice %arg12[%dma_wait3A_920] : memref<6x!tpu.dma_semaphore, #tpu.memory_space<semaphore_mem>> -> memref<1x!tpu.dma_semaphore, #tpu.memory_space<semaphore_mem>>
    %dma_wait3A_932 = tpu.memref_squeeze %dma_wait3A_931 : memref<1x!tpu.dma_semaphore, #tpu.memory_space<semaphore_mem>> -> memref<!tpu.dma_semaphore, #tpu.memory_space<semaphore_mem>>
    tpu.wait_indirect_dma semaphore(%dma_wait3A_932 : memref<!tpu.dma_semaphore, #tpu.memory_space<semaphore_mem>>) src(%dma_wait3A_930 : memref<1000001x64xf32, #tpu.memory_space<hbm>>) dst(%dma_wait3A_924 : memref<128x64xf32, #tpu.memory_space<vmem>>)
    %add3A_933 = arith.constant 13 : i32
    %add3A_934 = arith.addi %mul3A_2, %add3A_933 : i32
    %mul3A_935 = arith.constant 128 : i32
    %mul3A_936 = arith.muli %add3A_934, %mul3A_935 : i32
    %dma_start3A_937 = arith.constant 1 : i32
    %dma_start3A_938 = arith.constant 1 : i32
    %dma_start3A_939 = arith.constant 0 : i32
    %dma_start3A_940 = arith.constant 0 : i32
    %dma_start3A_941 = tpu.memref_slice %arg11[%dma_start3A_937, %dma_start3A_939, %dma_start3A_940] : memref<6x128x64xf32, #tpu.memory_space<vmem>> -> memref<1x128x64xf32, #tpu.memory_space<vmem>>
    %dma_start3A_942 = tpu.memref_squeeze %dma_start3A_941 : memref<1x128x64xf32, #tpu.memory_space<vmem>> -> memref<128x64xf32, #tpu.memory_space<vmem>>
    %dma_start3A_943 = arith.constant 0 : i32
    %dma_start3A_944 = tpu.memref_slice %arg6[%mul3A_936, %dma_start3A_943] : memref<73728x64xf32, #tpu.memory_space<hbm>> -> memref<128x64xf32, #tpu.memory_space<hbm>>
    %dma_start3A_945 = tpu.memref_slice %arg13[%dma_start3A_938] : memref<6x!tpu.dma_semaphore, #tpu.memory_space<semaphore_mem>> -> memref<1x!tpu.dma_semaphore, #tpu.memory_space<semaphore_mem>>
    %dma_start3A_946 = tpu.memref_squeeze %dma_start3A_945 : memref<1x!tpu.dma_semaphore, #tpu.memory_space<semaphore_mem>> -> memref<!tpu.dma_semaphore, #tpu.memory_space<semaphore_mem>>
    %dma_start3A_947 = arith.constant 0 : i32
    %dma_start3A_948 = tpu.memref_slice %arg6[%mul3A_936, %dma_start3A_947] : memref<73728x64xf32, #tpu.memory_space<hbm>> -> memref<128x64xf32, #tpu.memory_space<hbm>>
    %dma_start3A_949 = arith.constant 0 : i32
    %dma_start3A_950 = arith.constant 0 : i32
    %dma_start3A_951 = tpu.memref_slice %arg11[%dma_start3A_937, %dma_start3A_949, %dma_start3A_950] : memref<6x128x64xf32, #tpu.memory_space<vmem>> -> memref<1x128x64xf32, #tpu.memory_space<vmem>>
    %dma_start3A_952 = tpu.memref_squeeze %dma_start3A_951 : memref<1x128x64xf32, #tpu.memory_space<vmem>> -> memref<128x64xf32, #tpu.memory_space<vmem>>
    tpu.enqueue_dma source(%dma_start3A_952 : memref<128x64xf32, #tpu.memory_space<vmem>>) target(%dma_start3A_948 : memref<128x64xf32, #tpu.memory_space<hbm>>) target_semaphore(%dma_start3A_946 : memref<!tpu.dma_semaphore, #tpu.memory_space<semaphore_mem>>)
    %dma_wait3A_953 = arith.constant 14 : i32
    %dma_wait3A_954 = arith.constant 2 : i32
    %dma_wait3A_955 = arith.constant 2 : i32
    %dma_wait3A_956 = arith.constant 0 : i32
    %dma_wait3A_957 = arith.constant 0 : i32
    %dma_wait3A_958 = tpu.memref_slice %arg11[%dma_wait3A_954, %dma_wait3A_956, %dma_wait3A_957] : memref<6x128x64xf32, #tpu.memory_space<vmem>> -> memref<1x128x64xf32, #tpu.memory_space<vmem>>
    %dma_wait3A_959 = tpu.memref_squeeze %dma_wait3A_958 : memref<1x128x64xf32, #tpu.memory_space<vmem>> -> memref<128x64xf32, #tpu.memory_space<vmem>>
    %dma_wait3A_960 = arith.constant 0 : i32
    %dma_wait3A_961 = tpu.memref_slice %arg8[%dma_wait3A_953, %dma_wait3A_960] : memref<18x128xi32, #tpu.memory_space<vmem>> -> memref<1x128xi32, #tpu.memory_space<vmem>>
    %dma_wait3A_962 = tpu.memref_squeeze %dma_wait3A_961 : memref<1x128xi32, #tpu.memory_space<vmem>> -> memref<128xi32, #tpu.memory_space<vmem>>
    %dma_wait3A_963 = arith.constant 0 : i32
    %dma_wait3A_964 = arith.constant 0 : i32
    %dma_wait3A_965 = tpu.memref_slice %arg2[%dma_wait3A_963, %dma_wait3A_964] : memref<1000001x64xf32, #tpu.memory_space<hbm>> -> memref<1000001x64xf32, #tpu.memory_space<hbm>>
    %dma_wait3A_966 = tpu.memref_slice %arg12[%dma_wait3A_955] : memref<6x!tpu.dma_semaphore, #tpu.memory_space<semaphore_mem>> -> memref<1x!tpu.dma_semaphore, #tpu.memory_space<semaphore_mem>>
    %dma_wait3A_967 = tpu.memref_squeeze %dma_wait3A_966 : memref<1x!tpu.dma_semaphore, #tpu.memory_space<semaphore_mem>> -> memref<!tpu.dma_semaphore, #tpu.memory_space<semaphore_mem>>
    tpu.wait_indirect_dma semaphore(%dma_wait3A_967 : memref<!tpu.dma_semaphore, #tpu.memory_space<semaphore_mem>>) src(%dma_wait3A_965 : memref<1000001x64xf32, #tpu.memory_space<hbm>>) dst(%dma_wait3A_959 : memref<128x64xf32, #tpu.memory_space<vmem>>)
    %add3A_968 = arith.constant 14 : i32
    %add3A_969 = arith.addi %mul3A_2, %add3A_968 : i32
    %mul3A_970 = arith.constant 128 : i32
    %mul3A_971 = arith.muli %add3A_969, %mul3A_970 : i32
    %dma_start3A_972 = arith.constant 2 : i32
    %dma_start3A_973 = arith.constant 2 : i32
    %dma_start3A_974 = arith.constant 0 : i32
    %dma_start3A_975 = arith.constant 0 : i32
    %dma_start3A_976 = tpu.memref_slice %arg11[%dma_start3A_972, %dma_start3A_974, %dma_start3A_975] : memref<6x128x64xf32, #tpu.memory_space<vmem>> -> memref<1x128x64xf32, #tpu.memory_space<vmem>>
    %dma_start3A_977 = tpu.memref_squeeze %dma_start3A_976 : memref<1x128x64xf32, #tpu.memory_space<vmem>> -> memref<128x64xf32, #tpu.memory_space<vmem>>
    %dma_start3A_978 = arith.constant 0 : i32
    %dma_start3A_979 = tpu.memref_slice %arg6[%mul3A_971, %dma_start3A_978] : memref<73728x64xf32, #tpu.memory_space<hbm>> -> memref<128x64xf32, #tpu.memory_space<hbm>>
    %dma_start3A_980 = tpu.memref_slice %arg13[%dma_start3A_973] : memref<6x!tpu.dma_semaphore, #tpu.memory_space<semaphore_mem>> -> memref<1x!tpu.dma_semaphore, #tpu.memory_space<semaphore_mem>>
    %dma_start3A_981 = tpu.memref_squeeze %dma_start3A_980 : memref<1x!tpu.dma_semaphore, #tpu.memory_space<semaphore_mem>> -> memref<!tpu.dma_semaphore, #tpu.memory_space<semaphore_mem>>
    %dma_start3A_982 = arith.constant 0 : i32
    %dma_start3A_983 = tpu.memref_slice %arg6[%mul3A_971, %dma_start3A_982] : memref<73728x64xf32, #tpu.memory_space<hbm>> -> memref<128x64xf32, #tpu.memory_space<hbm>>
    %dma_start3A_984 = arith.constant 0 : i32
    %dma_start3A_985 = arith.constant 0 : i32
    %dma_start3A_986 = tpu.memref_slice %arg11[%dma_start3A_972, %dma_start3A_984, %dma_start3A_985] : memref<6x128x64xf32, #tpu.memory_space<vmem>> -> memref<1x128x64xf32, #tpu.memory_space<vmem>>
    %dma_start3A_987 = tpu.memref_squeeze %dma_start3A_986 : memref<1x128x64xf32, #tpu.memory_space<vmem>> -> memref<128x64xf32, #tpu.memory_space<vmem>>
    tpu.enqueue_dma source(%dma_start3A_987 : memref<128x64xf32, #tpu.memory_space<vmem>>) target(%dma_start3A_983 : memref<128x64xf32, #tpu.memory_space<hbm>>) target_semaphore(%dma_start3A_981 : memref<!tpu.dma_semaphore, #tpu.memory_space<semaphore_mem>>)
    %dma_wait3A_988 = arith.constant 15 : i32
    %dma_wait3A_989 = arith.constant 3 : i32
    %dma_wait3A_990 = arith.constant 3 : i32
    %dma_wait3A_991 = arith.constant 0 : i32
    %dma_wait3A_992 = arith.constant 0 : i32
    %dma_wait3A_993 = tpu.memref_slice %arg11[%dma_wait3A_989, %dma_wait3A_991, %dma_wait3A_992] : memref<6x128x64xf32, #tpu.memory_space<vmem>> -> memref<1x128x64xf32, #tpu.memory_space<vmem>>
    %dma_wait3A_994 = tpu.memref_squeeze %dma_wait3A_993 : memref<1x128x64xf32, #tpu.memory_space<vmem>> -> memref<128x64xf32, #tpu.memory_space<vmem>>
    %dma_wait3A_995 = arith.constant 0 : i32
    %dma_wait3A_996 = tpu.memref_slice %arg8[%dma_wait3A_988, %dma_wait3A_995] : memref<18x128xi32, #tpu.memory_space<vmem>> -> memref<1x128xi32, #tpu.memory_space<vmem>>
    %dma_wait3A_997 = tpu.memref_squeeze %dma_wait3A_996 : memref<1x128xi32, #tpu.memory_space<vmem>> -> memref<128xi32, #tpu.memory_space<vmem>>
    %dma_wait3A_998 = arith.constant 0 : i32
    %dma_wait3A_999 = arith.constant 0 : i32
    %dma_wait3A_1000 = tpu.memref_slice %arg2[%dma_wait3A_998, %dma_wait3A_999] : memref<1000001x64xf32, #tpu.memory_space<hbm>> -> memref<1000001x64xf32, #tpu.memory_space<hbm>>
    %dma_wait3A_1001 = tpu.memref_slice %arg12[%dma_wait3A_990] : memref<6x!tpu.dma_semaphore, #tpu.memory_space<semaphore_mem>> -> memref<1x!tpu.dma_semaphore, #tpu.memory_space<semaphore_mem>>
    %dma_wait3A_1002 = tpu.memref_squeeze %dma_wait3A_1001 : memref<1x!tpu.dma_semaphore, #tpu.memory_space<semaphore_mem>> -> memref<!tpu.dma_semaphore, #tpu.memory_space<semaphore_mem>>
    tpu.wait_indirect_dma semaphore(%dma_wait3A_1002 : memref<!tpu.dma_semaphore, #tpu.memory_space<semaphore_mem>>) src(%dma_wait3A_1000 : memref<1000001x64xf32, #tpu.memory_space<hbm>>) dst(%dma_wait3A_994 : memref<128x64xf32, #tpu.memory_space<vmem>>)
    %add3A_1003 = arith.constant 15 : i32
    %add3A_1004 = arith.addi %mul3A_2, %add3A_1003 : i32
    %mul3A_1005 = arith.constant 128 : i32
    %mul3A_1006 = arith.muli %add3A_1004, %mul3A_1005 : i32
    %dma_start3A_1007 = arith.constant 3 : i32
    %dma_start3A_1008 = arith.constant 3 : i32
    %dma_start3A_1009 = arith.constant 0 : i32
    %dma_start3A_1010 = arith.constant 0 : i32
    %dma_start3A_1011 = tpu.memref_slice %arg11[%dma_start3A_1007, %dma_start3A_1009, %dma_start3A_1010] : memref<6x128x64xf32, #tpu.memory_space<vmem>> -> memref<1x128x64xf32, #tpu.memory_space<vmem>>
    %dma_start3A_1012 = tpu.memref_squeeze %dma_start3A_1011 : memref<1x128x64xf32, #tpu.memory_space<vmem>> -> memref<128x64xf32, #tpu.memory_space<vmem>>
    %dma_start3A_1013 = arith.constant 0 : i32
    %dma_start3A_1014 = tpu.memref_slice %arg6[%mul3A_1006, %dma_start3A_1013] : memref<73728x64xf32, #tpu.memory_space<hbm>> -> memref<128x64xf32, #tpu.memory_space<hbm>>
    %dma_start3A_1015 = tpu.memref_slice %arg13[%dma_start3A_1008] : memref<6x!tpu.dma_semaphore, #tpu.memory_space<semaphore_mem>> -> memref<1x!tpu.dma_semaphore, #tpu.memory_space<semaphore_mem>>
    %dma_start3A_1016 = tpu.memref_squeeze %dma_start3A_1015 : memref<1x!tpu.dma_semaphore, #tpu.memory_space<semaphore_mem>> -> memref<!tpu.dma_semaphore, #tpu.memory_space<semaphore_mem>>
    %dma_start3A_1017 = arith.constant 0 : i32
    %dma_start3A_1018 = tpu.memref_slice %arg6[%mul3A_1006, %dma_start3A_1017] : memref<73728x64xf32, #tpu.memory_space<hbm>> -> memref<128x64xf32, #tpu.memory_space<hbm>>
    %dma_start3A_1019 = arith.constant 0 : i32
    %dma_start3A_1020 = arith.constant 0 : i32
    %dma_start3A_1021 = tpu.memref_slice %arg11[%dma_start3A_1007, %dma_start3A_1019, %dma_start3A_1020] : memref<6x128x64xf32, #tpu.memory_space<vmem>> -> memref<1x128x64xf32, #tpu.memory_space<vmem>>
    %dma_start3A_1022 = tpu.memref_squeeze %dma_start3A_1021 : memref<1x128x64xf32, #tpu.memory_space<vmem>> -> memref<128x64xf32, #tpu.memory_space<vmem>>
    tpu.enqueue_dma source(%dma_start3A_1022 : memref<128x64xf32, #tpu.memory_space<vmem>>) target(%dma_start3A_1018 : memref<128x64xf32, #tpu.memory_space<hbm>>) target_semaphore(%dma_start3A_1016 : memref<!tpu.dma_semaphore, #tpu.memory_space<semaphore_mem>>)
    %dma_wait3A_1023 = arith.constant 16 : i32
    %dma_wait3A_1024 = arith.constant 4 : i32
    %dma_wait3A_1025 = arith.constant 4 : i32
    %dma_wait3A_1026 = arith.constant 0 : i32
    %dma_wait3A_1027 = arith.constant 0 : i32
    %dma_wait3A_1028 = tpu.memref_slice %arg11[%dma_wait3A_1024, %dma_wait3A_1026, %dma_wait3A_1027] : memref<6x128x64xf32, #tpu.memory_space<vmem>> -> memref<1x128x64xf32, #tpu.memory_space<vmem>>
    %dma_wait3A_1029 = tpu.memref_squeeze %dma_wait3A_1028 : memref<1x128x64xf32, #tpu.memory_space<vmem>> -> memref<128x64xf32, #tpu.memory_space<vmem>>
    %dma_wait3A_1030 = arith.constant 0 : i32
    %dma_wait3A_1031 = tpu.memref_slice %arg8[%dma_wait3A_1023, %dma_wait3A_1030] : memref<18x128xi32, #tpu.memory_space<vmem>> -> memref<1x128xi32, #tpu.memory_space<vmem>>
    %dma_wait3A_1032 = tpu.memref_squeeze %dma_wait3A_1031 : memref<1x128xi32, #tpu.memory_space<vmem>> -> memref<128xi32, #tpu.memory_space<vmem>>
    %dma_wait3A_1033 = arith.constant 0 : i32
    %dma_wait3A_1034 = arith.constant 0 : i32
    %dma_wait3A_1035 = tpu.memref_slice %arg2[%dma_wait3A_1033, %dma_wait3A_1034] : memref<1000001x64xf32, #tpu.memory_space<hbm>> -> memref<1000001x64xf32, #tpu.memory_space<hbm>>
    %dma_wait3A_1036 = tpu.memref_slice %arg12[%dma_wait3A_1025] : memref<6x!tpu.dma_semaphore, #tpu.memory_space<semaphore_mem>> -> memref<1x!tpu.dma_semaphore, #tpu.memory_space<semaphore_mem>>
    %dma_wait3A_1037 = tpu.memref_squeeze %dma_wait3A_1036 : memref<1x!tpu.dma_semaphore, #tpu.memory_space<semaphore_mem>> -> memref<!tpu.dma_semaphore, #tpu.memory_space<semaphore_mem>>
    tpu.wait_indirect_dma semaphore(%dma_wait3A_1037 : memref<!tpu.dma_semaphore, #tpu.memory_space<semaphore_mem>>) src(%dma_wait3A_1035 : memref<1000001x64xf32, #tpu.memory_space<hbm>>) dst(%dma_wait3A_1029 : memref<128x64xf32, #tpu.memory_space<vmem>>)
    %add3A_1038 = arith.constant 16 : i32
    %add3A_1039 = arith.addi %mul3A_2, %add3A_1038 : i32
    %mul3A_1040 = arith.constant 128 : i32
    %mul3A_1041 = arith.muli %add3A_1039, %mul3A_1040 : i32
    %dma_start3A_1042 = arith.constant 4 : i32
    %dma_start3A_1043 = arith.constant 4 : i32
    %dma_start3A_1044 = arith.constant 0 : i32
    %dma_start3A_1045 = arith.constant 0 : i32
    %dma_start3A_1046 = tpu.memref_slice %arg11[%dma_start3A_1042, %dma_start3A_1044, %dma_start3A_1045] : memref<6x128x64xf32, #tpu.memory_space<vmem>> -> memref<1x128x64xf32, #tpu.memory_space<vmem>>
    %dma_start3A_1047 = tpu.memref_squeeze %dma_start3A_1046 : memref<1x128x64xf32, #tpu.memory_space<vmem>> -> memref<128x64xf32, #tpu.memory_space<vmem>>
    %dma_start3A_1048 = arith.constant 0 : i32
    %dma_start3A_1049 = tpu.memref_slice %arg6[%mul3A_1041, %dma_start3A_1048] : memref<73728x64xf32, #tpu.memory_space<hbm>> -> memref<128x64xf32, #tpu.memory_space<hbm>>
    %dma_start3A_1050 = tpu.memref_slice %arg13[%dma_start3A_1043] : memref<6x!tpu.dma_semaphore, #tpu.memory_space<semaphore_mem>> -> memref<1x!tpu.dma_semaphore, #tpu.memory_space<semaphore_mem>>
    %dma_start3A_1051 = tpu.memref_squeeze %dma_start3A_1050 : memref<1x!tpu.dma_semaphore, #tpu.memory_space<semaphore_mem>> -> memref<!tpu.dma_semaphore, #tpu.memory_space<semaphore_mem>>
    %dma_start3A_1052 = arith.constant 0 : i32
    %dma_start3A_1053 = tpu.memref_slice %arg6[%mul3A_1041, %dma_start3A_1052] : memref<73728x64xf32, #tpu.memory_space<hbm>> -> memref<128x64xf32, #tpu.memory_space<hbm>>
    %dma_start3A_1054 = arith.constant 0 : i32
    %dma_start3A_1055 = arith.constant 0 : i32
    %dma_start3A_1056 = tpu.memref_slice %arg11[%dma_start3A_1042, %dma_start3A_1054, %dma_start3A_1055] : memref<6x128x64xf32, #tpu.memory_space<vmem>> -> memref<1x128x64xf32, #tpu.memory_space<vmem>>
    %dma_start3A_1057 = tpu.memref_squeeze %dma_start3A_1056 : memref<1x128x64xf32, #tpu.memory_space<vmem>> -> memref<128x64xf32, #tpu.memory_space<vmem>>
    tpu.enqueue_dma source(%dma_start3A_1057 : memref<128x64xf32, #tpu.memory_space<vmem>>) target(%dma_start3A_1053 : memref<128x64xf32, #tpu.memory_space<hbm>>) target_semaphore(%dma_start3A_1051 : memref<!tpu.dma_semaphore, #tpu.memory_space<semaphore_mem>>)
    %dma_wait3A_1058 = arith.constant 17 : i32
    %dma_wait3A_1059 = arith.constant 5 : i32
    %dma_wait3A_1060 = arith.constant 5 : i32
    %dma_wait3A_1061 = arith.constant 0 : i32
    %dma_wait3A_1062 = arith.constant 0 : i32
    %dma_wait3A_1063 = tpu.memref_slice %arg11[%dma_wait3A_1059, %dma_wait3A_1061, %dma_wait3A_1062] : memref<6x128x64xf32, #tpu.memory_space<vmem>> -> memref<1x128x64xf32, #tpu.memory_space<vmem>>
    %dma_wait3A_1064 = tpu.memref_squeeze %dma_wait3A_1063 : memref<1x128x64xf32, #tpu.memory_space<vmem>> -> memref<128x64xf32, #tpu.memory_space<vmem>>
    %dma_wait3A_1065 = arith.constant 0 : i32
    %dma_wait3A_1066 = tpu.memref_slice %arg8[%dma_wait3A_1058, %dma_wait3A_1065] : memref<18x128xi32, #tpu.memory_space<vmem>> -> memref<1x128xi32, #tpu.memory_space<vmem>>
    %dma_wait3A_1067 = tpu.memref_squeeze %dma_wait3A_1066 : memref<1x128xi32, #tpu.memory_space<vmem>> -> memref<128xi32, #tpu.memory_space<vmem>>
    %dma_wait3A_1068 = arith.constant 0 : i32
    %dma_wait3A_1069 = arith.constant 0 : i32
    %dma_wait3A_1070 = tpu.memref_slice %arg2[%dma_wait3A_1068, %dma_wait3A_1069] : memref<1000001x64xf32, #tpu.memory_space<hbm>> -> memref<1000001x64xf32, #tpu.memory_space<hbm>>
    %dma_wait3A_1071 = tpu.memref_slice %arg12[%dma_wait3A_1060] : memref<6x!tpu.dma_semaphore, #tpu.memory_space<semaphore_mem>> -> memref<1x!tpu.dma_semaphore, #tpu.memory_space<semaphore_mem>>
    %dma_wait3A_1072 = tpu.memref_squeeze %dma_wait3A_1071 : memref<1x!tpu.dma_semaphore, #tpu.memory_space<semaphore_mem>> -> memref<!tpu.dma_semaphore, #tpu.memory_space<semaphore_mem>>
    tpu.wait_indirect_dma semaphore(%dma_wait3A_1072 : memref<!tpu.dma_semaphore, #tpu.memory_space<semaphore_mem>>) src(%dma_wait3A_1070 : memref<1000001x64xf32, #tpu.memory_space<hbm>>) dst(%dma_wait3A_1064 : memref<128x64xf32, #tpu.memory_space<vmem>>)
    %add3A_1073 = arith.constant 17 : i32
    %add3A_1074 = arith.addi %mul3A_2, %add3A_1073 : i32
    %mul3A_1075 = arith.constant 128 : i32
    %mul3A_1076 = arith.muli %add3A_1074, %mul3A_1075 : i32
    %dma_start3A_1077 = arith.constant 5 : i32
    %dma_start3A_1078 = arith.constant 5 : i32
    %dma_start3A_1079 = arith.constant 0 : i32
    %dma_start3A_1080 = arith.constant 0 : i32
    %dma_start3A_1081 = tpu.memref_slice %arg11[%dma_start3A_1077, %dma_start3A_1079, %dma_start3A_1080] : memref<6x128x64xf32, #tpu.memory_space<vmem>> -> memref<1x128x64xf32, #tpu.memory_space<vmem>>
    %dma_start3A_1082 = tpu.memref_squeeze %dma_start3A_1081 : memref<1x128x64xf32, #tpu.memory_space<vmem>> -> memref<128x64xf32, #tpu.memory_space<vmem>>
    %dma_start3A_1083 = arith.constant 0 : i32
    %dma_start3A_1084 = tpu.memref_slice %arg6[%mul3A_1076, %dma_start3A_1083] : memref<73728x64xf32, #tpu.memory_space<hbm>> -> memref<128x64xf32, #tpu.memory_space<hbm>>
    %dma_start3A_1085 = tpu.memref_slice %arg13[%dma_start3A_1078] : memref<6x!tpu.dma_semaphore, #tpu.memory_space<semaphore_mem>> -> memref<1x!tpu.dma_semaphore, #tpu.memory_space<semaphore_mem>>
    %dma_start3A_1086 = tpu.memref_squeeze %dma_start3A_1085 : memref<1x!tpu.dma_semaphore, #tpu.memory_space<semaphore_mem>> -> memref<!tpu.dma_semaphore, #tpu.memory_space<semaphore_mem>>
    %dma_start3A_1087 = arith.constant 0 : i32
    %dma_start3A_1088 = tpu.memref_slice %arg6[%mul3A_1076, %dma_start3A_1087] : memref<73728x64xf32, #tpu.memory_space<hbm>> -> memref<128x64xf32, #tpu.memory_space<hbm>>
    %dma_start3A_1089 = arith.constant 0 : i32
    %dma_start3A_1090 = arith.constant 0 : i32
    %dma_start3A_1091 = tpu.memref_slice %arg11[%dma_start3A_1077, %dma_start3A_1089, %dma_start3A_1090] : memref<6x128x64xf32, #tpu.memory_space<vmem>> -> memref<1x128x64xf32, #tpu.memory_space<vmem>>
    %dma_start3A_1092 = tpu.memref_squeeze %dma_start3A_1091 : memref<1x128x64xf32, #tpu.memory_space<vmem>> -> memref<128x64xf32, #tpu.memory_space<vmem>>
    tpu.enqueue_dma source(%dma_start3A_1092 : memref<128x64xf32, #tpu.memory_space<vmem>>) target(%dma_start3A_1088 : memref<128x64xf32, #tpu.memory_space<hbm>>) target_semaphore(%dma_start3A_1086 : memref<!tpu.dma_semaphore, #tpu.memory_space<semaphore_mem>>)
    %dma_wait3A_1093 = arith.constant 0 : i32
    %dma_wait3A_1094 = arith.constant 0 : i32
    %dma_wait3A_1095 = arith.constant 0 : i32
    %dma_wait3A_1096 = arith.constant 0 : i32
    %dma_wait3A_1097 = tpu.memref_slice %arg11[%dma_wait3A_1093, %dma_wait3A_1095, %dma_wait3A_1096] : memref<6x128x64xf32, #tpu.memory_space<vmem>> -> memref<1x128x64xf32, #tpu.memory_space<vmem>>
    %dma_wait3A_1098 = tpu.memref_squeeze %dma_wait3A_1097 : memref<1x128x64xf32, #tpu.memory_space<vmem>> -> memref<128x64xf32, #tpu.memory_space<vmem>>
    %dma_wait3A_1099 = arith.constant 0 : i32
    %dma_wait3A_1100 = tpu.memref_slice %arg6[%mul3A_901, %dma_wait3A_1099] : memref<73728x64xf32, #tpu.memory_space<hbm>> -> memref<128x64xf32, #tpu.memory_space<hbm>>
    %dma_wait3A_1101 = tpu.memref_slice %arg13[%dma_wait3A_1094] : memref<6x!tpu.dma_semaphore, #tpu.memory_space<semaphore_mem>> -> memref<1x!tpu.dma_semaphore, #tpu.memory_space<semaphore_mem>>
    %dma_wait3A_1102 = tpu.memref_squeeze %dma_wait3A_1101 : memref<1x!tpu.dma_semaphore, #tpu.memory_space<semaphore_mem>> -> memref<!tpu.dma_semaphore, #tpu.memory_space<semaphore_mem>>
    %dma_wait3A_1103 = arith.constant 0 : i32
    %dma_wait3A_1104 = tpu.memref_slice %arg6[%mul3A_901, %dma_wait3A_1103] : memref<73728x64xf32, #tpu.memory_space<hbm>> -> memref<128x64xf32, #tpu.memory_space<hbm>>
    %dma_wait3A_1105 = arith.constant 0 : i32
    %dma_wait3A_1106 = arith.constant 0 : i32
    %dma_wait3A_1107 = tpu.memref_slice %arg11[%dma_wait3A_1093, %dma_wait3A_1105, %dma_wait3A_1106] : memref<6x128x64xf32, #tpu.memory_space<vmem>> -> memref<1x128x64xf32, #tpu.memory_space<vmem>>
    %dma_wait3A_1108 = tpu.memref_squeeze %dma_wait3A_1107 : memref<1x128x64xf32, #tpu.memory_space<vmem>> -> memref<128x64xf32, #tpu.memory_space<vmem>>
    tpu.wait_dma2 semaphore(%dma_wait3A_1102 : memref<!tpu.dma_semaphore, #tpu.memory_space<semaphore_mem>>) src(%dma_wait3A_1108 : memref<128x64xf32, #tpu.memory_space<vmem>>) dst(%dma_wait3A_1104 : memref<128x64xf32, #tpu.memory_space<hbm>>)
    %dma_wait3A_1109 = arith.constant 1 : i32
    %dma_wait3A_1110 = arith.constant 1 : i32
    %dma_wait3A_1111 = arith.constant 0 : i32
    %dma_wait3A_1112 = arith.constant 0 : i32
    %dma_wait3A_1113 = tpu.memref_slice %arg11[%dma_wait3A_1109, %dma_wait3A_1111, %dma_wait3A_1112] : memref<6x128x64xf32, #tpu.memory_space<vmem>> -> memref<1x128x64xf32, #tpu.memory_space<vmem>>
    %dma_wait3A_1114 = tpu.memref_squeeze %dma_wait3A_1113 : memref<1x128x64xf32, #tpu.memory_space<vmem>> -> memref<128x64xf32, #tpu.memory_space<vmem>>
    %dma_wait3A_1115 = arith.constant 0 : i32
    %dma_wait3A_1116 = tpu.memref_slice %arg6[%mul3A_936, %dma_wait3A_1115] : memref<73728x64xf32, #tpu.memory_space<hbm>> -> memref<128x64xf32, #tpu.memory_space<hbm>>
    %dma_wait3A_1117 = tpu.memref_slice %arg13[%dma_wait3A_1110] : memref<6x!tpu.dma_semaphore, #tpu.memory_space<semaphore_mem>> -> memref<1x!tpu.dma_semaphore, #tpu.memory_space<semaphore_mem>>
    %dma_wait3A_1118 = tpu.memref_squeeze %dma_wait3A_1117 : memref<1x!tpu.dma_semaphore, #tpu.memory_space<semaphore_mem>> -> memref<!tpu.dma_semaphore, #tpu.memory_space<semaphore_mem>>
    %dma_wait3A_1119 = arith.constant 0 : i32
    %dma_wait3A_1120 = tpu.memref_slice %arg6[%mul3A_936, %dma_wait3A_1119] : memref<73728x64xf32, #tpu.memory_space<hbm>> -> memref<128x64xf32, #tpu.memory_space<hbm>>
    %dma_wait3A_1121 = arith.constant 0 : i32
    %dma_wait3A_1122 = arith.constant 0 : i32
    %dma_wait3A_1123 = tpu.memref_slice %arg11[%dma_wait3A_1109, %dma_wait3A_1121, %dma_wait3A_1122] : memref<6x128x64xf32, #tpu.memory_space<vmem>> -> memref<1x128x64xf32, #tpu.memory_space<vmem>>
    %dma_wait3A_1124 = tpu.memref_squeeze %dma_wait3A_1123 : memref<1x128x64xf32, #tpu.memory_space<vmem>> -> memref<128x64xf32, #tpu.memory_space<vmem>>
    tpu.wait_dma2 semaphore(%dma_wait3A_1118 : memref<!tpu.dma_semaphore, #tpu.memory_space<semaphore_mem>>) src(%dma_wait3A_1124 : memref<128x64xf32, #tpu.memory_space<vmem>>) dst(%dma_wait3A_1120 : memref<128x64xf32, #tpu.memory_space<hbm>>)
    %dma_wait3A_1125 = arith.constant 2 : i32
    %dma_wait3A_1126 = arith.constant 2 : i32
    %dma_wait3A_1127 = arith.constant 0 : i32
    %dma_wait3A_1128 = arith.constant 0 : i32
    %dma_wait3A_1129 = tpu.memref_slice %arg11[%dma_wait3A_1125, %dma_wait3A_1127, %dma_wait3A_1128] : memref<6x128x64xf32, #tpu.memory_space<vmem>> -> memref<1x128x64xf32, #tpu.memory_space<vmem>>
    %dma_wait3A_1130 = tpu.memref_squeeze %dma_wait3A_1129 : memref<1x128x64xf32, #tpu.memory_space<vmem>> -> memref<128x64xf32, #tpu.memory_space<vmem>>
    %dma_wait3A_1131 = arith.constant 0 : i32
    %dma_wait3A_1132 = tpu.memref_slice %arg6[%mul3A_971, %dma_wait3A_1131] : memref<73728x64xf32, #tpu.memory_space<hbm>> -> memref<128x64xf32, #tpu.memory_space<hbm>>
    %dma_wait3A_1133 = tpu.memref_slice %arg13[%dma_wait3A_1126] : memref<6x!tpu.dma_semaphore, #tpu.memory_space<semaphore_mem>> -> memref<1x!tpu.dma_semaphore, #tpu.memory_space<semaphore_mem>>
    %dma_wait3A_1134 = tpu.memref_squeeze %dma_wait3A_1133 : memref<1x!tpu.dma_semaphore, #tpu.memory_space<semaphore_mem>> -> memref<!tpu.dma_semaphore, #tpu.memory_space<semaphore_mem>>
    %dma_wait3A_1135 = arith.constant 0 : i32
    %dma_wait3A_1136 = tpu.memref_slice %arg6[%mul3A_971, %dma_wait3A_1135] : memref<73728x64xf32, #tpu.memory_space<hbm>> -> memref<128x64xf32, #tpu.memory_space<hbm>>
    %dma_wait3A_1137 = arith.constant 0 : i32
    %dma_wait3A_1138 = arith.constant 0 : i32
    %dma_wait3A_1139 = tpu.memref_slice %arg11[%dma_wait3A_1125, %dma_wait3A_1137, %dma_wait3A_1138] : memref<6x128x64xf32, #tpu.memory_space<vmem>> -> memref<1x128x64xf32, #tpu.memory_space<vmem>>
    %dma_wait3A_1140 = tpu.memref_squeeze %dma_wait3A_1139 : memref<1x128x64xf32, #tpu.memory_space<vmem>> -> memref<128x64xf32, #tpu.memory_space<vmem>>
    tpu.wait_dma2 semaphore(%dma_wait3A_1134 : memref<!tpu.dma_semaphore, #tpu.memory_space<semaphore_mem>>) src(%dma_wait3A_1140 : memref<128x64xf32, #tpu.memory_space<vmem>>) dst(%dma_wait3A_1136 : memref<128x64xf32, #tpu.memory_space<hbm>>)
    %dma_wait3A_1141 = arith.constant 3 : i32
    %dma_wait3A_1142 = arith.constant 3 : i32
    %dma_wait3A_1143 = arith.constant 0 : i32
    %dma_wait3A_1144 = arith.constant 0 : i32
    %dma_wait3A_1145 = tpu.memref_slice %arg11[%dma_wait3A_1141, %dma_wait3A_1143, %dma_wait3A_1144] : memref<6x128x64xf32, #tpu.memory_space<vmem>> -> memref<1x128x64xf32, #tpu.memory_space<vmem>>
    %dma_wait3A_1146 = tpu.memref_squeeze %dma_wait3A_1145 : memref<1x128x64xf32, #tpu.memory_space<vmem>> -> memref<128x64xf32, #tpu.memory_space<vmem>>
    %dma_wait3A_1147 = arith.constant 0 : i32
    %dma_wait3A_1148 = tpu.memref_slice %arg6[%mul3A_1006, %dma_wait3A_1147] : memref<73728x64xf32, #tpu.memory_space<hbm>> -> memref<128x64xf32, #tpu.memory_space<hbm>>
    %dma_wait3A_1149 = tpu.memref_slice %arg13[%dma_wait3A_1142] : memref<6x!tpu.dma_semaphore, #tpu.memory_space<semaphore_mem>> -> memref<1x!tpu.dma_semaphore, #tpu.memory_space<semaphore_mem>>
    %dma_wait3A_1150 = tpu.memref_squeeze %dma_wait3A_1149 : memref<1x!tpu.dma_semaphore, #tpu.memory_space<semaphore_mem>> -> memref<!tpu.dma_semaphore, #tpu.memory_space<semaphore_mem>>
    %dma_wait3A_1151 = arith.constant 0 : i32
    %dma_wait3A_1152 = tpu.memref_slice %arg6[%mul3A_1006, %dma_wait3A_1151] : memref<73728x64xf32, #tpu.memory_space<hbm>> -> memref<128x64xf32, #tpu.memory_space<hbm>>
    %dma_wait3A_1153 = arith.constant 0 : i32
    %dma_wait3A_1154 = arith.constant 0 : i32
    %dma_wait3A_1155 = tpu.memref_slice %arg11[%dma_wait3A_1141, %dma_wait3A_1153, %dma_wait3A_1154] : memref<6x128x64xf32, #tpu.memory_space<vmem>> -> memref<1x128x64xf32, #tpu.memory_space<vmem>>
    %dma_wait3A_1156 = tpu.memref_squeeze %dma_wait3A_1155 : memref<1x128x64xf32, #tpu.memory_space<vmem>> -> memref<128x64xf32, #tpu.memory_space<vmem>>
    tpu.wait_dma2 semaphore(%dma_wait3A_1150 : memref<!tpu.dma_semaphore, #tpu.memory_space<semaphore_mem>>) src(%dma_wait3A_1156 : memref<128x64xf32, #tpu.memory_space<vmem>>) dst(%dma_wait3A_1152 : memref<128x64xf32, #tpu.memory_space<hbm>>)
    %dma_wait3A_1157 = arith.constant 4 : i32
    %dma_wait3A_1158 = arith.constant 4 : i32
    %dma_wait3A_1159 = arith.constant 0 : i32
    %dma_wait3A_1160 = arith.constant 0 : i32
    %dma_wait3A_1161 = tpu.memref_slice %arg11[%dma_wait3A_1157, %dma_wait3A_1159, %dma_wait3A_1160] : memref<6x128x64xf32, #tpu.memory_space<vmem>> -> memref<1x128x64xf32, #tpu.memory_space<vmem>>
    %dma_wait3A_1162 = tpu.memref_squeeze %dma_wait3A_1161 : memref<1x128x64xf32, #tpu.memory_space<vmem>> -> memref<128x64xf32, #tpu.memory_space<vmem>>
    %dma_wait3A_1163 = arith.constant 0 : i32
    %dma_wait3A_1164 = tpu.memref_slice %arg6[%mul3A_1041, %dma_wait3A_1163] : memref<73728x64xf32, #tpu.memory_space<hbm>> -> memref<128x64xf32, #tpu.memory_space<hbm>>
    %dma_wait3A_1165 = tpu.memref_slice %arg13[%dma_wait3A_1158] : memref<6x!tpu.dma_semaphore, #tpu.memory_space<semaphore_mem>> -> memref<1x!tpu.dma_semaphore, #tpu.memory_space<semaphore_mem>>
    %dma_wait3A_1166 = tpu.memref_squeeze %dma_wait3A_1165 : memref<1x!tpu.dma_semaphore, #tpu.memory_space<semaphore_mem>> -> memref<!tpu.dma_semaphore, #tpu.memory_space<semaphore_mem>>
    %dma_wait3A_1167 = arith.constant 0 : i32
    %dma_wait3A_1168 = tpu.memref_slice %arg6[%mul3A_1041, %dma_wait3A_1167] : memref<73728x64xf32, #tpu.memory_space<hbm>> -> memref<128x64xf32, #tpu.memory_space<hbm>>
    %dma_wait3A_1169 = arith.constant 0 : i32
    %dma_wait3A_1170 = arith.constant 0 : i32
    %dma_wait3A_1171 = tpu.memref_slice %arg11[%dma_wait3A_1157, %dma_wait3A_1169, %dma_wait3A_1170] : memref<6x128x64xf32, #tpu.memory_space<vmem>> -> memref<1x128x64xf32, #tpu.memory_space<vmem>>
    %dma_wait3A_1172 = tpu.memref_squeeze %dma_wait3A_1171 : memref<1x128x64xf32, #tpu.memory_space<vmem>> -> memref<128x64xf32, #tpu.memory_space<vmem>>
    tpu.wait_dma2 semaphore(%dma_wait3A_1166 : memref<!tpu.dma_semaphore, #tpu.memory_space<semaphore_mem>>) src(%dma_wait3A_1172 : memref<128x64xf32, #tpu.memory_space<vmem>>) dst(%dma_wait3A_1168 : memref<128x64xf32, #tpu.memory_space<hbm>>)
    %dma_wait3A_1173 = arith.constant 5 : i32
    %dma_wait3A_1174 = arith.constant 5 : i32
    %dma_wait3A_1175 = arith.constant 0 : i32
    %dma_wait3A_1176 = arith.constant 0 : i32
    %dma_wait3A_1177 = tpu.memref_slice %arg11[%dma_wait3A_1173, %dma_wait3A_1175, %dma_wait3A_1176] : memref<6x128x64xf32, #tpu.memory_space<vmem>> -> memref<1x128x64xf32, #tpu.memory_space<vmem>>
    %dma_wait3A_1178 = tpu.memref_squeeze %dma_wait3A_1177 : memref<1x128x64xf32, #tpu.memory_space<vmem>> -> memref<128x64xf32, #tpu.memory_space<vmem>>
    %dma_wait3A_1179 = arith.constant 0 : i32
    %dma_wait3A_1180 = tpu.memref_slice %arg6[%mul3A_1076, %dma_wait3A_1179] : memref<73728x64xf32, #tpu.memory_space<hbm>> -> memref<128x64xf32, #tpu.memory_space<hbm>>
    %dma_wait3A_1181 = tpu.memref_slice %arg13[%dma_wait3A_1174] : memref<6x!tpu.dma_semaphore, #tpu.memory_space<semaphore_mem>> -> memref<1x!tpu.dma_semaphore, #tpu.memory_space<semaphore_mem>>
    %dma_wait3A_1182 = tpu.memref_squeeze %dma_wait3A_1181 : memref<1x!tpu.dma_semaphore, #tpu.memory_space<semaphore_mem>> -> memref<!tpu.dma_semaphore, #tpu.memory_space<semaphore_mem>>
    %dma_wait3A_1183 = arith.constant 0 : i32
    %dma_wait3A_1184 = tpu.memref_slice %arg6[%mul3A_1076, %dma_wait3A_1183] : memref<73728x64xf32, #tpu.memory_space<hbm>> -> memref<128x64xf32, #tpu.memory_space<hbm>>
    %dma_wait3A_1185 = arith.constant 0 : i32
    %dma_wait3A_1186 = arith.constant 0 : i32
    %dma_wait3A_1187 = tpu.memref_slice %arg11[%dma_wait3A_1173, %dma_wait3A_1185, %dma_wait3A_1186] : memref<6x128x64xf32, #tpu.memory_space<vmem>> -> memref<1x128x64xf32, #tpu.memory_space<vmem>>
    %dma_wait3A_1188 = tpu.memref_squeeze %dma_wait3A_1187 : memref<1x128x64xf32, #tpu.memory_space<vmem>> -> memref<128x64xf32, #tpu.memory_space<vmem>>
    tpu.wait_dma2 semaphore(%dma_wait3A_1182 : memref<!tpu.dma_semaphore, #tpu.memory_space<semaphore_mem>>) src(%dma_wait3A_1188 : memref<128x64xf32, #tpu.memory_space<vmem>>) dst(%dma_wait3A_1184 : memref<128x64xf32, #tpu.memory_space<hbm>>)
    %lt3A = arith.constant 8 : i32
    %lt3A_1189 = arith.cmpi slt, %add3A, %lt3A : i32
    %convert_element_type3A = arith.extui %lt3A_1189 : i1 to i32
    %cond3A = arith.constant 0 : i32
    %cond3A_1190 = arith.cmpi ne, %convert_element_type3A, %cond3A : i32
    scf.if %cond3A_1190 {
      "tpu.region"() ({
        %run_scoped3A = tpu.sem_alloc : memref<!tpu.dma_semaphore, #tpu.memory_space<semaphore_mem>>
        %dma_start3A_1207 = arith.constant 0 : i32
        %dma_start3A_1208 = arith.constant 0 : i32
        %dma_start3A_1209 = tpu.memref_slice %arg5[%add3A, %dma_start3A_1207, %dma_start3A_1208] : memref<8x1x128xi32, #tpu.memory_space<hbm>> -> memref<1x1x128xi32, #tpu.memory_space<hbm>>
        %dma_start3A_1210 = tpu.memref_squeeze %dma_start3A_1209 : memref<1x1x128xi32, #tpu.memory_space<hbm>> -> memref<1x128xi32, #tpu.memory_space<hbm>>
        %dma_start3A_1211 = arith.constant 0 : i32
        %dma_start3A_1212 = arith.constant 0 : i32
        %dma_start3A_1213 = tpu.memref_slice %arg5[%add3A, %dma_start3A_1211, %dma_start3A_1212] : memref<8x1x128xi32, #tpu.memory_space<hbm>> -> memref<1x1x128xi32, #tpu.memory_space<hbm>>
        %dma_start3A_1214 = tpu.memref_squeeze %dma_start3A_1213 : memref<1x1x128xi32, #tpu.memory_space<hbm>> -> memref<1x128xi32, #tpu.memory_space<hbm>>
        tpu.enqueue_dma source(%dma_start3A_1214 : memref<1x128xi32, #tpu.memory_space<hbm>>) target(%arg9 : memref<1x128xi32, #tpu.memory_space<vmem>>) target_semaphore(%run_scoped3A : memref<!tpu.dma_semaphore, #tpu.memory_space<semaphore_mem>>)
        %dma_wait3A_1215 = arith.constant 0 : i32
        %dma_wait3A_1216 = arith.constant 0 : i32
        %dma_wait3A_1217 = tpu.memref_slice %arg5[%add3A, %dma_wait3A_1215, %dma_wait3A_1216] : memref<8x1x128xi32, #tpu.memory_space<hbm>> -> memref<1x1x128xi32, #tpu.memory_space<hbm>>
        %dma_wait3A_1218 = tpu.memref_squeeze %dma_wait3A_1217 : memref<1x1x128xi32, #tpu.memory_space<hbm>> -> memref<1x128xi32, #tpu.memory_space<hbm>>
        %dma_wait3A_1219 = arith.constant 0 : i32
        %dma_wait3A_1220 = arith.constant 0 : i32
        %dma_wait3A_1221 = tpu.memref_slice %arg5[%add3A, %dma_wait3A_1219, %dma_wait3A_1220] : memref<8x1x128xi32, #tpu.memory_space<hbm>> -> memref<1x1x128xi32, #tpu.memory_space<hbm>>
        %dma_wait3A_1222 = tpu.memref_squeeze %dma_wait3A_1221 : memref<1x1x128xi32, #tpu.memory_space<hbm>> -> memref<1x128xi32, #tpu.memory_space<hbm>>
        tpu.wait_dma2 semaphore(%run_scoped3A : memref<!tpu.dma_semaphore, #tpu.memory_space<semaphore_mem>>) src(%dma_wait3A_1222 : memref<1x128xi32, #tpu.memory_space<hbm>>) dst(%arg9 : memref<1x128xi32, #tpu.memory_space<vmem>>)
        tpu.yield
      }) : () -> ()
      %dma_start3A_1191 = arith.constant 0 : i32
      %dma_start3A_1192 = arith.constant 0 : i32
      %dma_start3A_1193 = tpu.memref_slice %arg9[%dma_start3A_1191, %dma_start3A_1192] : memref<1x128xi32, #tpu.memory_space<vmem>> -> memref<1x128xi32, #tpu.memory_space<vmem>>
      %dma_start3A_1194 = tpu.memref_squeeze %dma_start3A_1193 : memref<1x128xi32, #tpu.memory_space<vmem>> -> memref<128xi32, #tpu.memory_space<vmem>>
      %dma_start3A_1195 = arith.constant 0 : i32
      %dma_start3A_1196 = arith.constant 0 : i32
      %dma_start3A_1197 = tpu.memref_slice %arg3[%dma_start3A_1195, %dma_start3A_1196] : memref<100001x64xf32, #tpu.memory_space<hbm>> -> memref<100001x64xf32, #tpu.memory_space<hbm>>
      tpu.enqueue_indirect_dma source(%dma_start3A_1197 : memref<100001x64xf32, #tpu.memory_space<hbm>>) target(%arg10 : memref<128x64xf32, #tpu.memory_space<vmem>>) offsets(%dma_start3A_1194 : memref<128xi32, #tpu.memory_space<vmem>>) semaphore(%arg14 : memref<!tpu.dma_semaphore, #tpu.memory_space<semaphore_mem>>)
      %dma_wait3A_1198 = arith.constant 0 : i32
      %dma_wait3A_1199 = arith.constant 0 : i32
      %dma_wait3A_1200 = tpu.memref_slice %arg9[%dma_wait3A_1198, %dma_wait3A_1199] : memref<1x128xi32, #tpu.memory_space<vmem>> -> memref<1x128xi32, #tpu.memory_space<vmem>>
      %dma_wait3A_1201 = tpu.memref_squeeze %dma_wait3A_1200 : memref<1x128xi32, #tpu.memory_space<vmem>> -> memref<128xi32, #tpu.memory_space<vmem>>
      %dma_wait3A_1202 = arith.constant 0 : i32
      %dma_wait3A_1203 = arith.constant 0 : i32
      %dma_wait3A_1204 = tpu.memref_slice %arg3[%dma_wait3A_1202, %dma_wait3A_1203] : memref<100001x64xf32, #tpu.memory_space<hbm>> -> memref<100001x64xf32, #tpu.memory_space<hbm>>
      tpu.wait_indirect_dma semaphore(%arg14 : memref<!tpu.dma_semaphore, #tpu.memory_space<semaphore_mem>>) src(%dma_wait3A_1204 : memref<100001x64xf32, #tpu.memory_space<hbm>>) dst(%arg10 : memref<128x64xf32, #tpu.memory_space<vmem>>)
      %mul3A_1205 = arith.constant 128 : i32
      %mul3A_1206 = arith.muli %add3A, %mul3A_1205 : i32
      "tpu.region"() ({
        %run_scoped3A = tpu.sem_alloc : memref<!tpu.dma_semaphore, #tpu.memory_space<semaphore_mem>>
        %dma_start3A_1207 = arith.constant 0 : i32
        %dma_start3A_1208 = tpu.memref_slice %arg7[%mul3A_1206, %dma_start3A_1207] : memref<1024x64xf32, #tpu.memory_space<hbm>> -> memref<128x64xf32, #tpu.memory_space<hbm>>
        %dma_start3A_1209 = arith.constant 0 : i32
        %dma_start3A_1210 = tpu.memref_slice %arg7[%mul3A_1206, %dma_start3A_1209] : memref<1024x64xf32, #tpu.memory_space<hbm>> -> memref<128x64xf32, #tpu.memory_space<hbm>>
        tpu.enqueue_dma source(%arg10 : memref<128x64xf32, #tpu.memory_space<vmem>>) target(%dma_start3A_1210 : memref<128x64xf32, #tpu.memory_space<hbm>>) target_semaphore(%run_scoped3A : memref<!tpu.dma_semaphore, #tpu.memory_space<semaphore_mem>>)
        %dma_wait3A_1211 = arith.constant 0 : i32
        %dma_wait3A_1212 = tpu.memref_slice %arg7[%mul3A_1206, %dma_wait3A_1211] : memref<1024x64xf32, #tpu.memory_space<hbm>> -> memref<128x64xf32, #tpu.memory_space<hbm>>
        %dma_wait3A_1213 = arith.constant 0 : i32
        %dma_wait3A_1214 = tpu.memref_slice %arg7[%mul3A_1206, %dma_wait3A_1213] : memref<1024x64xf32, #tpu.memory_space<hbm>> -> memref<128x64xf32, #tpu.memory_space<hbm>>
        tpu.wait_dma2 semaphore(%run_scoped3A : memref<!tpu.dma_semaphore, #tpu.memory_space<semaphore_mem>>) src(%arg10 : memref<128x64xf32, #tpu.memory_space<vmem>>) dst(%dma_wait3A_1214 : memref<128x64xf32, #tpu.memory_space<hbm>>)
        tpu.yield
      }) : () -> ()
    } else {
    }
    return
  }
}

module attributes {stable_mosaic.version = 14 : i64} {
  func.func @_glob_body(%arg0: i32, %arg1: memref<1024x12xf32, #tpu.memory_space<vmem>>, %arg2: memref<1024x64xf32, #tpu.memory_space<vmem>>, %arg3: memref<1024x64xf32, #tpu.memory_space<vmem>>, %arg4: memref<2x32xf32, #tpu.memory_space<vmem>>, %arg5: memref<1x32xf32, #tpu.memory_space<vmem>>, %arg6: memref<3x16xf32, #tpu.memory_space<vmem>>, %arg7: memref<1x16xf32, #tpu.memory_space<vmem>>, %arg8: memref<8x8xf32, #tpu.memory_space<vmem>>, %arg9: memref<21x16xf32, #tpu.memory_space<vmem>>, %arg10: memref<1001x16xf32, #tpu.memory_space<vmem>>, %arg11: memref<1024x144xf32, #tpu.memory_space<vmem>>, %arg12: memref<1024x104xf32, #tpu.memory_space<vmem>>) attributes {dimension_semantics = [#tpu.dimension_semantics<arbitrary>], iteration_bounds = array<i64: 1>, scalar_prefetch = 0 : i64, scratch_operands = 0 : i64, tpu.core_type = #tpu.core_type<tc>, window_params = [{pipeline_mode = #tpu.pipeline_mode<synchronous>, transform_indices = @transform_0, window_bounds = array<i64: 1024, 12>}, {transform_indices = @transform_1, window_bounds = array<i64: 1024, 64>}, {pipeline_mode = #tpu.pipeline_mode<synchronous>, transform_indices = @transform_2, window_bounds = array<i64: 1024, 64>}, {pipeline_mode = #tpu.pipeline_mode<synchronous>, transform_indices = @transform_3, window_bounds = array<i64: 2, 32>}, {pipeline_mode = #tpu.pipeline_mode<synchronous>, transform_indices = @transform_4, window_bounds = array<i64: 1, 32>}, {pipeline_mode = #tpu.pipeline_mode<synchronous>, transform_indices = @transform_5, window_bounds = array<i64: 3, 16>}, {pipeline_mode = #tpu.pipeline_mode<synchronous>, transform_indices = @transform_6, window_bounds = array<i64: 1, 16>}, {pipeline_mode = #tpu.pipeline_mode<synchronous>, transform_indices = @transform_7, window_bounds = array<i64: 8, 8>}, {pipeline_mode = #tpu.pipeline_mode<synchronous>, transform_indices = @transform_8, window_bounds = array<i64: 21, 16>}, {pipeline_mode = #tpu.pipeline_mode<synchronous>, transform_indices = @transform_9, window_bounds = array<i64: 1001, 16>}, {pipeline_mode = #tpu.pipeline_mode<synchronous>, transform_indices = @transform_10, window_bounds = array<i64: 1024, 144>}, {pipeline_mode = #tpu.pipeline_mode<synchronous>, transform_indices = @transform_11, window_bounds = array<i64: 1024, 104>}]} {
    %get3A = arith.constant 0 : index
    %get3A_0 = arith.constant 5 : index
    %get3A_1 = vector.load %arg1[%get3A, %get3A_0] : memref<1024x12xf32, #tpu.memory_space<vmem>>, vector<1024x2xf32>
    %get3A_2 = arith.constant 0 : index
    %get3A_3 = arith.constant 0 : index
    %get3A_4 = vector.load %arg4[%get3A_2, %get3A_3] : memref<2x32xf32, #tpu.memory_space<vmem>>, vector<2x32xf32>
    %dot_general3A = arith.constant dense<0.000000e+00> : vector<1024x32xf32>
    %dot_general3A_5 = tpu.matmul %get3A_1, %get3A_4, %dot_general3A {dimension_numbers = #tpu.dot_dimension_numbers<[1], [0], [0], [1], [0, 0, 1, 1], [], []>, precision = #tpu.contract_precision<fp32>, transpose_lhs_hint = false} : vector<1024x2xf32>, vector<2x32xf32>, vector<1024x32xf32> -> vector<1024x32xf32>
    %get3A_6 = arith.constant 0 : index
    %get3A_7 = arith.constant 0 : index
    %get3A_8 = vector.load %arg5[%get3A_6, %get3A_7] : memref<1x32xf32, #tpu.memory_space<vmem>>, vector<1x32xf32>
    %add3A = vector.broadcast %get3A_8 : vector<1x32xf32> to vector<1024x32xf32>
    %add3A_9 = arith.addf %dot_general3A_5, %add3A : vector<1024x32xf32>
    %get3A_10 = arith.constant 0 : index
    %get3A_11 = arith.constant 9 : index
    %get3A_12 = vector.load %arg1[%get3A_10, %get3A_11] : memref<1024x12xf32, #tpu.memory_space<vmem>>, vector<1024x2xf32>
    %get3A_13 = arith.constant 0 : index
    %get3A_14 = arith.constant 0 : index
    %get3A_15 = vector.load %arg4[%get3A_13, %get3A_14] : memref<2x32xf32, #tpu.memory_space<vmem>>, vector<2x32xf32>
    %dot_general3A_16 = arith.constant dense<0.000000e+00> : vector<1024x32xf32>
    %dot_general3A_17 = tpu.matmul %get3A_12, %get3A_15, %dot_general3A_16 {dimension_numbers = #tpu.dot_dimension_numbers<[1], [0], [0], [1], [0, 0, 1, 1], [], []>, precision = #tpu.contract_precision<fp32>, transpose_lhs_hint = false} : vector<1024x2xf32>, vector<2x32xf32>, vector<1024x32xf32> -> vector<1024x32xf32>
    %get3A_18 = arith.constant 0 : index
    %get3A_19 = arith.constant 0 : index
    %get3A_20 = vector.load %arg5[%get3A_18, %get3A_19] : memref<1x32xf32, #tpu.memory_space<vmem>>, vector<1x32xf32>
    %add3A_21 = vector.broadcast %get3A_20 : vector<1x32xf32> to vector<1024x32xf32>
    %add3A_22 = arith.addf %dot_general3A_17, %add3A_21 : vector<1024x32xf32>
    %get3A_23 = arith.constant 0 : index
    %get3A_24 = arith.constant 8 : index
    %get3A_25 = vector.load %arg1[%get3A_23, %get3A_24] : memref<1024x12xf32, #tpu.memory_space<vmem>>, vector<1024x1xf32>
    %get3A_26 = vector.shape_cast %get3A_25 : vector<1024x1xf32> to vector<1024xf32>
    %get3A_27 = arith.constant 0 : index
    %get3A_28 = arith.constant 0 : index
    %get3A_29 = vector.load %arg9[%get3A_27, %get3A_28] : memref<21x16xf32, #tpu.memory_space<vmem>>, vector<21x16xf32>
    %convert_element_type3A = arith.fptosi %get3A_26 : vector<1024xf32> to vector<1024xi32>
    %iota3A = tpu.iota {dimensions = array<i32: 1>} : vector<1024x21xi32>
    %broadcast_in_dim3A = vector.shape_cast %convert_element_type3A : vector<1024xi32> to vector<1024x1xi32>
    %eq3A = vector.broadcast %broadcast_in_dim3A : vector<1024x1xi32> to vector<1024x21xi32>
    %eq3A_30 = arith.cmpi eq, %iota3A, %eq3A : vector<1024x21xi32>
    %convert_element_type3A_31 = arith.extui %eq3A_30 : vector<1024x21xi1> to vector<1024x21xi32>
    %convert_element_type3A_32 = arith.sitofp %convert_element_type3A_31 : vector<1024x21xi32> to vector<1024x21xf32>
    %dot_general3A_33 = arith.constant dense<0.000000e+00> : vector<1024x16xf32>
    %dot_general3A_34 = tpu.matmul %convert_element_type3A_32, %get3A_29, %dot_general3A_33 {dimension_numbers = #tpu.dot_dimension_numbers<[1], [0], [0], [1], [0, 0, 1, 1], [], []>, precision = #tpu.contract_precision<fp32>, transpose_lhs_hint = false} : vector<1024x21xf32>, vector<21x16xf32>, vector<1024x16xf32> -> vector<1024x16xf32>
    %get3A_35 = arith.constant 0 : index
    %get3A_36 = arith.constant 0 : index
    %get3A_37 = vector.load %arg2[%get3A_35, %get3A_36] : memref<1024x64xf32, #tpu.memory_space<vmem>>, vector<1024x64xf32>
    %concatenate3A = tpu.concatenate %add3A_9, %add3A_22, %get3A_37, %dot_general3A_34 in 1 : vector<1024x32xf32>, vector<1024x32xf32>, vector<1024x64xf32>, vector<1024x16xf32> -> vector<1024x144xf32>
    %swap3A = arith.constant 0 : index
    %swap3A_38 = arith.constant 0 : index
    %swap3A_39 = vector.load %arg11[%swap3A, %swap3A_38] : memref<1024x144xf32, #tpu.memory_space<vmem>>, vector<1024x144xf32>
    tpu.vector_store %arg11[%swap3A, %swap3A_38], %concatenate3A {strides = array<i32>} : memref<1024x144xf32, #tpu.memory_space<vmem>>, vector<1024x144xf32>,
    %get3A_40 = arith.constant 0 : index
    %get3A_41 = arith.constant 1 : index
    %get3A_42 = vector.load %arg1[%get3A_40, %get3A_41] : memref<1024x12xf32, #tpu.memory_space<vmem>>, vector<1024x2xf32>
    %get3A_43 = arith.constant 0 : index
    %get3A_44 = arith.constant 4 : index
    %get3A_45 = vector.load %arg1[%get3A_43, %get3A_44] : memref<1024x12xf32, #tpu.memory_space<vmem>>, vector<1024x1xf32>
    %concatenate3A_46 = tpu.concatenate %get3A_42, %get3A_45 in 1 : vector<1024x2xf32>, vector<1024x1xf32> -> vector<1024x3xf32>
    %get3A_47 = arith.constant 0 : index
    %get3A_48 = arith.constant 0 : index
    %get3A_49 = vector.load %arg6[%get3A_47, %get3A_48] : memref<3x16xf32, #tpu.memory_space<vmem>>, vector<3x16xf32>
    %dot_general3A_50 = arith.constant dense<0.000000e+00> : vector<1024x16xf32>
    %dot_general3A_51 = tpu.matmul %concatenate3A_46, %get3A_49, %dot_general3A_50 {dimension_numbers = #tpu.dot_dimension_numbers<[1], [0], [0], [1], [0, 0, 1, 1], [], []>, precision = #tpu.contract_precision<fp32>, transpose_lhs_hint = false} : vector<1024x3xf32>, vector<3x16xf32>, vector<1024x16xf32> -> vector<1024x16xf32>
    %get3A_52 = arith.constant 0 : index
    %get3A_53 = arith.constant 0 : index
    %get3A_54 = vector.load %arg7[%get3A_52, %get3A_53] : memref<1x16xf32, #tpu.memory_space<vmem>>, vector<1x16xf32>
    %add3A_55 = vector.broadcast %get3A_54 : vector<1x16xf32> to vector<1024x16xf32>
    %add3A_56 = arith.addf %dot_general3A_51, %add3A_55 : vector<1024x16xf32>
    %get3A_57 = arith.constant 0 : index
    %get3A_58 = arith.constant 3 : index
    %get3A_59 = vector.load %arg1[%get3A_57, %get3A_58] : memref<1024x12xf32, #tpu.memory_space<vmem>>, vector<1024x1xf32>
    %get3A_60 = vector.shape_cast %get3A_59 : vector<1024x1xf32> to vector<1024xf32>
    %get3A_61 = arith.constant 0 : index
    %get3A_62 = arith.constant 0 : index
    %get3A_63 = vector.load %arg8[%get3A_61, %get3A_62] : memref<8x8xf32, #tpu.memory_space<vmem>>, vector<8x8xf32>
    %convert_element_type3A_64 = arith.fptosi %get3A_60 : vector<1024xf32> to vector<1024xi32>
    %iota3A_65 = tpu.iota {dimensions = array<i32: 1>} : vector<1024x8xi32>
    %broadcast_in_dim3A_66 = vector.shape_cast %convert_element_type3A_64 : vector<1024xi32> to vector<1024x1xi32>
    %eq3A_67 = vector.broadcast %broadcast_in_dim3A_66 : vector<1024x1xi32> to vector<1024x8xi32>
    %eq3A_68 = arith.cmpi eq, %iota3A_65, %eq3A_67 : vector<1024x8xi32>
    %convert_element_type3A_69 = arith.extui %eq3A_68 : vector<1024x8xi1> to vector<1024x8xi32>
    %convert_element_type3A_70 = arith.sitofp %convert_element_type3A_69 : vector<1024x8xi32> to vector<1024x8xf32>
    %dot_general3A_71 = arith.constant dense<0.000000e+00> : vector<1024x8xf32>
    %dot_general3A_72 = tpu.matmul %convert_element_type3A_70, %get3A_63, %dot_general3A_71 {dimension_numbers = #tpu.dot_dimension_numbers<[1], [0], [0], [1], [0, 0, 1, 1], [], []>, precision = #tpu.contract_precision<fp32>, transpose_lhs_hint = false} : vector<1024x8xf32>, vector<8x8xf32>, vector<1024x8xf32> -> vector<1024x8xf32>
    %get3A_73 = arith.constant 0 : index
    %get3A_74 = arith.constant 11 : index
    %get3A_75 = vector.load %arg1[%get3A_73, %get3A_74] : memref<1024x12xf32, #tpu.memory_space<vmem>>, vector<1024x1xf32>
    %get3A_76 = vector.shape_cast %get3A_75 : vector<1024x1xf32> to vector<1024xf32>
    %get3A_77 = arith.constant 0 : index
    %get3A_78 = arith.constant 0 : index
    %get3A_79 = vector.load %arg10[%get3A_77, %get3A_78] : memref<1001x16xf32, #tpu.memory_space<vmem>>, vector<1001x16xf32>
    %convert_element_type3A_80 = arith.fptosi %get3A_76 : vector<1024xf32> to vector<1024xi32>
    %iota3A_81 = tpu.iota {dimensions = array<i32: 1>} : vector<1024x1001xi32>
    %broadcast_in_dim3A_82 = vector.shape_cast %convert_element_type3A_80 : vector<1024xi32> to vector<1024x1xi32>
    %eq3A_83 = vector.broadcast %broadcast_in_dim3A_82 : vector<1024x1xi32> to vector<1024x1001xi32>
    %eq3A_84 = arith.cmpi eq, %iota3A_81, %eq3A_83 : vector<1024x1001xi32>
    %convert_element_type3A_85 = arith.extui %eq3A_84 : vector<1024x1001xi1> to vector<1024x1001xi32>
    %convert_element_type3A_86 = arith.sitofp %convert_element_type3A_85 : vector<1024x1001xi32> to vector<1024x1001xf32>
    %dot_general3A_87 = arith.constant dense<0.000000e+00> : vector<1024x16xf32>
    %dot_general3A_88 = tpu.matmul %convert_element_type3A_86, %get3A_79, %dot_general3A_87 {dimension_numbers = #tpu.dot_dimension_numbers<[1], [0], [0], [1], [0, 0, 1, 1], [], []>, precision = #tpu.contract_precision<fp32>, transpose_lhs_hint = false} : vector<1024x1001xf32>, vector<1001x16xf32>, vector<1024x16xf32> -> vector<1024x16xf32>
    %get3A_89 = arith.constant 0 : index
    %get3A_90 = arith.constant 0 : index
    %get3A_91 = vector.load %arg3[%get3A_89, %get3A_90] : memref<1024x64xf32, #tpu.memory_space<vmem>>, vector<1024x64xf32>
    %concatenate3A_92 = tpu.concatenate %add3A_56, %get3A_91, %dot_general3A_72, %dot_general3A_88 in 1 : vector<1024x16xf32>, vector<1024x64xf32>, vector<1024x8xf32>, vector<1024x16xf32> -> vector<1024x104xf32>
    %swap3A_93 = arith.constant 0 : index
    %swap3A_94 = arith.constant 0 : index
    %swap3A_95 = vector.load %arg12[%swap3A_93, %swap3A_94] : memref<1024x104xf32, #tpu.memory_space<vmem>>, vector<1024x104xf32>
    tpu.vector_store %arg12[%swap3A_93, %swap3A_94], %concatenate3A_92 {strides = array<i32>} : memref<1024x104xf32, #tpu.memory_space<vmem>>, vector<1024x104xf32>,
    return
  }
  func.func @transform_0(%arg0: i32) -> (i32, i32) {
    %c0_i32 = arith.constant 0 : i32
    %c0_i32_0 = arith.constant 0 : i32
    %c0_i32_1 = arith.constant 0 : i32
    return %c0_i32, %c0_i32_0 : i32, i32
  }
  func.func @transform_1(%arg0: i32) -> (i32, i32) {
    %c70_i32 = arith.constant 70 : i32
    %c0_i32 = arith.constant 0 : i32
    %c0_i32_0 = arith.constant 0 : i32
    return %c70_i32, %c0_i32 : i32, i32
  }
  func.func @transform_2(%arg0: i32) -> (i32, i32) {
    %c0_i32 = arith.constant 0 : i32
    %c0_i32_0 = arith.constant 0 : i32
    %c0_i32_1 = arith.constant 0 : i32
    return %c0_i32, %c0_i32_0 : i32, i32
  }
  func.func @transform_3(%arg0: i32) -> (i32, i32) {
    %c0_i32 = arith.constant 0 : i32
    %c0_i32_0 = arith.constant 0 : i32
    %c0_i32_1 = arith.constant 0 : i32
    return %c0_i32, %c0_i32_0 : i32, i32
  }
  func.func @transform_4(%arg0: i32) -> (i32, i32) {
    %c0_i32 = arith.constant 0 : i32
    %c0_i32_0 = arith.constant 0 : i32
    %c0_i32_1 = arith.constant 0 : i32
    return %c0_i32, %c0_i32_0 : i32, i32
  }
  func.func @transform_5(%arg0: i32) -> (i32, i32) {
    %c0_i32 = arith.constant 0 : i32
    %c0_i32_0 = arith.constant 0 : i32
    %c0_i32_1 = arith.constant 0 : i32
    return %c0_i32, %c0_i32_0 : i32, i32
  }
  func.func @transform_6(%arg0: i32) -> (i32, i32) {
    %c0_i32 = arith.constant 0 : i32
    %c0_i32_0 = arith.constant 0 : i32
    %c0_i32_1 = arith.constant 0 : i32
    return %c0_i32, %c0_i32_0 : i32, i32
  }
  func.func @transform_7(%arg0: i32) -> (i32, i32) {
    %c0_i32 = arith.constant 0 : i32
    %c0_i32_0 = arith.constant 0 : i32
    %c0_i32_1 = arith.constant 0 : i32
    return %c0_i32, %c0_i32_0 : i32, i32
  }
  func.func @transform_8(%arg0: i32) -> (i32, i32) {
    %c0_i32 = arith.constant 0 : i32
    %c0_i32_0 = arith.constant 0 : i32
    %c0_i32_1 = arith.constant 0 : i32
    return %c0_i32, %c0_i32_0 : i32, i32
  }
  func.func @transform_9(%arg0: i32) -> (i32, i32) {
    %c0_i32 = arith.constant 0 : i32
    %c0_i32_0 = arith.constant 0 : i32
    %c0_i32_1 = arith.constant 0 : i32
    return %c0_i32, %c0_i32_0 : i32, i32
  }
  func.func @transform_10(%arg0: i32) -> (i32, i32) {
    %c0_i32 = arith.constant 0 : i32
    %c0_i32_0 = arith.constant 0 : i32
    %c0_i32_1 = arith.constant 0 : i32
    return %c0_i32, %c0_i32_0 : i32, i32
  }
  func.func @transform_11(%arg0: i32) -> (i32, i32) {
    %c0_i32 = arith.constant 0 : i32
    %c0_i32_0 = arith.constant 0 : i32
    %c0_i32_1 = arith.constant 0 : i32
    return %c0_i32, %c0_i32_0 : i32, i32
  }
}

module attributes {stable_mosaic.version = 14 : i64} {
  func.func @_unpick_body(%arg0: i32, %arg1: memref<3200x10xf32, #tpu.memory_space<vmem>>, %arg2: memref<3200x64xf32, #tpu.memory_space<vmem>>, %arg3: memref<2x32xf32, #tpu.memory_space<vmem>>, %arg4: memref<1x32xf32, #tpu.memory_space<vmem>>, %arg5: memref<6x16xf32, #tpu.memory_space<vmem>>, %arg6: memref<1x16xf32, #tpu.memory_space<vmem>>, %arg7: memref<21x16xf32, #tpu.memory_space<vmem>>, %arg8: memref<64x50x128xf32, #tpu.memory_space<vmem>>) attributes {dimension_semantics = [#tpu.dimension_semantics<arbitrary>], iteration_bounds = array<i64: 16>, scalar_prefetch = 0 : i64, scratch_operands = 0 : i64, tpu.core_type = #tpu.core_type<tc>, window_params = [{transform_indices = @transform_0, window_bounds = array<i64: 3200, 10>}, {transform_indices = @transform_1, window_bounds = array<i64: 3200, 64>}, {pipeline_mode = #tpu.pipeline_mode<synchronous>, transform_indices = @transform_2, window_bounds = array<i64: 2, 32>}, {pipeline_mode = #tpu.pipeline_mode<synchronous>, transform_indices = @transform_3, window_bounds = array<i64: 1, 32>}, {pipeline_mode = #tpu.pipeline_mode<synchronous>, transform_indices = @transform_4, window_bounds = array<i64: 6, 16>}, {pipeline_mode = #tpu.pipeline_mode<synchronous>, transform_indices = @transform_5, window_bounds = array<i64: 1, 16>}, {pipeline_mode = #tpu.pipeline_mode<synchronous>, transform_indices = @transform_6, window_bounds = array<i64: 21, 16>}, {transform_indices = @transform_7, window_bounds = array<i64: 64, 50, 128>}]} {
    %get3A = arith.constant 0 : index
    %get3A_0 = arith.constant 0 : index
    %get3A_1 = vector.load %arg1[%get3A, %get3A_0] : memref<3200x10xf32, #tpu.memory_space<vmem>>, vector<3200x2xf32>
    %get3A_2 = arith.constant 0 : index
    %get3A_3 = arith.constant 0 : index
    %get3A_4 = vector.load %arg3[%get3A_2, %get3A_3] : memref<2x32xf32, #tpu.memory_space<vmem>>, vector<2x32xf32>
    %dot_general3A = arith.constant dense<0.000000e+00> : vector<3200x32xf32>
    %dot_general3A_5 = tpu.matmul %get3A_1, %get3A_4, %dot_general3A {dimension_numbers = #tpu.dot_dimension_numbers<[1], [0], [0], [1], [0, 0, 1, 1], [], []>, precision = #tpu.contract_precision<fp32>, transpose_lhs_hint = false} : vector<3200x2xf32>, vector<2x32xf32>, vector<3200x32xf32> -> vector<3200x32xf32>
    %get3A_6 = arith.constant 0 : index
    %get3A_7 = arith.constant 0 : index
    %get3A_8 = vector.load %arg4[%get3A_6, %get3A_7] : memref<1x32xf32, #tpu.memory_space<vmem>>, vector<1x32xf32>
    %add3A = vector.broadcast %get3A_8 : vector<1x32xf32> to vector<3200x32xf32>
    %add3A_9 = arith.addf %dot_general3A_5, %add3A : vector<3200x32xf32>
    %get3A_10 = arith.constant 0 : index
    %get3A_11 = arith.constant 4 : index
    %get3A_12 = vector.load %arg1[%get3A_10, %get3A_11] : memref<3200x10xf32, #tpu.memory_space<vmem>>, vector<3200x6xf32>
    %get3A_13 = arith.constant 0 : index
    %get3A_14 = arith.constant 0 : index
    %get3A_15 = vector.load %arg5[%get3A_13, %get3A_14] : memref<6x16xf32, #tpu.memory_space<vmem>>, vector<6x16xf32>
    %dot_general3A_16 = arith.constant dense<0.000000e+00> : vector<3200x16xf32>
    %dot_general3A_17 = tpu.matmul %get3A_12, %get3A_15, %dot_general3A_16 {dimension_numbers = #tpu.dot_dimension_numbers<[1], [0], [0], [1], [0, 0, 1, 1], [], []>, precision = #tpu.contract_precision<fp32>, transpose_lhs_hint = false} : vector<3200x6xf32>, vector<6x16xf32>, vector<3200x16xf32> -> vector<3200x16xf32>
    %get3A_18 = arith.constant 0 : index
    %get3A_19 = arith.constant 0 : index
    %get3A_20 = vector.load %arg6[%get3A_18, %get3A_19] : memref<1x16xf32, #tpu.memory_space<vmem>>, vector<1x16xf32>
    %add3A_21 = vector.broadcast %get3A_20 : vector<1x16xf32> to vector<3200x16xf32>
    %add3A_22 = arith.addf %dot_general3A_17, %add3A_21 : vector<3200x16xf32>
    %get3A_23 = arith.constant 0 : index
    %get3A_24 = arith.constant 3 : index
    %get3A_25 = vector.load %arg1[%get3A_23, %get3A_24] : memref<3200x10xf32, #tpu.memory_space<vmem>>, vector<3200x1xf32>
    %get3A_26 = vector.shape_cast %get3A_25 : vector<3200x1xf32> to vector<3200xf32>
    %get3A_27 = arith.constant 0 : index
    %get3A_28 = arith.constant 0 : index
    %get3A_29 = vector.load %arg7[%get3A_27, %get3A_28] : memref<21x16xf32, #tpu.memory_space<vmem>>, vector<21x16xf32>
    %convert_element_type3A = arith.fptosi %get3A_26 : vector<3200xf32> to vector<3200xi32>
    %iota3A = tpu.iota {dimensions = array<i32: 1>} : vector<3200x21xi32>
    %broadcast_in_dim3A = vector.shape_cast %convert_element_type3A : vector<3200xi32> to vector<3200x1xi32>
    %eq3A = vector.broadcast %broadcast_in_dim3A : vector<3200x1xi32> to vector<3200x21xi32>
    %eq3A_30 = arith.cmpi eq, %iota3A, %eq3A : vector<3200x21xi32>
    %convert_element_type3A_31 = arith.extui %eq3A_30 : vector<3200x21xi1> to vector<3200x21xi32>
    %convert_element_type3A_32 = arith.sitofp %convert_element_type3A_31 : vector<3200x21xi32> to vector<3200x21xf32>
    %dot_general3A_33 = arith.constant dense<0.000000e+00> : vector<3200x16xf32>
    %dot_general3A_34 = tpu.matmul %convert_element_type3A_32, %get3A_29, %dot_general3A_33 {dimension_numbers = #tpu.dot_dimension_numbers<[1], [0], [0], [1], [0, 0, 1, 1], [], []>, precision = #tpu.contract_precision<fp32>, transpose_lhs_hint = false} : vector<3200x21xf32>, vector<21x16xf32>, vector<3200x16xf32> -> vector<3200x16xf32>
    %get3A_35 = arith.constant 0 : index
    %get3A_36 = arith.constant 0 : index
    %get3A_37 = vector.load %arg2[%get3A_35, %get3A_36] : memref<3200x64xf32, #tpu.memory_space<vmem>>, vector<3200x64xf32>
    %concatenate3A = tpu.concatenate %add3A_9, %get3A_37, %dot_general3A_34, %add3A_22 in 1 : vector<3200x32xf32>, vector<3200x64xf32>, vector<3200x16xf32>, vector<3200x16xf32> -> vector<3200x128xf32>
    %slice3A = vector.extract_strided_slice %concatenate3A {offsets = [0, 0], sizes = [50, 128], strides = [1, 1]} : vector<3200x128xf32> to vector<50x128xf32>
    %swap3A = arith.constant 0 : index
    %swap3A_38 = arith.constant 0 : index
    %swap3A_39 = arith.constant 0 : index
    %swap3A_40 = vector.load %arg8[%swap3A, %swap3A_38, %swap3A_39] : memref<64x50x128xf32, #tpu.memory_space<vmem>>, vector<1x50x128xf32>
    %swap3A_41 = vector.shape_cast %swap3A_40 : vector<1x50x128xf32> to vector<50x128xf32>
    %swap3A_42 = vector.shape_cast %slice3A : vector<50x128xf32> to vector<1x50x128xf32>
    tpu.vector_store %arg8[%swap3A, %swap3A_38, %swap3A_39], %swap3A_42 {strides = array<i32>} : memref<64x50x128xf32, #tpu.memory_space<vmem>>, vector<1x50x128xf32>,
    %slice3A_43 = vector.extract_strided_slice %concatenate3A {offsets = [50, 0], sizes = [50, 128], strides = [1, 1]} : vector<3200x128xf32> to vector<50x128xf32>
    %swap3A_44 = arith.constant 1 : index
    %swap3A_45 = arith.constant 0 : index
    %swap3A_46 = arith.constant 0 : index
    %swap3A_47 = vector.load %arg8[%swap3A_44, %swap3A_45, %swap3A_46] : memref<64x50x128xf32, #tpu.memory_space<vmem>>, vector<1x50x128xf32>
    %swap3A_48 = vector.shape_cast %swap3A_47 : vector<1x50x128xf32> to vector<50x128xf32>
    %swap3A_49 = vector.shape_cast %slice3A_43 : vector<50x128xf32> to vector<1x50x128xf32>
    tpu.vector_store %arg8[%swap3A_44, %swap3A_45, %swap3A_46], %swap3A_49 {strides = array<i32>} : memref<64x50x128xf32, #tpu.memory_space<vmem>>, vector<1x50x128xf32>,
    %slice3A_50 = vector.extract_strided_slice %concatenate3A {offsets = [100, 0], sizes = [50, 128], strides = [1, 1]} : vector<3200x128xf32> to vector<50x128xf32>
    %swap3A_51 = arith.constant 2 : index
    %swap3A_52 = arith.constant 0 : index
    %swap3A_53 = arith.constant 0 : index
    %swap3A_54 = vector.load %arg8[%swap3A_51, %swap3A_52, %swap3A_53] : memref<64x50x128xf32, #tpu.memory_space<vmem>>, vector<1x50x128xf32>
    %swap3A_55 = vector.shape_cast %swap3A_54 : vector<1x50x128xf32> to vector<50x128xf32>
    %swap3A_56 = vector.shape_cast %slice3A_50 : vector<50x128xf32> to vector<1x50x128xf32>
    tpu.vector_store %arg8[%swap3A_51, %swap3A_52, %swap3A_53], %swap3A_56 {strides = array<i32>} : memref<64x50x128xf32, #tpu.memory_space<vmem>>, vector<1x50x128xf32>,
    %slice3A_57 = vector.extract_strided_slice %concatenate3A {offsets = [150, 0], sizes = [50, 128], strides = [1, 1]} : vector<3200x128xf32> to vector<50x128xf32>
    %swap3A_58 = arith.constant 3 : index
    %swap3A_59 = arith.constant 0 : index
    %swap3A_60 = arith.constant 0 : index
    %swap3A_61 = vector.load %arg8[%swap3A_58, %swap3A_59, %swap3A_60] : memref<64x50x128xf32, #tpu.memory_space<vmem>>, vector<1x50x128xf32>
    %swap3A_62 = vector.shape_cast %swap3A_61 : vector<1x50x128xf32> to vector<50x128xf32>
    %swap3A_63 = vector.shape_cast %slice3A_57 : vector<50x128xf32> to vector<1x50x128xf32>
    tpu.vector_store %arg8[%swap3A_58, %swap3A_59, %swap3A_60], %swap3A_63 {strides = array<i32>} : memref<64x50x128xf32, #tpu.memory_space<vmem>>, vector<1x50x128xf32>,
    %slice3A_64 = vector.extract_strided_slice %concatenate3A {offsets = [200, 0], sizes = [50, 128], strides = [1, 1]} : vector<3200x128xf32> to vector<50x128xf32>
    %swap3A_65 = arith.constant 4 : index
    %swap3A_66 = arith.constant 0 : index
    %swap3A_67 = arith.constant 0 : index
    %swap3A_68 = vector.load %arg8[%swap3A_65, %swap3A_66, %swap3A_67] : memref<64x50x128xf32, #tpu.memory_space<vmem>>, vector<1x50x128xf32>
    %swap3A_69 = vector.shape_cast %swap3A_68 : vector<1x50x128xf32> to vector<50x128xf32>
    %swap3A_70 = vector.shape_cast %slice3A_64 : vector<50x128xf32> to vector<1x50x128xf32>
    tpu.vector_store %arg8[%swap3A_65, %swap3A_66, %swap3A_67], %swap3A_70 {strides = array<i32>} : memref<64x50x128xf32, #tpu.memory_space<vmem>>, vector<1x50x128xf32>,
    %slice3A_71 = vector.extract_strided_slice %concatenate3A {offsets = [250, 0], sizes = [50, 128], strides = [1, 1]} : vector<3200x128xf32> to vector<50x128xf32>
    %swap3A_72 = arith.constant 5 : index
    %swap3A_73 = arith.constant 0 : index
    %swap3A_74 = arith.constant 0 : index
    %swap3A_75 = vector.load %arg8[%swap3A_72, %swap3A_73, %swap3A_74] : memref<64x50x128xf32, #tpu.memory_space<vmem>>, vector<1x50x128xf32>
    %swap3A_76 = vector.shape_cast %swap3A_75 : vector<1x50x128xf32> to vector<50x128xf32>
    %swap3A_77 = vector.shape_cast %slice3A_71 : vector<50x128xf32> to vector<1x50x128xf32>
    tpu.vector_store %arg8[%swap3A_72, %swap3A_73, %swap3A_74], %swap3A_77 {strides = array<i32>} : memref<64x50x128xf32, #tpu.memory_space<vmem>>, vector<1x50x128xf32>,
    %slice3A_78 = vector.extract_strided_slice %concatenate3A {offsets = [300, 0], sizes = [50, 128], strides = [1, 1]} : vector<3200x128xf32> to vector<50x128xf32>
    %swap3A_79 = arith.constant 6 : index
    %swap3A_80 = arith.constant 0 : index
    %swap3A_81 = arith.constant 0 : index
    %swap3A_82 = vector.load %arg8[%swap3A_79, %swap3A_80, %swap3A_81] : memref<64x50x128xf32, #tpu.memory_space<vmem>>, vector<1x50x128xf32>
    %swap3A_83 = vector.shape_cast %swap3A_82 : vector<1x50x128xf32> to vector<50x128xf32>
    %swap3A_84 = vector.shape_cast %slice3A_78 : vector<50x128xf32> to vector<1x50x128xf32>
    tpu.vector_store %arg8[%swap3A_79, %swap3A_80, %swap3A_81], %swap3A_84 {strides = array<i32>} : memref<64x50x128xf32, #tpu.memory_space<vmem>>, vector<1x50x128xf32>,
    %slice3A_85 = vector.extract_strided_slice %concatenate3A {offsets = [350, 0], sizes = [50, 128], strides = [1, 1]} : vector<3200x128xf32> to vector<50x128xf32>
    %swap3A_86 = arith.constant 7 : index
    %swap3A_87 = arith.constant 0 : index
    %swap3A_88 = arith.constant 0 : index
    %swap3A_89 = vector.load %arg8[%swap3A_86, %swap3A_87, %swap3A_88] : memref<64x50x128xf32, #tpu.memory_space<vmem>>, vector<1x50x128xf32>
    %swap3A_90 = vector.shape_cast %swap3A_89 : vector<1x50x128xf32> to vector<50x128xf32>
    %swap3A_91 = vector.shape_cast %slice3A_85 : vector<50x128xf32> to vector<1x50x128xf32>
    tpu.vector_store %arg8[%swap3A_86, %swap3A_87, %swap3A_88], %swap3A_91 {strides = array<i32>} : memref<64x50x128xf32, #tpu.memory_space<vmem>>, vector<1x50x128xf32>,
    %slice3A_92 = vector.extract_strided_slice %concatenate3A {offsets = [400, 0], sizes = [50, 128], strides = [1, 1]} : vector<3200x128xf32> to vector<50x128xf32>
    %swap3A_93 = arith.constant 8 : index
    %swap3A_94 = arith.constant 0 : index
    %swap3A_95 = arith.constant 0 : index
    %swap3A_96 = vector.load %arg8[%swap3A_93, %swap3A_94, %swap3A_95] : memref<64x50x128xf32, #tpu.memory_space<vmem>>, vector<1x50x128xf32>
    %swap3A_97 = vector.shape_cast %swap3A_96 : vector<1x50x128xf32> to vector<50x128xf32>
    %swap3A_98 = vector.shape_cast %slice3A_92 : vector<50x128xf32> to vector<1x50x128xf32>
    tpu.vector_store %arg8[%swap3A_93, %swap3A_94, %swap3A_95], %swap3A_98 {strides = array<i32>} : memref<64x50x128xf32, #tpu.memory_space<vmem>>, vector<1x50x128xf32>,
    %slice3A_99 = vector.extract_strided_slice %concatenate3A {offsets = [450, 0], sizes = [50, 128], strides = [1, 1]} : vector<3200x128xf32> to vector<50x128xf32>
    %swap3A_100 = arith.constant 9 : index
    %swap3A_101 = arith.constant 0 : index
    %swap3A_102 = arith.constant 0 : index
    %swap3A_103 = vector.load %arg8[%swap3A_100, %swap3A_101, %swap3A_102] : memref<64x50x128xf32, #tpu.memory_space<vmem>>, vector<1x50x128xf32>
    %swap3A_104 = vector.shape_cast %swap3A_103 : vector<1x50x128xf32> to vector<50x128xf32>
    %swap3A_105 = vector.shape_cast %slice3A_99 : vector<50x128xf32> to vector<1x50x128xf32>
    tpu.vector_store %arg8[%swap3A_100, %swap3A_101, %swap3A_102], %swap3A_105 {strides = array<i32>} : memref<64x50x128xf32, #tpu.memory_space<vmem>>, vector<1x50x128xf32>,
    %slice3A_106 = vector.extract_strided_slice %concatenate3A {offsets = [500, 0], sizes = [50, 128], strides = [1, 1]} : vector<3200x128xf32> to vector<50x128xf32>
    %swap3A_107 = arith.constant 10 : index
    %swap3A_108 = arith.constant 0 : index
    %swap3A_109 = arith.constant 0 : index
    %swap3A_110 = vector.load %arg8[%swap3A_107, %swap3A_108, %swap3A_109] : memref<64x50x128xf32, #tpu.memory_space<vmem>>, vector<1x50x128xf32>
    %swap3A_111 = vector.shape_cast %swap3A_110 : vector<1x50x128xf32> to vector<50x128xf32>
    %swap3A_112 = vector.shape_cast %slice3A_106 : vector<50x128xf32> to vector<1x50x128xf32>
    tpu.vector_store %arg8[%swap3A_107, %swap3A_108, %swap3A_109], %swap3A_112 {strides = array<i32>} : memref<64x50x128xf32, #tpu.memory_space<vmem>>, vector<1x50x128xf32>,
    %slice3A_113 = vector.extract_strided_slice %concatenate3A {offsets = [550, 0], sizes = [50, 128], strides = [1, 1]} : vector<3200x128xf32> to vector<50x128xf32>
    %swap3A_114 = arith.constant 11 : index
    %swap3A_115 = arith.constant 0 : index
    %swap3A_116 = arith.constant 0 : index
    %swap3A_117 = vector.load %arg8[%swap3A_114, %swap3A_115, %swap3A_116] : memref<64x50x128xf32, #tpu.memory_space<vmem>>, vector<1x50x128xf32>
    %swap3A_118 = vector.shape_cast %swap3A_117 : vector<1x50x128xf32> to vector<50x128xf32>
    %swap3A_119 = vector.shape_cast %slice3A_113 : vector<50x128xf32> to vector<1x50x128xf32>
    tpu.vector_store %arg8[%swap3A_114, %swap3A_115, %swap3A_116], %swap3A_119 {strides = array<i32>} : memref<64x50x128xf32, #tpu.memory_space<vmem>>, vector<1x50x128xf32>,
    %slice3A_120 = vector.extract_strided_slice %concatenate3A {offsets = [600, 0], sizes = [50, 128], strides = [1, 1]} : vector<3200x128xf32> to vector<50x128xf32>
    %swap3A_121 = arith.constant 12 : index
    %swap3A_122 = arith.constant 0 : index
    %swap3A_123 = arith.constant 0 : index
    %swap3A_124 = vector.load %arg8[%swap3A_121, %swap3A_122, %swap3A_123] : memref<64x50x128xf32, #tpu.memory_space<vmem>>, vector<1x50x128xf32>
    %swap3A_125 = vector.shape_cast %swap3A_124 : vector<1x50x128xf32> to vector<50x128xf32>
    %swap3A_126 = vector.shape_cast %slice3A_120 : vector<50x128xf32> to vector<1x50x128xf32>
    tpu.vector_store %arg8[%swap3A_121, %swap3A_122, %swap3A_123], %swap3A_126 {strides = array<i32>} : memref<64x50x128xf32, #tpu.memory_space<vmem>>, vector<1x50x128xf32>,
    %slice3A_127 = vector.extract_strided_slice %concatenate3A {offsets = [650, 0], sizes = [50, 128], strides = [1, 1]} : vector<3200x128xf32> to vector<50x128xf32>
    %swap3A_128 = arith.constant 13 : index
    %swap3A_129 = arith.constant 0 : index
    %swap3A_130 = arith.constant 0 : index
    %swap3A_131 = vector.load %arg8[%swap3A_128, %swap3A_129, %swap3A_130] : memref<64x50x128xf32, #tpu.memory_space<vmem>>, vector<1x50x128xf32>
    %swap3A_132 = vector.shape_cast %swap3A_131 : vector<1x50x128xf32> to vector<50x128xf32>
    %swap3A_133 = vector.shape_cast %slice3A_127 : vector<50x128xf32> to vector<1x50x128xf32>
    tpu.vector_store %arg8[%swap3A_128, %swap3A_129, %swap3A_130], %swap3A_133 {strides = array<i32>} : memref<64x50x128xf32, #tpu.memory_space<vmem>>, vector<1x50x128xf32>,
    %slice3A_134 = vector.extract_strided_slice %concatenate3A {offsets = [700, 0], sizes = [50, 128], strides = [1, 1]} : vector<3200x128xf32> to vector<50x128xf32>
    %swap3A_135 = arith.constant 14 : index
    %swap3A_136 = arith.constant 0 : index
    %swap3A_137 = arith.constant 0 : index
    %swap3A_138 = vector.load %arg8[%swap3A_135, %swap3A_136, %swap3A_137] : memref<64x50x128xf32, #tpu.memory_space<vmem>>, vector<1x50x128xf32>
    %swap3A_139 = vector.shape_cast %swap3A_138 : vector<1x50x128xf32> to vector<50x128xf32>
    %swap3A_140 = vector.shape_cast %slice3A_134 : vector<50x128xf32> to vector<1x50x128xf32>
    tpu.vector_store %arg8[%swap3A_135, %swap3A_136, %swap3A_137], %swap3A_140 {strides = array<i32>} : memref<64x50x128xf32, #tpu.memory_space<vmem>>, vector<1x50x128xf32>,
    %slice3A_141 = vector.extract_strided_slice %concatenate3A {offsets = [750, 0], sizes = [50, 128], strides = [1, 1]} : vector<3200x128xf32> to vector<50x128xf32>
    %swap3A_142 = arith.constant 15 : index
    %swap3A_143 = arith.constant 0 : index
    %swap3A_144 = arith.constant 0 : index
    %swap3A_145 = vector.load %arg8[%swap3A_142, %swap3A_143, %swap3A_144] : memref<64x50x128xf32, #tpu.memory_space<vmem>>, vector<1x50x128xf32>
    %swap3A_146 = vector.shape_cast %swap3A_145 : vector<1x50x128xf32> to vector<50x128xf32>
    %swap3A_147 = vector.shape_cast %slice3A_141 : vector<50x128xf32> to vector<1x50x128xf32>
    tpu.vector_store %arg8[%swap3A_142, %swap3A_143, %swap3A_144], %swap3A_147 {strides = array<i32>} : memref<64x50x128xf32, #tpu.memory_space<vmem>>, vector<1x50x128xf32>,
    %slice3A_148 = vector.extract_strided_slice %concatenate3A {offsets = [800, 0], sizes = [50, 128], strides = [1, 1]} : vector<3200x128xf32> to vector<50x128xf32>
    %swap3A_149 = arith.constant 16 : index
    %swap3A_150 = arith.constant 0 : index
    %swap3A_151 = arith.constant 0 : index
    %swap3A_152 = vector.load %arg8[%swap3A_149, %swap3A_150, %swap3A_151] : memref<64x50x128xf32, #tpu.memory_space<vmem>>, vector<1x50x128xf32>
    %swap3A_153 = vector.shape_cast %swap3A_152 : vector<1x50x128xf32> to vector<50x128xf32>
    %swap3A_154 = vector.shape_cast %slice3A_148 : vector<50x128xf32> to vector<1x50x128xf32>
    tpu.vector_store %arg8[%swap3A_149, %swap3A_150, %swap3A_151], %swap3A_154 {strides = array<i32>} : memref<64x50x128xf32, #tpu.memory_space<vmem>>, vector<1x50x128xf32>,
    %slice3A_155 = vector.extract_strided_slice %concatenate3A {offsets = [850, 0], sizes = [50, 128], strides = [1, 1]} : vector<3200x128xf32> to vector<50x128xf32>
    %swap3A_156 = arith.constant 17 : index
    %swap3A_157 = arith.constant 0 : index
    %swap3A_158 = arith.constant 0 : index
    %swap3A_159 = vector.load %arg8[%swap3A_156, %swap3A_157, %swap3A_158] : memref<64x50x128xf32, #tpu.memory_space<vmem>>, vector<1x50x128xf32>
    %swap3A_160 = vector.shape_cast %swap3A_159 : vector<1x50x128xf32> to vector<50x128xf32>
    %swap3A_161 = vector.shape_cast %slice3A_155 : vector<50x128xf32> to vector<1x50x128xf32>
    tpu.vector_store %arg8[%swap3A_156, %swap3A_157, %swap3A_158], %swap3A_161 {strides = array<i32>} : memref<64x50x128xf32, #tpu.memory_space<vmem>>, vector<1x50x128xf32>,
    %slice3A_162 = vector.extract_strided_slice %concatenate3A {offsets = [900, 0], sizes = [50, 128], strides = [1, 1]} : vector<3200x128xf32> to vector<50x128xf32>
    %swap3A_163 = arith.constant 18 : index
    %swap3A_164 = arith.constant 0 : index
    %swap3A_165 = arith.constant 0 : index
    %swap3A_166 = vector.load %arg8[%swap3A_163, %swap3A_164, %swap3A_165] : memref<64x50x128xf32, #tpu.memory_space<vmem>>, vector<1x50x128xf32>
    %swap3A_167 = vector.shape_cast %swap3A_166 : vector<1x50x128xf32> to vector<50x128xf32>
    %swap3A_168 = vector.shape_cast %slice3A_162 : vector<50x128xf32> to vector<1x50x128xf32>
    tpu.vector_store %arg8[%swap3A_163, %swap3A_164, %swap3A_165], %swap3A_168 {strides = array<i32>} : memref<64x50x128xf32, #tpu.memory_space<vmem>>, vector<1x50x128xf32>,
    %slice3A_169 = vector.extract_strided_slice %concatenate3A {offsets = [950, 0], sizes = [50, 128], strides = [1, 1]} : vector<3200x128xf32> to vector<50x128xf32>
    %swap3A_170 = arith.constant 19 : index
    %swap3A_171 = arith.constant 0 : index
    %swap3A_172 = arith.constant 0 : index
    %swap3A_173 = vector.load %arg8[%swap3A_170, %swap3A_171, %swap3A_172] : memref<64x50x128xf32, #tpu.memory_space<vmem>>, vector<1x50x128xf32>
    %swap3A_174 = vector.shape_cast %swap3A_173 : vector<1x50x128xf32> to vector<50x128xf32>
    %swap3A_175 = vector.shape_cast %slice3A_169 : vector<50x128xf32> to vector<1x50x128xf32>
    tpu.vector_store %arg8[%swap3A_170, %swap3A_171, %swap3A_172], %swap3A_175 {strides = array<i32>} : memref<64x50x128xf32, #tpu.memory_space<vmem>>, vector<1x50x128xf32>,
    %slice3A_176 = vector.extract_strided_slice %concatenate3A {offsets = [1000, 0], sizes = [50, 128], strides = [1, 1]} : vector<3200x128xf32> to vector<50x128xf32>
    %swap3A_177 = arith.constant 20 : index
    %swap3A_178 = arith.constant 0 : index
    %swap3A_179 = arith.constant 0 : index
    %swap3A_180 = vector.load %arg8[%swap3A_177, %swap3A_178, %swap3A_179] : memref<64x50x128xf32, #tpu.memory_space<vmem>>, vector<1x50x128xf32>
    %swap3A_181 = vector.shape_cast %swap3A_180 : vector<1x50x128xf32> to vector<50x128xf32>
    %swap3A_182 = vector.shape_cast %slice3A_176 : vector<50x128xf32> to vector<1x50x128xf32>
    tpu.vector_store %arg8[%swap3A_177, %swap3A_178, %swap3A_179], %swap3A_182 {strides = array<i32>} : memref<64x50x128xf32, #tpu.memory_space<vmem>>, vector<1x50x128xf32>,
    %slice3A_183 = vector.extract_strided_slice %concatenate3A {offsets = [1050, 0], sizes = [50, 128], strides = [1, 1]} : vector<3200x128xf32> to vector<50x128xf32>
    %swap3A_184 = arith.constant 21 : index
    %swap3A_185 = arith.constant 0 : index
    %swap3A_186 = arith.constant 0 : index
    %swap3A_187 = vector.load %arg8[%swap3A_184, %swap3A_185, %swap3A_186] : memref<64x50x128xf32, #tpu.memory_space<vmem>>, vector<1x50x128xf32>
    %swap3A_188 = vector.shape_cast %swap3A_187 : vector<1x50x128xf32> to vector<50x128xf32>
    %swap3A_189 = vector.shape_cast %slice3A_183 : vector<50x128xf32> to vector<1x50x128xf32>
    tpu.vector_store %arg8[%swap3A_184, %swap3A_185, %swap3A_186], %swap3A_189 {strides = array<i32>} : memref<64x50x128xf32, #tpu.memory_space<vmem>>, vector<1x50x128xf32>,
    %slice3A_190 = vector.extract_strided_slice %concatenate3A {offsets = [1100, 0], sizes = [50, 128], strides = [1, 1]} : vector<3200x128xf32> to vector<50x128xf32>
    %swap3A_191 = arith.constant 22 : index
    %swap3A_192 = arith.constant 0 : index
    %swap3A_193 = arith.constant 0 : index
    %swap3A_194 = vector.load %arg8[%swap3A_191, %swap3A_192, %swap3A_193] : memref<64x50x128xf32, #tpu.memory_space<vmem>>, vector<1x50x128xf32>
    %swap3A_195 = vector.shape_cast %swap3A_194 : vector<1x50x128xf32> to vector<50x128xf32>
    %swap3A_196 = vector.shape_cast %slice3A_190 : vector<50x128xf32> to vector<1x50x128xf32>
    tpu.vector_store %arg8[%swap3A_191, %swap3A_192, %swap3A_193], %swap3A_196 {strides = array<i32>} : memref<64x50x128xf32, #tpu.memory_space<vmem>>, vector<1x50x128xf32>,
    %slice3A_197 = vector.extract_strided_slice %concatenate3A {offsets = [1150, 0], sizes = [50, 128], strides = [1, 1]} : vector<3200x128xf32> to vector<50x128xf32>
    %swap3A_198 = arith.constant 23 : index
    %swap3A_199 = arith.constant 0 : index
    %swap3A_200 = arith.constant 0 : index
    %swap3A_201 = vector.load %arg8[%swap3A_198, %swap3A_199, %swap3A_200] : memref<64x50x128xf32, #tpu.memory_space<vmem>>, vector<1x50x128xf32>
    %swap3A_202 = vector.shape_cast %swap3A_201 : vector<1x50x128xf32> to vector<50x128xf32>
    %swap3A_203 = vector.shape_cast %slice3A_197 : vector<50x128xf32> to vector<1x50x128xf32>
    tpu.vector_store %arg8[%swap3A_198, %swap3A_199, %swap3A_200], %swap3A_203 {strides = array<i32>} : memref<64x50x128xf32, #tpu.memory_space<vmem>>, vector<1x50x128xf32>,
    %slice3A_204 = vector.extract_strided_slice %concatenate3A {offsets = [1200, 0], sizes = [50, 128], strides = [1, 1]} : vector<3200x128xf32> to vector<50x128xf32>
    %swap3A_205 = arith.constant 24 : index
    %swap3A_206 = arith.constant 0 : index
    %swap3A_207 = arith.constant 0 : index
    %swap3A_208 = vector.load %arg8[%swap3A_205, %swap3A_206, %swap3A_207] : memref<64x50x128xf32, #tpu.memory_space<vmem>>, vector<1x50x128xf32>
    %swap3A_209 = vector.shape_cast %swap3A_208 : vector<1x50x128xf32> to vector<50x128xf32>
    %swap3A_210 = vector.shape_cast %slice3A_204 : vector<50x128xf32> to vector<1x50x128xf32>
    tpu.vector_store %arg8[%swap3A_205, %swap3A_206, %swap3A_207], %swap3A_210 {strides = array<i32>} : memref<64x50x128xf32, #tpu.memory_space<vmem>>, vector<1x50x128xf32>,
    %slice3A_211 = vector.extract_strided_slice %concatenate3A {offsets = [1250, 0], sizes = [50, 128], strides = [1, 1]} : vector<3200x128xf32> to vector<50x128xf32>
    %swap3A_212 = arith.constant 25 : index
    %swap3A_213 = arith.constant 0 : index
    %swap3A_214 = arith.constant 0 : index
    %swap3A_215 = vector.load %arg8[%swap3A_212, %swap3A_213, %swap3A_214] : memref<64x50x128xf32, #tpu.memory_space<vmem>>, vector<1x50x128xf32>
    %swap3A_216 = vector.shape_cast %swap3A_215 : vector<1x50x128xf32> to vector<50x128xf32>
    %swap3A_217 = vector.shape_cast %slice3A_211 : vector<50x128xf32> to vector<1x50x128xf32>
    tpu.vector_store %arg8[%swap3A_212, %swap3A_213, %swap3A_214], %swap3A_217 {strides = array<i32>} : memref<64x50x128xf32, #tpu.memory_space<vmem>>, vector<1x50x128xf32>,
    %slice3A_218 = vector.extract_strided_slice %concatenate3A {offsets = [1300, 0], sizes = [50, 128], strides = [1, 1]} : vector<3200x128xf32> to vector<50x128xf32>
    %swap3A_219 = arith.constant 26 : index
    %swap3A_220 = arith.constant 0 : index
    %swap3A_221 = arith.constant 0 : index
    %swap3A_222 = vector.load %arg8[%swap3A_219, %swap3A_220, %swap3A_221] : memref<64x50x128xf32, #tpu.memory_space<vmem>>, vector<1x50x128xf32>
    %swap3A_223 = vector.shape_cast %swap3A_222 : vector<1x50x128xf32> to vector<50x128xf32>
    %swap3A_224 = vector.shape_cast %slice3A_218 : vector<50x128xf32> to vector<1x50x128xf32>
    tpu.vector_store %arg8[%swap3A_219, %swap3A_220, %swap3A_221], %swap3A_224 {strides = array<i32>} : memref<64x50x128xf32, #tpu.memory_space<vmem>>, vector<1x50x128xf32>,
    %slice3A_225 = vector.extract_strided_slice %concatenate3A {offsets = [1350, 0], sizes = [50, 128], strides = [1, 1]} : vector<3200x128xf32> to vector<50x128xf32>
    %swap3A_226 = arith.constant 27 : index
    %swap3A_227 = arith.constant 0 : index
    %swap3A_228 = arith.constant 0 : index
    %swap3A_229 = vector.load %arg8[%swap3A_226, %swap3A_227, %swap3A_228] : memref<64x50x128xf32, #tpu.memory_space<vmem>>, vector<1x50x128xf32>
    %swap3A_230 = vector.shape_cast %swap3A_229 : vector<1x50x128xf32> to vector<50x128xf32>
    %swap3A_231 = vector.shape_cast %slice3A_225 : vector<50x128xf32> to vector<1x50x128xf32>
    tpu.vector_store %arg8[%swap3A_226, %swap3A_227, %swap3A_228], %swap3A_231 {strides = array<i32>} : memref<64x50x128xf32, #tpu.memory_space<vmem>>, vector<1x50x128xf32>,
    %slice3A_232 = vector.extract_strided_slice %concatenate3A {offsets = [1400, 0], sizes = [50, 128], strides = [1, 1]} : vector<3200x128xf32> to vector<50x128xf32>
    %swap3A_233 = arith.constant 28 : index
    %swap3A_234 = arith.constant 0 : index
    %swap3A_235 = arith.constant 0 : index
    %swap3A_236 = vector.load %arg8[%swap3A_233, %swap3A_234, %swap3A_235] : memref<64x50x128xf32, #tpu.memory_space<vmem>>, vector<1x50x128xf32>
    %swap3A_237 = vector.shape_cast %swap3A_236 : vector<1x50x128xf32> to vector<50x128xf32>
    %swap3A_238 = vector.shape_cast %slice3A_232 : vector<50x128xf32> to vector<1x50x128xf32>
    tpu.vector_store %arg8[%swap3A_233, %swap3A_234, %swap3A_235], %swap3A_238 {strides = array<i32>} : memref<64x50x128xf32, #tpu.memory_space<vmem>>, vector<1x50x128xf32>,
    %slice3A_239 = vector.extract_strided_slice %concatenate3A {offsets = [1450, 0], sizes = [50, 128], strides = [1, 1]} : vector<3200x128xf32> to vector<50x128xf32>
    %swap3A_240 = arith.constant 29 : index
    %swap3A_241 = arith.constant 0 : index
    %swap3A_242 = arith.constant 0 : index
    %swap3A_243 = vector.load %arg8[%swap3A_240, %swap3A_241, %swap3A_242] : memref<64x50x128xf32, #tpu.memory_space<vmem>>, vector<1x50x128xf32>
    %swap3A_244 = vector.shape_cast %swap3A_243 : vector<1x50x128xf32> to vector<50x128xf32>
    %swap3A_245 = vector.shape_cast %slice3A_239 : vector<50x128xf32> to vector<1x50x128xf32>
    tpu.vector_store %arg8[%swap3A_240, %swap3A_241, %swap3A_242], %swap3A_245 {strides = array<i32>} : memref<64x50x128xf32, #tpu.memory_space<vmem>>, vector<1x50x128xf32>,
    %slice3A_246 = vector.extract_strided_slice %concatenate3A {offsets = [1500, 0], sizes = [50, 128], strides = [1, 1]} : vector<3200x128xf32> to vector<50x128xf32>
    %swap3A_247 = arith.constant 30 : index
    %swap3A_248 = arith.constant 0 : index
    %swap3A_249 = arith.constant 0 : index
    %swap3A_250 = vector.load %arg8[%swap3A_247, %swap3A_248, %swap3A_249] : memref<64x50x128xf32, #tpu.memory_space<vmem>>, vector<1x50x128xf32>
    %swap3A_251 = vector.shape_cast %swap3A_250 : vector<1x50x128xf32> to vector<50x128xf32>
    %swap3A_252 = vector.shape_cast %slice3A_246 : vector<50x128xf32> to vector<1x50x128xf32>
    tpu.vector_store %arg8[%swap3A_247, %swap3A_248, %swap3A_249], %swap3A_252 {strides = array<i32>} : memref<64x50x128xf32, #tpu.memory_space<vmem>>, vector<1x50x128xf32>,
    %slice3A_253 = vector.extract_strided_slice %concatenate3A {offsets = [1550, 0], sizes = [50, 128], strides = [1, 1]} : vector<3200x128xf32> to vector<50x128xf32>
    %swap3A_254 = arith.constant 31 : index
    %swap3A_255 = arith.constant 0 : index
    %swap3A_256 = arith.constant 0 : index
    %swap3A_257 = vector.load %arg8[%swap3A_254, %swap3A_255, %swap3A_256] : memref<64x50x128xf32, #tpu.memory_space<vmem>>, vector<1x50x128xf32>
    %swap3A_258 = vector.shape_cast %swap3A_257 : vector<1x50x128xf32> to vector<50x128xf32>
    %swap3A_259 = vector.shape_cast %slice3A_253 : vector<50x128xf32> to vector<1x50x128xf32>
    tpu.vector_store %arg8[%swap3A_254, %swap3A_255, %swap3A_256], %swap3A_259 {strides = array<i32>} : memref<64x50x128xf32, #tpu.memory_space<vmem>>, vector<1x50x128xf32>,
    %slice3A_260 = vector.extract_strided_slice %concatenate3A {offsets = [1600, 0], sizes = [50, 128], strides = [1, 1]} : vector<3200x128xf32> to vector<50x128xf32>
    %swap3A_261 = arith.constant 32 : index
    %swap3A_262 = arith.constant 0 : index
    %swap3A_263 = arith.constant 0 : index
    %swap3A_264 = vector.load %arg8[%swap3A_261, %swap3A_262, %swap3A_263] : memref<64x50x128xf32, #tpu.memory_space<vmem>>, vector<1x50x128xf32>
    %swap3A_265 = vector.shape_cast %swap3A_264 : vector<1x50x128xf32> to vector<50x128xf32>
    %swap3A_266 = vector.shape_cast %slice3A_260 : vector<50x128xf32> to vector<1x50x128xf32>
    tpu.vector_store %arg8[%swap3A_261, %swap3A_262, %swap3A_263], %swap3A_266 {strides = array<i32>} : memref<64x50x128xf32, #tpu.memory_space<vmem>>, vector<1x50x128xf32>,
    %slice3A_267 = vector.extract_strided_slice %concatenate3A {offsets = [1650, 0], sizes = [50, 128], strides = [1, 1]} : vector<3200x128xf32> to vector<50x128xf32>
    %swap3A_268 = arith.constant 33 : index
    %swap3A_269 = arith.constant 0 : index
    %swap3A_270 = arith.constant 0 : index
    %swap3A_271 = vector.load %arg8[%swap3A_268, %swap3A_269, %swap3A_270] : memref<64x50x128xf32, #tpu.memory_space<vmem>>, vector<1x50x128xf32>
    %swap3A_272 = vector.shape_cast %swap3A_271 : vector<1x50x128xf32> to vector<50x128xf32>
    %swap3A_273 = vector.shape_cast %slice3A_267 : vector<50x128xf32> to vector<1x50x128xf32>
    tpu.vector_store %arg8[%swap3A_268, %swap3A_269, %swap3A_270], %swap3A_273 {strides = array<i32>} : memref<64x50x128xf32, #tpu.memory_space<vmem>>, vector<1x50x128xf32>,
    %slice3A_274 = vector.extract_strided_slice %concatenate3A {offsets = [1700, 0], sizes = [50, 128], strides = [1, 1]} : vector<3200x128xf32> to vector<50x128xf32>
    %swap3A_275 = arith.constant 34 : index
    %swap3A_276 = arith.constant 0 : index
    %swap3A_277 = arith.constant 0 : index
    %swap3A_278 = vector.load %arg8[%swap3A_275, %swap3A_276, %swap3A_277] : memref<64x50x128xf32, #tpu.memory_space<vmem>>, vector<1x50x128xf32>
    %swap3A_279 = vector.shape_cast %swap3A_278 : vector<1x50x128xf32> to vector<50x128xf32>
    %swap3A_280 = vector.shape_cast %slice3A_274 : vector<50x128xf32> to vector<1x50x128xf32>
    tpu.vector_store %arg8[%swap3A_275, %swap3A_276, %swap3A_277], %swap3A_280 {strides = array<i32>} : memref<64x50x128xf32, #tpu.memory_space<vmem>>, vector<1x50x128xf32>,
    %slice3A_281 = vector.extract_strided_slice %concatenate3A {offsets = [1750, 0], sizes = [50, 128], strides = [1, 1]} : vector<3200x128xf32> to vector<50x128xf32>
    %swap3A_282 = arith.constant 35 : index
    %swap3A_283 = arith.constant 0 : index
    %swap3A_284 = arith.constant 0 : index
    %swap3A_285 = vector.load %arg8[%swap3A_282, %swap3A_283, %swap3A_284] : memref<64x50x128xf32, #tpu.memory_space<vmem>>, vector<1x50x128xf32>
    %swap3A_286 = vector.shape_cast %swap3A_285 : vector<1x50x128xf32> to vector<50x128xf32>
    %swap3A_287 = vector.shape_cast %slice3A_281 : vector<50x128xf32> to vector<1x50x128xf32>
    tpu.vector_store %arg8[%swap3A_282, %swap3A_283, %swap3A_284], %swap3A_287 {strides = array<i32>} : memref<64x50x128xf32, #tpu.memory_space<vmem>>, vector<1x50x128xf32>,
    %slice3A_288 = vector.extract_strided_slice %concatenate3A {offsets = [1800, 0], sizes = [50, 128], strides = [1, 1]} : vector<3200x128xf32> to vector<50x128xf32>
    %swap3A_289 = arith.constant 36 : index
    %swap3A_290 = arith.constant 0 : index
    %swap3A_291 = arith.constant 0 : index
    %swap3A_292 = vector.load %arg8[%swap3A_289, %swap3A_290, %swap3A_291] : memref<64x50x128xf32, #tpu.memory_space<vmem>>, vector<1x50x128xf32>
    %swap3A_293 = vector.shape_cast %swap3A_292 : vector<1x50x128xf32> to vector<50x128xf32>
    %swap3A_294 = vector.shape_cast %slice3A_288 : vector<50x128xf32> to vector<1x50x128xf32>
    tpu.vector_store %arg8[%swap3A_289, %swap3A_290, %swap3A_291], %swap3A_294 {strides = array<i32>} : memref<64x50x128xf32, #tpu.memory_space<vmem>>, vector<1x50x128xf32>,
    %slice3A_295 = vector.extract_strided_slice %concatenate3A {offsets = [1850, 0], sizes = [50, 128], strides = [1, 1]} : vector<3200x128xf32> to vector<50x128xf32>
    %swap3A_296 = arith.constant 37 : index
    %swap3A_297 = arith.constant 0 : index
    %swap3A_298 = arith.constant 0 : index
    %swap3A_299 = vector.load %arg8[%swap3A_296, %swap3A_297, %swap3A_298] : memref<64x50x128xf32, #tpu.memory_space<vmem>>, vector<1x50x128xf32>
    %swap3A_300 = vector.shape_cast %swap3A_299 : vector<1x50x128xf32> to vector<50x128xf32>
    %swap3A_301 = vector.shape_cast %slice3A_295 : vector<50x128xf32> to vector<1x50x128xf32>
    tpu.vector_store %arg8[%swap3A_296, %swap3A_297, %swap3A_298], %swap3A_301 {strides = array<i32>} : memref<64x50x128xf32, #tpu.memory_space<vmem>>, vector<1x50x128xf32>,
    %slice3A_302 = vector.extract_strided_slice %concatenate3A {offsets = [1900, 0], sizes = [50, 128], strides = [1, 1]} : vector<3200x128xf32> to vector<50x128xf32>
    %swap3A_303 = arith.constant 38 : index
    %swap3A_304 = arith.constant 0 : index
    %swap3A_305 = arith.constant 0 : index
    %swap3A_306 = vector.load %arg8[%swap3A_303, %swap3A_304, %swap3A_305] : memref<64x50x128xf32, #tpu.memory_space<vmem>>, vector<1x50x128xf32>
    %swap3A_307 = vector.shape_cast %swap3A_306 : vector<1x50x128xf32> to vector<50x128xf32>
    %swap3A_308 = vector.shape_cast %slice3A_302 : vector<50x128xf32> to vector<1x50x128xf32>
    tpu.vector_store %arg8[%swap3A_303, %swap3A_304, %swap3A_305], %swap3A_308 {strides = array<i32>} : memref<64x50x128xf32, #tpu.memory_space<vmem>>, vector<1x50x128xf32>,
    %slice3A_309 = vector.extract_strided_slice %concatenate3A {offsets = [1950, 0], sizes = [50, 128], strides = [1, 1]} : vector<3200x128xf32> to vector<50x128xf32>
    %swap3A_310 = arith.constant 39 : index
    %swap3A_311 = arith.constant 0 : index
    %swap3A_312 = arith.constant 0 : index
    %swap3A_313 = vector.load %arg8[%swap3A_310, %swap3A_311, %swap3A_312] : memref<64x50x128xf32, #tpu.memory_space<vmem>>, vector<1x50x128xf32>
    %swap3A_314 = vector.shape_cast %swap3A_313 : vector<1x50x128xf32> to vector<50x128xf32>
    %swap3A_315 = vector.shape_cast %slice3A_309 : vector<50x128xf32> to vector<1x50x128xf32>
    tpu.vector_store %arg8[%swap3A_310, %swap3A_311, %swap3A_312], %swap3A_315 {strides = array<i32>} : memref<64x50x128xf32, #tpu.memory_space<vmem>>, vector<1x50x128xf32>,
    %slice3A_316 = vector.extract_strided_slice %concatenate3A {offsets = [2000, 0], sizes = [50, 128], strides = [1, 1]} : vector<3200x128xf32> to vector<50x128xf32>
    %swap3A_317 = arith.constant 40 : index
    %swap3A_318 = arith.constant 0 : index
    %swap3A_319 = arith.constant 0 : index
    %swap3A_320 = vector.load %arg8[%swap3A_317, %swap3A_318, %swap3A_319] : memref<64x50x128xf32, #tpu.memory_space<vmem>>, vector<1x50x128xf32>
    %swap3A_321 = vector.shape_cast %swap3A_320 : vector<1x50x128xf32> to vector<50x128xf32>
    %swap3A_322 = vector.shape_cast %slice3A_316 : vector<50x128xf32> to vector<1x50x128xf32>
    tpu.vector_store %arg8[%swap3A_317, %swap3A_318, %swap3A_319], %swap3A_322 {strides = array<i32>} : memref<64x50x128xf32, #tpu.memory_space<vmem>>, vector<1x50x128xf32>,
    %slice3A_323 = vector.extract_strided_slice %concatenate3A {offsets = [2050, 0], sizes = [50, 128], strides = [1, 1]} : vector<3200x128xf32> to vector<50x128xf32>
    %swap3A_324 = arith.constant 41 : index
    %swap3A_325 = arith.constant 0 : index
    %swap3A_326 = arith.constant 0 : index
    %swap3A_327 = vector.load %arg8[%swap3A_324, %swap3A_325, %swap3A_326] : memref<64x50x128xf32, #tpu.memory_space<vmem>>, vector<1x50x128xf32>
    %swap3A_328 = vector.shape_cast %swap3A_327 : vector<1x50x128xf32> to vector<50x128xf32>
    %swap3A_329 = vector.shape_cast %slice3A_323 : vector<50x128xf32> to vector<1x50x128xf32>
    tpu.vector_store %arg8[%swap3A_324, %swap3A_325, %swap3A_326], %swap3A_329 {strides = array<i32>} : memref<64x50x128xf32, #tpu.memory_space<vmem>>, vector<1x50x128xf32>,
    %slice3A_330 = vector.extract_strided_slice %concatenate3A {offsets = [2100, 0], sizes = [50, 128], strides = [1, 1]} : vector<3200x128xf32> to vector<50x128xf32>
    %swap3A_331 = arith.constant 42 : index
    %swap3A_332 = arith.constant 0 : index
    %swap3A_333 = arith.constant 0 : index
    %swap3A_334 = vector.load %arg8[%swap3A_331, %swap3A_332, %swap3A_333] : memref<64x50x128xf32, #tpu.memory_space<vmem>>, vector<1x50x128xf32>
    %swap3A_335 = vector.shape_cast %swap3A_334 : vector<1x50x128xf32> to vector<50x128xf32>
    %swap3A_336 = vector.shape_cast %slice3A_330 : vector<50x128xf32> to vector<1x50x128xf32>
    tpu.vector_store %arg8[%swap3A_331, %swap3A_332, %swap3A_333], %swap3A_336 {strides = array<i32>} : memref<64x50x128xf32, #tpu.memory_space<vmem>>, vector<1x50x128xf32>,
    %slice3A_337 = vector.extract_strided_slice %concatenate3A {offsets = [2150, 0], sizes = [50, 128], strides = [1, 1]} : vector<3200x128xf32> to vector<50x128xf32>
    %swap3A_338 = arith.constant 43 : index
    %swap3A_339 = arith.constant 0 : index
    %swap3A_340 = arith.constant 0 : index
    %swap3A_341 = vector.load %arg8[%swap3A_338, %swap3A_339, %swap3A_340] : memref<64x50x128xf32, #tpu.memory_space<vmem>>, vector<1x50x128xf32>
    %swap3A_342 = vector.shape_cast %swap3A_341 : vector<1x50x128xf32> to vector<50x128xf32>
    %swap3A_343 = vector.shape_cast %slice3A_337 : vector<50x128xf32> to vector<1x50x128xf32>
    tpu.vector_store %arg8[%swap3A_338, %swap3A_339, %swap3A_340], %swap3A_343 {strides = array<i32>} : memref<64x50x128xf32, #tpu.memory_space<vmem>>, vector<1x50x128xf32>,
    %slice3A_344 = vector.extract_strided_slice %concatenate3A {offsets = [2200, 0], sizes = [50, 128], strides = [1, 1]} : vector<3200x128xf32> to vector<50x128xf32>
    %swap3A_345 = arith.constant 44 : index
    %swap3A_346 = arith.constant 0 : index
    %swap3A_347 = arith.constant 0 : index
    %swap3A_348 = vector.load %arg8[%swap3A_345, %swap3A_346, %swap3A_347] : memref<64x50x128xf32, #tpu.memory_space<vmem>>, vector<1x50x128xf32>
    %swap3A_349 = vector.shape_cast %swap3A_348 : vector<1x50x128xf32> to vector<50x128xf32>
    %swap3A_350 = vector.shape_cast %slice3A_344 : vector<50x128xf32> to vector<1x50x128xf32>
    tpu.vector_store %arg8[%swap3A_345, %swap3A_346, %swap3A_347], %swap3A_350 {strides = array<i32>} : memref<64x50x128xf32, #tpu.memory_space<vmem>>, vector<1x50x128xf32>,
    %slice3A_351 = vector.extract_strided_slice %concatenate3A {offsets = [2250, 0], sizes = [50, 128], strides = [1, 1]} : vector<3200x128xf32> to vector<50x128xf32>
    %swap3A_352 = arith.constant 45 : index
    %swap3A_353 = arith.constant 0 : index
    %swap3A_354 = arith.constant 0 : index
    %swap3A_355 = vector.load %arg8[%swap3A_352, %swap3A_353, %swap3A_354] : memref<64x50x128xf32, #tpu.memory_space<vmem>>, vector<1x50x128xf32>
    %swap3A_356 = vector.shape_cast %swap3A_355 : vector<1x50x128xf32> to vector<50x128xf32>
    %swap3A_357 = vector.shape_cast %slice3A_351 : vector<50x128xf32> to vector<1x50x128xf32>
    tpu.vector_store %arg8[%swap3A_352, %swap3A_353, %swap3A_354], %swap3A_357 {strides = array<i32>} : memref<64x50x128xf32, #tpu.memory_space<vmem>>, vector<1x50x128xf32>,
    %slice3A_358 = vector.extract_strided_slice %concatenate3A {offsets = [2300, 0], sizes = [50, 128], strides = [1, 1]} : vector<3200x128xf32> to vector<50x128xf32>
    %swap3A_359 = arith.constant 46 : index
    %swap3A_360 = arith.constant 0 : index
    %swap3A_361 = arith.constant 0 : index
    %swap3A_362 = vector.load %arg8[%swap3A_359, %swap3A_360, %swap3A_361] : memref<64x50x128xf32, #tpu.memory_space<vmem>>, vector<1x50x128xf32>
    %swap3A_363 = vector.shape_cast %swap3A_362 : vector<1x50x128xf32> to vector<50x128xf32>
    %swap3A_364 = vector.shape_cast %slice3A_358 : vector<50x128xf32> to vector<1x50x128xf32>
    tpu.vector_store %arg8[%swap3A_359, %swap3A_360, %swap3A_361], %swap3A_364 {strides = array<i32>} : memref<64x50x128xf32, #tpu.memory_space<vmem>>, vector<1x50x128xf32>,
    %slice3A_365 = vector.extract_strided_slice %concatenate3A {offsets = [2350, 0], sizes = [50, 128], strides = [1, 1]} : vector<3200x128xf32> to vector<50x128xf32>
    %swap3A_366 = arith.constant 47 : index
    %swap3A_367 = arith.constant 0 : index
    %swap3A_368 = arith.constant 0 : index
    %swap3A_369 = vector.load %arg8[%swap3A_366, %swap3A_367, %swap3A_368] : memref<64x50x128xf32, #tpu.memory_space<vmem>>, vector<1x50x128xf32>
    %swap3A_370 = vector.shape_cast %swap3A_369 : vector<1x50x128xf32> to vector<50x128xf32>
    %swap3A_371 = vector.shape_cast %slice3A_365 : vector<50x128xf32> to vector<1x50x128xf32>
    tpu.vector_store %arg8[%swap3A_366, %swap3A_367, %swap3A_368], %swap3A_371 {strides = array<i32>} : memref<64x50x128xf32, #tpu.memory_space<vmem>>, vector<1x50x128xf32>,
    %slice3A_372 = vector.extract_strided_slice %concatenate3A {offsets = [2400, 0], sizes = [50, 128], strides = [1, 1]} : vector<3200x128xf32> to vector<50x128xf32>
    %swap3A_373 = arith.constant 48 : index
    %swap3A_374 = arith.constant 0 : index
    %swap3A_375 = arith.constant 0 : index
    %swap3A_376 = vector.load %arg8[%swap3A_373, %swap3A_374, %swap3A_375] : memref<64x50x128xf32, #tpu.memory_space<vmem>>, vector<1x50x128xf32>
    %swap3A_377 = vector.shape_cast %swap3A_376 : vector<1x50x128xf32> to vector<50x128xf32>
    %swap3A_378 = vector.shape_cast %slice3A_372 : vector<50x128xf32> to vector<1x50x128xf32>
    tpu.vector_store %arg8[%swap3A_373, %swap3A_374, %swap3A_375], %swap3A_378 {strides = array<i32>} : memref<64x50x128xf32, #tpu.memory_space<vmem>>, vector<1x50x128xf32>,
    %slice3A_379 = vector.extract_strided_slice %concatenate3A {offsets = [2450, 0], sizes = [50, 128], strides = [1, 1]} : vector<3200x128xf32> to vector<50x128xf32>
    %swap3A_380 = arith.constant 49 : index
    %swap3A_381 = arith.constant 0 : index
    %swap3A_382 = arith.constant 0 : index
    %swap3A_383 = vector.load %arg8[%swap3A_380, %swap3A_381, %swap3A_382] : memref<64x50x128xf32, #tpu.memory_space<vmem>>, vector<1x50x128xf32>
    %swap3A_384 = vector.shape_cast %swap3A_383 : vector<1x50x128xf32> to vector<50x128xf32>
    %swap3A_385 = vector.shape_cast %slice3A_379 : vector<50x128xf32> to vector<1x50x128xf32>
    tpu.vector_store %arg8[%swap3A_380, %swap3A_381, %swap3A_382], %swap3A_385 {strides = array<i32>} : memref<64x50x128xf32, #tpu.memory_space<vmem>>, vector<1x50x128xf32>,
    %slice3A_386 = vector.extract_strided_slice %concatenate3A {offsets = [2500, 0], sizes = [50, 128], strides = [1, 1]} : vector<3200x128xf32> to vector<50x128xf32>
    %swap3A_387 = arith.constant 50 : index
    %swap3A_388 = arith.constant 0 : index
    %swap3A_389 = arith.constant 0 : index
    %swap3A_390 = vector.load %arg8[%swap3A_387, %swap3A_388, %swap3A_389] : memref<64x50x128xf32, #tpu.memory_space<vmem>>, vector<1x50x128xf32>
    %swap3A_391 = vector.shape_cast %swap3A_390 : vector<1x50x128xf32> to vector<50x128xf32>
    %swap3A_392 = vector.shape_cast %slice3A_386 : vector<50x128xf32> to vector<1x50x128xf32>
    tpu.vector_store %arg8[%swap3A_387, %swap3A_388, %swap3A_389], %swap3A_392 {strides = array<i32>} : memref<64x50x128xf32, #tpu.memory_space<vmem>>, vector<1x50x128xf32>,
    %slice3A_393 = vector.extract_strided_slice %concatenate3A {offsets = [2550, 0], sizes = [50, 128], strides = [1, 1]} : vector<3200x128xf32> to vector<50x128xf32>
    %swap3A_394 = arith.constant 51 : index
    %swap3A_395 = arith.constant 0 : index
    %swap3A_396 = arith.constant 0 : index
    %swap3A_397 = vector.load %arg8[%swap3A_394, %swap3A_395, %swap3A_396] : memref<64x50x128xf32, #tpu.memory_space<vmem>>, vector<1x50x128xf32>
    %swap3A_398 = vector.shape_cast %swap3A_397 : vector<1x50x128xf32> to vector<50x128xf32>
    %swap3A_399 = vector.shape_cast %slice3A_393 : vector<50x128xf32> to vector<1x50x128xf32>
    tpu.vector_store %arg8[%swap3A_394, %swap3A_395, %swap3A_396], %swap3A_399 {strides = array<i32>} : memref<64x50x128xf32, #tpu.memory_space<vmem>>, vector<1x50x128xf32>,
    %slice3A_400 = vector.extract_strided_slice %concatenate3A {offsets = [2600, 0], sizes = [50, 128], strides = [1, 1]} : vector<3200x128xf32> to vector<50x128xf32>
    %swap3A_401 = arith.constant 52 : index
    %swap3A_402 = arith.constant 0 : index
    %swap3A_403 = arith.constant 0 : index
    %swap3A_404 = vector.load %arg8[%swap3A_401, %swap3A_402, %swap3A_403] : memref<64x50x128xf32, #tpu.memory_space<vmem>>, vector<1x50x128xf32>
    %swap3A_405 = vector.shape_cast %swap3A_404 : vector<1x50x128xf32> to vector<50x128xf32>
    %swap3A_406 = vector.shape_cast %slice3A_400 : vector<50x128xf32> to vector<1x50x128xf32>
    tpu.vector_store %arg8[%swap3A_401, %swap3A_402, %swap3A_403], %swap3A_406 {strides = array<i32>} : memref<64x50x128xf32, #tpu.memory_space<vmem>>, vector<1x50x128xf32>,
    %slice3A_407 = vector.extract_strided_slice %concatenate3A {offsets = [2650, 0], sizes = [50, 128], strides = [1, 1]} : vector<3200x128xf32> to vector<50x128xf32>
    %swap3A_408 = arith.constant 53 : index
    %swap3A_409 = arith.constant 0 : index
    %swap3A_410 = arith.constant 0 : index
    %swap3A_411 = vector.load %arg8[%swap3A_408, %swap3A_409, %swap3A_410] : memref<64x50x128xf32, #tpu.memory_space<vmem>>, vector<1x50x128xf32>
    %swap3A_412 = vector.shape_cast %swap3A_411 : vector<1x50x128xf32> to vector<50x128xf32>
    %swap3A_413 = vector.shape_cast %slice3A_407 : vector<50x128xf32> to vector<1x50x128xf32>
    tpu.vector_store %arg8[%swap3A_408, %swap3A_409, %swap3A_410], %swap3A_413 {strides = array<i32>} : memref<64x50x128xf32, #tpu.memory_space<vmem>>, vector<1x50x128xf32>,
    %slice3A_414 = vector.extract_strided_slice %concatenate3A {offsets = [2700, 0], sizes = [50, 128], strides = [1, 1]} : vector<3200x128xf32> to vector<50x128xf32>
    %swap3A_415 = arith.constant 54 : index
    %swap3A_416 = arith.constant 0 : index
    %swap3A_417 = arith.constant 0 : index
    %swap3A_418 = vector.load %arg8[%swap3A_415, %swap3A_416, %swap3A_417] : memref<64x50x128xf32, #tpu.memory_space<vmem>>, vector<1x50x128xf32>
    %swap3A_419 = vector.shape_cast %swap3A_418 : vector<1x50x128xf32> to vector<50x128xf32>
    %swap3A_420 = vector.shape_cast %slice3A_414 : vector<50x128xf32> to vector<1x50x128xf32>
    tpu.vector_store %arg8[%swap3A_415, %swap3A_416, %swap3A_417], %swap3A_420 {strides = array<i32>} : memref<64x50x128xf32, #tpu.memory_space<vmem>>, vector<1x50x128xf32>,
    %slice3A_421 = vector.extract_strided_slice %concatenate3A {offsets = [2750, 0], sizes = [50, 128], strides = [1, 1]} : vector<3200x128xf32> to vector<50x128xf32>
    %swap3A_422 = arith.constant 55 : index
    %swap3A_423 = arith.constant 0 : index
    %swap3A_424 = arith.constant 0 : index
    %swap3A_425 = vector.load %arg8[%swap3A_422, %swap3A_423, %swap3A_424] : memref<64x50x128xf32, #tpu.memory_space<vmem>>, vector<1x50x128xf32>
    %swap3A_426 = vector.shape_cast %swap3A_425 : vector<1x50x128xf32> to vector<50x128xf32>
    %swap3A_427 = vector.shape_cast %slice3A_421 : vector<50x128xf32> to vector<1x50x128xf32>
    tpu.vector_store %arg8[%swap3A_422, %swap3A_423, %swap3A_424], %swap3A_427 {strides = array<i32>} : memref<64x50x128xf32, #tpu.memory_space<vmem>>, vector<1x50x128xf32>,
    %slice3A_428 = vector.extract_strided_slice %concatenate3A {offsets = [2800, 0], sizes = [50, 128], strides = [1, 1]} : vector<3200x128xf32> to vector<50x128xf32>
    %swap3A_429 = arith.constant 56 : index
    %swap3A_430 = arith.constant 0 : index
    %swap3A_431 = arith.constant 0 : index
    %swap3A_432 = vector.load %arg8[%swap3A_429, %swap3A_430, %swap3A_431] : memref<64x50x128xf32, #tpu.memory_space<vmem>>, vector<1x50x128xf32>
    %swap3A_433 = vector.shape_cast %swap3A_432 : vector<1x50x128xf32> to vector<50x128xf32>
    %swap3A_434 = vector.shape_cast %slice3A_428 : vector<50x128xf32> to vector<1x50x128xf32>
    tpu.vector_store %arg8[%swap3A_429, %swap3A_430, %swap3A_431], %swap3A_434 {strides = array<i32>} : memref<64x50x128xf32, #tpu.memory_space<vmem>>, vector<1x50x128xf32>,
    %slice3A_435 = vector.extract_strided_slice %concatenate3A {offsets = [2850, 0], sizes = [50, 128], strides = [1, 1]} : vector<3200x128xf32> to vector<50x128xf32>
    %swap3A_436 = arith.constant 57 : index
    %swap3A_437 = arith.constant 0 : index
    %swap3A_438 = arith.constant 0 : index
    %swap3A_439 = vector.load %arg8[%swap3A_436, %swap3A_437, %swap3A_438] : memref<64x50x128xf32, #tpu.memory_space<vmem>>, vector<1x50x128xf32>
    %swap3A_440 = vector.shape_cast %swap3A_439 : vector<1x50x128xf32> to vector<50x128xf32>
    %swap3A_441 = vector.shape_cast %slice3A_435 : vector<50x128xf32> to vector<1x50x128xf32>
    tpu.vector_store %arg8[%swap3A_436, %swap3A_437, %swap3A_438], %swap3A_441 {strides = array<i32>} : memref<64x50x128xf32, #tpu.memory_space<vmem>>, vector<1x50x128xf32>,
    %slice3A_442 = vector.extract_strided_slice %concatenate3A {offsets = [2900, 0], sizes = [50, 128], strides = [1, 1]} : vector<3200x128xf32> to vector<50x128xf32>
    %swap3A_443 = arith.constant 58 : index
    %swap3A_444 = arith.constant 0 : index
    %swap3A_445 = arith.constant 0 : index
    %swap3A_446 = vector.load %arg8[%swap3A_443, %swap3A_444, %swap3A_445] : memref<64x50x128xf32, #tpu.memory_space<vmem>>, vector<1x50x128xf32>
    %swap3A_447 = vector.shape_cast %swap3A_446 : vector<1x50x128xf32> to vector<50x128xf32>
    %swap3A_448 = vector.shape_cast %slice3A_442 : vector<50x128xf32> to vector<1x50x128xf32>
    tpu.vector_store %arg8[%swap3A_443, %swap3A_444, %swap3A_445], %swap3A_448 {strides = array<i32>} : memref<64x50x128xf32, #tpu.memory_space<vmem>>, vector<1x50x128xf32>,
    %slice3A_449 = vector.extract_strided_slice %concatenate3A {offsets = [2950, 0], sizes = [50, 128], strides = [1, 1]} : vector<3200x128xf32> to vector<50x128xf32>
    %swap3A_450 = arith.constant 59 : index
    %swap3A_451 = arith.constant 0 : index
    %swap3A_452 = arith.constant 0 : index
    %swap3A_453 = vector.load %arg8[%swap3A_450, %swap3A_451, %swap3A_452] : memref<64x50x128xf32, #tpu.memory_space<vmem>>, vector<1x50x128xf32>
    %swap3A_454 = vector.shape_cast %swap3A_453 : vector<1x50x128xf32> to vector<50x128xf32>
    %swap3A_455 = vector.shape_cast %slice3A_449 : vector<50x128xf32> to vector<1x50x128xf32>
    tpu.vector_store %arg8[%swap3A_450, %swap3A_451, %swap3A_452], %swap3A_455 {strides = array<i32>} : memref<64x50x128xf32, #tpu.memory_space<vmem>>, vector<1x50x128xf32>,
    %slice3A_456 = vector.extract_strided_slice %concatenate3A {offsets = [3000, 0], sizes = [50, 128], strides = [1, 1]} : vector<3200x128xf32> to vector<50x128xf32>
    %swap3A_457 = arith.constant 60 : index
    %swap3A_458 = arith.constant 0 : index
    %swap3A_459 = arith.constant 0 : index
    %swap3A_460 = vector.load %arg8[%swap3A_457, %swap3A_458, %swap3A_459] : memref<64x50x128xf32, #tpu.memory_space<vmem>>, vector<1x50x128xf32>
    %swap3A_461 = vector.shape_cast %swap3A_460 : vector<1x50x128xf32> to vector<50x128xf32>
    %swap3A_462 = vector.shape_cast %slice3A_456 : vector<50x128xf32> to vector<1x50x128xf32>
    tpu.vector_store %arg8[%swap3A_457, %swap3A_458, %swap3A_459], %swap3A_462 {strides = array<i32>} : memref<64x50x128xf32, #tpu.memory_space<vmem>>, vector<1x50x128xf32>,
    %slice3A_463 = vector.extract_strided_slice %concatenate3A {offsets = [3050, 0], sizes = [50, 128], strides = [1, 1]} : vector<3200x128xf32> to vector<50x128xf32>
    %swap3A_464 = arith.constant 61 : index
    %swap3A_465 = arith.constant 0 : index
    %swap3A_466 = arith.constant 0 : index
    %swap3A_467 = vector.load %arg8[%swap3A_464, %swap3A_465, %swap3A_466] : memref<64x50x128xf32, #tpu.memory_space<vmem>>, vector<1x50x128xf32>
    %swap3A_468 = vector.shape_cast %swap3A_467 : vector<1x50x128xf32> to vector<50x128xf32>
    %swap3A_469 = vector.shape_cast %slice3A_463 : vector<50x128xf32> to vector<1x50x128xf32>
    tpu.vector_store %arg8[%swap3A_464, %swap3A_465, %swap3A_466], %swap3A_469 {strides = array<i32>} : memref<64x50x128xf32, #tpu.memory_space<vmem>>, vector<1x50x128xf32>,
    %slice3A_470 = vector.extract_strided_slice %concatenate3A {offsets = [3100, 0], sizes = [50, 128], strides = [1, 1]} : vector<3200x128xf32> to vector<50x128xf32>
    %swap3A_471 = arith.constant 62 : index
    %swap3A_472 = arith.constant 0 : index
    %swap3A_473 = arith.constant 0 : index
    %swap3A_474 = vector.load %arg8[%swap3A_471, %swap3A_472, %swap3A_473] : memref<64x50x128xf32, #tpu.memory_space<vmem>>, vector<1x50x128xf32>
    %swap3A_475 = vector.shape_cast %swap3A_474 : vector<1x50x128xf32> to vector<50x128xf32>
    %swap3A_476 = vector.shape_cast %slice3A_470 : vector<50x128xf32> to vector<1x50x128xf32>
    tpu.vector_store %arg8[%swap3A_471, %swap3A_472, %swap3A_473], %swap3A_476 {strides = array<i32>} : memref<64x50x128xf32, #tpu.memory_space<vmem>>, vector<1x50x128xf32>,
    %slice3A_477 = vector.extract_strided_slice %concatenate3A {offsets = [3150, 0], sizes = [50, 128], strides = [1, 1]} : vector<3200x128xf32> to vector<50x128xf32>
    %swap3A_478 = arith.constant 63 : index
    %swap3A_479 = arith.constant 0 : index
    %swap3A_480 = arith.constant 0 : index
    %swap3A_481 = vector.load %arg8[%swap3A_478, %swap3A_479, %swap3A_480] : memref<64x50x128xf32, #tpu.memory_space<vmem>>, vector<1x50x128xf32>
    %swap3A_482 = vector.shape_cast %swap3A_481 : vector<1x50x128xf32> to vector<50x128xf32>
    %swap3A_483 = vector.shape_cast %slice3A_477 : vector<50x128xf32> to vector<1x50x128xf32>
    tpu.vector_store %arg8[%swap3A_478, %swap3A_479, %swap3A_480], %swap3A_483 {strides = array<i32>} : memref<64x50x128xf32, #tpu.memory_space<vmem>>, vector<1x50x128xf32>,
    return
  }
  func.func @transform_0(%arg0: i32) -> (i32, i32) {
    %c0_i32 = arith.constant 0 : i32
    %c0_i32_0 = arith.constant 0 : i32
    return %arg0, %c0_i32 : i32, i32
  }
  func.func @transform_1(%arg0: i32) -> (i32, i32) {
    %c0_i32 = arith.constant 0 : i32
    %c0_i32_0 = arith.constant 0 : i32
    return %arg0, %c0_i32 : i32, i32
  }
  func.func @transform_2(%arg0: i32) -> (i32, i32) {
    %c0_i32 = arith.constant 0 : i32
    %c0_i32_0 = arith.constant 0 : i32
    %c0_i32_1 = arith.constant 0 : i32
    return %c0_i32, %c0_i32_0 : i32, i32
  }
  func.func @transform_3(%arg0: i32) -> (i32, i32) {
    %c0_i32 = arith.constant 0 : i32
    %c0_i32_0 = arith.constant 0 : i32
    %c0_i32_1 = arith.constant 0 : i32
    return %c0_i32, %c0_i32_0 : i32, i32
  }
  func.func @transform_4(%arg0: i32) -> (i32, i32) {
    %c0_i32 = arith.constant 0 : i32
    %c0_i32_0 = arith.constant 0 : i32
    %c0_i32_1 = arith.constant 0 : i32
    return %c0_i32, %c0_i32_0 : i32, i32
  }
  func.func @transform_5(%arg0: i32) -> (i32, i32) {
    %c0_i32 = arith.constant 0 : i32
    %c0_i32_0 = arith.constant 0 : i32
    %c0_i32_1 = arith.constant 0 : i32
    return %c0_i32, %c0_i32_0 : i32, i32
  }
  func.func @transform_6(%arg0: i32) -> (i32, i32) {
    %c0_i32 = arith.constant 0 : i32
    %c0_i32_0 = arith.constant 0 : i32
    %c0_i32_1 = arith.constant 0 : i32
    return %c0_i32, %c0_i32_0 : i32, i32
  }
  func.func @transform_7(%arg0: i32) -> (i32, i32, i32) {
    %c0_i32 = arith.constant 0 : i32
    %c0_i32_0 = arith.constant 0 : i32
    %c0_i32_1 = arith.constant 0 : i32
    return %arg0, %c0_i32, %c0_i32_0 : i32, i32, i32
  }
}

module attributes {stable_mosaic.version = 14 : i64} {
  func.func @_aoi_body(%arg0: i32, %arg1: memref<1280x12xf32, #tpu.memory_space<vmem>>, %arg2: memref<1280x64xf32, #tpu.memory_space<vmem>>, %arg3: memref<2x32xf32, #tpu.memory_space<vmem>>, %arg4: memref<1x32xf32, #tpu.memory_space<vmem>>, %arg5: memref<8x16xf32, #tpu.memory_space<vmem>>, %arg6: memref<1x16xf32, #tpu.memory_space<vmem>>, %arg7: memref<21x16xf32, #tpu.memory_space<vmem>>, %arg8: memref<64x20x128xf32, #tpu.memory_space<vmem>>) attributes {dimension_semantics = [#tpu.dimension_semantics<arbitrary>], iteration_bounds = array<i64: 16>, scalar_prefetch = 0 : i64, scratch_operands = 0 : i64, tpu.core_type = #tpu.core_type<tc>, window_params = [{transform_indices = @transform_0, window_bounds = array<i64: 1280, 12>}, {transform_indices = @transform_1, window_bounds = array<i64: 1280, 64>}, {pipeline_mode = #tpu.pipeline_mode<synchronous>, transform_indices = @transform_2, window_bounds = array<i64: 2, 32>}, {pipeline_mode = #tpu.pipeline_mode<synchronous>, transform_indices = @transform_3, window_bounds = array<i64: 1, 32>}, {pipeline_mode = #tpu.pipeline_mode<synchronous>, transform_indices = @transform_4, window_bounds = array<i64: 8, 16>}, {pipeline_mode = #tpu.pipeline_mode<synchronous>, transform_indices = @transform_5, window_bounds = array<i64: 1, 16>}, {pipeline_mode = #tpu.pipeline_mode<synchronous>, transform_indices = @transform_6, window_bounds = array<i64: 21, 16>}, {transform_indices = @transform_7, window_bounds = array<i64: 64, 20, 128>}]} {
    %get3A = arith.constant 0 : index
    %get3A_0 = arith.constant 2 : index
    %get3A_1 = vector.load %arg1[%get3A, %get3A_0] : memref<1280x12xf32, #tpu.memory_space<vmem>>, vector<1280x2xf32>
    %get3A_2 = arith.constant 0 : index
    %get3A_3 = arith.constant 0 : index
    %get3A_4 = vector.load %arg3[%get3A_2, %get3A_3] : memref<2x32xf32, #tpu.memory_space<vmem>>, vector<2x32xf32>
    %dot_general3A = arith.constant dense<0.000000e+00> : vector<1280x32xf32>
    %dot_general3A_5 = tpu.matmul %get3A_1, %get3A_4, %dot_general3A {dimension_numbers = #tpu.dot_dimension_numbers<[1], [0], [0], [1], [0, 0, 1, 1], [], []>, precision = #tpu.contract_precision<fp32>, transpose_lhs_hint = false} : vector<1280x2xf32>, vector<2x32xf32>, vector<1280x32xf32> -> vector<1280x32xf32>
    %get3A_6 = arith.constant 0 : index
    %get3A_7 = arith.constant 0 : index
    %get3A_8 = vector.load %arg4[%get3A_6, %get3A_7] : memref<1x32xf32, #tpu.memory_space<vmem>>, vector<1x32xf32>
    %add3A = vector.broadcast %get3A_8 : vector<1x32xf32> to vector<1280x32xf32>
    %add3A_9 = arith.addf %dot_general3A_5, %add3A : vector<1280x32xf32>
    %get3A_10 = arith.constant 0 : index
    %get3A_11 = arith.constant 4 : index
    %get3A_12 = vector.load %arg1[%get3A_10, %get3A_11] : memref<1280x12xf32, #tpu.memory_space<vmem>>, vector<1280x8xf32>
    %get3A_13 = arith.constant 0 : index
    %get3A_14 = arith.constant 0 : index
    %get3A_15 = vector.load %arg5[%get3A_13, %get3A_14] : memref<8x16xf32, #tpu.memory_space<vmem>>, vector<8x16xf32>
    %dot_general3A_16 = arith.constant dense<0.000000e+00> : vector<1280x16xf32>
    %dot_general3A_17 = tpu.matmul %get3A_12, %get3A_15, %dot_general3A_16 {dimension_numbers = #tpu.dot_dimension_numbers<[1], [0], [0], [1], [0, 0, 1, 1], [], []>, precision = #tpu.contract_precision<fp32>, transpose_lhs_hint = false} : vector<1280x8xf32>, vector<8x16xf32>, vector<1280x16xf32> -> vector<1280x16xf32>
    %get3A_18 = arith.constant 0 : index
    %get3A_19 = arith.constant 0 : index
    %get3A_20 = vector.load %arg6[%get3A_18, %get3A_19] : memref<1x16xf32, #tpu.memory_space<vmem>>, vector<1x16xf32>
    %add3A_21 = vector.broadcast %get3A_20 : vector<1x16xf32> to vector<1280x16xf32>
    %add3A_22 = arith.addf %dot_general3A_17, %add3A_21 : vector<1280x16xf32>
    %get3A_23 = arith.constant 0 : index
    %get3A_24 = arith.constant 1 : index
    %get3A_25 = vector.load %arg1[%get3A_23, %get3A_24] : memref<1280x12xf32, #tpu.memory_space<vmem>>, vector<1280x1xf32>
    %get3A_26 = vector.shape_cast %get3A_25 : vector<1280x1xf32> to vector<1280xf32>
    %get3A_27 = arith.constant 0 : index
    %get3A_28 = arith.constant 0 : index
    %get3A_29 = vector.load %arg7[%get3A_27, %get3A_28] : memref<21x16xf32, #tpu.memory_space<vmem>>, vector<21x16xf32>
    %convert_element_type3A = arith.fptosi %get3A_26 : vector<1280xf32> to vector<1280xi32>
    %iota3A = tpu.iota {dimensions = array<i32: 1>} : vector<1280x21xi32>
    %broadcast_in_dim3A = vector.shape_cast %convert_element_type3A : vector<1280xi32> to vector<1280x1xi32>
    %eq3A = vector.broadcast %broadcast_in_dim3A : vector<1280x1xi32> to vector<1280x21xi32>
    %eq3A_30 = arith.cmpi eq, %iota3A, %eq3A : vector<1280x21xi32>
    %convert_element_type3A_31 = arith.extui %eq3A_30 : vector<1280x21xi1> to vector<1280x21xi32>
    %convert_element_type3A_32 = arith.sitofp %convert_element_type3A_31 : vector<1280x21xi32> to vector<1280x21xf32>
    %dot_general3A_33 = arith.constant dense<0.000000e+00> : vector<1280x16xf32>
    %dot_general3A_34 = tpu.matmul %convert_element_type3A_32, %get3A_29, %dot_general3A_33 {dimension_numbers = #tpu.dot_dimension_numbers<[1], [0], [0], [1], [0, 0, 1, 1], [], []>, precision = #tpu.contract_precision<fp32>, transpose_lhs_hint = false} : vector<1280x21xf32>, vector<21x16xf32>, vector<1280x16xf32> -> vector<1280x16xf32>
    %get3A_35 = arith.constant 0 : index
    %get3A_36 = arith.constant 0 : index
    %get3A_37 = vector.load %arg2[%get3A_35, %get3A_36] : memref<1280x64xf32, #tpu.memory_space<vmem>>, vector<1280x64xf32>
    %concatenate3A = tpu.concatenate %add3A_9, %get3A_37, %dot_general3A_34, %add3A_22 in 1 : vector<1280x32xf32>, vector<1280x64xf32>, vector<1280x16xf32>, vector<1280x16xf32> -> vector<1280x128xf32>
    %slice3A = vector.extract_strided_slice %concatenate3A {offsets = [0, 0], sizes = [20, 128], strides = [1, 1]} : vector<1280x128xf32> to vector<20x128xf32>
    %swap3A = arith.constant 0 : index
    %swap3A_38 = arith.constant 0 : index
    %swap3A_39 = arith.constant 0 : index
    %swap3A_40 = vector.load %arg8[%swap3A, %swap3A_38, %swap3A_39] : memref<64x20x128xf32, #tpu.memory_space<vmem>>, vector<1x20x128xf32>
    %swap3A_41 = vector.shape_cast %swap3A_40 : vector<1x20x128xf32> to vector<20x128xf32>
    %swap3A_42 = vector.shape_cast %slice3A : vector<20x128xf32> to vector<1x20x128xf32>
    tpu.vector_store %arg8[%swap3A, %swap3A_38, %swap3A_39], %swap3A_42 {strides = array<i32>} : memref<64x20x128xf32, #tpu.memory_space<vmem>>, vector<1x20x128xf32>,
    %slice3A_43 = vector.extract_strided_slice %concatenate3A {offsets = [20, 0], sizes = [20, 128], strides = [1, 1]} : vector<1280x128xf32> to vector<20x128xf32>
    %swap3A_44 = arith.constant 1 : index
    %swap3A_45 = arith.constant 0 : index
    %swap3A_46 = arith.constant 0 : index
    %swap3A_47 = vector.load %arg8[%swap3A_44, %swap3A_45, %swap3A_46] : memref<64x20x128xf32, #tpu.memory_space<vmem>>, vector<1x20x128xf32>
    %swap3A_48 = vector.shape_cast %swap3A_47 : vector<1x20x128xf32> to vector<20x128xf32>
    %swap3A_49 = vector.shape_cast %slice3A_43 : vector<20x128xf32> to vector<1x20x128xf32>
    tpu.vector_store %arg8[%swap3A_44, %swap3A_45, %swap3A_46], %swap3A_49 {strides = array<i32>} : memref<64x20x128xf32, #tpu.memory_space<vmem>>, vector<1x20x128xf32>,
    %slice3A_50 = vector.extract_strided_slice %concatenate3A {offsets = [40, 0], sizes = [20, 128], strides = [1, 1]} : vector<1280x128xf32> to vector<20x128xf32>
    %swap3A_51 = arith.constant 2 : index
    %swap3A_52 = arith.constant 0 : index
    %swap3A_53 = arith.constant 0 : index
    %swap3A_54 = vector.load %arg8[%swap3A_51, %swap3A_52, %swap3A_53] : memref<64x20x128xf32, #tpu.memory_space<vmem>>, vector<1x20x128xf32>
    %swap3A_55 = vector.shape_cast %swap3A_54 : vector<1x20x128xf32> to vector<20x128xf32>
    %swap3A_56 = vector.shape_cast %slice3A_50 : vector<20x128xf32> to vector<1x20x128xf32>
    tpu.vector_store %arg8[%swap3A_51, %swap3A_52, %swap3A_53], %swap3A_56 {strides = array<i32>} : memref<64x20x128xf32, #tpu.memory_space<vmem>>, vector<1x20x128xf32>,
    %slice3A_57 = vector.extract_strided_slice %concatenate3A {offsets = [60, 0], sizes = [20, 128], strides = [1, 1]} : vector<1280x128xf32> to vector<20x128xf32>
    %swap3A_58 = arith.constant 3 : index
    %swap3A_59 = arith.constant 0 : index
    %swap3A_60 = arith.constant 0 : index
    %swap3A_61 = vector.load %arg8[%swap3A_58, %swap3A_59, %swap3A_60] : memref<64x20x128xf32, #tpu.memory_space<vmem>>, vector<1x20x128xf32>
    %swap3A_62 = vector.shape_cast %swap3A_61 : vector<1x20x128xf32> to vector<20x128xf32>
    %swap3A_63 = vector.shape_cast %slice3A_57 : vector<20x128xf32> to vector<1x20x128xf32>
    tpu.vector_store %arg8[%swap3A_58, %swap3A_59, %swap3A_60], %swap3A_63 {strides = array<i32>} : memref<64x20x128xf32, #tpu.memory_space<vmem>>, vector<1x20x128xf32>,
    %slice3A_64 = vector.extract_strided_slice %concatenate3A {offsets = [80, 0], sizes = [20, 128], strides = [1, 1]} : vector<1280x128xf32> to vector<20x128xf32>
    %swap3A_65 = arith.constant 4 : index
    %swap3A_66 = arith.constant 0 : index
    %swap3A_67 = arith.constant 0 : index
    %swap3A_68 = vector.load %arg8[%swap3A_65, %swap3A_66, %swap3A_67] : memref<64x20x128xf32, #tpu.memory_space<vmem>>, vector<1x20x128xf32>
    %swap3A_69 = vector.shape_cast %swap3A_68 : vector<1x20x128xf32> to vector<20x128xf32>
    %swap3A_70 = vector.shape_cast %slice3A_64 : vector<20x128xf32> to vector<1x20x128xf32>
    tpu.vector_store %arg8[%swap3A_65, %swap3A_66, %swap3A_67], %swap3A_70 {strides = array<i32>} : memref<64x20x128xf32, #tpu.memory_space<vmem>>, vector<1x20x128xf32>,
    %slice3A_71 = vector.extract_strided_slice %concatenate3A {offsets = [100, 0], sizes = [20, 128], strides = [1, 1]} : vector<1280x128xf32> to vector<20x128xf32>
    %swap3A_72 = arith.constant 5 : index
    %swap3A_73 = arith.constant 0 : index
    %swap3A_74 = arith.constant 0 : index
    %swap3A_75 = vector.load %arg8[%swap3A_72, %swap3A_73, %swap3A_74] : memref<64x20x128xf32, #tpu.memory_space<vmem>>, vector<1x20x128xf32>
    %swap3A_76 = vector.shape_cast %swap3A_75 : vector<1x20x128xf32> to vector<20x128xf32>
    %swap3A_77 = vector.shape_cast %slice3A_71 : vector<20x128xf32> to vector<1x20x128xf32>
    tpu.vector_store %arg8[%swap3A_72, %swap3A_73, %swap3A_74], %swap3A_77 {strides = array<i32>} : memref<64x20x128xf32, #tpu.memory_space<vmem>>, vector<1x20x128xf32>,
    %slice3A_78 = vector.extract_strided_slice %concatenate3A {offsets = [120, 0], sizes = [20, 128], strides = [1, 1]} : vector<1280x128xf32> to vector<20x128xf32>
    %swap3A_79 = arith.constant 6 : index
    %swap3A_80 = arith.constant 0 : index
    %swap3A_81 = arith.constant 0 : index
    %swap3A_82 = vector.load %arg8[%swap3A_79, %swap3A_80, %swap3A_81] : memref<64x20x128xf32, #tpu.memory_space<vmem>>, vector<1x20x128xf32>
    %swap3A_83 = vector.shape_cast %swap3A_82 : vector<1x20x128xf32> to vector<20x128xf32>
    %swap3A_84 = vector.shape_cast %slice3A_78 : vector<20x128xf32> to vector<1x20x128xf32>
    tpu.vector_store %arg8[%swap3A_79, %swap3A_80, %swap3A_81], %swap3A_84 {strides = array<i32>} : memref<64x20x128xf32, #tpu.memory_space<vmem>>, vector<1x20x128xf32>,
    %slice3A_85 = vector.extract_strided_slice %concatenate3A {offsets = [140, 0], sizes = [20, 128], strides = [1, 1]} : vector<1280x128xf32> to vector<20x128xf32>
    %swap3A_86 = arith.constant 7 : index
    %swap3A_87 = arith.constant 0 : index
    %swap3A_88 = arith.constant 0 : index
    %swap3A_89 = vector.load %arg8[%swap3A_86, %swap3A_87, %swap3A_88] : memref<64x20x128xf32, #tpu.memory_space<vmem>>, vector<1x20x128xf32>
    %swap3A_90 = vector.shape_cast %swap3A_89 : vector<1x20x128xf32> to vector<20x128xf32>
    %swap3A_91 = vector.shape_cast %slice3A_85 : vector<20x128xf32> to vector<1x20x128xf32>
    tpu.vector_store %arg8[%swap3A_86, %swap3A_87, %swap3A_88], %swap3A_91 {strides = array<i32>} : memref<64x20x128xf32, #tpu.memory_space<vmem>>, vector<1x20x128xf32>,
    %slice3A_92 = vector.extract_strided_slice %concatenate3A {offsets = [160, 0], sizes = [20, 128], strides = [1, 1]} : vector<1280x128xf32> to vector<20x128xf32>
    %swap3A_93 = arith.constant 8 : index
    %swap3A_94 = arith.constant 0 : index
    %swap3A_95 = arith.constant 0 : index
    %swap3A_96 = vector.load %arg8[%swap3A_93, %swap3A_94, %swap3A_95] : memref<64x20x128xf32, #tpu.memory_space<vmem>>, vector<1x20x128xf32>
    %swap3A_97 = vector.shape_cast %swap3A_96 : vector<1x20x128xf32> to vector<20x128xf32>
    %swap3A_98 = vector.shape_cast %slice3A_92 : vector<20x128xf32> to vector<1x20x128xf32>
    tpu.vector_store %arg8[%swap3A_93, %swap3A_94, %swap3A_95], %swap3A_98 {strides = array<i32>} : memref<64x20x128xf32, #tpu.memory_space<vmem>>, vector<1x20x128xf32>,
    %slice3A_99 = vector.extract_strided_slice %concatenate3A {offsets = [180, 0], sizes = [20, 128], strides = [1, 1]} : vector<1280x128xf32> to vector<20x128xf32>
    %swap3A_100 = arith.constant 9 : index
    %swap3A_101 = arith.constant 0 : index
    %swap3A_102 = arith.constant 0 : index
    %swap3A_103 = vector.load %arg8[%swap3A_100, %swap3A_101, %swap3A_102] : memref<64x20x128xf32, #tpu.memory_space<vmem>>, vector<1x20x128xf32>
    %swap3A_104 = vector.shape_cast %swap3A_103 : vector<1x20x128xf32> to vector<20x128xf32>
    %swap3A_105 = vector.shape_cast %slice3A_99 : vector<20x128xf32> to vector<1x20x128xf32>
    tpu.vector_store %arg8[%swap3A_100, %swap3A_101, %swap3A_102], %swap3A_105 {strides = array<i32>} : memref<64x20x128xf32, #tpu.memory_space<vmem>>, vector<1x20x128xf32>,
    %slice3A_106 = vector.extract_strided_slice %concatenate3A {offsets = [200, 0], sizes = [20, 128], strides = [1, 1]} : vector<1280x128xf32> to vector<20x128xf32>
    %swap3A_107 = arith.constant 10 : index
    %swap3A_108 = arith.constant 0 : index
    %swap3A_109 = arith.constant 0 : index
    %swap3A_110 = vector.load %arg8[%swap3A_107, %swap3A_108, %swap3A_109] : memref<64x20x128xf32, #tpu.memory_space<vmem>>, vector<1x20x128xf32>
    %swap3A_111 = vector.shape_cast %swap3A_110 : vector<1x20x128xf32> to vector<20x128xf32>
    %swap3A_112 = vector.shape_cast %slice3A_106 : vector<20x128xf32> to vector<1x20x128xf32>
    tpu.vector_store %arg8[%swap3A_107, %swap3A_108, %swap3A_109], %swap3A_112 {strides = array<i32>} : memref<64x20x128xf32, #tpu.memory_space<vmem>>, vector<1x20x128xf32>,
    %slice3A_113 = vector.extract_strided_slice %concatenate3A {offsets = [220, 0], sizes = [20, 128], strides = [1, 1]} : vector<1280x128xf32> to vector<20x128xf32>
    %swap3A_114 = arith.constant 11 : index
    %swap3A_115 = arith.constant 0 : index
    %swap3A_116 = arith.constant 0 : index
    %swap3A_117 = vector.load %arg8[%swap3A_114, %swap3A_115, %swap3A_116] : memref<64x20x128xf32, #tpu.memory_space<vmem>>, vector<1x20x128xf32>
    %swap3A_118 = vector.shape_cast %swap3A_117 : vector<1x20x128xf32> to vector<20x128xf32>
    %swap3A_119 = vector.shape_cast %slice3A_113 : vector<20x128xf32> to vector<1x20x128xf32>
    tpu.vector_store %arg8[%swap3A_114, %swap3A_115, %swap3A_116], %swap3A_119 {strides = array<i32>} : memref<64x20x128xf32, #tpu.memory_space<vmem>>, vector<1x20x128xf32>,
    %slice3A_120 = vector.extract_strided_slice %concatenate3A {offsets = [240, 0], sizes = [20, 128], strides = [1, 1]} : vector<1280x128xf32> to vector<20x128xf32>
    %swap3A_121 = arith.constant 12 : index
    %swap3A_122 = arith.constant 0 : index
    %swap3A_123 = arith.constant 0 : index
    %swap3A_124 = vector.load %arg8[%swap3A_121, %swap3A_122, %swap3A_123] : memref<64x20x128xf32, #tpu.memory_space<vmem>>, vector<1x20x128xf32>
    %swap3A_125 = vector.shape_cast %swap3A_124 : vector<1x20x128xf32> to vector<20x128xf32>
    %swap3A_126 = vector.shape_cast %slice3A_120 : vector<20x128xf32> to vector<1x20x128xf32>
    tpu.vector_store %arg8[%swap3A_121, %swap3A_122, %swap3A_123], %swap3A_126 {strides = array<i32>} : memref<64x20x128xf32, #tpu.memory_space<vmem>>, vector<1x20x128xf32>,
    %slice3A_127 = vector.extract_strided_slice %concatenate3A {offsets = [260, 0], sizes = [20, 128], strides = [1, 1]} : vector<1280x128xf32> to vector<20x128xf32>
    %swap3A_128 = arith.constant 13 : index
    %swap3A_129 = arith.constant 0 : index
    %swap3A_130 = arith.constant 0 : index
    %swap3A_131 = vector.load %arg8[%swap3A_128, %swap3A_129, %swap3A_130] : memref<64x20x128xf32, #tpu.memory_space<vmem>>, vector<1x20x128xf32>
    %swap3A_132 = vector.shape_cast %swap3A_131 : vector<1x20x128xf32> to vector<20x128xf32>
    %swap3A_133 = vector.shape_cast %slice3A_127 : vector<20x128xf32> to vector<1x20x128xf32>
    tpu.vector_store %arg8[%swap3A_128, %swap3A_129, %swap3A_130], %swap3A_133 {strides = array<i32>} : memref<64x20x128xf32, #tpu.memory_space<vmem>>, vector<1x20x128xf32>,
    %slice3A_134 = vector.extract_strided_slice %concatenate3A {offsets = [280, 0], sizes = [20, 128], strides = [1, 1]} : vector<1280x128xf32> to vector<20x128xf32>
    %swap3A_135 = arith.constant 14 : index
    %swap3A_136 = arith.constant 0 : index
    %swap3A_137 = arith.constant 0 : index
    %swap3A_138 = vector.load %arg8[%swap3A_135, %swap3A_136, %swap3A_137] : memref<64x20x128xf32, #tpu.memory_space<vmem>>, vector<1x20x128xf32>
    %swap3A_139 = vector.shape_cast %swap3A_138 : vector<1x20x128xf32> to vector<20x128xf32>
    %swap3A_140 = vector.shape_cast %slice3A_134 : vector<20x128xf32> to vector<1x20x128xf32>
    tpu.vector_store %arg8[%swap3A_135, %swap3A_136, %swap3A_137], %swap3A_140 {strides = array<i32>} : memref<64x20x128xf32, #tpu.memory_space<vmem>>, vector<1x20x128xf32>,
    %slice3A_141 = vector.extract_strided_slice %concatenate3A {offsets = [300, 0], sizes = [20, 128], strides = [1, 1]} : vector<1280x128xf32> to vector<20x128xf32>
    %swap3A_142 = arith.constant 15 : index
    %swap3A_143 = arith.constant 0 : index
    %swap3A_144 = arith.constant 0 : index
    %swap3A_145 = vector.load %arg8[%swap3A_142, %swap3A_143, %swap3A_144] : memref<64x20x128xf32, #tpu.memory_space<vmem>>, vector<1x20x128xf32>
    %swap3A_146 = vector.shape_cast %swap3A_145 : vector<1x20x128xf32> to vector<20x128xf32>
    %swap3A_147 = vector.shape_cast %slice3A_141 : vector<20x128xf32> to vector<1x20x128xf32>
    tpu.vector_store %arg8[%swap3A_142, %swap3A_143, %swap3A_144], %swap3A_147 {strides = array<i32>} : memref<64x20x128xf32, #tpu.memory_space<vmem>>, vector<1x20x128xf32>,
    %slice3A_148 = vector.extract_strided_slice %concatenate3A {offsets = [320, 0], sizes = [20, 128], strides = [1, 1]} : vector<1280x128xf32> to vector<20x128xf32>
    %swap3A_149 = arith.constant 16 : index
    %swap3A_150 = arith.constant 0 : index
    %swap3A_151 = arith.constant 0 : index
    %swap3A_152 = vector.load %arg8[%swap3A_149, %swap3A_150, %swap3A_151] : memref<64x20x128xf32, #tpu.memory_space<vmem>>, vector<1x20x128xf32>
    %swap3A_153 = vector.shape_cast %swap3A_152 : vector<1x20x128xf32> to vector<20x128xf32>
    %swap3A_154 = vector.shape_cast %slice3A_148 : vector<20x128xf32> to vector<1x20x128xf32>
    tpu.vector_store %arg8[%swap3A_149, %swap3A_150, %swap3A_151], %swap3A_154 {strides = array<i32>} : memref<64x20x128xf32, #tpu.memory_space<vmem>>, vector<1x20x128xf32>,
    %slice3A_155 = vector.extract_strided_slice %concatenate3A {offsets = [340, 0], sizes = [20, 128], strides = [1, 1]} : vector<1280x128xf32> to vector<20x128xf32>
    %swap3A_156 = arith.constant 17 : index
    %swap3A_157 = arith.constant 0 : index
    %swap3A_158 = arith.constant 0 : index
    %swap3A_159 = vector.load %arg8[%swap3A_156, %swap3A_157, %swap3A_158] : memref<64x20x128xf32, #tpu.memory_space<vmem>>, vector<1x20x128xf32>
    %swap3A_160 = vector.shape_cast %swap3A_159 : vector<1x20x128xf32> to vector<20x128xf32>
    %swap3A_161 = vector.shape_cast %slice3A_155 : vector<20x128xf32> to vector<1x20x128xf32>
    tpu.vector_store %arg8[%swap3A_156, %swap3A_157, %swap3A_158], %swap3A_161 {strides = array<i32>} : memref<64x20x128xf32, #tpu.memory_space<vmem>>, vector<1x20x128xf32>,
    %slice3A_162 = vector.extract_strided_slice %concatenate3A {offsets = [360, 0], sizes = [20, 128], strides = [1, 1]} : vector<1280x128xf32> to vector<20x128xf32>
    %swap3A_163 = arith.constant 18 : index
    %swap3A_164 = arith.constant 0 : index
    %swap3A_165 = arith.constant 0 : index
    %swap3A_166 = vector.load %arg8[%swap3A_163, %swap3A_164, %swap3A_165] : memref<64x20x128xf32, #tpu.memory_space<vmem>>, vector<1x20x128xf32>
    %swap3A_167 = vector.shape_cast %swap3A_166 : vector<1x20x128xf32> to vector<20x128xf32>
    %swap3A_168 = vector.shape_cast %slice3A_162 : vector<20x128xf32> to vector<1x20x128xf32>
    tpu.vector_store %arg8[%swap3A_163, %swap3A_164, %swap3A_165], %swap3A_168 {strides = array<i32>} : memref<64x20x128xf32, #tpu.memory_space<vmem>>, vector<1x20x128xf32>,
    %slice3A_169 = vector.extract_strided_slice %concatenate3A {offsets = [380, 0], sizes = [20, 128], strides = [1, 1]} : vector<1280x128xf32> to vector<20x128xf32>
    %swap3A_170 = arith.constant 19 : index
    %swap3A_171 = arith.constant 0 : index
    %swap3A_172 = arith.constant 0 : index
    %swap3A_173 = vector.load %arg8[%swap3A_170, %swap3A_171, %swap3A_172] : memref<64x20x128xf32, #tpu.memory_space<vmem>>, vector<1x20x128xf32>
    %swap3A_174 = vector.shape_cast %swap3A_173 : vector<1x20x128xf32> to vector<20x128xf32>
    %swap3A_175 = vector.shape_cast %slice3A_169 : vector<20x128xf32> to vector<1x20x128xf32>
    tpu.vector_store %arg8[%swap3A_170, %swap3A_171, %swap3A_172], %swap3A_175 {strides = array<i32>} : memref<64x20x128xf32, #tpu.memory_space<vmem>>, vector<1x20x128xf32>,
    %slice3A_176 = vector.extract_strided_slice %concatenate3A {offsets = [400, 0], sizes = [20, 128], strides = [1, 1]} : vector<1280x128xf32> to vector<20x128xf32>
    %swap3A_177 = arith.constant 20 : index
    %swap3A_178 = arith.constant 0 : index
    %swap3A_179 = arith.constant 0 : index
    %swap3A_180 = vector.load %arg8[%swap3A_177, %swap3A_178, %swap3A_179] : memref<64x20x128xf32, #tpu.memory_space<vmem>>, vector<1x20x128xf32>
    %swap3A_181 = vector.shape_cast %swap3A_180 : vector<1x20x128xf32> to vector<20x128xf32>
    %swap3A_182 = vector.shape_cast %slice3A_176 : vector<20x128xf32> to vector<1x20x128xf32>
    tpu.vector_store %arg8[%swap3A_177, %swap3A_178, %swap3A_179], %swap3A_182 {strides = array<i32>} : memref<64x20x128xf32, #tpu.memory_space<vmem>>, vector<1x20x128xf32>,
    %slice3A_183 = vector.extract_strided_slice %concatenate3A {offsets = [420, 0], sizes = [20, 128], strides = [1, 1]} : vector<1280x128xf32> to vector<20x128xf32>
    %swap3A_184 = arith.constant 21 : index
    %swap3A_185 = arith.constant 0 : index
    %swap3A_186 = arith.constant 0 : index
    %swap3A_187 = vector.load %arg8[%swap3A_184, %swap3A_185, %swap3A_186] : memref<64x20x128xf32, #tpu.memory_space<vmem>>, vector<1x20x128xf32>
    %swap3A_188 = vector.shape_cast %swap3A_187 : vector<1x20x128xf32> to vector<20x128xf32>
    %swap3A_189 = vector.shape_cast %slice3A_183 : vector<20x128xf32> to vector<1x20x128xf32>
    tpu.vector_store %arg8[%swap3A_184, %swap3A_185, %swap3A_186], %swap3A_189 {strides = array<i32>} : memref<64x20x128xf32, #tpu.memory_space<vmem>>, vector<1x20x128xf32>,
    %slice3A_190 = vector.extract_strided_slice %concatenate3A {offsets = [440, 0], sizes = [20, 128], strides = [1, 1]} : vector<1280x128xf32> to vector<20x128xf32>
    %swap3A_191 = arith.constant 22 : index
    %swap3A_192 = arith.constant 0 : index
    %swap3A_193 = arith.constant 0 : index
    %swap3A_194 = vector.load %arg8[%swap3A_191, %swap3A_192, %swap3A_193] : memref<64x20x128xf32, #tpu.memory_space<vmem>>, vector<1x20x128xf32>
    %swap3A_195 = vector.shape_cast %swap3A_194 : vector<1x20x128xf32> to vector<20x128xf32>
    %swap3A_196 = vector.shape_cast %slice3A_190 : vector<20x128xf32> to vector<1x20x128xf32>
    tpu.vector_store %arg8[%swap3A_191, %swap3A_192, %swap3A_193], %swap3A_196 {strides = array<i32>} : memref<64x20x128xf32, #tpu.memory_space<vmem>>, vector<1x20x128xf32>,
    %slice3A_197 = vector.extract_strided_slice %concatenate3A {offsets = [460, 0], sizes = [20, 128], strides = [1, 1]} : vector<1280x128xf32> to vector<20x128xf32>
    %swap3A_198 = arith.constant 23 : index
    %swap3A_199 = arith.constant 0 : index
    %swap3A_200 = arith.constant 0 : index
    %swap3A_201 = vector.load %arg8[%swap3A_198, %swap3A_199, %swap3A_200] : memref<64x20x128xf32, #tpu.memory_space<vmem>>, vector<1x20x128xf32>
    %swap3A_202 = vector.shape_cast %swap3A_201 : vector<1x20x128xf32> to vector<20x128xf32>
    %swap3A_203 = vector.shape_cast %slice3A_197 : vector<20x128xf32> to vector<1x20x128xf32>
    tpu.vector_store %arg8[%swap3A_198, %swap3A_199, %swap3A_200], %swap3A_203 {strides = array<i32>} : memref<64x20x128xf32, #tpu.memory_space<vmem>>, vector<1x20x128xf32>,
    %slice3A_204 = vector.extract_strided_slice %concatenate3A {offsets = [480, 0], sizes = [20, 128], strides = [1, 1]} : vector<1280x128xf32> to vector<20x128xf32>
    %swap3A_205 = arith.constant 24 : index
    %swap3A_206 = arith.constant 0 : index
    %swap3A_207 = arith.constant 0 : index
    %swap3A_208 = vector.load %arg8[%swap3A_205, %swap3A_206, %swap3A_207] : memref<64x20x128xf32, #tpu.memory_space<vmem>>, vector<1x20x128xf32>
    %swap3A_209 = vector.shape_cast %swap3A_208 : vector<1x20x128xf32> to vector<20x128xf32>
    %swap3A_210 = vector.shape_cast %slice3A_204 : vector<20x128xf32> to vector<1x20x128xf32>
    tpu.vector_store %arg8[%swap3A_205, %swap3A_206, %swap3A_207], %swap3A_210 {strides = array<i32>} : memref<64x20x128xf32, #tpu.memory_space<vmem>>, vector<1x20x128xf32>,
    %slice3A_211 = vector.extract_strided_slice %concatenate3A {offsets = [500, 0], sizes = [20, 128], strides = [1, 1]} : vector<1280x128xf32> to vector<20x128xf32>
    %swap3A_212 = arith.constant 25 : index
    %swap3A_213 = arith.constant 0 : index
    %swap3A_214 = arith.constant 0 : index
    %swap3A_215 = vector.load %arg8[%swap3A_212, %swap3A_213, %swap3A_214] : memref<64x20x128xf32, #tpu.memory_space<vmem>>, vector<1x20x128xf32>
    %swap3A_216 = vector.shape_cast %swap3A_215 : vector<1x20x128xf32> to vector<20x128xf32>
    %swap3A_217 = vector.shape_cast %slice3A_211 : vector<20x128xf32> to vector<1x20x128xf32>
    tpu.vector_store %arg8[%swap3A_212, %swap3A_213, %swap3A_214], %swap3A_217 {strides = array<i32>} : memref<64x20x128xf32, #tpu.memory_space<vmem>>, vector<1x20x128xf32>,
    %slice3A_218 = vector.extract_strided_slice %concatenate3A {offsets = [520, 0], sizes = [20, 128], strides = [1, 1]} : vector<1280x128xf32> to vector<20x128xf32>
    %swap3A_219 = arith.constant 26 : index
    %swap3A_220 = arith.constant 0 : index
    %swap3A_221 = arith.constant 0 : index
    %swap3A_222 = vector.load %arg8[%swap3A_219, %swap3A_220, %swap3A_221] : memref<64x20x128xf32, #tpu.memory_space<vmem>>, vector<1x20x128xf32>
    %swap3A_223 = vector.shape_cast %swap3A_222 : vector<1x20x128xf32> to vector<20x128xf32>
    %swap3A_224 = vector.shape_cast %slice3A_218 : vector<20x128xf32> to vector<1x20x128xf32>
    tpu.vector_store %arg8[%swap3A_219, %swap3A_220, %swap3A_221], %swap3A_224 {strides = array<i32>} : memref<64x20x128xf32, #tpu.memory_space<vmem>>, vector<1x20x128xf32>,
    %slice3A_225 = vector.extract_strided_slice %concatenate3A {offsets = [540, 0], sizes = [20, 128], strides = [1, 1]} : vector<1280x128xf32> to vector<20x128xf32>
    %swap3A_226 = arith.constant 27 : index
    %swap3A_227 = arith.constant 0 : index
    %swap3A_228 = arith.constant 0 : index
    %swap3A_229 = vector.load %arg8[%swap3A_226, %swap3A_227, %swap3A_228] : memref<64x20x128xf32, #tpu.memory_space<vmem>>, vector<1x20x128xf32>
    %swap3A_230 = vector.shape_cast %swap3A_229 : vector<1x20x128xf32> to vector<20x128xf32>
    %swap3A_231 = vector.shape_cast %slice3A_225 : vector<20x128xf32> to vector<1x20x128xf32>
    tpu.vector_store %arg8[%swap3A_226, %swap3A_227, %swap3A_228], %swap3A_231 {strides = array<i32>} : memref<64x20x128xf32, #tpu.memory_space<vmem>>, vector<1x20x128xf32>,
    %slice3A_232 = vector.extract_strided_slice %concatenate3A {offsets = [560, 0], sizes = [20, 128], strides = [1, 1]} : vector<1280x128xf32> to vector<20x128xf32>
    %swap3A_233 = arith.constant 28 : index
    %swap3A_234 = arith.constant 0 : index
    %swap3A_235 = arith.constant 0 : index
    %swap3A_236 = vector.load %arg8[%swap3A_233, %swap3A_234, %swap3A_235] : memref<64x20x128xf32, #tpu.memory_space<vmem>>, vector<1x20x128xf32>
    %swap3A_237 = vector.shape_cast %swap3A_236 : vector<1x20x128xf32> to vector<20x128xf32>
    %swap3A_238 = vector.shape_cast %slice3A_232 : vector<20x128xf32> to vector<1x20x128xf32>
    tpu.vector_store %arg8[%swap3A_233, %swap3A_234, %swap3A_235], %swap3A_238 {strides = array<i32>} : memref<64x20x128xf32, #tpu.memory_space<vmem>>, vector<1x20x128xf32>,
    %slice3A_239 = vector.extract_strided_slice %concatenate3A {offsets = [580, 0], sizes = [20, 128], strides = [1, 1]} : vector<1280x128xf32> to vector<20x128xf32>
    %swap3A_240 = arith.constant 29 : index
    %swap3A_241 = arith.constant 0 : index
    %swap3A_242 = arith.constant 0 : index
    %swap3A_243 = vector.load %arg8[%swap3A_240, %swap3A_241, %swap3A_242] : memref<64x20x128xf32, #tpu.memory_space<vmem>>, vector<1x20x128xf32>
    %swap3A_244 = vector.shape_cast %swap3A_243 : vector<1x20x128xf32> to vector<20x128xf32>
    %swap3A_245 = vector.shape_cast %slice3A_239 : vector<20x128xf32> to vector<1x20x128xf32>
    tpu.vector_store %arg8[%swap3A_240, %swap3A_241, %swap3A_242], %swap3A_245 {strides = array<i32>} : memref<64x20x128xf32, #tpu.memory_space<vmem>>, vector<1x20x128xf32>,
    %slice3A_246 = vector.extract_strided_slice %concatenate3A {offsets = [600, 0], sizes = [20, 128], strides = [1, 1]} : vector<1280x128xf32> to vector<20x128xf32>
    %swap3A_247 = arith.constant 30 : index
    %swap3A_248 = arith.constant 0 : index
    %swap3A_249 = arith.constant 0 : index
    %swap3A_250 = vector.load %arg8[%swap3A_247, %swap3A_248, %swap3A_249] : memref<64x20x128xf32, #tpu.memory_space<vmem>>, vector<1x20x128xf32>
    %swap3A_251 = vector.shape_cast %swap3A_250 : vector<1x20x128xf32> to vector<20x128xf32>
    %swap3A_252 = vector.shape_cast %slice3A_246 : vector<20x128xf32> to vector<1x20x128xf32>
    tpu.vector_store %arg8[%swap3A_247, %swap3A_248, %swap3A_249], %swap3A_252 {strides = array<i32>} : memref<64x20x128xf32, #tpu.memory_space<vmem>>, vector<1x20x128xf32>,
    %slice3A_253 = vector.extract_strided_slice %concatenate3A {offsets = [620, 0], sizes = [20, 128], strides = [1, 1]} : vector<1280x128xf32> to vector<20x128xf32>
    %swap3A_254 = arith.constant 31 : index
    %swap3A_255 = arith.constant 0 : index
    %swap3A_256 = arith.constant 0 : index
    %swap3A_257 = vector.load %arg8[%swap3A_254, %swap3A_255, %swap3A_256] : memref<64x20x128xf32, #tpu.memory_space<vmem>>, vector<1x20x128xf32>
    %swap3A_258 = vector.shape_cast %swap3A_257 : vector<1x20x128xf32> to vector<20x128xf32>
    %swap3A_259 = vector.shape_cast %slice3A_253 : vector<20x128xf32> to vector<1x20x128xf32>
    tpu.vector_store %arg8[%swap3A_254, %swap3A_255, %swap3A_256], %swap3A_259 {strides = array<i32>} : memref<64x20x128xf32, #tpu.memory_space<vmem>>, vector<1x20x128xf32>,
    %slice3A_260 = vector.extract_strided_slice %concatenate3A {offsets = [640, 0], sizes = [20, 128], strides = [1, 1]} : vector<1280x128xf32> to vector<20x128xf32>
    %swap3A_261 = arith.constant 32 : index
    %swap3A_262 = arith.constant 0 : index
    %swap3A_263 = arith.constant 0 : index
    %swap3A_264 = vector.load %arg8[%swap3A_261, %swap3A_262, %swap3A_263] : memref<64x20x128xf32, #tpu.memory_space<vmem>>, vector<1x20x128xf32>
    %swap3A_265 = vector.shape_cast %swap3A_264 : vector<1x20x128xf32> to vector<20x128xf32>
    %swap3A_266 = vector.shape_cast %slice3A_260 : vector<20x128xf32> to vector<1x20x128xf32>
    tpu.vector_store %arg8[%swap3A_261, %swap3A_262, %swap3A_263], %swap3A_266 {strides = array<i32>} : memref<64x20x128xf32, #tpu.memory_space<vmem>>, vector<1x20x128xf32>,
    %slice3A_267 = vector.extract_strided_slice %concatenate3A {offsets = [660, 0], sizes = [20, 128], strides = [1, 1]} : vector<1280x128xf32> to vector<20x128xf32>
    %swap3A_268 = arith.constant 33 : index
    %swap3A_269 = arith.constant 0 : index
    %swap3A_270 = arith.constant 0 : index
    %swap3A_271 = vector.load %arg8[%swap3A_268, %swap3A_269, %swap3A_270] : memref<64x20x128xf32, #tpu.memory_space<vmem>>, vector<1x20x128xf32>
    %swap3A_272 = vector.shape_cast %swap3A_271 : vector<1x20x128xf32> to vector<20x128xf32>
    %swap3A_273 = vector.shape_cast %slice3A_267 : vector<20x128xf32> to vector<1x20x128xf32>
    tpu.vector_store %arg8[%swap3A_268, %swap3A_269, %swap3A_270], %swap3A_273 {strides = array<i32>} : memref<64x20x128xf32, #tpu.memory_space<vmem>>, vector<1x20x128xf32>,
    %slice3A_274 = vector.extract_strided_slice %concatenate3A {offsets = [680, 0], sizes = [20, 128], strides = [1, 1]} : vector<1280x128xf32> to vector<20x128xf32>
    %swap3A_275 = arith.constant 34 : index
    %swap3A_276 = arith.constant 0 : index
    %swap3A_277 = arith.constant 0 : index
    %swap3A_278 = vector.load %arg8[%swap3A_275, %swap3A_276, %swap3A_277] : memref<64x20x128xf32, #tpu.memory_space<vmem>>, vector<1x20x128xf32>
    %swap3A_279 = vector.shape_cast %swap3A_278 : vector<1x20x128xf32> to vector<20x128xf32>
    %swap3A_280 = vector.shape_cast %slice3A_274 : vector<20x128xf32> to vector<1x20x128xf32>
    tpu.vector_store %arg8[%swap3A_275, %swap3A_276, %swap3A_277], %swap3A_280 {strides = array<i32>} : memref<64x20x128xf32, #tpu.memory_space<vmem>>, vector<1x20x128xf32>,
    %slice3A_281 = vector.extract_strided_slice %concatenate3A {offsets = [700, 0], sizes = [20, 128], strides = [1, 1]} : vector<1280x128xf32> to vector<20x128xf32>
    %swap3A_282 = arith.constant 35 : index
    %swap3A_283 = arith.constant 0 : index
    %swap3A_284 = arith.constant 0 : index
    %swap3A_285 = vector.load %arg8[%swap3A_282, %swap3A_283, %swap3A_284] : memref<64x20x128xf32, #tpu.memory_space<vmem>>, vector<1x20x128xf32>
    %swap3A_286 = vector.shape_cast %swap3A_285 : vector<1x20x128xf32> to vector<20x128xf32>
    %swap3A_287 = vector.shape_cast %slice3A_281 : vector<20x128xf32> to vector<1x20x128xf32>
    tpu.vector_store %arg8[%swap3A_282, %swap3A_283, %swap3A_284], %swap3A_287 {strides = array<i32>} : memref<64x20x128xf32, #tpu.memory_space<vmem>>, vector<1x20x128xf32>,
    %slice3A_288 = vector.extract_strided_slice %concatenate3A {offsets = [720, 0], sizes = [20, 128], strides = [1, 1]} : vector<1280x128xf32> to vector<20x128xf32>
    %swap3A_289 = arith.constant 36 : index
    %swap3A_290 = arith.constant 0 : index
    %swap3A_291 = arith.constant 0 : index
    %swap3A_292 = vector.load %arg8[%swap3A_289, %swap3A_290, %swap3A_291] : memref<64x20x128xf32, #tpu.memory_space<vmem>>, vector<1x20x128xf32>
    %swap3A_293 = vector.shape_cast %swap3A_292 : vector<1x20x128xf32> to vector<20x128xf32>
    %swap3A_294 = vector.shape_cast %slice3A_288 : vector<20x128xf32> to vector<1x20x128xf32>
    tpu.vector_store %arg8[%swap3A_289, %swap3A_290, %swap3A_291], %swap3A_294 {strides = array<i32>} : memref<64x20x128xf32, #tpu.memory_space<vmem>>, vector<1x20x128xf32>,
    %slice3A_295 = vector.extract_strided_slice %concatenate3A {offsets = [740, 0], sizes = [20, 128], strides = [1, 1]} : vector<1280x128xf32> to vector<20x128xf32>
    %swap3A_296 = arith.constant 37 : index
    %swap3A_297 = arith.constant 0 : index
    %swap3A_298 = arith.constant 0 : index
    %swap3A_299 = vector.load %arg8[%swap3A_296, %swap3A_297, %swap3A_298] : memref<64x20x128xf32, #tpu.memory_space<vmem>>, vector<1x20x128xf32>
    %swap3A_300 = vector.shape_cast %swap3A_299 : vector<1x20x128xf32> to vector<20x128xf32>
    %swap3A_301 = vector.shape_cast %slice3A_295 : vector<20x128xf32> to vector<1x20x128xf32>
    tpu.vector_store %arg8[%swap3A_296, %swap3A_297, %swap3A_298], %swap3A_301 {strides = array<i32>} : memref<64x20x128xf32, #tpu.memory_space<vmem>>, vector<1x20x128xf32>,
    %slice3A_302 = vector.extract_strided_slice %concatenate3A {offsets = [760, 0], sizes = [20, 128], strides = [1, 1]} : vector<1280x128xf32> to vector<20x128xf32>
    %swap3A_303 = arith.constant 38 : index
    %swap3A_304 = arith.constant 0 : index
    %swap3A_305 = arith.constant 0 : index
    %swap3A_306 = vector.load %arg8[%swap3A_303, %swap3A_304, %swap3A_305] : memref<64x20x128xf32, #tpu.memory_space<vmem>>, vector<1x20x128xf32>
    %swap3A_307 = vector.shape_cast %swap3A_306 : vector<1x20x128xf32> to vector<20x128xf32>
    %swap3A_308 = vector.shape_cast %slice3A_302 : vector<20x128xf32> to vector<1x20x128xf32>
    tpu.vector_store %arg8[%swap3A_303, %swap3A_304, %swap3A_305], %swap3A_308 {strides = array<i32>} : memref<64x20x128xf32, #tpu.memory_space<vmem>>, vector<1x20x128xf32>,
    %slice3A_309 = vector.extract_strided_slice %concatenate3A {offsets = [780, 0], sizes = [20, 128], strides = [1, 1]} : vector<1280x128xf32> to vector<20x128xf32>
    %swap3A_310 = arith.constant 39 : index
    %swap3A_311 = arith.constant 0 : index
    %swap3A_312 = arith.constant 0 : index
    %swap3A_313 = vector.load %arg8[%swap3A_310, %swap3A_311, %swap3A_312] : memref<64x20x128xf32, #tpu.memory_space<vmem>>, vector<1x20x128xf32>
    %swap3A_314 = vector.shape_cast %swap3A_313 : vector<1x20x128xf32> to vector<20x128xf32>
    %swap3A_315 = vector.shape_cast %slice3A_309 : vector<20x128xf32> to vector<1x20x128xf32>
    tpu.vector_store %arg8[%swap3A_310, %swap3A_311, %swap3A_312], %swap3A_315 {strides = array<i32>} : memref<64x20x128xf32, #tpu.memory_space<vmem>>, vector<1x20x128xf32>,
    %slice3A_316 = vector.extract_strided_slice %concatenate3A {offsets = [800, 0], sizes = [20, 128], strides = [1, 1]} : vector<1280x128xf32> to vector<20x128xf32>
    %swap3A_317 = arith.constant 40 : index
    %swap3A_318 = arith.constant 0 : index
    %swap3A_319 = arith.constant 0 : index
    %swap3A_320 = vector.load %arg8[%swap3A_317, %swap3A_318, %swap3A_319] : memref<64x20x128xf32, #tpu.memory_space<vmem>>, vector<1x20x128xf32>
    %swap3A_321 = vector.shape_cast %swap3A_320 : vector<1x20x128xf32> to vector<20x128xf32>
    %swap3A_322 = vector.shape_cast %slice3A_316 : vector<20x128xf32> to vector<1x20x128xf32>
    tpu.vector_store %arg8[%swap3A_317, %swap3A_318, %swap3A_319], %swap3A_322 {strides = array<i32>} : memref<64x20x128xf32, #tpu.memory_space<vmem>>, vector<1x20x128xf32>,
    %slice3A_323 = vector.extract_strided_slice %concatenate3A {offsets = [820, 0], sizes = [20, 128], strides = [1, 1]} : vector<1280x128xf32> to vector<20x128xf32>
    %swap3A_324 = arith.constant 41 : index
    %swap3A_325 = arith.constant 0 : index
    %swap3A_326 = arith.constant 0 : index
    %swap3A_327 = vector.load %arg8[%swap3A_324, %swap3A_325, %swap3A_326] : memref<64x20x128xf32, #tpu.memory_space<vmem>>, vector<1x20x128xf32>
    %swap3A_328 = vector.shape_cast %swap3A_327 : vector<1x20x128xf32> to vector<20x128xf32>
    %swap3A_329 = vector.shape_cast %slice3A_323 : vector<20x128xf32> to vector<1x20x128xf32>
    tpu.vector_store %arg8[%swap3A_324, %swap3A_325, %swap3A_326], %swap3A_329 {strides = array<i32>} : memref<64x20x128xf32, #tpu.memory_space<vmem>>, vector<1x20x128xf32>,
    %slice3A_330 = vector.extract_strided_slice %concatenate3A {offsets = [840, 0], sizes = [20, 128], strides = [1, 1]} : vector<1280x128xf32> to vector<20x128xf32>
    %swap3A_331 = arith.constant 42 : index
    %swap3A_332 = arith.constant 0 : index
    %swap3A_333 = arith.constant 0 : index
    %swap3A_334 = vector.load %arg8[%swap3A_331, %swap3A_332, %swap3A_333] : memref<64x20x128xf32, #tpu.memory_space<vmem>>, vector<1x20x128xf32>
    %swap3A_335 = vector.shape_cast %swap3A_334 : vector<1x20x128xf32> to vector<20x128xf32>
    %swap3A_336 = vector.shape_cast %slice3A_330 : vector<20x128xf32> to vector<1x20x128xf32>
    tpu.vector_store %arg8[%swap3A_331, %swap3A_332, %swap3A_333], %swap3A_336 {strides = array<i32>} : memref<64x20x128xf32, #tpu.memory_space<vmem>>, vector<1x20x128xf32>,
    %slice3A_337 = vector.extract_strided_slice %concatenate3A {offsets = [860, 0], sizes = [20, 128], strides = [1, 1]} : vector<1280x128xf32> to vector<20x128xf32>
    %swap3A_338 = arith.constant 43 : index
    %swap3A_339 = arith.constant 0 : index
    %swap3A_340 = arith.constant 0 : index
    %swap3A_341 = vector.load %arg8[%swap3A_338, %swap3A_339, %swap3A_340] : memref<64x20x128xf32, #tpu.memory_space<vmem>>, vector<1x20x128xf32>
    %swap3A_342 = vector.shape_cast %swap3A_341 : vector<1x20x128xf32> to vector<20x128xf32>
    %swap3A_343 = vector.shape_cast %slice3A_337 : vector<20x128xf32> to vector<1x20x128xf32>
    tpu.vector_store %arg8[%swap3A_338, %swap3A_339, %swap3A_340], %swap3A_343 {strides = array<i32>} : memref<64x20x128xf32, #tpu.memory_space<vmem>>, vector<1x20x128xf32>,
    %slice3A_344 = vector.extract_strided_slice %concatenate3A {offsets = [880, 0], sizes = [20, 128], strides = [1, 1]} : vector<1280x128xf32> to vector<20x128xf32>
    %swap3A_345 = arith.constant 44 : index
    %swap3A_346 = arith.constant 0 : index
    %swap3A_347 = arith.constant 0 : index
    %swap3A_348 = vector.load %arg8[%swap3A_345, %swap3A_346, %swap3A_347] : memref<64x20x128xf32, #tpu.memory_space<vmem>>, vector<1x20x128xf32>
    %swap3A_349 = vector.shape_cast %swap3A_348 : vector<1x20x128xf32> to vector<20x128xf32>
    %swap3A_350 = vector.shape_cast %slice3A_344 : vector<20x128xf32> to vector<1x20x128xf32>
    tpu.vector_store %arg8[%swap3A_345, %swap3A_346, %swap3A_347], %swap3A_350 {strides = array<i32>} : memref<64x20x128xf32, #tpu.memory_space<vmem>>, vector<1x20x128xf32>,
    %slice3A_351 = vector.extract_strided_slice %concatenate3A {offsets = [900, 0], sizes = [20, 128], strides = [1, 1]} : vector<1280x128xf32> to vector<20x128xf32>
    %swap3A_352 = arith.constant 45 : index
    %swap3A_353 = arith.constant 0 : index
    %swap3A_354 = arith.constant 0 : index
    %swap3A_355 = vector.load %arg8[%swap3A_352, %swap3A_353, %swap3A_354] : memref<64x20x128xf32, #tpu.memory_space<vmem>>, vector<1x20x128xf32>
    %swap3A_356 = vector.shape_cast %swap3A_355 : vector<1x20x128xf32> to vector<20x128xf32>
    %swap3A_357 = vector.shape_cast %slice3A_351 : vector<20x128xf32> to vector<1x20x128xf32>
    tpu.vector_store %arg8[%swap3A_352, %swap3A_353, %swap3A_354], %swap3A_357 {strides = array<i32>} : memref<64x20x128xf32, #tpu.memory_space<vmem>>, vector<1x20x128xf32>,
    %slice3A_358 = vector.extract_strided_slice %concatenate3A {offsets = [920, 0], sizes = [20, 128], strides = [1, 1]} : vector<1280x128xf32> to vector<20x128xf32>
    %swap3A_359 = arith.constant 46 : index
    %swap3A_360 = arith.constant 0 : index
    %swap3A_361 = arith.constant 0 : index
    %swap3A_362 = vector.load %arg8[%swap3A_359, %swap3A_360, %swap3A_361] : memref<64x20x128xf32, #tpu.memory_space<vmem>>, vector<1x20x128xf32>
    %swap3A_363 = vector.shape_cast %swap3A_362 : vector<1x20x128xf32> to vector<20x128xf32>
    %swap3A_364 = vector.shape_cast %slice3A_358 : vector<20x128xf32> to vector<1x20x128xf32>
    tpu.vector_store %arg8[%swap3A_359, %swap3A_360, %swap3A_361], %swap3A_364 {strides = array<i32>} : memref<64x20x128xf32, #tpu.memory_space<vmem>>, vector<1x20x128xf32>,
    %slice3A_365 = vector.extract_strided_slice %concatenate3A {offsets = [940, 0], sizes = [20, 128], strides = [1, 1]} : vector<1280x128xf32> to vector<20x128xf32>
    %swap3A_366 = arith.constant 47 : index
    %swap3A_367 = arith.constant 0 : index
    %swap3A_368 = arith.constant 0 : index
    %swap3A_369 = vector.load %arg8[%swap3A_366, %swap3A_367, %swap3A_368] : memref<64x20x128xf32, #tpu.memory_space<vmem>>, vector<1x20x128xf32>
    %swap3A_370 = vector.shape_cast %swap3A_369 : vector<1x20x128xf32> to vector<20x128xf32>
    %swap3A_371 = vector.shape_cast %slice3A_365 : vector<20x128xf32> to vector<1x20x128xf32>
    tpu.vector_store %arg8[%swap3A_366, %swap3A_367, %swap3A_368], %swap3A_371 {strides = array<i32>} : memref<64x20x128xf32, #tpu.memory_space<vmem>>, vector<1x20x128xf32>,
    %slice3A_372 = vector.extract_strided_slice %concatenate3A {offsets = [960, 0], sizes = [20, 128], strides = [1, 1]} : vector<1280x128xf32> to vector<20x128xf32>
    %swap3A_373 = arith.constant 48 : index
    %swap3A_374 = arith.constant 0 : index
    %swap3A_375 = arith.constant 0 : index
    %swap3A_376 = vector.load %arg8[%swap3A_373, %swap3A_374, %swap3A_375] : memref<64x20x128xf32, #tpu.memory_space<vmem>>, vector<1x20x128xf32>
    %swap3A_377 = vector.shape_cast %swap3A_376 : vector<1x20x128xf32> to vector<20x128xf32>
    %swap3A_378 = vector.shape_cast %slice3A_372 : vector<20x128xf32> to vector<1x20x128xf32>
    tpu.vector_store %arg8[%swap3A_373, %swap3A_374, %swap3A_375], %swap3A_378 {strides = array<i32>} : memref<64x20x128xf32, #tpu.memory_space<vmem>>, vector<1x20x128xf32>,
    %slice3A_379 = vector.extract_strided_slice %concatenate3A {offsets = [980, 0], sizes = [20, 128], strides = [1, 1]} : vector<1280x128xf32> to vector<20x128xf32>
    %swap3A_380 = arith.constant 49 : index
    %swap3A_381 = arith.constant 0 : index
    %swap3A_382 = arith.constant 0 : index
    %swap3A_383 = vector.load %arg8[%swap3A_380, %swap3A_381, %swap3A_382] : memref<64x20x128xf32, #tpu.memory_space<vmem>>, vector<1x20x128xf32>
    %swap3A_384 = vector.shape_cast %swap3A_383 : vector<1x20x128xf32> to vector<20x128xf32>
    %swap3A_385 = vector.shape_cast %slice3A_379 : vector<20x128xf32> to vector<1x20x128xf32>
    tpu.vector_store %arg8[%swap3A_380, %swap3A_381, %swap3A_382], %swap3A_385 {strides = array<i32>} : memref<64x20x128xf32, #tpu.memory_space<vmem>>, vector<1x20x128xf32>,
    %slice3A_386 = vector.extract_strided_slice %concatenate3A {offsets = [1000, 0], sizes = [20, 128], strides = [1, 1]} : vector<1280x128xf32> to vector<20x128xf32>
    %swap3A_387 = arith.constant 50 : index
    %swap3A_388 = arith.constant 0 : index
    %swap3A_389 = arith.constant 0 : index
    %swap3A_390 = vector.load %arg8[%swap3A_387, %swap3A_388, %swap3A_389] : memref<64x20x128xf32, #tpu.memory_space<vmem>>, vector<1x20x128xf32>
    %swap3A_391 = vector.shape_cast %swap3A_390 : vector<1x20x128xf32> to vector<20x128xf32>
    %swap3A_392 = vector.shape_cast %slice3A_386 : vector<20x128xf32> to vector<1x20x128xf32>
    tpu.vector_store %arg8[%swap3A_387, %swap3A_388, %swap3A_389], %swap3A_392 {strides = array<i32>} : memref<64x20x128xf32, #tpu.memory_space<vmem>>, vector<1x20x128xf32>,
    %slice3A_393 = vector.extract_strided_slice %concatenate3A {offsets = [1020, 0], sizes = [20, 128], strides = [1, 1]} : vector<1280x128xf32> to vector<20x128xf32>
    %swap3A_394 = arith.constant 51 : index
    %swap3A_395 = arith.constant 0 : index
    %swap3A_396 = arith.constant 0 : index
    %swap3A_397 = vector.load %arg8[%swap3A_394, %swap3A_395, %swap3A_396] : memref<64x20x128xf32, #tpu.memory_space<vmem>>, vector<1x20x128xf32>
    %swap3A_398 = vector.shape_cast %swap3A_397 : vector<1x20x128xf32> to vector<20x128xf32>
    %swap3A_399 = vector.shape_cast %slice3A_393 : vector<20x128xf32> to vector<1x20x128xf32>
    tpu.vector_store %arg8[%swap3A_394, %swap3A_395, %swap3A_396], %swap3A_399 {strides = array<i32>} : memref<64x20x128xf32, #tpu.memory_space<vmem>>, vector<1x20x128xf32>,
    %slice3A_400 = vector.extract_strided_slice %concatenate3A {offsets = [1040, 0], sizes = [20, 128], strides = [1, 1]} : vector<1280x128xf32> to vector<20x128xf32>
    %swap3A_401 = arith.constant 52 : index
    %swap3A_402 = arith.constant 0 : index
    %swap3A_403 = arith.constant 0 : index
    %swap3A_404 = vector.load %arg8[%swap3A_401, %swap3A_402, %swap3A_403] : memref<64x20x128xf32, #tpu.memory_space<vmem>>, vector<1x20x128xf32>
    %swap3A_405 = vector.shape_cast %swap3A_404 : vector<1x20x128xf32> to vector<20x128xf32>
    %swap3A_406 = vector.shape_cast %slice3A_400 : vector<20x128xf32> to vector<1x20x128xf32>
    tpu.vector_store %arg8[%swap3A_401, %swap3A_402, %swap3A_403], %swap3A_406 {strides = array<i32>} : memref<64x20x128xf32, #tpu.memory_space<vmem>>, vector<1x20x128xf32>,
    %slice3A_407 = vector.extract_strided_slice %concatenate3A {offsets = [1060, 0], sizes = [20, 128], strides = [1, 1]} : vector<1280x128xf32> to vector<20x128xf32>
    %swap3A_408 = arith.constant 53 : index
    %swap3A_409 = arith.constant 0 : index
    %swap3A_410 = arith.constant 0 : index
    %swap3A_411 = vector.load %arg8[%swap3A_408, %swap3A_409, %swap3A_410] : memref<64x20x128xf32, #tpu.memory_space<vmem>>, vector<1x20x128xf32>
    %swap3A_412 = vector.shape_cast %swap3A_411 : vector<1x20x128xf32> to vector<20x128xf32>
    %swap3A_413 = vector.shape_cast %slice3A_407 : vector<20x128xf32> to vector<1x20x128xf32>
    tpu.vector_store %arg8[%swap3A_408, %swap3A_409, %swap3A_410], %swap3A_413 {strides = array<i32>} : memref<64x20x128xf32, #tpu.memory_space<vmem>>, vector<1x20x128xf32>,
    %slice3A_414 = vector.extract_strided_slice %concatenate3A {offsets = [1080, 0], sizes = [20, 128], strides = [1, 1]} : vector<1280x128xf32> to vector<20x128xf32>
    %swap3A_415 = arith.constant 54 : index
    %swap3A_416 = arith.constant 0 : index
    %swap3A_417 = arith.constant 0 : index
    %swap3A_418 = vector.load %arg8[%swap3A_415, %swap3A_416, %swap3A_417] : memref<64x20x128xf32, #tpu.memory_space<vmem>>, vector<1x20x128xf32>
    %swap3A_419 = vector.shape_cast %swap3A_418 : vector<1x20x128xf32> to vector<20x128xf32>
    %swap3A_420 = vector.shape_cast %slice3A_414 : vector<20x128xf32> to vector<1x20x128xf32>
    tpu.vector_store %arg8[%swap3A_415, %swap3A_416, %swap3A_417], %swap3A_420 {strides = array<i32>} : memref<64x20x128xf32, #tpu.memory_space<vmem>>, vector<1x20x128xf32>,
    %slice3A_421 = vector.extract_strided_slice %concatenate3A {offsets = [1100, 0], sizes = [20, 128], strides = [1, 1]} : vector<1280x128xf32> to vector<20x128xf32>
    %swap3A_422 = arith.constant 55 : index
    %swap3A_423 = arith.constant 0 : index
    %swap3A_424 = arith.constant 0 : index
    %swap3A_425 = vector.load %arg8[%swap3A_422, %swap3A_423, %swap3A_424] : memref<64x20x128xf32, #tpu.memory_space<vmem>>, vector<1x20x128xf32>
    %swap3A_426 = vector.shape_cast %swap3A_425 : vector<1x20x128xf32> to vector<20x128xf32>
    %swap3A_427 = vector.shape_cast %slice3A_421 : vector<20x128xf32> to vector<1x20x128xf32>
    tpu.vector_store %arg8[%swap3A_422, %swap3A_423, %swap3A_424], %swap3A_427 {strides = array<i32>} : memref<64x20x128xf32, #tpu.memory_space<vmem>>, vector<1x20x128xf32>,
    %slice3A_428 = vector.extract_strided_slice %concatenate3A {offsets = [1120, 0], sizes = [20, 128], strides = [1, 1]} : vector<1280x128xf32> to vector<20x128xf32>
    %swap3A_429 = arith.constant 56 : index
    %swap3A_430 = arith.constant 0 : index
    %swap3A_431 = arith.constant 0 : index
    %swap3A_432 = vector.load %arg8[%swap3A_429, %swap3A_430, %swap3A_431] : memref<64x20x128xf32, #tpu.memory_space<vmem>>, vector<1x20x128xf32>
    %swap3A_433 = vector.shape_cast %swap3A_432 : vector<1x20x128xf32> to vector<20x128xf32>
    %swap3A_434 = vector.shape_cast %slice3A_428 : vector<20x128xf32> to vector<1x20x128xf32>
    tpu.vector_store %arg8[%swap3A_429, %swap3A_430, %swap3A_431], %swap3A_434 {strides = array<i32>} : memref<64x20x128xf32, #tpu.memory_space<vmem>>, vector<1x20x128xf32>,
    %slice3A_435 = vector.extract_strided_slice %concatenate3A {offsets = [1140, 0], sizes = [20, 128], strides = [1, 1]} : vector<1280x128xf32> to vector<20x128xf32>
    %swap3A_436 = arith.constant 57 : index
    %swap3A_437 = arith.constant 0 : index
    %swap3A_438 = arith.constant 0 : index
    %swap3A_439 = vector.load %arg8[%swap3A_436, %swap3A_437, %swap3A_438] : memref<64x20x128xf32, #tpu.memory_space<vmem>>, vector<1x20x128xf32>
    %swap3A_440 = vector.shape_cast %swap3A_439 : vector<1x20x128xf32> to vector<20x128xf32>
    %swap3A_441 = vector.shape_cast %slice3A_435 : vector<20x128xf32> to vector<1x20x128xf32>
    tpu.vector_store %arg8[%swap3A_436, %swap3A_437, %swap3A_438], %swap3A_441 {strides = array<i32>} : memref<64x20x128xf32, #tpu.memory_space<vmem>>, vector<1x20x128xf32>,
    %slice3A_442 = vector.extract_strided_slice %concatenate3A {offsets = [1160, 0], sizes = [20, 128], strides = [1, 1]} : vector<1280x128xf32> to vector<20x128xf32>
    %swap3A_443 = arith.constant 58 : index
    %swap3A_444 = arith.constant 0 : index
    %swap3A_445 = arith.constant 0 : index
    %swap3A_446 = vector.load %arg8[%swap3A_443, %swap3A_444, %swap3A_445] : memref<64x20x128xf32, #tpu.memory_space<vmem>>, vector<1x20x128xf32>
    %swap3A_447 = vector.shape_cast %swap3A_446 : vector<1x20x128xf32> to vector<20x128xf32>
    %swap3A_448 = vector.shape_cast %slice3A_442 : vector<20x128xf32> to vector<1x20x128xf32>
    tpu.vector_store %arg8[%swap3A_443, %swap3A_444, %swap3A_445], %swap3A_448 {strides = array<i32>} : memref<64x20x128xf32, #tpu.memory_space<vmem>>, vector<1x20x128xf32>,
    %slice3A_449 = vector.extract_strided_slice %concatenate3A {offsets = [1180, 0], sizes = [20, 128], strides = [1, 1]} : vector<1280x128xf32> to vector<20x128xf32>
    %swap3A_450 = arith.constant 59 : index
    %swap3A_451 = arith.constant 0 : index
    %swap3A_452 = arith.constant 0 : index
    %swap3A_453 = vector.load %arg8[%swap3A_450, %swap3A_451, %swap3A_452] : memref<64x20x128xf32, #tpu.memory_space<vmem>>, vector<1x20x128xf32>
    %swap3A_454 = vector.shape_cast %swap3A_453 : vector<1x20x128xf32> to vector<20x128xf32>
    %swap3A_455 = vector.shape_cast %slice3A_449 : vector<20x128xf32> to vector<1x20x128xf32>
    tpu.vector_store %arg8[%swap3A_450, %swap3A_451, %swap3A_452], %swap3A_455 {strides = array<i32>} : memref<64x20x128xf32, #tpu.memory_space<vmem>>, vector<1x20x128xf32>,
    %slice3A_456 = vector.extract_strided_slice %concatenate3A {offsets = [1200, 0], sizes = [20, 128], strides = [1, 1]} : vector<1280x128xf32> to vector<20x128xf32>
    %swap3A_457 = arith.constant 60 : index
    %swap3A_458 = arith.constant 0 : index
    %swap3A_459 = arith.constant 0 : index
    %swap3A_460 = vector.load %arg8[%swap3A_457, %swap3A_458, %swap3A_459] : memref<64x20x128xf32, #tpu.memory_space<vmem>>, vector<1x20x128xf32>
    %swap3A_461 = vector.shape_cast %swap3A_460 : vector<1x20x128xf32> to vector<20x128xf32>
    %swap3A_462 = vector.shape_cast %slice3A_456 : vector<20x128xf32> to vector<1x20x128xf32>
    tpu.vector_store %arg8[%swap3A_457, %swap3A_458, %swap3A_459], %swap3A_462 {strides = array<i32>} : memref<64x20x128xf32, #tpu.memory_space<vmem>>, vector<1x20x128xf32>,
    %slice3A_463 = vector.extract_strided_slice %concatenate3A {offsets = [1220, 0], sizes = [20, 128], strides = [1, 1]} : vector<1280x128xf32> to vector<20x128xf32>
    %swap3A_464 = arith.constant 61 : index
    %swap3A_465 = arith.constant 0 : index
    %swap3A_466 = arith.constant 0 : index
    %swap3A_467 = vector.load %arg8[%swap3A_464, %swap3A_465, %swap3A_466] : memref<64x20x128xf32, #tpu.memory_space<vmem>>, vector<1x20x128xf32>
    %swap3A_468 = vector.shape_cast %swap3A_467 : vector<1x20x128xf32> to vector<20x128xf32>
    %swap3A_469 = vector.shape_cast %slice3A_463 : vector<20x128xf32> to vector<1x20x128xf32>
    tpu.vector_store %arg8[%swap3A_464, %swap3A_465, %swap3A_466], %swap3A_469 {strides = array<i32>} : memref<64x20x128xf32, #tpu.memory_space<vmem>>, vector<1x20x128xf32>,
    %slice3A_470 = vector.extract_strided_slice %concatenate3A {offsets = [1240, 0], sizes = [20, 128], strides = [1, 1]} : vector<1280x128xf32> to vector<20x128xf32>
    %swap3A_471 = arith.constant 62 : index
    %swap3A_472 = arith.constant 0 : index
    %swap3A_473 = arith.constant 0 : index
    %swap3A_474 = vector.load %arg8[%swap3A_471, %swap3A_472, %swap3A_473] : memref<64x20x128xf32, #tpu.memory_space<vmem>>, vector<1x20x128xf32>
    %swap3A_475 = vector.shape_cast %swap3A_474 : vector<1x20x128xf32> to vector<20x128xf32>
    %swap3A_476 = vector.shape_cast %slice3A_470 : vector<20x128xf32> to vector<1x20x128xf32>
    tpu.vector_store %arg8[%swap3A_471, %swap3A_472, %swap3A_473], %swap3A_476 {strides = array<i32>} : memref<64x20x128xf32, #tpu.memory_space<vmem>>, vector<1x20x128xf32>,
    %slice3A_477 = vector.extract_strided_slice %concatenate3A {offsets = [1260, 0], sizes = [20, 128], strides = [1, 1]} : vector<1280x128xf32> to vector<20x128xf32>
    %swap3A_478 = arith.constant 63 : index
    %swap3A_479 = arith.constant 0 : index
    %swap3A_480 = arith.constant 0 : index
    %swap3A_481 = vector.load %arg8[%swap3A_478, %swap3A_479, %swap3A_480] : memref<64x20x128xf32, #tpu.memory_space<vmem>>, vector<1x20x128xf32>
    %swap3A_482 = vector.shape_cast %swap3A_481 : vector<1x20x128xf32> to vector<20x128xf32>
    %swap3A_483 = vector.shape_cast %slice3A_477 : vector<20x128xf32> to vector<1x20x128xf32>
    tpu.vector_store %arg8[%swap3A_478, %swap3A_479, %swap3A_480], %swap3A_483 {strides = array<i32>} : memref<64x20x128xf32, #tpu.memory_space<vmem>>, vector<1x20x128xf32>,
    return
  }
  func.func @transform_0(%arg0: i32) -> (i32, i32) {
    %c0_i32 = arith.constant 0 : i32
    %c0_i32_0 = arith.constant 0 : i32
    return %arg0, %c0_i32 : i32, i32
  }
  func.func @transform_1(%arg0: i32) -> (i32, i32) {
    %add3A = arith.constant 40 : i32
    %add3A_0 = arith.addi %arg0, %add3A : i32
    %c0_i32 = arith.constant 0 : i32
    %c0_i32_1 = arith.constant 0 : i32
    return %add3A_0, %c0_i32 : i32, i32
  }
  func.func @transform_2(%arg0: i32) -> (i32, i32) {
    %c0_i32 = arith.constant 0 : i32
    %c0_i32_0 = arith.constant 0 : i32
    %c0_i32_1 = arith.constant 0 : i32
    return %c0_i32, %c0_i32_0 : i32, i32
  }
  func.func @transform_3(%arg0: i32) -> (i32, i32) {
    %c0_i32 = arith.constant 0 : i32
    %c0_i32_0 = arith.constant 0 : i32
    %c0_i32_1 = arith.constant 0 : i32
    return %c0_i32, %c0_i32_0 : i32, i32
  }
  func.func @transform_4(%arg0: i32) -> (i32, i32) {
    %c0_i32 = arith.constant 0 : i32
    %c0_i32_0 = arith.constant 0 : i32
    %c0_i32_1 = arith.constant 0 : i32
    return %c0_i32, %c0_i32_0 : i32, i32
  }
  func.func @transform_5(%arg0: i32) -> (i32, i32) {
    %c0_i32 = arith.constant 0 : i32
    %c0_i32_0 = arith.constant 0 : i32
    %c0_i32_1 = arith.constant 0 : i32
    return %c0_i32, %c0_i32_0 : i32, i32
  }
  func.func @transform_6(%arg0: i32) -> (i32, i32) {
    %c0_i32 = arith.constant 0 : i32
    %c0_i32_0 = arith.constant 0 : i32
    %c0_i32_1 = arith.constant 0 : i32
    return %c0_i32, %c0_i32_0 : i32, i32
  }
  func.func @transform_7(%arg0: i32) -> (i32, i32, i32) {
    %c0_i32 = arith.constant 0 : i32
    %c0_i32_0 = arith.constant 0 : i32
    %c0_i32_1 = arith.constant 0 : i32
    return %arg0, %c0_i32, %c0_i32_0 : i32, i32, i32
  }
}

</mosaic_0001>

<sc_bundles>
// kernel: kernel.6.cloned.1.call-start
scs
__scs_entry_jumppad:
0x0: {  	(pc) =	sbr.rel $0x88, $3  }
0x1: {  	(tag) =	ssettag $0x0;
	lr =	simm.s32 $0x1  }
0x2: {  	[smem:$0x3F91] =	sst lr;
	_ =	strace $0xD0000000  }
0x3: {  	_ = 	snop  }
0x4: {  	_ = 	snop  }
0x5: {  	_ = 	snop  }
0x6: {  	_ = 	snop  }
0x7: {  	_ = 	snop  }
__scs_overlays_trampoline_lowered:
0x8: {  	[smem:$0x3FA0] =	sst s0  }
0x9: {  	[smem:$0x3FA1] =	sst s1  }
0xa: {  	[smem:$0x3FA2] =	sst s2  }
0xb: {  	[smem:$0x3FA3] =	sst s3  }
0xc: {  	[smem:$0x3FA4] =	sst s4  }
0xd: {  	[smem:$0x3FA5] =	sst s5  }
0xe: {  	[smem:$0x3FA6] =	sst s6  }
0xf: {  	[smem:$0x3FA7] =	sst s7  }
0x10: {  	[smem:$0x3FA8] =	sst s8  }
0x11: {  	[smem:$0x3FA9] =	sst s9;
	s0 =	simm.s32 @!p0 $0x0  }
0x12: {  	s1 =	sld [smem:$0x3F8F];
	s0 =	simm.s32 @p0 $0x1  }
0x13: {  	[smem:$0x3FAA] =	sst s0;
	s0 =	simm.s32 @!p1 $0x0  }
0x14: {  	s2 =	sld [smem:$0x3F8E];
	s0 =	simm.s32 @p1 $0x1  }
0x15: {  	[smem:$0x3FAB] =	sst s0;
	s0 =	simm.s32 @!p2 $0x0  }
0x16: {  	s3 =	sld [smem:$0x3FDB];
	s0 =	simm.s32 @p2 $0x1  }
0x17: {  	s4 =	simm.s32 $0x1BF5;
	[smem:$0x3FAD] =	sst s0  }
0x18: {  	s0 =	sld [smem:$0x3F90];
	_ =	swait.ge [sflag:s4], $0x0  }
0x19: {  	s7 =	sld [smem:$0x3F91]  }
0x1a: {  	s8 =	sadd.s32 $0xFFFFE003, lr  }
0x1b: {  	s9 =	sadd.s32 $0xFFFFFEF7, lr;
	s5 =	simm.s32 $0xFFFFFFFF;
	p2 =	slt.u32 s8, $0xFFFFF086  }
0x1c: {  	p1 =	slt.u32 s9, $0xF7A;
	s5 =	simm.s32 @!p2 $0x0  }
0x1d: {  	s5 =	simm.s32 @p1 $0x1;
	p0 =	seq.s32 s7, s2  }
0x1e: {  	s7 =	smul.u32 @!p0 $0xF7A, s2;
	p2 =	seq.s32 @!p0 s5, $0x0  }
0x1f: {  	s9 =	smul.u32 $0xF7A, s1;
	s8 =	simm.s32 @!p0 $0x1BF5;
	p2 =	por !p2, p0  }
0x20: {  	[sflag:s8] =	ssyncset.s32 @!p0 $0xFFFFF086;
	s6 =	sadd.s32 @!p0 s3, s7;
	s7 =	simm.s32 @!p0 $0x108  }
0x21: {  	s3 =	sadd.s32 s3, s9;
	s6 =	sadd.s32 @!p0 $0x88, s6;
	s7 =	simm.s32 @p2 $0x1082  }
0x22: {  	[simem:s7], [sflag:s8] =	dma.local @!p0 [hbm:s6], $0xF7A  }
0x23: {  	s9 =	sor.u32 $0xD0000000, s2;
	s6 =	simm.s32 $0x108;
	_ =	swait.ge @!p0 [sflag:s8], $0x0  }
0x24: {  	s3 =	sadd.s32 $0x88, s3;
	s6 =	simm.s32 @!p1 $0x1082;
	[sflag:s4] =	ssyncset.s32 $0xFFFFF086  }
0x25: {  	[simem:s6], [sflag:s4] =	dma.local [hbm:s3], $0xF7A  }
0x26: {  	[smem:$0x3F91] =	sst s1;
	(tag) =	ssettag s2;
	_ =	strace s9  }
0x27: {  	s1 =	sld [smem:$0x3FA1]  }
0x28: {  	s2 =	sld [smem:$0x3FA2]  }
0x29: {  	s4 =	sld [smem:$0x3FA4]  }
0x2a: {  	p0 =	seq.s32 s5, $0x0;
	s5 =	sld [smem:$0x3FA5]  }
0x2b: {  	s6 =	sld [smem:$0x3FA6]  }
0x2c: {  	s7 =	sld [smem:$0x3FA7]  }
0x2d: {  	s3 =	simm.s32 $0x108;
	s8 =	sld [smem:$0x3FA8]  }
0x2e: {  	s3 =	simm.s32 @!p0 $0x1082;
	s9 =	sld [smem:$0x3FA9]  }
0x2f: {  	lr =	sadd.s32 s0, s3;
	s0 =	sld [smem:$0x3FA0]  }
0x30: {  	s3 =	sld [smem:$0x3FA3]  }
0x31: {  	[smem:$0x3FAC] =	sst s10  }
0x32: {  	s10 =	sld [smem:$0x3FAA];
	_ =	sdelay $0x3  }
0x33: {  	p0 =	seq.s32 s10, $0x1;
	s10 =	sld [smem:$0x3FAC];
	_ =	sdelay $0x3  }
0x34: {  	[smem:$0x3FAC] =	sst s10  }
0x35: {  	s10 =	sld [smem:$0x3FAB];
	_ =	sdelay $0x3  }
0x36: {  	p1 =	seq.s32 s10, $0x1;
	s10 =	sld [smem:$0x3FAC];
	_ =	sdelay $0x3  }
0x37: {  	[smem:$0x3FAC] =	sst s10  }
0x38: {  	s10 =	sld [smem:$0x3FAD]  }
0x39: {  	_ = 	snop;
	(pc) =	sbr.ind lr, $3  }
0x3a: {  	_ = 	snop  }
0x3b: {  	_ = 	snop  }
0x3c: {  	p2 =	seq.s32 s10, $0x1;
	s10 =	sld [smem:$0x3FAC]  }
0x3d: {  	_ =	shalt  }
0x3e: {  	_ =	shalt  }
0x3f: {  	_ =	shalt  }
0x40: {  	_ =	shalt  }
0x41: {  	_ =	shalt  }
0x42: {  	_ =	shalt  }
0x43: {  	_ =	shalt  }
0x44: {  	_ =	shalt  }
0x45: {  	_ =	shalt  }
0x46: {  	_ =	shalt  }
0x47: {  	_ =	shalt  }
0x48: {  	_ =	shalt  }
0x49: {  	_ =	shalt  }
0x4a: {  	_ =	shalt  }
0x4b: {  	_ =	shalt  }
0x4c: {  	_ =	shalt  }
0x4d: {  	_ =	shalt  }
0x4e: {  	_ =	shalt  }
0x4f: {  	_ =	shalt  }
0x50: {  	_ =	shalt  }
0x51: {  	_ =	shalt  }
0x52: {  	_ =	shalt  }
0x53: {  	_ =	shalt  }
0x54: {  	_ =	shalt  }
0x55: {  	_ =	shalt  }
0x56: {  	_ =	shalt  }
0x57: {  	_ =	shalt  }
0x58: {  	_ =	shalt  }
0x59: {  	_ =	shalt  }
0x5a: {  	_ =	shalt  }
0x5b: {  	_ =	shalt  }
0x5c: {  	_ =	shalt  }
0x5d: {  	_ =	shalt  }
0x5e: {  	_ =	shalt  }
0x5f: {  	_ =	shalt  }
0x60: {  	_ =	shalt  }
0x61: {  	_ =	shalt  }
0x62: {  	_ =	shalt  }
0x63: {  	_ =	shalt  }
0x64: {  	_ =	shalt  }
0x65: {  	_ =	shalt  }
0x66: {  	_ =	shalt  }
0x67: {  	_ =	shalt  }
0x68: {  	_ =	shalt  }
0x69: {  	_ =	shalt  }
0x6a: {  	_ =	shalt  }
0x6b: {  	_ =	shalt  }
0x6c: {  	_ =	shalt  }
0x6d: {  	_ =	shalt  }
0x6e: {  	_ =	shalt  }
0x6f: {  	_ =	shalt  }
0x70: {  	_ =	shalt  }
0x71: {  	_ =	shalt  }
0x72: {  	_ =	shalt  }
0x73: {  	_ =	shalt  }
0x74: {  	_ =	shalt  }
0x75: {  	_ =	shalt  }
0x76: {  	_ =	shalt  }
0x77: {  	_ =	shalt  }
0x78: {  	_ =	shalt  }
0x79: {  	_ =	shalt  }
0x7a: {  	_ =	shalt  }
0x7b: {  	_ =	shalt  }
0x7c: {  	_ =	shalt  }
0x7d: {  	_ =	shalt  }
0x7e: {  	_ =	shalt  }
0x7f: {  	_ =	shalt  }
0x80: {  	_ =	shalt  }
0x81: {  	_ =	shalt  }
0x82: {  	_ =	shalt  }
0x83: {  	_ =	shalt  }
0x84: {  	_ =	shalt  }
0x85: {  	_ =	shalt  }
0x86: {  	_ =	shalt  }
0x87: {  	_ =	shalt  }
.Lfunc_end0:
.L_simem_size_0:
called_computation_lowered:
.L_overlay_start_0:
0x88: {  	s2 =	sld [smem:$0x3FD9]  }
0x89: {  	s3 =	sld [smem:$0x3FFE];
	_ =	sdelay $0x1  }
0x8a: {  	s1 =	srdreg.scid  }
0x8b: {  	s0 =	sand.u32 $0x1, s1  }
0x8c: {  	s14 =	sshll.u32 s0, $0xA;
	s2 =	sadd.s32 s3, s2  }
0x8d: {  	s2 =	sadd.s32 s2, s14  }
0x8e: {  	[smem:$0x3FB8] =	sst s2  }
0x8f: {  	_ = 	snop  }
0x90: {  	s2 =	sld [smem:$0x3FD0];
	_ =	sdelay $0x2  }
0x91: {  	s15 =	simm.s32 $0xA;
	s4 =	simm.s32 $0x10  }
0x92: {  	[smem:s4], [sflag:s15] =	dma.local [hbm:s2], $0x1  }
0x93: {  	_ =	swait.eq [sflag:s15], $0x1  }
0x94: {  	s16 =	sld [smem:$0x11];
	[sflag:s15] =	ssyncset.done $0x0  }
0x95: {  	s17 =	sld [smem:$0x12];
	[sflag:s15] =	ssyncadd.s32 $0xFFFFFFFF  }
0x96: {  	s18 =	sld [smem:$0x13];
	(tm) =	ssettm $0x1  }
0x97: {  	s5 =	sld [smem:$0x3FFB];
	_ =	sdelay $0x3  }
0x98: {  	_ =	strace s5  }
0x99: {  	s5 =	sld [smem:$0x3FFC];
	_ =	sdelay $0x3  }
0x9a: {  	_ =	strace s5  }
0x9b: {  	s5 =	sld [smem:$0x3FFD];
	_ =	sdelay $0x3  }
0x9c: {  	_ =	strace s5  }
0x9d: {  	_ =	strace $0x8FFFFFFF  }
0x9e: {  	s19 =	sld [smem:$0x3FDB];
	_ =	sdelay $0x1  }
0x9f: {  	s6 =	simm.s32 $_scs_section_size  }
0xa0: {  	s7 =	simm.s32 $_size__tile_overlayer_lowered;
	s8 =	simm.s32 $_tile_overlayer_lowered  }
0xa1: {  	s22 =	simm.s32 $0x1BFF;
	s21 =	sshll.u32 s8, $0x1;
	s5 =	sadd.s32 s6, s19  }
0xa2: {  	s9 =	simm.s32 $0x0;
	s20 =	sshll.u32 s7, $0x1;
	s7 =	sadd.s32 s21, s5  }
0xa3: {  	[timem:s9], [sflag:s22] =	dma.local [hbm:s7], s20  }
0xa4: {  	_ =	swait.ge [sflag:s22], s20  }
0xa5: {  	s6 =	ssub.s32 $0x0, s20;
	[sflag:s22] =	ssyncset.done $0x0  }
0xa6: {  	[sflag:s22] =	ssyncadd.s32 s6;
	_ =	sdelay $0x1  }
0xa7: {  	s23 =	simm.s32 $0x1B8B  }
0xa8: {  	_ =	swait.ge [sflag:s23], $0x1  }
0xa9: {  	[sflag:s23] =	ssyncset.done $0x0  }
0xaa: {  	s25 =	simm.s32 $0x1B8E;
	s24 =	sld [smem:$0x3FFE];
	[sflag:s23] =	ssyncadd.s32 $0xFFFFFFFF  }
0xab: {  	s26 =	simm.s32 $execute0_lowered;
	[smem:$0x3FD2] =	sst s25  }
0xac: {  	s7 =	sshll.u32 s26, $0x1;
	_ =	strace $0x80000046;
	[dreg:$0x1] =	wrdreg $0xFFFFFFFF  }
0xad: {  	s28 =	simm.s32 $_size_execute0_lowered;
	s5 =	sadd.s32 s5, s7;
	[dreg:$0x0] =	wrdreg $0x0  }
0xae: {  	s7 =	sshll.u32 s28, $0x1;
	[dreg:$0x2] =	wrdreg s5  }
0xaf: {  	[dreg:$0x3] =	wrdreg s7  }
0xb0: {  	[dreg:$0x4] =	wrdreg $0xC0  }
0xb1: {  	_ =	task [dreg:s9], $0x5FFFF  }
0xb2: {  	[dreg:$0x1] =	wrdreg $0xFFFFFFFF  }
0xb3: {  	[dreg:$0x0] =	wrdreg $0x60  }
0xb4: {  	[dreg:$0x2] =	wrdreg s24  }
0xb5: {  	[dreg:$0x3] =	wrdreg s18  }
0xb6: {  	[dreg:$0x4] =	wrdreg s16  }
0xb7: {  	[dreg:$0x5] =	wrdreg s17  }
0xb8: {  	[dreg:$0x6] =	wrdreg $0x9  }
0xb9: {  	_ =	task.clear_ibuf [dreg:s9], $0x7FFFF;
	_ =	strace $0x90000046  }
0xba: {  	s29 =	simm.s32 $0x9;
	_ =	strace $0x80000048  }
0xbb: {  	_ =	swait.ge [sflag:s29], $0x1  }
0xbc: {  	[sflag:s29] =	ssyncadd.s32 $0xFFFFFFFF  }
0xbd: {  	_ =	strace $0x90000048  }
0xbe: {  	_ =	sfence  }
0xbf: {  	s30 =	sld [smem:$0x0];
	_ =	sdelay $0x2  }
0xc0: {  	s31 =	sshll.u32 s1, $0xD;
	s1 =	sshrl.u32 s1, $0x2  }
0xc1: {  	s3 =	sand.u32 $0x4000, s31;
	s1 =	sadd.s32 s1, s30  }
0xc2: {  	s0 =	sor.u32 s3, s0;
	s1 =	sshll.u32 s1, $0x11  }
0xc3: {  	s0 =	sor.u32 s1, s0  }
0xc4: {  	s0 =	sadd.s32 $0x8F2B, s0  }
0xc5: {  	[sflag:s0] =	ssyncadd.remote.s32 $0x1  }
0xc6: {  	_ =	sfence.sel $0xFFFF  }
0xc7: {  	[dreg:$0x0] =	wrdreg $0xFFFFFFFF;
	(pc) =	sbr.abs _section_cstart, $3  }
0xc8: {  	[dreg:$0x1] =	wrdreg $0xFFFFFFFF  }
0xc9: {  	_ =	task.clear_ibuf [dreg:s9], $0x2FFFF;
	_ =	strace $0x9FFFFFFF  }
0xca: {  	(tm) =	ssettm $0x7FFFFFFF  }
0xcb: {  	_ =	shalt  }
tec
execute0_lowered:
.L_overlay_start_1:
0x0: {  	(tag) =	ssettag $0x1  }
0x1: {  	s0 =	rddreg [dreg:$0x0]  }
0x2: {  	s2 =	srdreg.scid;
	s28 =	stileid.u32  }
0x3: {  	s1 =	rddreg [dreg:$0x1];
	s5 =	sand.u32 $0x1, s2;
	s6 =	sshll.u32 s28, $0x1  }
0x4: {  	s3 =	rddreg [dreg:$0x2];
	s6 =	sor.u32 s5, s6  }
0x5: {  	s4 =	rddreg [dreg:$0x3];
	s7 =	smul.u32 $0x120, s6  }
0x6: {  	s29 =	rddreg [dreg:$0x4];
	s2 =	simm.s32 $0x0;
	s8 =	smul.u32 $0x4800, s6  }
0x7: {  	s9 =	sadd.s32 $0x189E00, s0;
	[smem:$0x7FF] =	sst s2;
	s10 =	smul.u32 $0x24000, s6  }
0x8: {  	s14 =	sadd.s32 $0x3200, s0;
	_ =	strace $0x80000047;
	[dreg:$0x5] =	wrdreg s9  }
0x9: {  	s1 =	sadd.s32 s1, s7;
	s25 =	sadd.s32 s14, s8;
	s15 =	sshrl.u32 s10, $0x3  }
0xa: {  	[dreg:$0x6] =	wrdreg s1;
	s16 =	sadd.s32 $0x400, s25;
	s7 =	sadd.s32 s14, s15  }
0xb: {  	[dreg:$0x7] =	wrdreg s16;
	s17 =	sadd.s32 $0x800, s7  }
0xc: {  	s18 =	sadd.s32 $0xC00, s7;
	[dreg:$0x8] =	wrdreg s17  }
0xd: {  	s19 =	sadd.s32 $0x1000, s7;
	[dreg:$0x9] =	wrdreg s18  }
0xe: {  	s20 =	sadd.s32 $0x1400, s7;
	[dreg:$0xa] =	wrdreg s19  }
0xf: {  	s21 =	sadd.s32 $0x1800, s7;
	[dreg:$0xb] =	wrdreg s20  }
0x10: {  	s22 =	sadd.s32 $0x1C00, s7;
	[dreg:$0xc] =	wrdreg s21  }
0x11: {  	s23 =	sadd.s32 $0x2000, s7;
	[dreg:$0xd] =	wrdreg s22  }
0x12: {  	p1 =	por $0x0, $0x0;
	s24 =	sadd.s32 $0x2400, s7;
	[dreg:$0xe] =	wrdreg s23  }
0x13: {  	s31 =	simm.s32 $0x880;
	s26 =	sadd.s32 $0x2800, s7;
	[dreg:$0xf] =	wrdreg s24  }
0x14: {  	p0 =	sgt.u32 s28, $0x3;
	s30 =	sadd.s32 $0x2C00, s7;
	[dreg:$0x10] =	wrdreg s26  }
0x15: {  	s5 =	ssub.s32 $0x2, s5;
	s8 =	sadd.s32 $0x3000, s7;
	[dreg:$0x11] =	wrdreg s30  }
0x16: {  	s14 =	sshll.u32 s6, $0x4;
	s9 =	sadd.s32 $0x3400, s7;
	[dreg:$0x12] =	wrdreg s8  }
0x17: {  	s10 =	sadd.s32 $0x3800, s7;
	s11 =	sadd.s32 $0x3C00, s7;
	[dreg:$0x13] =	wrdreg s9  }
0x18: {  	s12 =	sadd.s32 $0x4000, s7;
	s13 =	sadd.s32 $0x4400, s7;
	[dreg:$0x14] =	wrdreg s10  }
0x19: {  	s15 =	sadd.s32 s3, s14;
	s16 =	sshll.u32 s6, $0xA;
	[dreg:$0x15] =	wrdreg s11  }
0x1a: {  	s7 =	simm.s32 $0x4980;
	s6 =	simm.s32 $0x6980;
	[dreg:$0x16] =	wrdreg s12  }
0x1b: {  	s3 =	simm.s32 $0xC980;
	s14 =	simm.s32 $0x600;
	[dreg:$0x17] =	wrdreg s13  }
0x1c: {  	s17 =	sshrl.u32 s5, $0x1;
	[dreg:$0x18] =	wrdreg s15;
	s18 =	sadd.s32 s4, s16  }
0x1d: {  	s8 =	sadd.s32 $0xF45800, s0;
	s24 =	simm.s32 $0xE;
	s9 =	simm.s32 $0x2980  }
0x1e: {  	s20 =	simm.s32 $0x100;
	s21 =	simm.s32 $0x180;
	[smem:$0x7F9] =	sst s14  }
0x1f: {  	s22 =	simm.s32 $0x200;
	s23 =	simm.s32 $0x280;
	[dreg:$0x19] =	wrdreg s18  }
0x20: {  	s4 =	simm.s32 $0xA980;
	s26 =	simm.s32 $0x300;
	[dreg:$0x1a] =	wrdreg s20  }
0x21: {  	s30 =	simm.s32 $0x380;
	s10 =	simm.s32 $0x400;
	[dreg:$0x1b] =	wrdreg s21  }
0x22: {  	s11 =	simm.s32 $0x480;
	s15 =	simm.s32 $0x6;
	[dreg:$0x1c] =	wrdreg s22  }
0x23: {  	s12 =	simm.s32 $0x500;
	s13 =	simm.s32 $0x580;
	[dreg:$0x1d] =	wrdreg s23  }
0x24: {  	s16 =	simm.s32 $0x680;
	s14 =	simm.s32 $0xB;
	[dreg:$0x1e] =	wrdreg s26  }
0x25: {  	s19 =	ssub.s32 s5, s17;
	s17 =	simm.s32 $0x80;
	[dreg:$0x1f] =	wrdreg s30  }
0x26: {  	s5 =	simm.s32 $0x8980;
	s22 =	simm.s32 $0x1;
	[smem:$0x7F5] =	sst s10  }
0x27: {  	s21 =	simm.s32 $0x2;
	[smem:$0x7F6] =	sst s11;
	s0 =	smax.u32 s19, $0x1  }
0x28: {  	s20 =	simm.s32 $0x3;
	[smem:$0x7F7] =	sst s12;
	s0 =	sadd.s32 $0xFFFFFFFF, s0  }
0x29: {  	s18 =	simm.s32 $0x5;
	[smem:$0x7F8] =	sst s13;
	p2 =	sne.s32 s0, $0x0  }
.Ltmp0:
0x2a: {  	[smem:$0x7FA] =	sst s16;
	s23 =	simm.s32 $0x700;
	(pc) =	sbr.rel @!p2 .LBB2_1-.Ltmp0, $4  }
0x2b: {  	s10 =	simm.s32 $0x7;
	s26 =	simm.s32 $0x780;
	[smem:$0x7FB] =	sst s23  }
0x2c: {  	s11 =	simm.s32 $0x8;
	s30 =	simm.s32 $0x800;
	[smem:$0x7FC] =	sst s26  }
0x2d: {  	s12 =	simm.s32 $0x9;
	s13 =	simm.s32 $0xA;
	[smem:$0x7FD] =	sst s30  }
0x2e: {  	s16 =	simm.s32 $0xC;
	s19 =	simm.s32 $0x4;
	s23 =	rddreg [dreg:$0x6]  }
0x2f: {  	[tilespmem:s2], [sflag:$0xE] =	stream.linear.gather [hbm4b:s23+s2], $0x900, $0x38;
	[tilespmem:$0xE980] =	vst v63  }
0x30: {  	_ =	swait.ge [sflag:s24], $0x900  }
0x31: {  	[sflag:s24] =	ssyncset.done $0x0  }
0x32: {  	[sflag:s24] =	ssyncadd.s32 $0xFFFFF700  }
0x33: {  	[tilespmem:s9], [sflag:$0x1] =	stream.indirect.gather [hbm4b:s8+s17], $0x40, s2, s17, $0xb8;
	[tilespmem:$0xE980] =	vst v63  }
0x34: {  	_ = 	snop  }
0x35: {  	[tilespmem:s7], [sflag:$0x2] =	stream.indirect.gather [hbm4b:s8+s17], $0x40, s17, s17, $0xb8;
	[tilespmem:$0xE980] =	vst v63  }
0x36: {  	s1 =	rddreg [dreg:$0x1a]  }
0x37: {  	[tilespmem:s6], [sflag:$0x3] =	stream.indirect.gather [hbm4b:s8+s17], $0x40, s1, s17, $0xb8;
	[tilespmem:$0xE980] =	vst v63  }
0x38: {  	s24 =	rddreg [dreg:$0x1b]  }
0x39: {  	[tilespmem:s5], [sflag:$0x4] =	stream.indirect.gather [hbm4b:s8+s17], $0x40, s24, s17, $0xb8;
	[tilespmem:$0xE980] =	vst v63  }
0x3a: {  	s26 =	rddreg [dreg:$0x1c]  }
0x3b: {  	[tilespmem:s4], [sflag:$0x5] =	stream.indirect.gather [hbm4b:s8+s17], $0x40, s26, s17, $0xb8;
	[tilespmem:$0xE980] =	vst v63  }
0x3c: {  	s29 =	rddreg [dreg:$0x1d]  }
0x3d: {  	[tilespmem:s3], [sflag:$0x6] =	stream.indirect.gather [hbm4b:s8+s17], $0x40, s29, s17, $0xb8;
	[tilespmem:$0xE980] =	vst v63  }
0x3e: {  	_ =	swait.ge [sflag:s22], $0x2000  }
0x3f: {  	[sflag:s22] =	ssyncset.done $0x0  }
0x40: {  	[sflag:s22] =	ssyncadd.s32 $0xFFFFE000  }
0x41: {  	[hbm4b:s25+s2] =	stream.linear.scatter [tilespmem:s9], [sflag:$0x7], $0x2000, $0x38;
	[tilespmem:$0xE980] =	vst v63  }
0x42: {  	_ =	swait.ge [sflag:s21], $0x2000  }
0x43: {  	[sflag:s21] =	ssyncset.done $0x0  }
0x44: {  	s23 =	rddreg [dreg:$0x7];
	[sflag:s21] =	ssyncadd.s32 $0xFFFFE000  }
0x45: {  	[hbm4b:s23+s2] =	stream.linear.scatter [tilespmem:s7], [sflag:$0x8], $0x2000, $0x38;
	[tilespmem:$0xE980] =	vst v63  }
0x46: {  	_ =	swait.ge [sflag:s20], $0x2000  }
0x47: {  	[sflag:s20] =	ssyncset.done $0x0  }
0x48: {  	s24 =	rddreg [dreg:$0x8];
	[sflag:s20] =	ssyncadd.s32 $0xFFFFE000  }
0x49: {  	[hbm4b:s24+s2] =	stream.linear.scatter [tilespmem:s6], [sflag:$0x9], $0x2000, $0x38;
	[tilespmem:$0xE980] =	vst v63  }
0x4a: {  	_ =	swait.ge [sflag:s19], $0x2000  }
0x4b: {  	[sflag:s19] =	ssyncset.done $0x0  }
0x4c: {  	s26 =	rddreg [dreg:$0x9];
	[sflag:s19] =	ssyncadd.s32 $0xFFFFE000  }
0x4d: {  	[hbm4b:s26+s2] =	stream.linear.scatter [tilespmem:s5], [sflag:$0xA], $0x2000, $0x38;
	[tilespmem:$0xE980] =	vst v63  }
0x4e: {  	_ =	swait.ge [sflag:s18], $0x2000  }
0x4f: {  	[sflag:s18] =	ssyncset.done $0x0  }
0x50: {  	s29 =	rddreg [dreg:$0xa];
	[sflag:s18] =	ssyncadd.s32 $0xFFFFE000  }
0x51: {  	[hbm4b:s29+s2] =	stream.linear.scatter [tilespmem:s4], [sflag:$0xB], $0x2000, $0x38;
	[tilespmem:$0xE980] =	vst v63  }
0x52: {  	_ =	swait.ge [sflag:s15], $0x2000  }
0x53: {  	[sflag:s15] =	ssyncset.done $0x0  }
0x54: {  	s23 =	rddreg [dreg:$0xb];
	[sflag:s15] =	ssyncadd.s32 $0xFFFFE000  }
0x55: {  	[hbm4b:s23+s2] =	stream.linear.scatter [tilespmem:s3], [sflag:$0xC], $0x2000, $0x38;
	[tilespmem:$0xE980] =	vst v63  }
0x56: {  	_ =	swait.ge [sflag:s10], $0x2000  }
0x57: {  	[sflag:s10] =	ssyncset.done $0x0  }
0x58: {  	s24 =	rddreg [dreg:$0x1e];
	[sflag:s10] =	ssyncadd.s32 $0xFFFFE000  }
0x59: {  	[tilespmem:s9], [sflag:$0x1] =	stream.indirect.gather [hbm4b:s8+s17], $0x40, s24, s17, $0xb8;
	[tilespmem:$0xE980] =	vst v63  }
0x5a: {  	_ =	swait.ge [sflag:s11], $0x2000  }
0x5b: {  	[sflag:s11] =	ssyncset.done $0x0  }
0x5c: {  	s26 =	rddreg [dreg:$0x1f];
	[sflag:s11] =	ssyncadd.s32 $0xFFFFE000  }
0x5d: {  	[tilespmem:s7], [sflag:$0x2] =	stream.indirect.gather [hbm4b:s8+s17], $0x40, s26, s17, $0xb8;
	[tilespmem:$0xE980] =	vst v63  }
0x5e: {  	_ =	swait.ge [sflag:s12], $0x2000  }
0x5f: {  	s29 =	sld [smem:$0x7F5]  }
0x60: {  	[sflag:s12] =	ssyncset.done $0x0  }
0x61: {  	[sflag:s12] =	ssyncadd.s32 $0xFFFFE000  }
0x62: {  	[tilespmem:s6], [sflag:$0x3] =	stream.indirect.gather [hbm4b:s8+s17], $0x40, s29, s17, $0xb8;
	[tilespmem:$0xE980] =	vst v63  }
0x63: {  	_ =	swait.ge [sflag:s13], $0x2000  }
0x64: {  	s23 =	sld [smem:$0x7F6]  }
0x65: {  	[sflag:s13] =	ssyncset.done $0x0  }
0x66: {  	[sflag:s13] =	ssyncadd.s32 $0xFFFFE000  }
0x67: {  	[tilespmem:s5], [sflag:$0x4] =	stream.indirect.gather [hbm4b:s8+s17], $0x40, s23, s17, $0xb8;
	[tilespmem:$0xE980] =	vst v63  }
0x68: {  	_ =	swait.ge [sflag:s14], $0x2000  }
0x69: {  	s24 =	sld [smem:$0x7F7]  }
0x6a: {  	[sflag:s14] =	ssyncset.done $0x0  }
0x6b: {  	[sflag:s14] =	ssyncadd.s32 $0xFFFFE000  }
0x6c: {  	[tilespmem:s4], [sflag:$0x5] =	stream.indirect.gather [hbm4b:s8+s17], $0x40, s24, s17, $0xb8;
	[tilespmem:$0xE980] =	vst v63  }
0x6d: {  	_ =	swait.ge [sflag:s16], $0x2000  }
0x6e: {  	s26 =	sld [smem:$0x7F8]  }
0x6f: {  	[sflag:s16] =	ssyncset.done $0x0  }
0x70: {  	[sflag:s16] =	ssyncadd.s32 $0xFFFFE000  }
0x71: {  	[tilespmem:s3], [sflag:$0x6] =	stream.indirect.gather [hbm4b:s8+s17], $0x40, s26, s17, $0xb8;
	[tilespmem:$0xE980] =	vst v63  }
0x72: {  	_ =	swait.ge [sflag:s22], $0x2000  }
0x73: {  	[sflag:s22] =	ssyncset.done $0x0  }
0x74: {  	s29 =	rddreg [dreg:$0xc];
	[sflag:s22] =	ssyncadd.s32 $0xFFFFE000  }
0x75: {  	[hbm4b:s29+s2] =	stream.linear.scatter [tilespmem:s9], [sflag:$0x7], $0x2000, $0x38;
	[tilespmem:$0xE980] =	vst v63  }
0x76: {  	_ =	swait.ge [sflag:s21], $0x2000  }
0x77: {  	[sflag:s21] =	ssyncset.done $0x0  }
0x78: {  	s23 =	rddreg [dreg:$0xd];
	[sflag:s21] =	ssyncadd.s32 $0xFFFFE000  }
0x79: {  	[hbm4b:s23+s2] =	stream.linear.scatter [tilespmem:s7], [sflag:$0x8], $0x2000, $0x38;
	[tilespmem:$0xE980] =	vst v63  }
0x7a: {  	_ =	swait.ge [sflag:s20], $0x2000  }
0x7b: {  	[sflag:s20] =	ssyncset.done $0x0  }
0x7c: {  	s24 =	rddreg [dreg:$0xe];
	[sflag:s20] =	ssyncadd.s32 $0xFFFFE000  }
0x7d: {  	[hbm4b:s24+s2] =	stream.linear.scatter [tilespmem:s6], [sflag:$0x9], $0x2000, $0x38;
	[tilespmem:$0xE980] =	vst v63  }
0x7e: {  	_ =	swait.ge [sflag:s19], $0x2000  }
0x7f: {  	[sflag:s19] =	ssyncset.done $0x0  }
0x80: {  	s26 =	rddreg [dreg:$0xf];
	[sflag:s19] =	ssyncadd.s32 $0xFFFFE000  }
0x81: {  	[hbm4b:s26+s2] =	stream.linear.scatter [tilespmem:s5], [sflag:$0xA], $0x2000, $0x38;
	[tilespmem:$0xE980] =	vst v63  }
0x82: {  	_ =	swait.ge [sflag:s18], $0x2000  }
0x83: {  	[sflag:s18] =	ssyncset.done $0x0  }
0x84: {  	s29 =	rddreg [dreg:$0x10];
	[sflag:s18] =	ssyncadd.s32 $0xFFFFE000  }
0x85: {  	[hbm4b:s29+s2] =	stream.linear.scatter [tilespmem:s4], [sflag:$0xB], $0x2000, $0x38;
	[tilespmem:$0xE980] =	vst v63  }
0x86: {  	_ =	swait.ge [sflag:s15], $0x2000  }
0x87: {  	[sflag:s15] =	ssyncset.done $0x0  }
0x88: {  	s23 =	rddreg [dreg:$0x11];
	[sflag:s15] =	ssyncadd.s32 $0xFFFFE000  }
0x89: {  	[hbm4b:s23+s2] =	stream.linear.scatter [tilespmem:s3], [sflag:$0xC], $0x2000, $0x38;
	[tilespmem:$0xE980] =	vst v63  }
0x8a: {  	_ =	swait.ge [sflag:s10], $0x2000  }
0x8b: {  	s24 =	sld [smem:$0x7F9]  }
0x8c: {  	[sflag:s10] =	ssyncset.done $0x0  }
0x8d: {  	[sflag:s10] =	ssyncadd.s32 $0xFFFFE000  }
0x8e: {  	[tilespmem:s9], [sflag:$0x1] =	stream.indirect.gather [hbm4b:s8+s17], $0x40, s24, s17, $0xb8;
	[tilespmem:$0xE980] =	vst v63  }
0x8f: {  	_ =	swait.ge [sflag:s11], $0x2000  }
0x90: {  	s26 =	sld [smem:$0x7FA]  }
0x91: {  	[sflag:s11] =	ssyncset.done $0x0  }
0x92: {  	[sflag:s11] =	ssyncadd.s32 $0xFFFFE000  }
0x93: {  	[tilespmem:s7], [sflag:$0x2] =	stream.indirect.gather [hbm4b:s8+s17], $0x40, s26, s17, $0xb8;
	[tilespmem:$0xE980] =	vst v63  }
0x94: {  	_ =	swait.ge [sflag:s12], $0x2000  }
0x95: {  	s29 =	sld [smem:$0x7FB]  }
0x96: {  	[sflag:s12] =	ssyncset.done $0x0  }
0x97: {  	[sflag:s12] =	ssyncadd.s32 $0xFFFFE000  }
0x98: {  	[tilespmem:s6], [sflag:$0x3] =	stream.indirect.gather [hbm4b:s8+s17], $0x40, s29, s17, $0xb8;
	[tilespmem:$0xE980] =	vst v63  }
0x99: {  	_ =	swait.ge [sflag:s13], $0x2000  }
0x9a: {  	s23 =	sld [smem:$0x7FC]  }
0x9b: {  	[sflag:s13] =	ssyncset.done $0x0  }
0x9c: {  	[sflag:s13] =	ssyncadd.s32 $0xFFFFE000  }
0x9d: {  	[tilespmem:s5], [sflag:$0x4] =	stream.indirect.gather [hbm4b:s8+s17], $0x40, s23, s17, $0xb8;
	[tilespmem:$0xE980] =	vst v63  }
0x9e: {  	_ =	swait.ge [sflag:s14], $0x2000  }
0x9f: {  	s24 =	sld [smem:$0x7FD]  }
0xa0: {  	[sflag:s14] =	ssyncset.done $0x0  }
0xa1: {  	[sflag:s14] =	ssyncadd.s32 $0xFFFFE000  }
0xa2: {  	[tilespmem:s4], [sflag:$0x5] =	stream.indirect.gather [hbm4b:s8+s17], $0x40, s24, s17, $0xb8;
	[tilespmem:$0xE980] =	vst v63  }
0xa3: {  	_ =	swait.ge [sflag:s16], $0x2000  }
0xa4: {  	[sflag:s16] =	ssyncset.done $0x0  }
0xa5: {  	[sflag:s16] =	ssyncadd.s32 $0xFFFFE000  }
0xa6: {  	[tilespmem:s3], [sflag:$0x6] =	stream.indirect.gather [hbm4b:s8+s17], $0x40, s31, s17, $0xb8;
	[tilespmem:$0xE980] =	vst v63  }
0xa7: {  	_ =	swait.ge [sflag:s22], $0x2000  }
0xa8: {  	[sflag:s22] =	ssyncset.done $0x0  }
0xa9: {  	s26 =	rddreg [dreg:$0x12];
	[sflag:s22] =	ssyncadd.s32 $0xFFFFE000  }
0xaa: {  	[hbm4b:s26+s2] =	stream.linear.scatter [tilespmem:s9], [sflag:$0x7], $0x2000, $0x38;
	[tilespmem:$0xE980] =	vst v63  }
0xab: {  	_ =	swait.ge [sflag:s21], $0x2000  }
0xac: {  	[sflag:s21] =	ssyncset.done $0x0  }
0xad: {  	s29 =	rddreg [dreg:$0x13];
	[sflag:s21] =	ssyncadd.s32 $0xFFFFE000  }
0xae: {  	[hbm4b:s29+s2] =	stream.linear.scatter [tilespmem:s7], [sflag:$0x8], $0x2000, $0x38;
	[tilespmem:$0xE980] =	vst v63  }
0xaf: {  	_ =	swait.ge [sflag:s20], $0x2000  }
0xb0: {  	[sflag:s20] =	ssyncset.done $0x0  }
0xb1: {  	s23 =	rddreg [dreg:$0x14];
	[sflag:s20] =	ssyncadd.s32 $0xFFFFE000  }
0xb2: {  	[hbm4b:s23+s2] =	stream.linear.scatter [tilespmem:s6], [sflag:$0x9], $0x2000, $0x38;
	[tilespmem:$0xE980] =	vst v63  }
0xb3: {  	_ =	swait.ge [sflag:s19], $0x2000  }
0xb4: {  	[sflag:s19] =	ssyncset.done $0x0  }
0xb5: {  	s24 =	rddreg [dreg:$0x15];
	[sflag:s19] =	ssyncadd.s32 $0xFFFFE000  }
0xb6: {  	[hbm4b:s24+s2] =	stream.linear.scatter [tilespmem:s5], [sflag:$0xA], $0x2000, $0x38;
	[tilespmem:$0xE980] =	vst v63  }
0xb7: {  	_ =	swait.ge [sflag:s18], $0x2000  }
0xb8: {  	[sflag:s18] =	ssyncset.done $0x0  }
0xb9: {  	s26 =	rddreg [dreg:$0x16];
	[sflag:s18] =	ssyncadd.s32 $0xFFFFE000  }
0xba: {  	[hbm4b:s26+s2] =	stream.linear.scatter [tilespmem:s4], [sflag:$0xB], $0x2000, $0x38;
	[tilespmem:$0xE980] =	vst v63  }
0xbb: {  	_ =	swait.ge [sflag:s15], $0x2000  }
0xbc: {  	[sflag:s15] =	ssyncset.done $0x0  }
0xbd: {  	s29 =	rddreg [dreg:$0x17];
	[sflag:s15] =	ssyncadd.s32 $0xFFFFE000  }
0xbe: {  	[hbm4b:s29+s2] =	stream.linear.scatter [tilespmem:s3], [sflag:$0xC], $0x2000, $0x38;
	[tilespmem:$0xE980] =	vst v63  }
0xbf: {  	_ =	swait.ge [sflag:s10], $0x2000  }
0xc0: {  	[sflag:s10] =	ssyncset.done $0x0  }
0xc1: {  	[sflag:s10] =	ssyncadd.s32 $0xFFFFE000  }
0xc2: {  	_ =	swait.ge [sflag:s11], $0x2000  }
0xc3: {  	[sflag:s11] =	ssyncset.done $0x0  }
0xc4: {  	[sflag:s11] =	ssyncadd.s32 $0xFFFFE000  }
0xc5: {  	_ =	swait.ge [sflag:s12], $0x2000  }
0xc6: {  	[sflag:s12] =	ssyncset.done $0x0  }
0xc7: {  	[sflag:s12] =	ssyncadd.s32 $0xFFFFE000  }
0xc8: {  	_ =	swait.ge [sflag:s13], $0x2000  }
0xc9: {  	[sflag:s13] =	ssyncset.done $0x0  }
0xca: {  	[sflag:s13] =	ssyncadd.s32 $0xFFFFE000  }
0xcb: {  	_ =	swait.ge [sflag:s14], $0x2000  }
0xcc: {  	[sflag:s14] =	ssyncset.done $0x0  }
0xcd: {  	[sflag:s14] =	ssyncadd.s32 $0xFFFFE000  }
0xce: {  	_ =	swait.ge [sflag:s16], $0x2000  }
0xcf: {  	s23 =	simm.s32 @!p0 $0x0;
	s26 =	simm.s32 @!p0 $0xE;
	[sflag:s16] =	ssyncset.done $0x0  }
0xd0: {  	s29 =	simm.s32 @!p0 $0x900;
	s1 =	rddreg [dreg:$0x18];
	[sflag:s16] =	ssyncadd.s32 $0xFFFFE000  }
0xd1: {  	[tilespmem:s29], [sflag:$0xE] =	stream.linear.gather @!p0 [hbm4b:s1+s23], $0x80, $0x38;
	[tilespmem:$0xE980] =	vst v63  }
0xd2: {  	s30 =	simm.s32 @!p0 $0xD;
	s0 =	sadd.s32 $0xFFFFFFFF, s0;
	_ =	swait.ge @!p0 [sflag:s26], $0x80  }
0xd3: {  	s24 =	simm.s32 @!p0 $0x80;
	s23 =	rddreg [dreg:$0x5];
	[sflag:s26] =	ssyncset.done @!p0 $0x0  }
0xd4: {  	[smem:$0x7F4] =	sst s25;
	s25 =	simm.s32 @!p0 $0x980;
	[sflag:s26] =	ssyncadd.s32 @!p0 $0xFFFFFF80  }
0xd5: {  	[tilespmem:s25], [sflag:$0xD] =	stream.indirect.gather @!p0 [hbm4b:s23+s24], $0x40, s29, s24, $0xb8;
	[tilespmem:$0xE980] =	vst v63  }
0xd6: {  	p2 =	sne.s32 s0, $0x0;
	_ =	swait.ge @!p0 [sflag:s30], $0x2000  }
.Ltmp1:
0xd7: {  	[sflag:s30] =	ssyncset.done @!p0 $0x0;
	(pc) =	sbr.rel @!p2 .LBB2_3-.Ltmp1, $4  }
0xd8: {  	s1 =	simm.s32 @!p0 $0x0;
	s23 =	rddreg [dreg:$0x19];
	[sflag:s30] =	ssyncadd.s32 @!p0 $0xFFFFE000  }
0xd9: {  	[hbm4b:s23+s1] =	stream.linear.scatter @!p0 [tilespmem:s25], [sflag:$0xE], $0x2000, $0x38;
	[tilespmem:$0xE980] =	vst v63  }
0xda: {  	s28 =	simm.s32 $0xE;
	_ =	swait.ge @!p0 [sflag:s26], $0x2000  }
0xdb: {  	p1 =	por $0x1, $0x1;
	s23 =	rddreg [dreg:$0x6];
	[sflag:s26] =	ssyncset.done @!p0 $0x0  }
.LBB2_4:
0xdc: {  	[sflag:s26] =	ssyncadd.s32 @!p0 $0xFFFFE000  }
0xdd: {  	[tilespmem:s2], [sflag:$0xE] =	stream.linear.gather [hbm4b:s23+s2], $0x900, $0x38;
	[tilespmem:$0xE980] =	vst v63  }
0xde: {  	_ =	swait.ge [sflag:s28], $0x900  }
0xdf: {  	[sflag:s28] =	ssyncset.done $0x0  }
0xe0: {  	[sflag:s28] =	ssyncadd.s32 $0xFFFFF700  }
0xe1: {  	[tilespmem:s9], [sflag:$0x1] =	stream.indirect.gather [hbm4b:s8+s17], $0x40, s2, s17, $0xb8;
	[tilespmem:$0xE980] =	vst v63  }
0xe2: {  	_ = 	snop  }
0xe3: {  	[tilespmem:s7], [sflag:$0x2] =	stream.indirect.gather [hbm4b:s8+s17], $0x40, s17, s17, $0xb8;
	[tilespmem:$0xE980] =	vst v63  }
0xe4: {  	s1 =	rddreg [dreg:$0x1a]  }
0xe5: {  	[tilespmem:s6], [sflag:$0x3] =	stream.indirect.gather [hbm4b:s8+s17], $0x40, s1, s17, $0xb8;
	[tilespmem:$0xE980] =	vst v63  }
0xe6: {  	s31 =	rddreg [dreg:$0x1b]  }
0xe7: {  	[tilespmem:s5], [sflag:$0x4] =	stream.indirect.gather [hbm4b:s8+s17], $0x40, s31, s17, $0xb8;
	[tilespmem:$0xE980] =	vst v63  }
0xe8: {  	s24 =	rddreg [dreg:$0x1c]  }
0xe9: {  	[tilespmem:s4], [sflag:$0x5] =	stream.indirect.gather [hbm4b:s8+s17], $0x40, s24, s17, $0xb8;
	[tilespmem:$0xE980] =	vst v63  }
0xea: {  	s31 =	rddreg [dreg:$0x1d]  }
0xeb: {  	[tilespmem:s3], [sflag:$0x6] =	stream.indirect.gather [hbm4b:s8+s17], $0x40, s31, s17, $0xb8;
	[tilespmem:$0xE980] =	vst v63  }
0xec: {  	_ =	swait.ge [sflag:s22], $0x2000  }
0xed: {  	s1 =	sld [smem:$0x7F4]  }
0xee: {  	[sflag:s22] =	ssyncset.done $0x0  }
0xef: {  	[sflag:s22] =	ssyncadd.s32 $0xFFFFE000  }
0xf0: {  	[hbm4b:s1+s2] =	stream.linear.scatter [tilespmem:s9], [sflag:$0x7], $0x2000, $0x38;
	[tilespmem:$0xE980] =	vst v63  }
0xf1: {  	_ =	swait.ge [sflag:s21], $0x2000  }
0xf2: {  	[sflag:s21] =	ssyncset.done $0x0  }
0xf3: {  	s29 =	rddreg [dreg:$0x7];
	[sflag:s21] =	ssyncadd.s32 $0xFFFFE000  }
0xf4: {  	[hbm4b:s29+s2] =	stream.linear.scatter [tilespmem:s7], [sflag:$0x8], $0x2000, $0x38;
	[tilespmem:$0xE980] =	vst v63  }
0xf5: {  	_ =	swait.ge [sflag:s20], $0x2000  }
0xf6: {  	[sflag:s20] =	ssyncset.done $0x0  }
0xf7: {  	s1 =	rddreg [dreg:$0x8];
	[sflag:s20] =	ssyncadd.s32 $0xFFFFE000  }
0xf8: {  	[hbm4b:s1+s2] =	stream.linear.scatter [tilespmem:s6], [sflag:$0x9], $0x2000, $0x38;
	[tilespmem:$0xE980] =	vst v63  }
0xf9: {  	_ =	swait.ge [sflag:s19], $0x2000  }
0xfa: {  	[sflag:s19] =	ssyncset.done $0x0  }
0xfb: {  	s24 =	rddreg [dreg:$0x9];
	[sflag:s19] =	ssyncadd.s32 $0xFFFFE000  }
0xfc: {  	[hbm4b:s24+s2] =	stream.linear.scatter [tilespmem:s5], [sflag:$0xA], $0x2000, $0x38;
	[tilespmem:$0xE980] =	vst v63  }
0xfd: {  	_ =	swait.ge [sflag:s18], $0x2000  }
0xfe: {  	[sflag:s18] =	ssyncset.done $0x0  }
0xff: {  	s29 =	rddreg [dreg:$0xa];
	[sflag:s18] =	ssyncadd.s32 $0xFFFFE000  }
0x100: {  	[hbm4b:s29+s2] =	stream.linear.scatter [tilespmem:s4], [sflag:$0xB], $0x2000, $0x38;
	[tilespmem:$0xE980] =	vst v63  }
0x101: {  	_ =	swait.ge [sflag:s15], $0x2000  }
0x102: {  	[sflag:s15] =	ssyncset.done $0x0  }
0x103: {  	s1 =	rddreg [dreg:$0xb];
	[sflag:s15] =	ssyncadd.s32 $0xFFFFE000  }
0x104: {  	[hbm4b:s1+s2] =	stream.linear.scatter [tilespmem:s3], [sflag:$0xC], $0x2000, $0x38;
	[tilespmem:$0xE980] =	vst v63  }
0x105: {  	_ =	swait.ge [sflag:s10], $0x2000  }
0x106: {  	[sflag:s10] =	ssyncset.done $0x0  }
0x107: {  	s24 =	rddreg [dreg:$0x1e];
	[sflag:s10] =	ssyncadd.s32 $0xFFFFE000  }
0x108: {  	[tilespmem:s9], [sflag:$0x1] =	stream.indirect.gather [hbm4b:s8+s17], $0x40, s24, s17, $0xb8;
	[tilespmem:$0xE980] =	vst v63  }
0x109: {  	_ =	swait.ge [sflag:s11], $0x2000  }
0x10a: {  	[sflag:s11] =	ssyncset.done $0x0  }
0x10b: {  	s29 =	rddreg [dreg:$0x1f];
	[sflag:s11] =	ssyncadd.s32 $0xFFFFE000  }
0x10c: {  	[tilespmem:s7], [sflag:$0x2] =	stream.indirect.gather [hbm4b:s8+s17], $0x40, s29, s17, $0xb8;
	[tilespmem:$0xE980] =	vst v63  }
0x10d: {  	_ =	swait.ge [sflag:s12], $0x2000  }
0x10e: {  	s1 =	sld [smem:$0x7F5]  }
0x10f: {  	[sflag:s12] =	ssyncset.done $0x0  }
0x110: {  	[sflag:s12] =	ssyncadd.s32 $0xFFFFE000  }
0x111: {  	[tilespmem:s6], [sflag:$0x3] =	stream.indirect.gather [hbm4b:s8+s17], $0x40, s1, s17, $0xb8;
	[tilespmem:$0xE980] =	vst v63  }
0x112: {  	_ =	swait.ge [sflag:s13], $0x2000  }
0x113: {  	s24 =	sld [smem:$0x7F6]  }
0x114: {  	[sflag:s13] =	ssyncset.done $0x0  }
0x115: {  	[sflag:s13] =	ssyncadd.s32 $0xFFFFE000  }
0x116: {  	[tilespmem:s5], [sflag:$0x4] =	stream.indirect.gather [hbm4b:s8+s17], $0x40, s24, s17, $0xb8;
	[tilespmem:$0xE980] =	vst v63  }
0x117: {  	_ =	swait.ge [sflag:s14], $0x2000  }
0x118: {  	s29 =	sld [smem:$0x7F7]  }
0x119: {  	[sflag:s14] =	ssyncset.done $0x0  }
0x11a: {  	[sflag:s14] =	ssyncadd.s32 $0xFFFFE000  }
0x11b: {  	[tilespmem:s4], [sflag:$0x5] =	stream.indirect.gather [hbm4b:s8+s17], $0x40, s29, s17, $0xb8;
	[tilespmem:$0xE980] =	vst v63  }
0x11c: {  	_ =	swait.ge [sflag:s16], $0x2000  }
0x11d: {  	s1 =	sld [smem:$0x7F8]  }
0x11e: {  	[sflag:s16] =	ssyncset.done $0x0  }
0x11f: {  	[sflag:s16] =	ssyncadd.s32 $0xFFFFE000  }
0x120: {  	[tilespmem:s3], [sflag:$0x6] =	stream.indirect.gather [hbm4b:s8+s17], $0x40, s1, s17, $0xb8;
	[tilespmem:$0xE980] =	vst v63  }
0x121: {  	_ =	swait.ge [sflag:s22], $0x2000  }
0x122: {  	[sflag:s22] =	ssyncset.done $0x0  }
0x123: {  	s24 =	rddreg [dreg:$0xc];
	[sflag:s22] =	ssyncadd.s32 $0xFFFFE000  }
0x124: {  	[hbm4b:s24+s2] =	stream.linear.scatter [tilespmem:s9], [sflag:$0x7], $0x2000, $0x38;
	[tilespmem:$0xE980] =	vst v63  }
0x125: {  	_ =	swait.ge [sflag:s21], $0x2000  }
0x126: {  	[sflag:s21] =	ssyncset.done $0x0  }
0x127: {  	s29 =	rddreg [dreg:$0xd];
	[sflag:s21] =	ssyncadd.s32 $0xFFFFE000  }
0x128: {  	[hbm4b:s29+s2] =	stream.linear.scatter [tilespmem:s7], [sflag:$0x8], $0x2000, $0x38;
	[tilespmem:$0xE980] =	vst v63  }
0x129: {  	_ =	swait.ge [sflag:s20], $0x2000  }
0x12a: {  	[sflag:s20] =	ssyncset.done $0x0  }
0x12b: {  	s1 =	rddreg [dreg:$0xe];
	[sflag:s20] =	ssyncadd.s32 $0xFFFFE000  }
0x12c: {  	[hbm4b:s1+s2] =	stream.linear.scatter [tilespmem:s6], [sflag:$0x9], $0x2000, $0x38;
	[tilespmem:$0xE980] =	vst v63  }
0x12d: {  	_ =	swait.ge [sflag:s19], $0x2000  }
0x12e: {  	[sflag:s19] =	ssyncset.done $0x0  }
0x12f: {  	s24 =	rddreg [dreg:$0xf];
	[sflag:s19] =	ssyncadd.s32 $0xFFFFE000  }
0x130: {  	[hbm4b:s24+s2] =	stream.linear.scatter [tilespmem:s5], [sflag:$0xA], $0x2000, $0x38;
	[tilespmem:$0xE980] =	vst v63  }
0x131: {  	_ =	swait.ge [sflag:s18], $0x2000  }
0x132: {  	[sflag:s18] =	ssyncset.done $0x0  }
0x133: {  	s29 =	rddreg [dreg:$0x10];
	[sflag:s18] =	ssyncadd.s32 $0xFFFFE000  }
0x134: {  	[hbm4b:s29+s2] =	stream.linear.scatter [tilespmem:s4], [sflag:$0xB], $0x2000, $0x38;
	[tilespmem:$0xE980] =	vst v63  }
0x135: {  	_ =	swait.ge [sflag:s15], $0x2000  }
0x136: {  	[sflag:s15] =	ssyncset.done $0x0  }
0x137: {  	s1 =	rddreg [dreg:$0x11];
	[sflag:s15] =	ssyncadd.s32 $0xFFFFE000  }
0x138: {  	[hbm4b:s1+s2] =	stream.linear.scatter [tilespmem:s3], [sflag:$0xC], $0x2000, $0x38;
	[tilespmem:$0xE980] =	vst v63  }
0x139: {  	_ =	swait.ge [sflag:s10], $0x2000  }
0x13a: {  	s24 =	sld [smem:$0x7F9]  }
0x13b: {  	[sflag:s10] =	ssyncset.done $0x0  }
0x13c: {  	[sflag:s10] =	ssyncadd.s32 $0xFFFFE000  }
0x13d: {  	[tilespmem:s9], [sflag:$0x1] =	stream.indirect.gather [hbm4b:s8+s17], $0x40, s24, s17, $0xb8;
	[tilespmem:$0xE980] =	vst v63  }
0x13e: {  	_ =	swait.ge [sflag:s11], $0x2000  }
0x13f: {  	s29 =	sld [smem:$0x7FA]  }
0x140: {  	[sflag:s11] =	ssyncset.done $0x0  }
0x141: {  	[sflag:s11] =	ssyncadd.s32 $0xFFFFE000  }
0x142: {  	[tilespmem:s7], [sflag:$0x2] =	stream.indirect.gather [hbm4b:s8+s17], $0x40, s29, s17, $0xb8;
	[tilespmem:$0xE980] =	vst v63  }
0x143: {  	_ =	swait.ge [sflag:s12], $0x2000  }
0x144: {  	s1 =	sld [smem:$0x7FB]  }
0x145: {  	[sflag:s12] =	ssyncset.done $0x0  }
0x146: {  	[sflag:s12] =	ssyncadd.s32 $0xFFFFE000  }
0x147: {  	[tilespmem:s6], [sflag:$0x3] =	stream.indirect.gather [hbm4b:s8+s17], $0x40, s1, s17, $0xb8;
	[tilespmem:$0xE980] =	vst v63  }
0x148: {  	_ =	swait.ge [sflag:s13], $0x2000  }
0x149: {  	s24 =	sld [smem:$0x7FC]  }
0x14a: {  	[sflag:s13] =	ssyncset.done $0x0  }
0x14b: {  	[sflag:s13] =	ssyncadd.s32 $0xFFFFE000  }
0x14c: {  	[tilespmem:s5], [sflag:$0x4] =	stream.indirect.gather [hbm4b:s8+s17], $0x40, s24, s17, $0xb8;
	[tilespmem:$0xE980] =	vst v63  }
0x14d: {  	_ =	swait.ge [sflag:s14], $0x2000  }
0x14e: {  	s29 =	sld [smem:$0x7FD]  }
0x14f: {  	[sflag:s14] =	ssyncset.done $0x0  }
0x150: {  	[sflag:s14] =	ssyncadd.s32 $0xFFFFE000  }
0x151: {  	[tilespmem:s4], [sflag:$0x5] =	stream.indirect.gather [hbm4b:s8+s17], $0x40, s29, s17, $0xb8;
	[tilespmem:$0xE980] =	vst v63  }
0x152: {  	_ =	swait.ge [sflag:s16], $0x2000  }
0x153: {  	[sflag:s16] =	ssyncset.done $0x0  }
0x154: {  	s31 =	simm.s32 $0x880;
	[sflag:s16] =	ssyncadd.s32 $0xFFFFE000  }
0x155: {  	[tilespmem:s3], [sflag:$0x6] =	stream.indirect.gather [hbm4b:s8+s17], $0x40, s31, s17, $0xb8;
	[tilespmem:$0xE980] =	vst v63  }
0x156: {  	_ =	swait.ge [sflag:s22], $0x2000  }
0x157: {  	[sflag:s22] =	ssyncset.done $0x0  }
0x158: {  	s1 =	rddreg [dreg:$0x12];
	[sflag:s22] =	ssyncadd.s32 $0xFFFFE000  }
0x159: {  	[hbm4b:s1+s2] =	stream.linear.scatter [tilespmem:s9], [sflag:$0x7], $0x2000, $0x38;
	[tilespmem:$0xE980] =	vst v63  }
0x15a: {  	_ =	swait.ge [sflag:s21], $0x2000  }
0x15b: {  	[sflag:s21] =	ssyncset.done $0x0  }
0x15c: {  	s24 =	rddreg [dreg:$0x13];
	[sflag:s21] =	ssyncadd.s32 $0xFFFFE000  }
0x15d: {  	[hbm4b:s24+s2] =	stream.linear.scatter [tilespmem:s7], [sflag:$0x8], $0x2000, $0x38;
	[tilespmem:$0xE980] =	vst v63  }
0x15e: {  	_ =	swait.ge [sflag:s20], $0x2000  }
0x15f: {  	[sflag:s20] =	ssyncset.done $0x0  }
0x160: {  	s29 =	rddreg [dreg:$0x14];
	[sflag:s20] =	ssyncadd.s32 $0xFFFFE000  }
0x161: {  	[hbm4b:s29+s2] =	stream.linear.scatter [tilespmem:s6], [sflag:$0x9], $0x2000, $0x38;
	[tilespmem:$0xE980] =	vst v63  }
0x162: {  	_ =	swait.ge [sflag:s19], $0x2000  }
0x163: {  	[sflag:s19] =	ssyncset.done $0x0  }
0x164: {  	s1 =	rddreg [dreg:$0x15];
	[sflag:s19] =	ssyncadd.s32 $0xFFFFE000  }
0x165: {  	[hbm4b:s1+s2] =	stream.linear.scatter [tilespmem:s5], [sflag:$0xA], $0x2000, $0x38;
	[tilespmem:$0xE980] =	vst v63  }
0x166: {  	_ =	swait.ge [sflag:s18], $0x2000  }
0x167: {  	[sflag:s18] =	ssyncset.done $0x0  }
0x168: {  	s24 =	rddreg [dreg:$0x16];
	[sflag:s18] =	ssyncadd.s32 $0xFFFFE000  }
0x169: {  	[hbm4b:s24+s2] =	stream.linear.scatter [tilespmem:s4], [sflag:$0xB], $0x2000, $0x38;
	[tilespmem:$0xE980] =	vst v63  }
0x16a: {  	_ =	swait.ge [sflag:s15], $0x2000  }
0x16b: {  	[sflag:s15] =	ssyncset.done $0x0  }
0x16c: {  	s29 =	rddreg [dreg:$0x17];
	[sflag:s15] =	ssyncadd.s32 $0xFFFFE000  }
0x16d: {  	[hbm4b:s29+s2] =	stream.linear.scatter [tilespmem:s3], [sflag:$0xC], $0x2000, $0x38;
	[tilespmem:$0xE980] =	vst v63  }
0x16e: {  	_ =	swait.ge [sflag:s10], $0x2000  }
0x16f: {  	[sflag:s10] =	ssyncset.done $0x0  }
0x170: {  	[sflag:s10] =	ssyncadd.s32 $0xFFFFE000  }
0x171: {  	_ =	swait.ge [sflag:s11], $0x2000  }
0x172: {  	[sflag:s11] =	ssyncset.done $0x0  }
0x173: {  	[sflag:s11] =	ssyncadd.s32 $0xFFFFE000  }
0x174: {  	_ =	swait.ge [sflag:s12], $0x2000  }
0x175: {  	[sflag:s12] =	ssyncset.done $0x0  }
0x176: {  	[sflag:s12] =	ssyncadd.s32 $0xFFFFE000  }
0x177: {  	_ =	swait.ge [sflag:s13], $0x2000  }
0x178: {  	[sflag:s13] =	ssyncset.done $0x0  }
0x179: {  	[sflag:s13] =	ssyncadd.s32 $0xFFFFE000  }
0x17a: {  	_ =	swait.ge [sflag:s14], $0x2000  }
0x17b: {  	[sflag:s14] =	ssyncset.done $0x0  }
0x17c: {  	[sflag:s14] =	ssyncadd.s32 $0xFFFFE000  }
0x17d: {  	_ =	swait.ge [sflag:s16], $0x2000  }
0x17e: {  	s1 =	simm.s32 @!p0 $0x900;
	[sflag:s16] =	ssyncset.done $0x0  }
0x17f: {  	s29 =	simm.s32 @!p0 $0x0;
	s23 =	rddreg [dreg:$0x18];
	[sflag:s16] =	ssyncadd.s32 $0xFFFFE000  }
0x180: {  	[tilespmem:s1], [sflag:$0xE] =	stream.linear.gather @!p0 [hbm4b:s23+s29], $0x80, $0x38;
	[tilespmem:$0xE980] =	vst v63  }
0x181: {  	_ =	swait.ge @!p0 [sflag:s26], $0x80  }
0x182: {  	s0 =	sadd.s32 $0xFFFFFFFF, s0;
	[sflag:s26] =	ssyncset.done @!p0 $0x0  }
0x183: {  	s24 =	simm.s32 @!p0 $0x80;
	s23 =	rddreg [dreg:$0x5];
	[sflag:s26] =	ssyncadd.s32 @!p0 $0xFFFFFF80  }
0x184: {  	[tilespmem:s25], [sflag:$0xD] =	stream.indirect.gather @!p0 [hbm4b:s23+s24], $0x40, s1, s24, $0xb8;
	[tilespmem:$0xE980] =	vst v63  }
0x185: {  	p2 =	sne.s32 s0, $0x0;
	_ =	swait.ge @!p0 [sflag:s30], $0x2000  }
.Ltmp2:
0x186: {  	[sflag:s30] =	ssyncset.done @!p0 $0x0;
	(pc) =	sbr.rel @p2 .LBB2_4-.Ltmp2, $4  }
0x187: {  	s23 =	rddreg [dreg:$0x19];
	[sflag:s30] =	ssyncadd.s32 @!p0 $0xFFFFE000  }
0x188: {  	[hbm4b:s23+s29] =	stream.linear.scatter @!p0 [tilespmem:s25], [sflag:$0xE], $0x2000, $0x38;
	[tilespmem:$0xE980] =	vst v63  }
0x189: {  	_ =	swait.ge @!p0 [sflag:s26], $0x2000  }
0x18a: {  	s23 =	rddreg [dreg:$0x6];
	[sflag:s26] =	ssyncset.done @!p0 $0x0  }
0x18b: {  	s29 =	rddreg [dreg:$0x4]  }
0x18c: {  	s28 =	stileid.u32;
	s25 =	sld [smem:$0x7F4];
	s24 =	simm.s32 $0xE  }
.LBB2_6:
0x18d: {  	p1 =	por p0, !p1  }
0x18e: {  	[sflag:s26] =	ssyncadd.s32 @!p1 $0xFFFFE000  }
0x18f: {  	[tilespmem:s2], [sflag:$0xE] =	stream.linear.gather [hbm4b:s23+s2], $0x900, $0x38;
	[tilespmem:$0xE980] =	vst v63  }
0x190: {  	_ =	swait.ge [sflag:s24], $0x900  }
0x191: {  	[sflag:s24] =	ssyncset.done $0x0  }
0x192: {  	[sflag:s24] =	ssyncadd.s32 $0xFFFFF700  }
0x193: {  	[tilespmem:s9], [sflag:$0x1] =	stream.indirect.gather [hbm4b:s8+s17], $0x40, s2, s17, $0xb8;
	[tilespmem:$0xE980] =	vst v63  }
0x194: {  	_ = 	snop  }
0x195: {  	[tilespmem:s7], [sflag:$0x2] =	stream.indirect.gather [hbm4b:s8+s17], $0x40, s17, s17, $0xb8;
	[tilespmem:$0xE980] =	vst v63  }
0x196: {  	s0 =	rddreg [dreg:$0x1a]  }
0x197: {  	[tilespmem:s6], [sflag:$0x3] =	stream.indirect.gather [hbm4b:s8+s17], $0x40, s0, s17, $0xb8;
	[tilespmem:$0xE980] =	vst v63  }
0x198: {  	s1 =	rddreg [dreg:$0x1b]  }
0x199: {  	[tilespmem:s5], [sflag:$0x4] =	stream.indirect.gather [hbm4b:s8+s17], $0x40, s1, s17, $0xb8;
	[tilespmem:$0xE980] =	vst v63  }
0x19a: {  	s23 =	rddreg [dreg:$0x1c]  }
0x19b: {  	[tilespmem:s4], [sflag:$0x5] =	stream.indirect.gather [hbm4b:s8+s17], $0x40, s23, s17, $0xb8;
	[tilespmem:$0xE980] =	vst v63  }
0x19c: {  	s24 =	rddreg [dreg:$0x1d]  }
0x19d: {  	[tilespmem:s3], [sflag:$0x6] =	stream.indirect.gather [hbm4b:s8+s17], $0x40, s24, s17, $0xb8;
	[tilespmem:$0xE980] =	vst v63  }
0x19e: {  	_ =	swait.ge [sflag:s22], $0x2000  }
0x19f: {  	[sflag:s22] =	ssyncset.done $0x0  }
0x1a0: {  	[sflag:s22] =	ssyncadd.s32 $0xFFFFE000  }
0x1a1: {  	[hbm4b:s25+s2] =	stream.linear.scatter [tilespmem:s9], [sflag:$0x7], $0x2000, $0x38;
	[tilespmem:$0xE980] =	vst v63  }
0x1a2: {  	_ =	swait.ge [sflag:s21], $0x2000  }
0x1a3: {  	[sflag:s21] =	ssyncset.done $0x0  }
0x1a4: {  	s25 =	rddreg [dreg:$0x7];
	[sflag:s21] =	ssyncadd.s32 $0xFFFFE000  }
0x1a5: {  	[hbm4b:s25+s2] =	stream.linear.scatter [tilespmem:s7], [sflag:$0x8], $0x2000, $0x38;
	[tilespmem:$0xE980] =	vst v63  }
0x1a6: {  	_ =	swait.ge [sflag:s20], $0x2000  }
0x1a7: {  	[sflag:s20] =	ssyncset.done $0x0  }
0x1a8: {  	s26 =	rddreg [dreg:$0x8];
	[sflag:s20] =	ssyncadd.s32 $0xFFFFE000  }
0x1a9: {  	[hbm4b:s26+s2] =	stream.linear.scatter [tilespmem:s6], [sflag:$0x9], $0x2000, $0x38;
	[tilespmem:$0xE980] =	vst v63  }
0x1aa: {  	_ =	swait.ge [sflag:s19], $0x2000  }
0x1ab: {  	[sflag:s19] =	ssyncset.done $0x0  }
0x1ac: {  	s30 =	rddreg [dreg:$0x9];
	[sflag:s19] =	ssyncadd.s32 $0xFFFFE000  }
0x1ad: {  	[hbm4b:s30+s2] =	stream.linear.scatter [tilespmem:s5], [sflag:$0xA], $0x2000, $0x38;
	[tilespmem:$0xE980] =	vst v63  }
0x1ae: {  	_ =	swait.ge [sflag:s18], $0x2000  }
0x1af: {  	[sflag:s18] =	ssyncset.done $0x0  }
0x1b0: {  	s1 =	rddreg [dreg:$0xa];
	[sflag:s18] =	ssyncadd.s32 $0xFFFFE000  }
0x1b1: {  	[hbm4b:s1+s2] =	stream.linear.scatter [tilespmem:s4], [sflag:$0xB], $0x2000, $0x38;
	[tilespmem:$0xE980] =	vst v63  }
0x1b2: {  	_ =	swait.ge [sflag:s15], $0x2000  }
0x1b3: {  	[sflag:s15] =	ssyncset.done $0x0  }
0x1b4: {  	s23 =	rddreg [dreg:$0xb];
	[sflag:s15] =	ssyncadd.s32 $0xFFFFE000  }
0x1b5: {  	[hbm4b:s23+s2] =	stream.linear.scatter [tilespmem:s3], [sflag:$0xC], $0x2000, $0x38;
	[tilespmem:$0xE980] =	vst v63  }
0x1b6: {  	_ =	swait.ge [sflag:s10], $0x2000  }
0x1b7: {  	[sflag:s10] =	ssyncset.done $0x0  }
0x1b8: {  	s24 =	rddreg [dreg:$0x1e];
	[sflag:s10] =	ssyncadd.s32 $0xFFFFE000  }
0x1b9: {  	[tilespmem:s9], [sflag:$0x1] =	stream.indirect.gather [hbm4b:s8+s17], $0x40, s24, s17, $0xb8;
	[tilespmem:$0xE980] =	vst v63  }
0x1ba: {  	_ =	swait.ge [sflag:s11], $0x2000  }
0x1bb: {  	[sflag:s11] =	ssyncset.done $0x0  }
0x1bc: {  	s25 =	rddreg [dreg:$0x1f];
	[sflag:s11] =	ssyncadd.s32 $0xFFFFE000  }
0x1bd: {  	[tilespmem:s7], [sflag:$0x2] =	stream.indirect.gather [hbm4b:s8+s17], $0x40, s25, s17, $0xb8;
	[tilespmem:$0xE980] =	vst v63  }
0x1be: {  	_ =	swait.ge [sflag:s12], $0x2000  }
0x1bf: {  	s26 =	sld [smem:$0x7F5]  }
0x1c0: {  	[sflag:s12] =	ssyncset.done $0x0  }
0x1c1: {  	[sflag:s12] =	ssyncadd.s32 $0xFFFFE000  }
0x1c2: {  	[tilespmem:s6], [sflag:$0x3] =	stream.indirect.gather [hbm4b:s8+s17], $0x40, s26, s17, $0xb8;
	[tilespmem:$0xE980] =	vst v63  }
0x1c3: {  	_ =	swait.ge [sflag:s13], $0x2000  }
0x1c4: {  	s30 =	sld [smem:$0x7F6]  }
0x1c5: {  	[sflag:s13] =	ssyncset.done $0x0  }
0x1c6: {  	[sflag:s13] =	ssyncadd.s32 $0xFFFFE000  }
0x1c7: {  	[tilespmem:s5], [sflag:$0x4] =	stream.indirect.gather [hbm4b:s8+s17], $0x40, s30, s17, $0xb8;
	[tilespmem:$0xE980] =	vst v63  }
0x1c8: {  	_ =	swait.ge [sflag:s14], $0x2000  }
0x1c9: {  	s1 =	sld [smem:$0x7F7]  }
0x1ca: {  	[sflag:s14] =	ssyncset.done $0x0  }
0x1cb: {  	[sflag:s14] =	ssyncadd.s32 $0xFFFFE000  }
0x1cc: {  	[tilespmem:s4], [sflag:$0x5] =	stream.indirect.gather [hbm4b:s8+s17], $0x40, s1, s17, $0xb8;
	[tilespmem:$0xE980] =	vst v63  }
0x1cd: {  	_ =	swait.ge [sflag:s16], $0x2000  }
0x1ce: {  	s23 =	sld [smem:$0x7F8]  }
0x1cf: {  	[sflag:s16] =	ssyncset.done $0x0  }
0x1d0: {  	[sflag:s16] =	ssyncadd.s32 $0xFFFFE000  }
0x1d1: {  	[tilespmem:s3], [sflag:$0x6] =	stream.indirect.gather [hbm4b:s8+s17], $0x40, s23, s17, $0xb8;
	[tilespmem:$0xE980] =	vst v63  }
0x1d2: {  	_ =	swait.ge [sflag:s22], $0x2000  }
0x1d3: {  	[sflag:s22] =	ssyncset.done $0x0  }
0x1d4: {  	s24 =	rddreg [dreg:$0xc];
	[sflag:s22] =	ssyncadd.s32 $0xFFFFE000  }
0x1d5: {  	[hbm4b:s24+s2] =	stream.linear.scatter [tilespmem:s9], [sflag:$0x7], $0x2000, $0x38;
	[tilespmem:$0xE980] =	vst v63  }
0x1d6: {  	_ =	swait.ge [sflag:s21], $0x2000  }
0x1d7: {  	[sflag:s21] =	ssyncset.done $0x0  }
0x1d8: {  	s25 =	rddreg [dreg:$0xd];
	[sflag:s21] =	ssyncadd.s32 $0xFFFFE000  }
0x1d9: {  	[hbm4b:s25+s2] =	stream.linear.scatter [tilespmem:s7], [sflag:$0x8], $0x2000, $0x38;
	[tilespmem:$0xE980] =	vst v63  }
0x1da: {  	_ =	swait.ge [sflag:s20], $0x2000  }
0x1db: {  	[sflag:s20] =	ssyncset.done $0x0  }
0x1dc: {  	s26 =	rddreg [dreg:$0xe];
	[sflag:s20] =	ssyncadd.s32 $0xFFFFE000  }
0x1dd: {  	[hbm4b:s26+s2] =	stream.linear.scatter [tilespmem:s6], [sflag:$0x9], $0x2000, $0x38;
	[tilespmem:$0xE980] =	vst v63  }
0x1de: {  	_ =	swait.ge [sflag:s19], $0x2000  }
0x1df: {  	[sflag:s19] =	ssyncset.done $0x0  }
0x1e0: {  	s30 =	rddreg [dreg:$0xf];
	[sflag:s19] =	ssyncadd.s32 $0xFFFFE000  }
0x1e1: {  	[hbm4b:s30+s2] =	stream.linear.scatter [tilespmem:s5], [sflag:$0xA], $0x2000, $0x38;
	[tilespmem:$0xE980] =	vst v63  }
0x1e2: {  	_ =	swait.ge [sflag:s18], $0x2000  }
0x1e3: {  	[sflag:s18] =	ssyncset.done $0x0  }
0x1e4: {  	s1 =	rddreg [dreg:$0x10];
	[sflag:s18] =	ssyncadd.s32 $0xFFFFE000  }
0x1e5: {  	[hbm4b:s1+s2] =	stream.linear.scatter [tilespmem:s4], [sflag:$0xB], $0x2000, $0x38;
	[tilespmem:$0xE980] =	vst v63  }
0x1e6: {  	_ =	swait.ge [sflag:s15], $0x2000  }
0x1e7: {  	[sflag:s15] =	ssyncset.done $0x0  }
0x1e8: {  	s23 =	rddreg [dreg:$0x11];
	[sflag:s15] =	ssyncadd.s32 $0xFFFFE000  }
0x1e9: {  	[hbm4b:s23+s2] =	stream.linear.scatter [tilespmem:s3], [sflag:$0xC], $0x2000, $0x38;
	[tilespmem:$0xE980] =	vst v63  }
0x1ea: {  	_ =	swait.ge [sflag:s10], $0x2000  }
0x1eb: {  	s24 =	sld [smem:$0x7F9]  }
0x1ec: {  	[sflag:s10] =	ssyncset.done $0x0  }
0x1ed: {  	[sflag:s10] =	ssyncadd.s32 $0xFFFFE000  }
0x1ee: {  	[tilespmem:s9], [sflag:$0x1] =	stream.indirect.gather [hbm4b:s8+s17], $0x40, s24, s17, $0xb8;
	[tilespmem:$0xE980] =	vst v63  }
0x1ef: {  	_ =	swait.ge [sflag:s11], $0x2000  }
0x1f0: {  	s25 =	sld [smem:$0x7FA]  }
0x1f1: {  	[sflag:s11] =	ssyncset.done $0x0  }
0x1f2: {  	[sflag:s11] =	ssyncadd.s32 $0xFFFFE000  }
0x1f3: {  	[tilespmem:s7], [sflag:$0x2] =	stream.indirect.gather [hbm4b:s8+s17], $0x40, s25, s17, $0xb8;
	[tilespmem:$0xE980] =	vst v63  }
0x1f4: {  	_ =	swait.ge [sflag:s12], $0x2000  }
0x1f5: {  	s26 =	sld [smem:$0x7FB]  }
0x1f6: {  	[sflag:s12] =	ssyncset.done $0x0  }
0x1f7: {  	[sflag:s12] =	ssyncadd.s32 $0xFFFFE000  }
0x1f8: {  	[tilespmem:s6], [sflag:$0x3] =	stream.indirect.gather [hbm4b:s8+s17], $0x40, s26, s17, $0xb8;
	[tilespmem:$0xE980] =	vst v63  }
0x1f9: {  	_ =	swait.ge [sflag:s13], $0x2000  }
0x1fa: {  	s30 =	sld [smem:$0x7FC]  }
0x1fb: {  	[sflag:s13] =	ssyncset.done $0x0  }
0x1fc: {  	[sflag:s13] =	ssyncadd.s32 $0xFFFFE000  }
0x1fd: {  	[tilespmem:s5], [sflag:$0x4] =	stream.indirect.gather [hbm4b:s8+s17], $0x40, s30, s17, $0xb8;
	[tilespmem:$0xE980] =	vst v63  }
0x1fe: {  	_ =	swait.ge [sflag:s14], $0x2000  }
0x1ff: {  	s1 =	sld [smem:$0x7FD]  }
0x200: {  	[sflag:s14] =	ssyncset.done $0x0  }
0x201: {  	[sflag:s14] =	ssyncadd.s32 $0xFFFFE000  }
0x202: {  	[tilespmem:s4], [sflag:$0x5] =	stream.indirect.gather [hbm4b:s8+s17], $0x40, s1, s17, $0xb8;
	[tilespmem:$0xE980] =	vst v63  }
0x203: {  	_ =	swait.ge [sflag:s16], $0x2000  }
0x204: {  	[sflag:s16] =	ssyncset.done $0x0  }
0x205: {  	[sflag:s16] =	ssyncadd.s32 $0xFFFFE000  }
0x206: {  	[tilespmem:s3], [sflag:$0x6] =	stream.indirect.gather [hbm4b:s8+s17], $0x40, s31, s17, $0xb8;
	[tilespmem:$0xE980] =	vst v63  }
0x207: {  	_ =	swait.ge [sflag:s22], $0x2000  }
0x208: {  	[sflag:s22] =	ssyncset.done $0x0  }
0x209: {  	s23 =	rddreg [dreg:$0x12];
	[sflag:s22] =	ssyncadd.s32 $0xFFFFE000  }
0x20a: {  	[hbm4b:s23+s2] =	stream.linear.scatter [tilespmem:s9], [sflag:$0x7], $0x2000, $0x38;
	[tilespmem:$0xE980] =	vst v63  }
0x20b: {  	_ =	swait.ge [sflag:s21], $0x2000  }
0x20c: {  	[sflag:s21] =	ssyncset.done $0x0  }
0x20d: {  	s24 =	rddreg [dreg:$0x13];
	[sflag:s21] =	ssyncadd.s32 $0xFFFFE000  }
0x20e: {  	[hbm4b:s24+s2] =	stream.linear.scatter [tilespmem:s7], [sflag:$0x8], $0x2000, $0x38;
	[tilespmem:$0xE980] =	vst v63  }
0x20f: {  	_ =	swait.ge [sflag:s20], $0x2000  }
0x210: {  	[sflag:s20] =	ssyncset.done $0x0  }
0x211: {  	s25 =	rddreg [dreg:$0x14];
	[sflag:s20] =	ssyncadd.s32 $0xFFFFE000  }
0x212: {  	[hbm4b:s25+s2] =	stream.linear.scatter [tilespmem:s6], [sflag:$0x9], $0x2000, $0x38;
	[tilespmem:$0xE980] =	vst v63  }
0x213: {  	_ =	swait.ge [sflag:s19], $0x2000  }
0x214: {  	[sflag:s19] =	ssyncset.done $0x0  }
0x215: {  	s26 =	rddreg [dreg:$0x15];
	[sflag:s19] =	ssyncadd.s32 $0xFFFFE000  }
0x216: {  	[hbm4b:s26+s2] =	stream.linear.scatter [tilespmem:s5], [sflag:$0xA], $0x2000, $0x38;
	[tilespmem:$0xE980] =	vst v63  }
0x217: {  	_ =	swait.ge [sflag:s18], $0x2000  }
0x218: {  	[sflag:s18] =	ssyncset.done $0x0  }
0x219: {  	s30 =	rddreg [dreg:$0x16];
	[sflag:s18] =	ssyncadd.s32 $0xFFFFE000  }
0x21a: {  	[hbm4b:s30+s2] =	stream.linear.scatter [tilespmem:s4], [sflag:$0xB], $0x2000, $0x38;
	[tilespmem:$0xE980] =	vst v63  }
0x21b: {  	_ =	swait.ge [sflag:s15], $0x2000  }
0x21c: {  	[sflag:s15] =	ssyncset.done $0x0  }
0x21d: {  	s31 =	rddreg [dreg:$0x17];
	[sflag:s15] =	ssyncadd.s32 $0xFFFFE000  }
0x21e: {  	[hbm4b:s31+s2] =	stream.linear.scatter [tilespmem:s3], [sflag:$0xC], $0x2000, $0x38;
	[tilespmem:$0xE980] =	vst v63  }
0x21f: {  	_ =	swait.ge [sflag:s10], $0x2000  }
0x220: {  	[sflag:s10] =	ssyncset.done $0x0  }
0x221: {  	[sflag:s10] =	ssyncadd.s32 $0xFFFFE000  }
0x222: {  	_ =	swait.ge [sflag:s11], $0x2000  }
0x223: {  	[sflag:s11] =	ssyncset.done $0x0  }
0x224: {  	[sflag:s11] =	ssyncadd.s32 $0xFFFFE000  }
0x225: {  	_ =	swait.ge [sflag:s12], $0x2000  }
0x226: {  	[sflag:s12] =	ssyncset.done $0x0  }
0x227: {  	[sflag:s12] =	ssyncadd.s32 $0xFFFFE000  }
0x228: {  	_ =	swait.ge [sflag:s13], $0x2000  }
0x229: {  	[sflag:s13] =	ssyncset.done $0x0  }
0x22a: {  	[sflag:s13] =	ssyncadd.s32 $0xFFFFE000  }
0x22b: {  	_ =	swait.ge [sflag:s14], $0x2000  }
0x22c: {  	[sflag:s14] =	ssyncset.done $0x0  }
0x22d: {  	[sflag:s14] =	ssyncadd.s32 $0xFFFFE000  }
0x22e: {  	_ =	swait.ge [sflag:s16], $0x2000  }
0x22f: {  	s1 =	simm.s32 @!p0 $0xE;
	s2 =	simm.s32 @!p0 $0x0;
	[sflag:s16] =	ssyncset.done $0x0  }
0x230: {  	s3 =	simm.s32 @!p0 $0x900;
	s0 =	rddreg [dreg:$0x18];
	[sflag:s16] =	ssyncadd.s32 $0xFFFFE000  }
0x231: {  	[tilespmem:s3], [sflag:$0xE] =	stream.linear.gather @!p0 [hbm4b:s0+s2], $0x80, $0x38;
	[tilespmem:$0xE980] =	vst v63  }
0x232: {  	_ =	swait.ge @!p0 [sflag:s1], $0x80  }
0x233: {  	s5 =	simm.s32 @!p0 $0x980;
	[sflag:s1] =	ssyncset.done @!p0 $0x0  }
0x234: {  	s4 =	simm.s32 @!p0 $0x80;
	s0 =	rddreg [dreg:$0x5];
	[sflag:s1] =	ssyncadd.s32 @!p0 $0xFFFFFF80  }
0x235: {  	[tilespmem:s5], [sflag:$0xD] =	stream.indirect.gather @!p0 [hbm4b:s0+s4], $0x40, s3, s4, $0xb8;
	[tilespmem:$0xE980] =	vst v63  }
0x236: {  	s0 =	simm.s32 @!p0 $0xD  }
0x237: {  	_ =	swait.ge @!p0 [sflag:s0], $0x2000  }
0x238: {  	[sflag:s0] =	ssyncset.done @!p0 $0x0  }
0x239: {  	s3 =	rddreg [dreg:$0x19];
	[sflag:s0] =	ssyncadd.s32 @!p0 $0xFFFFE000  }
0x23a: {  	[hbm4b:s3+s2] =	stream.linear.scatter @!p0 [tilespmem:s5], [sflag:$0xE], $0x2000, $0x38;
	[tilespmem:$0xE980] =	vst v63  }
0x23b: {  	_ =	swait.ge @!p0 [sflag:s1], $0x2000  }
0x23c: {  	[sflag:s1] =	ssyncset.done @!p0 $0x0  }
0x23d: {  	[sflag:s1] =	ssyncadd.s32 @!p0 $0xFFFFE000  }
0x23e: {  	_ =	sfence.sel $0x180000  }
0x23f: {  	[bflag:$0x0] =	sbarrier.arrive $0xFFFF  }
0x240: {  	p0 =	sne.s32 s28, $0x0;
	_ =	strace $0x90000047  }
0x241: {  	s0 =	sadd.s32 @!p0 $0x100000, s29;
	[bflag:$0x2] =	sbarrier.arrive $0xFFFF  }
0x242: {  	[sflag:s0] =	ssyncadd.tile.s32 @!p0 $0x1;
	_ =	shalt  }
.LBB2_1:
.Ltmp3:
0x243: {  	(pc) =	sbr.rel .LBB2_6-.Ltmp3, $2  }
0x244: {  	_ =	sdelay $0x2  }
0x245: {  	_ = 	snop  }
.LBB2_3:
.Ltmp4:
0x246: {  	(pc) =	sbr.rel .LBB2_6-.Ltmp4, $3  }
0x247: {  	_ =	sdelay $0x1  }
0x248: {  	s29 =	rddreg [dreg:$0x4]  }
0x249: {  	s28 =	stileid.u32;
	s25 =	sld [smem:$0x7F4];
	s24 =	simm.s32 $0xE  }
.Lfunc_end2:
_tile_overlayer_lowered:
.L_overlay_start_2:
0x24a: {  	(tag) =	ssettag $0x2  }
0x24b: {  	s0 =	rddreg [dreg:$0x0];
	s2 =	stileid.u32  }
0x24c: {  	s1 =	rddreg [dreg:$0x1];
	p0 =	sne.s32 s2, $0x0  }
0x24d: {  	s3 =	rddreg [dreg:$0x2];
	[bflag:$0x3] =	sbarrier.arrive $0xFFFF;
	s2 =	simm.s32 @!p0 $0x1C0E  }
0x24e: {  	[timem:s3], [sflag:s2] =	dma.local @!p0 [hbm:s0], s1  }
0x24f: {  	s0 =	simm.s32 @!p0 $0xE  }
0x250: {  	_ =	swait.ge @!p0 [sflag:s0], s1  }
0x251: {  	s1 =	ssub.s32 @!p0 $0x0, s1;
	[sflag:s0] =	ssyncset.done @!p0 $0x0  }
0x252: {  	[sflag:s0] =	ssyncadd.s32 @!p0 s1  }
0x253: {  	[bflag:$0x3] =	sbarrier.arrive $0xFFFF  }
0x254: {  	_ =	shalt  }

</sc_bundles>
